<compile_context>
chip_gen: v7x
topology: tpu7x:2x2x1
jax: 0.10.2.dev20260603
libtpu: 0.0.44.dev20260713+nightly
codegen_flags: <defaults>
</compile_context>

<pallas_src>
import jax
import jax.numpy as jnp
from jax import lax
from jax.experimental import pallas as pl
from jax.experimental.pallas import tpu as pltpu
from jax.experimental.pallas import tpu_sc as plsc

BATCH = 16384
K = 16
NROWS = 1_000_000

_info = plsc.get_sparse_core_info()
NC, NS, L = _info.num_cores, _info.num_subcores, _info.num_lanes
NW = NC * NS
BPW = BATCH // NW
NG = BPW // L


def _body(users_hbm, items_hbm, gu_t, gi_t,
          xui_hbm, gu_out_hbm, gi_out_hbm,
          idx_u, idx_i, *rest):
    bufs = rest[:32]
    trans_u, trans_i, xui_v, sem_a, sem_b = rest[32:]
    half_a = bufs[:16]
    half_b = bufs[16:]

    wid = lax.axis_index("s") * NC + lax.axis_index("c")
    base = wid * BPW

    pltpu.sync_copy(users_hbm.at[pl.ds(base, BPW)], idx_u)
    pltpu.sync_copy(items_hbm.at[pl.ds(base, BPW)], idx_i)

    cvec = lax.iota(jnp.int32, L)

    def issue(idx_ref, table_t, g, half, sem):
        s = jnp.minimum(g, NG - 1) * L
        v = idx_ref[pl.ds(s, L)]
        for b in range(L):
            boff = pl.multiple_of(
                lax.shift_left(
                    lax.shift_right_logical(v[b], 7), 7), 128)
            pltpu.async_copy(
                table_t.at[:, pl.ds(boff, 128)], half[b], sem)

    def drain(half, sem):
        for b in range(L):
            pltpu.make_async_copy(
                gu_t.at[:, pl.ds(0, 128)], half[b], sem).wait()

    def extract(idx_ref, trans, g, half):
        s = g * L
        v = idx_ref[pl.ds(s, L)]
        for b in range(L):
            lane = lax.bitwise_and(v[b], jnp.int32(127))
            vals = plsc.load_gather(
                half[b], [cvec, jnp.full((L,), lane, jnp.int32)])
            plsc.store_scatter(
                trans, [cvec, jnp.full((L,), s + b, jnp.int32)], vals)

    def do_table(idx_ref, table_t, out_hbm, trans):
        issue(idx_ref, table_t, 0, half_a, sem_a)

        def body(k, carry):
            ga = k * 2
            issue(idx_ref, table_t, ga + 1, half_b, sem_b)
            drain(half_a, sem_a)
            extract(idx_ref, trans, ga, half_a)
            issue(idx_ref, table_t, ga + 2, half_a, sem_a)
            drain(half_b, sem_b)
            extract(idx_ref, trans, ga + 1, half_b)
            return carry

        lax.fori_loop(0, NG // 2, body, 0)
        drain(half_a, sem_a)
        pltpu.sync_copy(trans, out_hbm.at[:, pl.ds(base, BPW)])

    do_table(idx_u, gu_t, gu_out_hbm, trans_u)
    do_table(idx_i, gi_t, gi_out_hbm, trans_i)

    def blk(g, carry):
        s = g * L
        jvec = s + cvec
        acc = (plsc.load_gather(trans_u, [jnp.zeros((L,), jnp.int32), jvec])
               * plsc.load_gather(trans_i, [jnp.zeros((L,), jnp.int32), jvec]))
        for c in range(1, K):
            col = jnp.full((L,), c, jnp.int32)
            acc = acc + (plsc.load_gather(trans_u, [col, jvec])
                         * plsc.load_gather(trans_i, [col, jvec]))
        xui_v[pl.ds(s, L)] = acc
        return carry

    lax.fori_loop(0, NG, blk, 0)

    pltpu.sync_copy(xui_v, xui_hbm.at[pl.ds(base, BPW)])


@jax.jit
def _run(users, items, gu_t, gi_t):
    mesh = plsc.VectorSubcoreMesh(core_axis_name="c", subcore_axis_name="s")
    f = pl.kernel(
        _body,
        mesh=mesh,
        compiler_params=pltpu.CompilerParams(
            needs_layout_passes=False, use_tc_tiling_on_sc=True),
        out_type=(
            jax.ShapeDtypeStruct((BATCH,), jnp.float32),
            jax.ShapeDtypeStruct((K, BATCH), jnp.float32),
            jax.ShapeDtypeStruct((K, BATCH), jnp.float32),
        ),
        scratch_types=(
            [pltpu.VMEM((BPW,), jnp.int32),
             pltpu.VMEM((BPW,), jnp.int32)]
            + [pltpu.VMEM((K, 128), jnp.float32) for _ in range(32)]
            + [pltpu.VMEM((K, BPW), jnp.float32),
               pltpu.VMEM((K, BPW), jnp.float32),
               pltpu.VMEM((BPW,), jnp.float32),
               pltpu.SemaphoreType.DMA,
               pltpu.SemaphoreType.DMA]
        ),
    )
    return f(users, items, gu_t, gi_t)


def kernel(inputs, Gu, Gi):
    users = inputs[0]
    items = inputs[1]
    xui, gu_out_t, gi_out_t = _run(users, items, Gu.T, Gi.T)
    return xui, gu_out_t.T, gi_out_t.T

# --- scband reference (transcript-rebuilt; emitter-appended) ---
"""Pipeline reference for scband-rslogicmodel-36292473652032 (READ-ONLY COPY).

The authoritative reference and input builder live on the scoring server;
editing this copy changes nothing except your own understanding.
"""

import jax, jax.numpy as jnp
import numpy as np

NUM_USERS = 1000000
NUM_ITEMS = 1000000
EMBED_K = 16
BATCH = 16384


def _xavier_uniform(key, shape):
    fan_in, fan_out = shape[0], shape[1]
    limit = np.sqrt(6.0 / (fan_in + fan_out))
    return jax.random.uniform(key, shape, dtype=jnp.float32, minval=-limit, maxval=limit)


def setup_inputs(seed: int = 0) -> dict:
    key = jax.random.key(seed)
    k1, k2, k3 = jax.random.split(key, 3)
    # forward arg: 'inputs' is unpacked as users, items = inputs -> rows of a [2, B] int tensor
    inputs = jax.random.randint(k1, (2, BATCH), 0, NUM_USERS)
    # learned parameters (embedding tables), xavier-uniform initialized per the module
    Gu = _xavier_uniform(k2, (NUM_USERS, EMBED_K))
    Gi = _xavier_uniform(k3, (NUM_ITEMS, EMBED_K))
    return {"inputs": inputs, "Gu": Gu, "Gi": Gi}


def reference(inputs, Gu, Gi):
    # forward(inputs): users, items = inputs
    users = inputs[0]
    items = inputs[1]
    # gamma_u = squeeze(Gu.weight[users]); gamma_i = squeeze(Gi.weight[items])
    gamma_u = jnp.squeeze(jnp.take(Gu, users, axis=0))
    gamma_i = jnp.squeeze(jnp.take(Gi, items, axis=0))
    # xui = sum(gamma_u * gamma_i, dim=1)
    xui = jnp.sum(gamma_u * gamma_i, axis=1)
    return (xui, gamma_u, gamma_i)

if __name__ == "__main__":
    import jax
    _d = setup_inputs()
    print(jax.jit(kernel)(*tuple(_d.values())))

</pallas_src>

<mosaic_0001>
#map = affine_map<(d0, d1) -> (0)>
#map1 = affine_map<(d0, d1) -> (0, 0)>
module attributes {stable_mosaic.version = 14 : i64} {
  func.func @_body(%arg0: i32, %arg1: i32, %arg2: memref<16384xi32, #tpu.memory_space<hbm>>, %arg3: memref<16384xi32, #tpu.memory_space<hbm>>, %arg4: memref<16x1000000xf32, #tpu.memory_space<hbm>>, %arg5: memref<16x1000000xf32, #tpu.memory_space<hbm>>, %arg6: memref<16384xf32, #tpu.memory_space<hbm>>, %arg7: memref<16x16384xf32, #tpu.memory_space<hbm>>, %arg8: memref<16x16384xf32, #tpu.memory_space<hbm>>, %arg9: memref<512xi32, #tpu.memory_space<vmem>>, %arg10: memref<512xi32, #tpu.memory_space<vmem>>, %arg11: memref<16x128xf32, #tpu.memory_space<vmem>>, %arg12: memref<16x128xf32, #tpu.memory_space<vmem>>, %arg13: memref<16x128xf32, #tpu.memory_space<vmem>>, %arg14: memref<16x128xf32, #tpu.memory_space<vmem>>, %arg15: memref<16x128xf32, #tpu.memory_space<vmem>>, %arg16: memref<16x128xf32, #tpu.memory_space<vmem>>, %arg17: memref<16x128xf32, #tpu.memory_space<vmem>>, %arg18: memref<16x128xf32, #tpu.memory_space<vmem>>, %arg19: memref<16x128xf32, #tpu.memory_space<vmem>>, %arg20: memref<16x128xf32, #tpu.memory_space<vmem>>, %arg21: memref<16x128xf32, #tpu.memory_space<vmem>>, %arg22: memref<16x128xf32, #tpu.memory_space<vmem>>, %arg23: memref<16x128xf32, #tpu.memory_space<vmem>>, %arg24: memref<16x128xf32, #tpu.memory_space<vmem>>, %arg25: memref<16x128xf32, #tpu.memory_space<vmem>>, %arg26: memref<16x128xf32, #tpu.memory_space<vmem>>, %arg27: memref<16x128xf32, #tpu.memory_space<vmem>>, %arg28: memref<16x128xf32, #tpu.memory_space<vmem>>, %arg29: memref<16x128xf32, #tpu.memory_space<vmem>>, %arg30: memref<16x128xf32, #tpu.memory_space<vmem>>, %arg31: memref<16x128xf32, #tpu.memory_space<vmem>>, %arg32: memref<16x128xf32, #tpu.memory_space<vmem>>, %arg33: memref<16x128xf32, #tpu.memory_space<vmem>>, %arg34: memref<16x128xf32, #tpu.memory_space<vmem>>, %arg35: memref<16x128xf32, #tpu.memory_space<vmem>>, %arg36: memref<16x128xf32, #tpu.memory_space<vmem>>, %arg37: memref<16x128xf32, #tpu.memory_space<vmem>>, %arg38: memref<16x128xf32, #tpu.memory_space<vmem>>, %arg39: memref<16x128xf32, #tpu.memory_space<vmem>>, %arg40: memref<16x128xf32, #tpu.memory_space<vmem>>, %arg41: memref<16x128xf32, #tpu.memory_space<vmem>>, %arg42: memref<16x128xf32, #tpu.memory_space<vmem>>, %arg43: memref<16x512xf32, #tpu.memory_space<vmem>>, %arg44: memref<16x512xf32, #tpu.memory_space<vmem>>, %arg45: memref<512xf32, #tpu.memory_space<vmem>>, %arg46: memref<!tpu.dma_semaphore, #tpu.memory_space<semaphore_mem>>, %arg47: memref<!tpu.dma_semaphore, #tpu.memory_space<semaphore_mem>>) attributes {dimension_semantics = [#tpu.dimension_semantics<core_parallel>, #tpu.dimension_semantics<subcore_parallel>], iteration_bounds = array<i64: 2, 16>, scalar_prefetch = 0 : i64, scratch_operands = 39 : i64, tpu.core_type = #tpu.core_type<sc_vector_subcore>, window_params = [{transform_indices = #map}, {transform_indices = #map}, {transform_indices = #map1}, {transform_indices = #map1}, {transform_indices = #map}, {transform_indices = #map1}, {transform_indices = #map1}]} {
    %mul3A = arith.constant 2 : i32
    %mul3A_0 = arith.muli %arg1, %mul3A : i32
    %add3A = arith.addi %mul3A_0, %arg0 : i32
    %mul3A_1 = arith.constant 512 : i32
    %mul3A_2 = arith.muli %add3A, %mul3A_1 : i32
    "tpu.region"() ({
      %run_scoped3A = tpu.sem_alloc : memref<!tpu.dma_semaphore, #tpu.memory_space<semaphore_mem>>
      %dma_start3A_569 = tpu.memref_slice %arg2[%mul3A_2] : memref<16384xi32, #tpu.memory_space<hbm>> -> memref<512xi32, #tpu.memory_space<hbm>>
      %dma_start3A_570 = tpu.memref_slice %arg2[%mul3A_2] : memref<16384xi32, #tpu.memory_space<hbm>> -> memref<512xi32, #tpu.memory_space<hbm>>
      tpu.enqueue_dma source(%dma_start3A_570 : memref<512xi32, #tpu.memory_space<hbm>>) target(%arg9 : memref<512xi32, #tpu.memory_space<vmem>>) target_semaphore(%run_scoped3A : memref<!tpu.dma_semaphore, #tpu.memory_space<semaphore_mem>>)
      %dma_wait3A_571 = tpu.memref_slice %arg2[%mul3A_2] : memref<16384xi32, #tpu.memory_space<hbm>> -> memref<512xi32, #tpu.memory_space<hbm>>
      %dma_wait3A_572 = tpu.memref_slice %arg2[%mul3A_2] : memref<16384xi32, #tpu.memory_space<hbm>> -> memref<512xi32, #tpu.memory_space<hbm>>
      tpu.wait_dma2 semaphore(%run_scoped3A : memref<!tpu.dma_semaphore, #tpu.memory_space<semaphore_mem>>) src(%dma_wait3A_572 : memref<512xi32, #tpu.memory_space<hbm>>) dst(%arg9 : memref<512xi32, #tpu.memory_space<vmem>>)
      tpu.yield
    }) : () -> ()
    "tpu.region"() ({
      %run_scoped3A = tpu.sem_alloc : memref<!tpu.dma_semaphore, #tpu.memory_space<semaphore_mem>>
      %dma_start3A_569 = tpu.memref_slice %arg3[%mul3A_2] : memref<16384xi32, #tpu.memory_space<hbm>> -> memref<512xi32, #tpu.memory_space<hbm>>
      %dma_start3A_570 = tpu.memref_slice %arg3[%mul3A_2] : memref<16384xi32, #tpu.memory_space<hbm>> -> memref<512xi32, #tpu.memory_space<hbm>>
      tpu.enqueue_dma source(%dma_start3A_570 : memref<512xi32, #tpu.memory_space<hbm>>) target(%arg10 : memref<512xi32, #tpu.memory_space<vmem>>) target_semaphore(%run_scoped3A : memref<!tpu.dma_semaphore, #tpu.memory_space<semaphore_mem>>)
      %dma_wait3A_571 = tpu.memref_slice %arg3[%mul3A_2] : memref<16384xi32, #tpu.memory_space<hbm>> -> memref<512xi32, #tpu.memory_space<hbm>>
      %dma_wait3A_572 = tpu.memref_slice %arg3[%mul3A_2] : memref<16384xi32, #tpu.memory_space<hbm>> -> memref<512xi32, #tpu.memory_space<hbm>>
      tpu.wait_dma2 semaphore(%run_scoped3A : memref<!tpu.dma_semaphore, #tpu.memory_space<semaphore_mem>>) src(%dma_wait3A_572 : memref<512xi32, #tpu.memory_space<hbm>>) dst(%arg10 : memref<512xi32, #tpu.memory_space<vmem>>)
      tpu.yield
    }) : () -> ()
    %iota3A = tpu.iota {dimensions = array<i32: 0>} : vector<16xi32>
    %min3A = arith.constant 0 : i32
    %min3A_3 = arith.constant 31 : i32
    %min3A_4 = arith.minsi %min3A, %min3A_3 : i32
    %mul3A_5 = arith.constant 16 : i32
    %mul3A_6 = arith.muli %min3A_4, %mul3A_5 : i32
    %get3A = arith.index_cast %mul3A_6 : i32 to index
    %get3A_7 = tpu.vector_load %arg9[%get3A] {strides = array<i32>} : memref<512xi32, #tpu.memory_space<vmem>>, vector<16xi32>,
    %slice3A = vector.extract_strided_slice %get3A_7 {offsets = [0], sizes = [1], strides = [1]} : vector<16xi32> to vector<1xi32>
    %squeeze3A = vector.extract %slice3A[0] : i32 from vector<1xi32>
    %shift_right_logical3A = arith.constant 7 : i32
    %shift_right_logical3A_8 = arith.shrui %squeeze3A, %shift_right_logical3A : i32
    %shift_left3A = arith.constant 7 : i32
    %shift_left3A_9 = arith.shli %shift_right_logical3A_8, %shift_left3A : i32
    %multiple_of3A = tpu.assume_multiple %shift_left3A_9, 128 : i32
    %dma_start3A = arith.constant 0 : i32
    %dma_start3A_10 = tpu.memref_slice %arg4[%dma_start3A, %multiple_of3A] : memref<16x1000000xf32, #tpu.memory_space<hbm>> -> memref<16x128xf32, #tpu.memory_space<hbm>>
    %dma_start3A_11 = arith.constant 0 : i32
    %dma_start3A_12 = tpu.memref_slice %arg4[%dma_start3A_11, %multiple_of3A] : memref<16x1000000xf32, #tpu.memory_space<hbm>> -> memref<16x128xf32, #tpu.memory_space<hbm>>
    tpu.enqueue_dma source(%dma_start3A_12 : memref<16x128xf32, #tpu.memory_space<hbm>>) target(%arg11 : memref<16x128xf32, #tpu.memory_space<vmem>>) target_semaphore(%arg46 : memref<!tpu.dma_semaphore, #tpu.memory_space<semaphore_mem>>)
    %slice3A_13 = vector.extract_strided_slice %get3A_7 {offsets = [1], sizes = [1], strides = [1]} : vector<16xi32> to vector<1xi32>
    %squeeze3A_14 = vector.extract %slice3A_13[0] : i32 from vector<1xi32>
    %shift_right_logical3A_15 = arith.constant 7 : i32
    %shift_right_logical3A_16 = arith.shrui %squeeze3A_14, %shift_right_logical3A_15 : i32
    %shift_left3A_17 = arith.constant 7 : i32
    %shift_left3A_18 = arith.shli %shift_right_logical3A_16, %shift_left3A_17 : i32
    %multiple_of3A_19 = tpu.assume_multiple %shift_left3A_18, 128 : i32
    %dma_start3A_20 = arith.constant 0 : i32
    %dma_start3A_21 = tpu.memref_slice %arg4[%dma_start3A_20, %multiple_of3A_19] : memref<16x1000000xf32, #tpu.memory_space<hbm>> -> memref<16x128xf32, #tpu.memory_space<hbm>>
    %dma_start3A_22 = arith.constant 0 : i32
    %dma_start3A_23 = tpu.memref_slice %arg4[%dma_start3A_22, %multiple_of3A_19] : memref<16x1000000xf32, #tpu.memory_space<hbm>> -> memref<16x128xf32, #tpu.memory_space<hbm>>
    tpu.enqueue_dma source(%dma_start3A_23 : memref<16x128xf32, #tpu.memory_space<hbm>>) target(%arg12 : memref<16x128xf32, #tpu.memory_space<vmem>>) target_semaphore(%arg46 : memref<!tpu.dma_semaphore, #tpu.memory_space<semaphore_mem>>)
    %slice3A_24 = vector.extract_strided_slice %get3A_7 {offsets = [2], sizes = [1], strides = [1]} : vector<16xi32> to vector<1xi32>
    %squeeze3A_25 = vector.extract %slice3A_24[0] : i32 from vector<1xi32>
    %shift_right_logical3A_26 = arith.constant 7 : i32
    %shift_right_logical3A_27 = arith.shrui %squeeze3A_25, %shift_right_logical3A_26 : i32
    %shift_left3A_28 = arith.constant 7 : i32
    %shift_left3A_29 = arith.shli %shift_right_logical3A_27, %shift_left3A_28 : i32
    %multiple_of3A_30 = tpu.assume_multiple %shift_left3A_29, 128 : i32
    %dma_start3A_31 = arith.constant 0 : i32
    %dma_start3A_32 = tpu.memref_slice %arg4[%dma_start3A_31, %multiple_of3A_30] : memref<16x1000000xf32, #tpu.memory_space<hbm>> -> memref<16x128xf32, #tpu.memory_space<hbm>>
    %dma_start3A_33 = arith.constant 0 : i32
    %dma_start3A_34 = tpu.memref_slice %arg4[%dma_start3A_33, %multiple_of3A_30] : memref<16x1000000xf32, #tpu.memory_space<hbm>> -> memref<16x128xf32, #tpu.memory_space<hbm>>
    tpu.enqueue_dma source(%dma_start3A_34 : memref<16x128xf32, #tpu.memory_space<hbm>>) target(%arg13 : memref<16x128xf32, #tpu.memory_space<vmem>>) target_semaphore(%arg46 : memref<!tpu.dma_semaphore, #tpu.memory_space<semaphore_mem>>)
    %slice3A_35 = vector.extract_strided_slice %get3A_7 {offsets = [3], sizes = [1], strides = [1]} : vector<16xi32> to vector<1xi32>
    %squeeze3A_36 = vector.extract %slice3A_35[0] : i32 from vector<1xi32>
    %shift_right_logical3A_37 = arith.constant 7 : i32
    %shift_right_logical3A_38 = arith.shrui %squeeze3A_36, %shift_right_logical3A_37 : i32
    %shift_left3A_39 = arith.constant 7 : i32
    %shift_left3A_40 = arith.shli %shift_right_logical3A_38, %shift_left3A_39 : i32
    %multiple_of3A_41 = tpu.assume_multiple %shift_left3A_40, 128 : i32
    %dma_start3A_42 = arith.constant 0 : i32
    %dma_start3A_43 = tpu.memref_slice %arg4[%dma_start3A_42, %multiple_of3A_41] : memref<16x1000000xf32, #tpu.memory_space<hbm>> -> memref<16x128xf32, #tpu.memory_space<hbm>>
    %dma_start3A_44 = arith.constant 0 : i32
    %dma_start3A_45 = tpu.memref_slice %arg4[%dma_start3A_44, %multiple_of3A_41] : memref<16x1000000xf32, #tpu.memory_space<hbm>> -> memref<16x128xf32, #tpu.memory_space<hbm>>
    tpu.enqueue_dma source(%dma_start3A_45 : memref<16x128xf32, #tpu.memory_space<hbm>>) target(%arg14 : memref<16x128xf32, #tpu.memory_space<vmem>>) target_semaphore(%arg46 : memref<!tpu.dma_semaphore, #tpu.memory_space<semaphore_mem>>)
    %slice3A_46 = vector.extract_strided_slice %get3A_7 {offsets = [4], sizes = [1], strides = [1]} : vector<16xi32> to vector<1xi32>
    %squeeze3A_47 = vector.extract %slice3A_46[0] : i32 from vector<1xi32>
    %shift_right_logical3A_48 = arith.constant 7 : i32
    %shift_right_logical3A_49 = arith.shrui %squeeze3A_47, %shift_right_logical3A_48 : i32
    %shift_left3A_50 = arith.constant 7 : i32
    %shift_left3A_51 = arith.shli %shift_right_logical3A_49, %shift_left3A_50 : i32
    %multiple_of3A_52 = tpu.assume_multiple %shift_left3A_51, 128 : i32
    %dma_start3A_53 = arith.constant 0 : i32
    %dma_start3A_54 = tpu.memref_slice %arg4[%dma_start3A_53, %multiple_of3A_52] : memref<16x1000000xf32, #tpu.memory_space<hbm>> -> memref<16x128xf32, #tpu.memory_space<hbm>>
    %dma_start3A_55 = arith.constant 0 : i32
    %dma_start3A_56 = tpu.memref_slice %arg4[%dma_start3A_55, %multiple_of3A_52] : memref<16x1000000xf32, #tpu.memory_space<hbm>> -> memref<16x128xf32, #tpu.memory_space<hbm>>
    tpu.enqueue_dma source(%dma_start3A_56 : memref<16x128xf32, #tpu.memory_space<hbm>>) target(%arg15 : memref<16x128xf32, #tpu.memory_space<vmem>>) target_semaphore(%arg46 : memref<!tpu.dma_semaphore, #tpu.memory_space<semaphore_mem>>)
    %slice3A_57 = vector.extract_strided_slice %get3A_7 {offsets = [5], sizes = [1], strides = [1]} : vector<16xi32> to vector<1xi32>
    %squeeze3A_58 = vector.extract %slice3A_57[0] : i32 from vector<1xi32>
    %shift_right_logical3A_59 = arith.constant 7 : i32
    %shift_right_logical3A_60 = arith.shrui %squeeze3A_58, %shift_right_logical3A_59 : i32
    %shift_left3A_61 = arith.constant 7 : i32
    %shift_left3A_62 = arith.shli %shift_right_logical3A_60, %shift_left3A_61 : i32
    %multiple_of3A_63 = tpu.assume_multiple %shift_left3A_62, 128 : i32
    %dma_start3A_64 = arith.constant 0 : i32
    %dma_start3A_65 = tpu.memref_slice %arg4[%dma_start3A_64, %multiple_of3A_63] : memref<16x1000000xf32, #tpu.memory_space<hbm>> -> memref<16x128xf32, #tpu.memory_space<hbm>>
    %dma_start3A_66 = arith.constant 0 : i32
    %dma_start3A_67 = tpu.memref_slice %arg4[%dma_start3A_66, %multiple_of3A_63] : memref<16x1000000xf32, #tpu.memory_space<hbm>> -> memref<16x128xf32, #tpu.memory_space<hbm>>
    tpu.enqueue_dma source(%dma_start3A_67 : memref<16x128xf32, #tpu.memory_space<hbm>>) target(%arg16 : memref<16x128xf32, #tpu.memory_space<vmem>>) target_semaphore(%arg46 : memref<!tpu.dma_semaphore, #tpu.memory_space<semaphore_mem>>)
    %slice3A_68 = vector.extract_strided_slice %get3A_7 {offsets = [6], sizes = [1], strides = [1]} : vector<16xi32> to vector<1xi32>
    %squeeze3A_69 = vector.extract %slice3A_68[0] : i32 from vector<1xi32>
    %shift_right_logical3A_70 = arith.constant 7 : i32
    %shift_right_logical3A_71 = arith.shrui %squeeze3A_69, %shift_right_logical3A_70 : i32
    %shift_left3A_72 = arith.constant 7 : i32
    %shift_left3A_73 = arith.shli %shift_right_logical3A_71, %shift_left3A_72 : i32
    %multiple_of3A_74 = tpu.assume_multiple %shift_left3A_73, 128 : i32
    %dma_start3A_75 = arith.constant 0 : i32
    %dma_start3A_76 = tpu.memref_slice %arg4[%dma_start3A_75, %multiple_of3A_74] : memref<16x1000000xf32, #tpu.memory_space<hbm>> -> memref<16x128xf32, #tpu.memory_space<hbm>>
    %dma_start3A_77 = arith.constant 0 : i32
    %dma_start3A_78 = tpu.memref_slice %arg4[%dma_start3A_77, %multiple_of3A_74] : memref<16x1000000xf32, #tpu.memory_space<hbm>> -> memref<16x128xf32, #tpu.memory_space<hbm>>
    tpu.enqueue_dma source(%dma_start3A_78 : memref<16x128xf32, #tpu.memory_space<hbm>>) target(%arg17 : memref<16x128xf32, #tpu.memory_space<vmem>>) target_semaphore(%arg46 : memref<!tpu.dma_semaphore, #tpu.memory_space<semaphore_mem>>)
    %slice3A_79 = vector.extract_strided_slice %get3A_7 {offsets = [7], sizes = [1], strides = [1]} : vector<16xi32> to vector<1xi32>
    %squeeze3A_80 = vector.extract %slice3A_79[0] : i32 from vector<1xi32>
    %shift_right_logical3A_81 = arith.constant 7 : i32
    %shift_right_logical3A_82 = arith.shrui %squeeze3A_80, %shift_right_logical3A_81 : i32
    %shift_left3A_83 = arith.constant 7 : i32
    %shift_left3A_84 = arith.shli %shift_right_logical3A_82, %shift_left3A_83 : i32
    %multiple_of3A_85 = tpu.assume_multiple %shift_left3A_84, 128 : i32
    %dma_start3A_86 = arith.constant 0 : i32
    %dma_start3A_87 = tpu.memref_slice %arg4[%dma_start3A_86, %multiple_of3A_85] : memref<16x1000000xf32, #tpu.memory_space<hbm>> -> memref<16x128xf32, #tpu.memory_space<hbm>>
    %dma_start3A_88 = arith.constant 0 : i32
    %dma_start3A_89 = tpu.memref_slice %arg4[%dma_start3A_88, %multiple_of3A_85] : memref<16x1000000xf32, #tpu.memory_space<hbm>> -> memref<16x128xf32, #tpu.memory_space<hbm>>
    tpu.enqueue_dma source(%dma_start3A_89 : memref<16x128xf32, #tpu.memory_space<hbm>>) target(%arg18 : memref<16x128xf32, #tpu.memory_space<vmem>>) target_semaphore(%arg46 : memref<!tpu.dma_semaphore, #tpu.memory_space<semaphore_mem>>)
    %slice3A_90 = vector.extract_strided_slice %get3A_7 {offsets = [8], sizes = [1], strides = [1]} : vector<16xi32> to vector<1xi32>
    %squeeze3A_91 = vector.extract %slice3A_90[0] : i32 from vector<1xi32>
    %shift_right_logical3A_92 = arith.constant 7 : i32
    %shift_right_logical3A_93 = arith.shrui %squeeze3A_91, %shift_right_logical3A_92 : i32
    %shift_left3A_94 = arith.constant 7 : i32
    %shift_left3A_95 = arith.shli %shift_right_logical3A_93, %shift_left3A_94 : i32
    %multiple_of3A_96 = tpu.assume_multiple %shift_left3A_95, 128 : i32
    %dma_start3A_97 = arith.constant 0 : i32
    %dma_start3A_98 = tpu.memref_slice %arg4[%dma_start3A_97, %multiple_of3A_96] : memref<16x1000000xf32, #tpu.memory_space<hbm>> -> memref<16x128xf32, #tpu.memory_space<hbm>>
    %dma_start3A_99 = arith.constant 0 : i32
    %dma_start3A_100 = tpu.memref_slice %arg4[%dma_start3A_99, %multiple_of3A_96] : memref<16x1000000xf32, #tpu.memory_space<hbm>> -> memref<16x128xf32, #tpu.memory_space<hbm>>
    tpu.enqueue_dma source(%dma_start3A_100 : memref<16x128xf32, #tpu.memory_space<hbm>>) target(%arg19 : memref<16x128xf32, #tpu.memory_space<vmem>>) target_semaphore(%arg46 : memref<!tpu.dma_semaphore, #tpu.memory_space<semaphore_mem>>)
    %slice3A_101 = vector.extract_strided_slice %get3A_7 {offsets = [9], sizes = [1], strides = [1]} : vector<16xi32> to vector<1xi32>
    %squeeze3A_102 = vector.extract %slice3A_101[0] : i32 from vector<1xi32>
    %shift_right_logical3A_103 = arith.constant 7 : i32
    %shift_right_logical3A_104 = arith.shrui %squeeze3A_102, %shift_right_logical3A_103 : i32
    %shift_left3A_105 = arith.constant 7 : i32
    %shift_left3A_106 = arith.shli %shift_right_logical3A_104, %shift_left3A_105 : i32
    %multiple_of3A_107 = tpu.assume_multiple %shift_left3A_106, 128 : i32
    %dma_start3A_108 = arith.constant 0 : i32
    %dma_start3A_109 = tpu.memref_slice %arg4[%dma_start3A_108, %multiple_of3A_107] : memref<16x1000000xf32, #tpu.memory_space<hbm>> -> memref<16x128xf32, #tpu.memory_space<hbm>>
    %dma_start3A_110 = arith.constant 0 : i32
    %dma_start3A_111 = tpu.memref_slice %arg4[%dma_start3A_110, %multiple_of3A_107] : memref<16x1000000xf32, #tpu.memory_space<hbm>> -> memref<16x128xf32, #tpu.memory_space<hbm>>
    tpu.enqueue_dma source(%dma_start3A_111 : memref<16x128xf32, #tpu.memory_space<hbm>>) target(%arg20 : memref<16x128xf32, #tpu.memory_space<vmem>>) target_semaphore(%arg46 : memref<!tpu.dma_semaphore, #tpu.memory_space<semaphore_mem>>)
    %slice3A_112 = vector.extract_strided_slice %get3A_7 {offsets = [10], sizes = [1], strides = [1]} : vector<16xi32> to vector<1xi32>
    %squeeze3A_113 = vector.extract %slice3A_112[0] : i32 from vector<1xi32>
    %shift_right_logical3A_114 = arith.constant 7 : i32
    %shift_right_logical3A_115 = arith.shrui %squeeze3A_113, %shift_right_logical3A_114 : i32
    %shift_left3A_116 = arith.constant 7 : i32
    %shift_left3A_117 = arith.shli %shift_right_logical3A_115, %shift_left3A_116 : i32
    %multiple_of3A_118 = tpu.assume_multiple %shift_left3A_117, 128 : i32
    %dma_start3A_119 = arith.constant 0 : i32
    %dma_start3A_120 = tpu.memref_slice %arg4[%dma_start3A_119, %multiple_of3A_118] : memref<16x1000000xf32, #tpu.memory_space<hbm>> -> memref<16x128xf32, #tpu.memory_space<hbm>>
    %dma_start3A_121 = arith.constant 0 : i32
    %dma_start3A_122 = tpu.memref_slice %arg4[%dma_start3A_121, %multiple_of3A_118] : memref<16x1000000xf32, #tpu.memory_space<hbm>> -> memref<16x128xf32, #tpu.memory_space<hbm>>
    tpu.enqueue_dma source(%dma_start3A_122 : memref<16x128xf32, #tpu.memory_space<hbm>>) target(%arg21 : memref<16x128xf32, #tpu.memory_space<vmem>>) target_semaphore(%arg46 : memref<!tpu.dma_semaphore, #tpu.memory_space<semaphore_mem>>)
    %slice3A_123 = vector.extract_strided_slice %get3A_7 {offsets = [11], sizes = [1], strides = [1]} : vector<16xi32> to vector<1xi32>
    %squeeze3A_124 = vector.extract %slice3A_123[0] : i32 from vector<1xi32>
    %shift_right_logical3A_125 = arith.constant 7 : i32
    %shift_right_logical3A_126 = arith.shrui %squeeze3A_124, %shift_right_logical3A_125 : i32
    %shift_left3A_127 = arith.constant 7 : i32
    %shift_left3A_128 = arith.shli %shift_right_logical3A_126, %shift_left3A_127 : i32
    %multiple_of3A_129 = tpu.assume_multiple %shift_left3A_128, 128 : i32
    %dma_start3A_130 = arith.constant 0 : i32
    %dma_start3A_131 = tpu.memref_slice %arg4[%dma_start3A_130, %multiple_of3A_129] : memref<16x1000000xf32, #tpu.memory_space<hbm>> -> memref<16x128xf32, #tpu.memory_space<hbm>>
    %dma_start3A_132 = arith.constant 0 : i32
    %dma_start3A_133 = tpu.memref_slice %arg4[%dma_start3A_132, %multiple_of3A_129] : memref<16x1000000xf32, #tpu.memory_space<hbm>> -> memref<16x128xf32, #tpu.memory_space<hbm>>
    tpu.enqueue_dma source(%dma_start3A_133 : memref<16x128xf32, #tpu.memory_space<hbm>>) target(%arg22 : memref<16x128xf32, #tpu.memory_space<vmem>>) target_semaphore(%arg46 : memref<!tpu.dma_semaphore, #tpu.memory_space<semaphore_mem>>)
    %slice3A_134 = vector.extract_strided_slice %get3A_7 {offsets = [12], sizes = [1], strides = [1]} : vector<16xi32> to vector<1xi32>
    %squeeze3A_135 = vector.extract %slice3A_134[0] : i32 from vector<1xi32>
    %shift_right_logical3A_136 = arith.constant 7 : i32
    %shift_right_logical3A_137 = arith.shrui %squeeze3A_135, %shift_right_logical3A_136 : i32
    %shift_left3A_138 = arith.constant 7 : i32
    %shift_left3A_139 = arith.shli %shift_right_logical3A_137, %shift_left3A_138 : i32
    %multiple_of3A_140 = tpu.assume_multiple %shift_left3A_139, 128 : i32
    %dma_start3A_141 = arith.constant 0 : i32
    %dma_start3A_142 = tpu.memref_slice %arg4[%dma_start3A_141, %multiple_of3A_140] : memref<16x1000000xf32, #tpu.memory_space<hbm>> -> memref<16x128xf32, #tpu.memory_space<hbm>>
    %dma_start3A_143 = arith.constant 0 : i32
    %dma_start3A_144 = tpu.memref_slice %arg4[%dma_start3A_143, %multiple_of3A_140] : memref<16x1000000xf32, #tpu.memory_space<hbm>> -> memref<16x128xf32, #tpu.memory_space<hbm>>
    tpu.enqueue_dma source(%dma_start3A_144 : memref<16x128xf32, #tpu.memory_space<hbm>>) target(%arg23 : memref<16x128xf32, #tpu.memory_space<vmem>>) target_semaphore(%arg46 : memref<!tpu.dma_semaphore, #tpu.memory_space<semaphore_mem>>)
    %slice3A_145 = vector.extract_strided_slice %get3A_7 {offsets = [13], sizes = [1], strides = [1]} : vector<16xi32> to vector<1xi32>
    %squeeze3A_146 = vector.extract %slice3A_145[0] : i32 from vector<1xi32>
    %shift_right_logical3A_147 = arith.constant 7 : i32
    %shift_right_logical3A_148 = arith.shrui %squeeze3A_146, %shift_right_logical3A_147 : i32
    %shift_left3A_149 = arith.constant 7 : i32
    %shift_left3A_150 = arith.shli %shift_right_logical3A_148, %shift_left3A_149 : i32
    %multiple_of3A_151 = tpu.assume_multiple %shift_left3A_150, 128 : i32
    %dma_start3A_152 = arith.constant 0 : i32
    %dma_start3A_153 = tpu.memref_slice %arg4[%dma_start3A_152, %multiple_of3A_151] : memref<16x1000000xf32, #tpu.memory_space<hbm>> -> memref<16x128xf32, #tpu.memory_space<hbm>>
    %dma_start3A_154 = arith.constant 0 : i32
    %dma_start3A_155 = tpu.memref_slice %arg4[%dma_start3A_154, %multiple_of3A_151] : memref<16x1000000xf32, #tpu.memory_space<hbm>> -> memref<16x128xf32, #tpu.memory_space<hbm>>
    tpu.enqueue_dma source(%dma_start3A_155 : memref<16x128xf32, #tpu.memory_space<hbm>>) target(%arg24 : memref<16x128xf32, #tpu.memory_space<vmem>>) target_semaphore(%arg46 : memref<!tpu.dma_semaphore, #tpu.memory_space<semaphore_mem>>)
    %slice3A_156 = vector.extract_strided_slice %get3A_7 {offsets = [14], sizes = [1], strides = [1]} : vector<16xi32> to vector<1xi32>
    %squeeze3A_157 = vector.extract %slice3A_156[0] : i32 from vector<1xi32>
    %shift_right_logical3A_158 = arith.constant 7 : i32
    %shift_right_logical3A_159 = arith.shrui %squeeze3A_157, %shift_right_logical3A_158 : i32
    %shift_left3A_160 = arith.constant 7 : i32
    %shift_left3A_161 = arith.shli %shift_right_logical3A_159, %shift_left3A_160 : i32
    %multiple_of3A_162 = tpu.assume_multiple %shift_left3A_161, 128 : i32
    %dma_start3A_163 = arith.constant 0 : i32
    %dma_start3A_164 = tpu.memref_slice %arg4[%dma_start3A_163, %multiple_of3A_162] : memref<16x1000000xf32, #tpu.memory_space<hbm>> -> memref<16x128xf32, #tpu.memory_space<hbm>>
    %dma_start3A_165 = arith.constant 0 : i32
    %dma_start3A_166 = tpu.memref_slice %arg4[%dma_start3A_165, %multiple_of3A_162] : memref<16x1000000xf32, #tpu.memory_space<hbm>> -> memref<16x128xf32, #tpu.memory_space<hbm>>
    tpu.enqueue_dma source(%dma_start3A_166 : memref<16x128xf32, #tpu.memory_space<hbm>>) target(%arg25 : memref<16x128xf32, #tpu.memory_space<vmem>>) target_semaphore(%arg46 : memref<!tpu.dma_semaphore, #tpu.memory_space<semaphore_mem>>)
    %slice3A_167 = vector.extract_strided_slice %get3A_7 {offsets = [15], sizes = [1], strides = [1]} : vector<16xi32> to vector<1xi32>
    %squeeze3A_168 = vector.extract %slice3A_167[0] : i32 from vector<1xi32>
    %shift_right_logical3A_169 = arith.constant 7 : i32
    %shift_right_logical3A_170 = arith.shrui %squeeze3A_168, %shift_right_logical3A_169 : i32
    %shift_left3A_171 = arith.constant 7 : i32
    %shift_left3A_172 = arith.shli %shift_right_logical3A_170, %shift_left3A_171 : i32
    %multiple_of3A_173 = tpu.assume_multiple %shift_left3A_172, 128 : i32
    %dma_start3A_174 = arith.constant 0 : i32
    %dma_start3A_175 = tpu.memref_slice %arg4[%dma_start3A_174, %multiple_of3A_173] : memref<16x1000000xf32, #tpu.memory_space<hbm>> -> memref<16x128xf32, #tpu.memory_space<hbm>>
    %dma_start3A_176 = arith.constant 0 : i32
    %dma_start3A_177 = tpu.memref_slice %arg4[%dma_start3A_176, %multiple_of3A_173] : memref<16x1000000xf32, #tpu.memory_space<hbm>> -> memref<16x128xf32, #tpu.memory_space<hbm>>
    tpu.enqueue_dma source(%dma_start3A_177 : memref<16x128xf32, #tpu.memory_space<hbm>>) target(%arg26 : memref<16x128xf32, #tpu.memory_space<vmem>>) target_semaphore(%arg46 : memref<!tpu.dma_semaphore, #tpu.memory_space<semaphore_mem>>)
    %scan3A = arith.constant 0 : i32
    %scan3A_178 = arith.constant 0 : i32
    %scan3A_179 = arith.constant 16 : i32
    %scan3A_180 = arith.addi %scan3A_178, %scan3A_179 : i32
    %scan3A_181 = arith.constant 1 : i32
    scf.for %scan3A_569 = %scan3A_178 to %scan3A_180 step %scan3A_181  : i32 {
      %mul3A_570 = arith.constant 2 : i32
      %mul3A_571 = arith.muli %scan3A_569, %mul3A_570 : i32
      %add3A_572 = arith.constant 1 : i32
      %add3A_573 = arith.addi %mul3A_571, %add3A_572 : i32
      %min3A_574 = arith.constant 31 : i32
      %min3A_575 = arith.minsi %add3A_573, %min3A_574 : i32
      %mul3A_576 = arith.constant 16 : i32
      %mul3A_577 = arith.muli %min3A_575, %mul3A_576 : i32
      %get3A_578 = arith.index_cast %mul3A_577 : i32 to index
      %get3A_579 = tpu.vector_load %arg9[%get3A_578] {strides = array<i32>} : memref<512xi32, #tpu.memory_space<vmem>>, vector<16xi32>,
      %slice3A_580 = vector.extract_strided_slice %get3A_579 {offsets = [0], sizes = [1], strides = [1]} : vector<16xi32> to vector<1xi32>
      %squeeze3A_581 = vector.extract %slice3A_580[0] : i32 from vector<1xi32>
      %shift_right_logical3A_582 = arith.constant 7 : i32
      %shift_right_logical3A_583 = arith.shrui %squeeze3A_581, %shift_right_logical3A_582 : i32
      %shift_left3A_584 = arith.constant 7 : i32
      %shift_left3A_585 = arith.shli %shift_right_logical3A_583, %shift_left3A_584 : i32
      %multiple_of3A_586 = tpu.assume_multiple %shift_left3A_585, 128 : i32
      %dma_start3A_587 = arith.constant 0 : i32
      %dma_start3A_588 = tpu.memref_slice %arg4[%dma_start3A_587, %multiple_of3A_586] : memref<16x1000000xf32, #tpu.memory_space<hbm>> -> memref<16x128xf32, #tpu.memory_space<hbm>>
      %dma_start3A_589 = arith.constant 0 : i32
      %dma_start3A_590 = tpu.memref_slice %arg4[%dma_start3A_589, %multiple_of3A_586] : memref<16x1000000xf32, #tpu.memory_space<hbm>> -> memref<16x128xf32, #tpu.memory_space<hbm>>
      tpu.enqueue_dma source(%dma_start3A_590 : memref<16x128xf32, #tpu.memory_space<hbm>>) target(%arg27 : memref<16x128xf32, #tpu.memory_space<vmem>>) target_semaphore(%arg47 : memref<!tpu.dma_semaphore, #tpu.memory_space<semaphore_mem>>)
      %slice3A_591 = vector.extract_strided_slice %get3A_579 {offsets = [1], sizes = [1], strides = [1]} : vector<16xi32> to vector<1xi32>
      %squeeze3A_592 = vector.extract %slice3A_591[0] : i32 from vector<1xi32>
      %shift_right_logical3A_593 = arith.constant 7 : i32
      %shift_right_logical3A_594 = arith.shrui %squeeze3A_592, %shift_right_logical3A_593 : i32
      %shift_left3A_595 = arith.constant 7 : i32
      %shift_left3A_596 = arith.shli %shift_right_logical3A_594, %shift_left3A_595 : i32
      %multiple_of3A_597 = tpu.assume_multiple %shift_left3A_596, 128 : i32
      %dma_start3A_598 = arith.constant 0 : i32
      %dma_start3A_599 = tpu.memref_slice %arg4[%dma_start3A_598, %multiple_of3A_597] : memref<16x1000000xf32, #tpu.memory_space<hbm>> -> memref<16x128xf32, #tpu.memory_space<hbm>>
      %dma_start3A_600 = arith.constant 0 : i32
      %dma_start3A_601 = tpu.memref_slice %arg4[%dma_start3A_600, %multiple_of3A_597] : memref<16x1000000xf32, #tpu.memory_space<hbm>> -> memref<16x128xf32, #tpu.memory_space<hbm>>
      tpu.enqueue_dma source(%dma_start3A_601 : memref<16x128xf32, #tpu.memory_space<hbm>>) target(%arg28 : memref<16x128xf32, #tpu.memory_space<vmem>>) target_semaphore(%arg47 : memref<!tpu.dma_semaphore, #tpu.memory_space<semaphore_mem>>)
      %slice3A_602 = vector.extract_strided_slice %get3A_579 {offsets = [2], sizes = [1], strides = [1]} : vector<16xi32> to vector<1xi32>
      %squeeze3A_603 = vector.extract %slice3A_602[0] : i32 from vector<1xi32>
      %shift_right_logical3A_604 = arith.constant 7 : i32
      %shift_right_logical3A_605 = arith.shrui %squeeze3A_603, %shift_right_logical3A_604 : i32
      %shift_left3A_606 = arith.constant 7 : i32
      %shift_left3A_607 = arith.shli %shift_right_logical3A_605, %shift_left3A_606 : i32
      %multiple_of3A_608 = tpu.assume_multiple %shift_left3A_607, 128 : i32
      %dma_start3A_609 = arith.constant 0 : i32
      %dma_start3A_610 = tpu.memref_slice %arg4[%dma_start3A_609, %multiple_of3A_608] : memref<16x1000000xf32, #tpu.memory_space<hbm>> -> memref<16x128xf32, #tpu.memory_space<hbm>>
      %dma_start3A_611 = arith.constant 0 : i32
      %dma_start3A_612 = tpu.memref_slice %arg4[%dma_start3A_611, %multiple_of3A_608] : memref<16x1000000xf32, #tpu.memory_space<hbm>> -> memref<16x128xf32, #tpu.memory_space<hbm>>
      tpu.enqueue_dma source(%dma_start3A_612 : memref<16x128xf32, #tpu.memory_space<hbm>>) target(%arg29 : memref<16x128xf32, #tpu.memory_space<vmem>>) target_semaphore(%arg47 : memref<!tpu.dma_semaphore, #tpu.memory_space<semaphore_mem>>)
      %slice3A_613 = vector.extract_strided_slice %get3A_579 {offsets = [3], sizes = [1], strides = [1]} : vector<16xi32> to vector<1xi32>
      %squeeze3A_614 = vector.extract %slice3A_613[0] : i32 from vector<1xi32>
      %shift_right_logical3A_615 = arith.constant 7 : i32
      %shift_right_logical3A_616 = arith.shrui %squeeze3A_614, %shift_right_logical3A_615 : i32
      %shift_left3A_617 = arith.constant 7 : i32
      %shift_left3A_618 = arith.shli %shift_right_logical3A_616, %shift_left3A_617 : i32
      %multiple_of3A_619 = tpu.assume_multiple %shift_left3A_618, 128 : i32
      %dma_start3A_620 = arith.constant 0 : i32
      %dma_start3A_621 = tpu.memref_slice %arg4[%dma_start3A_620, %multiple_of3A_619] : memref<16x1000000xf32, #tpu.memory_space<hbm>> -> memref<16x128xf32, #tpu.memory_space<hbm>>
      %dma_start3A_622 = arith.constant 0 : i32
      %dma_start3A_623 = tpu.memref_slice %arg4[%dma_start3A_622, %multiple_of3A_619] : memref<16x1000000xf32, #tpu.memory_space<hbm>> -> memref<16x128xf32, #tpu.memory_space<hbm>>
      tpu.enqueue_dma source(%dma_start3A_623 : memref<16x128xf32, #tpu.memory_space<hbm>>) target(%arg30 : memref<16x128xf32, #tpu.memory_space<vmem>>) target_semaphore(%arg47 : memref<!tpu.dma_semaphore, #tpu.memory_space<semaphore_mem>>)
      %slice3A_624 = vector.extract_strided_slice %get3A_579 {offsets = [4], sizes = [1], strides = [1]} : vector<16xi32> to vector<1xi32>
      %squeeze3A_625 = vector.extract %slice3A_624[0] : i32 from vector<1xi32>
      %shift_right_logical3A_626 = arith.constant 7 : i32
      %shift_right_logical3A_627 = arith.shrui %squeeze3A_625, %shift_right_logical3A_626 : i32
      %shift_left3A_628 = arith.constant 7 : i32
      %shift_left3A_629 = arith.shli %shift_right_logical3A_627, %shift_left3A_628 : i32
      %multiple_of3A_630 = tpu.assume_multiple %shift_left3A_629, 128 : i32
      %dma_start3A_631 = arith.constant 0 : i32
      %dma_start3A_632 = tpu.memref_slice %arg4[%dma_start3A_631, %multiple_of3A_630] : memref<16x1000000xf32, #tpu.memory_space<hbm>> -> memref<16x128xf32, #tpu.memory_space<hbm>>
      %dma_start3A_633 = arith.constant 0 : i32
      %dma_start3A_634 = tpu.memref_slice %arg4[%dma_start3A_633, %multiple_of3A_630] : memref<16x1000000xf32, #tpu.memory_space<hbm>> -> memref<16x128xf32, #tpu.memory_space<hbm>>
      tpu.enqueue_dma source(%dma_start3A_634 : memref<16x128xf32, #tpu.memory_space<hbm>>) target(%arg31 : memref<16x128xf32, #tpu.memory_space<vmem>>) target_semaphore(%arg47 : memref<!tpu.dma_semaphore, #tpu.memory_space<semaphore_mem>>)
      %slice3A_635 = vector.extract_strided_slice %get3A_579 {offsets = [5], sizes = [1], strides = [1]} : vector<16xi32> to vector<1xi32>
      %squeeze3A_636 = vector.extract %slice3A_635[0] : i32 from vector<1xi32>
      %shift_right_logical3A_637 = arith.constant 7 : i32
      %shift_right_logical3A_638 = arith.shrui %squeeze3A_636, %shift_right_logical3A_637 : i32
      %shift_left3A_639 = arith.constant 7 : i32
      %shift_left3A_640 = arith.shli %shift_right_logical3A_638, %shift_left3A_639 : i32
      %multiple_of3A_641 = tpu.assume_multiple %shift_left3A_640, 128 : i32
      %dma_start3A_642 = arith.constant 0 : i32
      %dma_start3A_643 = tpu.memref_slice %arg4[%dma_start3A_642, %multiple_of3A_641] : memref<16x1000000xf32, #tpu.memory_space<hbm>> -> memref<16x128xf32, #tpu.memory_space<hbm>>
      %dma_start3A_644 = arith.constant 0 : i32
      %dma_start3A_645 = tpu.memref_slice %arg4[%dma_start3A_644, %multiple_of3A_641] : memref<16x1000000xf32, #tpu.memory_space<hbm>> -> memref<16x128xf32, #tpu.memory_space<hbm>>
      tpu.enqueue_dma source(%dma_start3A_645 : memref<16x128xf32, #tpu.memory_space<hbm>>) target(%arg32 : memref<16x128xf32, #tpu.memory_space<vmem>>) target_semaphore(%arg47 : memref<!tpu.dma_semaphore, #tpu.memory_space<semaphore_mem>>)
      %slice3A_646 = vector.extract_strided_slice %get3A_579 {offsets = [6], sizes = [1], strides = [1]} : vector<16xi32> to vector<1xi32>
      %squeeze3A_647 = vector.extract %slice3A_646[0] : i32 from vector<1xi32>
      %shift_right_logical3A_648 = arith.constant 7 : i32
      %shift_right_logical3A_649 = arith.shrui %squeeze3A_647, %shift_right_logical3A_648 : i32
      %shift_left3A_650 = arith.constant 7 : i32
      %shift_left3A_651 = arith.shli %shift_right_logical3A_649, %shift_left3A_650 : i32
      %multiple_of3A_652 = tpu.assume_multiple %shift_left3A_651, 128 : i32
      %dma_start3A_653 = arith.constant 0 : i32
      %dma_start3A_654 = tpu.memref_slice %arg4[%dma_start3A_653, %multiple_of3A_652] : memref<16x1000000xf32, #tpu.memory_space<hbm>> -> memref<16x128xf32, #tpu.memory_space<hbm>>
      %dma_start3A_655 = arith.constant 0 : i32
      %dma_start3A_656 = tpu.memref_slice %arg4[%dma_start3A_655, %multiple_of3A_652] : memref<16x1000000xf32, #tpu.memory_space<hbm>> -> memref<16x128xf32, #tpu.memory_space<hbm>>
      tpu.enqueue_dma source(%dma_start3A_656 : memref<16x128xf32, #tpu.memory_space<hbm>>) target(%arg33 : memref<16x128xf32, #tpu.memory_space<vmem>>) target_semaphore(%arg47 : memref<!tpu.dma_semaphore, #tpu.memory_space<semaphore_mem>>)
      %slice3A_657 = vector.extract_strided_slice %get3A_579 {offsets = [7], sizes = [1], strides = [1]} : vector<16xi32> to vector<1xi32>
      %squeeze3A_658 = vector.extract %slice3A_657[0] : i32 from vector<1xi32>
      %shift_right_logical3A_659 = arith.constant 7 : i32
      %shift_right_logical3A_660 = arith.shrui %squeeze3A_658, %shift_right_logical3A_659 : i32
      %shift_left3A_661 = arith.constant 7 : i32
      %shift_left3A_662 = arith.shli %shift_right_logical3A_660, %shift_left3A_661 : i32
      %multiple_of3A_663 = tpu.assume_multiple %shift_left3A_662, 128 : i32
      %dma_start3A_664 = arith.constant 0 : i32
      %dma_start3A_665 = tpu.memref_slice %arg4[%dma_start3A_664, %multiple_of3A_663] : memref<16x1000000xf32, #tpu.memory_space<hbm>> -> memref<16x128xf32, #tpu.memory_space<hbm>>
      %dma_start3A_666 = arith.constant 0 : i32
      %dma_start3A_667 = tpu.memref_slice %arg4[%dma_start3A_666, %multiple_of3A_663] : memref<16x1000000xf32, #tpu.memory_space<hbm>> -> memref<16x128xf32, #tpu.memory_space<hbm>>
      tpu.enqueue_dma source(%dma_start3A_667 : memref<16x128xf32, #tpu.memory_space<hbm>>) target(%arg34 : memref<16x128xf32, #tpu.memory_space<vmem>>) target_semaphore(%arg47 : memref<!tpu.dma_semaphore, #tpu.memory_space<semaphore_mem>>)
      %slice3A_668 = vector.extract_strided_slice %get3A_579 {offsets = [8], sizes = [1], strides = [1]} : vector<16xi32> to vector<1xi32>
      %squeeze3A_669 = vector.extract %slice3A_668[0] : i32 from vector<1xi32>
      %shift_right_logical3A_670 = arith.constant 7 : i32
      %shift_right_logical3A_671 = arith.shrui %squeeze3A_669, %shift_right_logical3A_670 : i32
      %shift_left3A_672 = arith.constant 7 : i32
      %shift_left3A_673 = arith.shli %shift_right_logical3A_671, %shift_left3A_672 : i32
      %multiple_of3A_674 = tpu.assume_multiple %shift_left3A_673, 128 : i32
      %dma_start3A_675 = arith.constant 0 : i32
      %dma_start3A_676 = tpu.memref_slice %arg4[%dma_start3A_675, %multiple_of3A_674] : memref<16x1000000xf32, #tpu.memory_space<hbm>> -> memref<16x128xf32, #tpu.memory_space<hbm>>
      %dma_start3A_677 = arith.constant 0 : i32
      %dma_start3A_678 = tpu.memref_slice %arg4[%dma_start3A_677, %multiple_of3A_674] : memref<16x1000000xf32, #tpu.memory_space<hbm>> -> memref<16x128xf32, #tpu.memory_space<hbm>>
      tpu.enqueue_dma source(%dma_start3A_678 : memref<16x128xf32, #tpu.memory_space<hbm>>) target(%arg35 : memref<16x128xf32, #tpu.memory_space<vmem>>) target_semaphore(%arg47 : memref<!tpu.dma_semaphore, #tpu.memory_space<semaphore_mem>>)
      %slice3A_679 = vector.extract_strided_slice %get3A_579 {offsets = [9], sizes = [1], strides = [1]} : vector<16xi32> to vector<1xi32>
      %squeeze3A_680 = vector.extract %slice3A_679[0] : i32 from vector<1xi32>
      %shift_right_logical3A_681 = arith.constant 7 : i32
      %shift_right_logical3A_682 = arith.shrui %squeeze3A_680, %shift_right_logical3A_681 : i32
      %shift_left3A_683 = arith.constant 7 : i32
      %shift_left3A_684 = arith.shli %shift_right_logical3A_682, %shift_left3A_683 : i32
      %multiple_of3A_685 = tpu.assume_multiple %shift_left3A_684, 128 : i32
      %dma_start3A_686 = arith.constant 0 : i32
      %dma_start3A_687 = tpu.memref_slice %arg4[%dma_start3A_686, %multiple_of3A_685] : memref<16x1000000xf32, #tpu.memory_space<hbm>> -> memref<16x128xf32, #tpu.memory_space<hbm>>
      %dma_start3A_688 = arith.constant 0 : i32
      %dma_start3A_689 = tpu.memref_slice %arg4[%dma_start3A_688, %multiple_of3A_685] : memref<16x1000000xf32, #tpu.memory_space<hbm>> -> memref<16x128xf32, #tpu.memory_space<hbm>>
      tpu.enqueue_dma source(%dma_start3A_689 : memref<16x128xf32, #tpu.memory_space<hbm>>) target(%arg36 : memref<16x128xf32, #tpu.memory_space<vmem>>) target_semaphore(%arg47 : memref<!tpu.dma_semaphore, #tpu.memory_space<semaphore_mem>>)
      %slice3A_690 = vector.extract_strided_slice %get3A_579 {offsets = [10], sizes = [1], strides = [1]} : vector<16xi32> to vector<1xi32>
      %squeeze3A_691 = vector.extract %slice3A_690[0] : i32 from vector<1xi32>
      %shift_right_logical3A_692 = arith.constant 7 : i32
      %shift_right_logical3A_693 = arith.shrui %squeeze3A_691, %shift_right_logical3A_692 : i32
      %shift_left3A_694 = arith.constant 7 : i32
      %shift_left3A_695 = arith.shli %shift_right_logical3A_693, %shift_left3A_694 : i32
      %multiple_of3A_696 = tpu.assume_multiple %shift_left3A_695, 128 : i32
      %dma_start3A_697 = arith.constant 0 : i32
      %dma_start3A_698 = tpu.memref_slice %arg4[%dma_start3A_697, %multiple_of3A_696] : memref<16x1000000xf32, #tpu.memory_space<hbm>> -> memref<16x128xf32, #tpu.memory_space<hbm>>
      %dma_start3A_699 = arith.constant 0 : i32
      %dma_start3A_700 = tpu.memref_slice %arg4[%dma_start3A_699, %multiple_of3A_696] : memref<16x1000000xf32, #tpu.memory_space<hbm>> -> memref<16x128xf32, #tpu.memory_space<hbm>>
      tpu.enqueue_dma source(%dma_start3A_700 : memref<16x128xf32, #tpu.memory_space<hbm>>) target(%arg37 : memref<16x128xf32, #tpu.memory_space<vmem>>) target_semaphore(%arg47 : memref<!tpu.dma_semaphore, #tpu.memory_space<semaphore_mem>>)
      %slice3A_701 = vector.extract_strided_slice %get3A_579 {offsets = [11], sizes = [1], strides = [1]} : vector<16xi32> to vector<1xi32>
      %squeeze3A_702 = vector.extract %slice3A_701[0] : i32 from vector<1xi32>
      %shift_right_logical3A_703 = arith.constant 7 : i32
      %shift_right_logical3A_704 = arith.shrui %squeeze3A_702, %shift_right_logical3A_703 : i32
      %shift_left3A_705 = arith.constant 7 : i32
      %shift_left3A_706 = arith.shli %shift_right_logical3A_704, %shift_left3A_705 : i32
      %multiple_of3A_707 = tpu.assume_multiple %shift_left3A_706, 128 : i32
      %dma_start3A_708 = arith.constant 0 : i32
      %dma_start3A_709 = tpu.memref_slice %arg4[%dma_start3A_708, %multiple_of3A_707] : memref<16x1000000xf32, #tpu.memory_space<hbm>> -> memref<16x128xf32, #tpu.memory_space<hbm>>
      %dma_start3A_710 = arith.constant 0 : i32
      %dma_start3A_711 = tpu.memref_slice %arg4[%dma_start3A_710, %multiple_of3A_707] : memref<16x1000000xf32, #tpu.memory_space<hbm>> -> memref<16x128xf32, #tpu.memory_space<hbm>>
      tpu.enqueue_dma source(%dma_start3A_711 : memref<16x128xf32, #tpu.memory_space<hbm>>) target(%arg38 : memref<16x128xf32, #tpu.memory_space<vmem>>) target_semaphore(%arg47 : memref<!tpu.dma_semaphore, #tpu.memory_space<semaphore_mem>>)
      %slice3A_712 = vector.extract_strided_slice %get3A_579 {offsets = [12], sizes = [1], strides = [1]} : vector<16xi32> to vector<1xi32>
      %squeeze3A_713 = vector.extract %slice3A_712[0] : i32 from vector<1xi32>
      %shift_right_logical3A_714 = arith.constant 7 : i32
      %shift_right_logical3A_715 = arith.shrui %squeeze3A_713, %shift_right_logical3A_714 : i32
      %shift_left3A_716 = arith.constant 7 : i32
      %shift_left3A_717 = arith.shli %shift_right_logical3A_715, %shift_left3A_716 : i32
      %multiple_of3A_718 = tpu.assume_multiple %shift_left3A_717, 128 : i32
      %dma_start3A_719 = arith.constant 0 : i32
      %dma_start3A_720 = tpu.memref_slice %arg4[%dma_start3A_719, %multiple_of3A_718] : memref<16x1000000xf32, #tpu.memory_space<hbm>> -> memref<16x128xf32, #tpu.memory_space<hbm>>
      %dma_start3A_721 = arith.constant 0 : i32
      %dma_start3A_722 = tpu.memref_slice %arg4[%dma_start3A_721, %multiple_of3A_718] : memref<16x1000000xf32, #tpu.memory_space<hbm>> -> memref<16x128xf32, #tpu.memory_space<hbm>>
      tpu.enqueue_dma source(%dma_start3A_722 : memref<16x128xf32, #tpu.memory_space<hbm>>) target(%arg39 : memref<16x128xf32, #tpu.memory_space<vmem>>) target_semaphore(%arg47 : memref<!tpu.dma_semaphore, #tpu.memory_space<semaphore_mem>>)
      %slice3A_723 = vector.extract_strided_slice %get3A_579 {offsets = [13], sizes = [1], strides = [1]} : vector<16xi32> to vector<1xi32>
      %squeeze3A_724 = vector.extract %slice3A_723[0] : i32 from vector<1xi32>
      %shift_right_logical3A_725 = arith.constant 7 : i32
      %shift_right_logical3A_726 = arith.shrui %squeeze3A_724, %shift_right_logical3A_725 : i32
      %shift_left3A_727 = arith.constant 7 : i32
      %shift_left3A_728 = arith.shli %shift_right_logical3A_726, %shift_left3A_727 : i32
      %multiple_of3A_729 = tpu.assume_multiple %shift_left3A_728, 128 : i32
      %dma_start3A_730 = arith.constant 0 : i32
      %dma_start3A_731 = tpu.memref_slice %arg4[%dma_start3A_730, %multiple_of3A_729] : memref<16x1000000xf32, #tpu.memory_space<hbm>> -> memref<16x128xf32, #tpu.memory_space<hbm>>
      %dma_start3A_732 = arith.constant 0 : i32
      %dma_start3A_733 = tpu.memref_slice %arg4[%dma_start3A_732, %multiple_of3A_729] : memref<16x1000000xf32, #tpu.memory_space<hbm>> -> memref<16x128xf32, #tpu.memory_space<hbm>>
      tpu.enqueue_dma source(%dma_start3A_733 : memref<16x128xf32, #tpu.memory_space<hbm>>) target(%arg40 : memref<16x128xf32, #tpu.memory_space<vmem>>) target_semaphore(%arg47 : memref<!tpu.dma_semaphore, #tpu.memory_space<semaphore_mem>>)
      %slice3A_734 = vector.extract_strided_slice %get3A_579 {offsets = [14], sizes = [1], strides = [1]} : vector<16xi32> to vector<1xi32>
      %squeeze3A_735 = vector.extract %slice3A_734[0] : i32 from vector<1xi32>
      %shift_right_logical3A_736 = arith.constant 7 : i32
      %shift_right_logical3A_737 = arith.shrui %squeeze3A_735, %shift_right_logical3A_736 : i32
      %shift_left3A_738 = arith.constant 7 : i32
      %shift_left3A_739 = arith.shli %shift_right_logical3A_737, %shift_left3A_738 : i32
      %multiple_of3A_740 = tpu.assume_multiple %shift_left3A_739, 128 : i32
      %dma_start3A_741 = arith.constant 0 : i32
      %dma_start3A_742 = tpu.memref_slice %arg4[%dma_start3A_741, %multiple_of3A_740] : memref<16x1000000xf32, #tpu.memory_space<hbm>> -> memref<16x128xf32, #tpu.memory_space<hbm>>
      %dma_start3A_743 = arith.constant 0 : i32
      %dma_start3A_744 = tpu.memref_slice %arg4[%dma_start3A_743, %multiple_of3A_740] : memref<16x1000000xf32, #tpu.memory_space<hbm>> -> memref<16x128xf32, #tpu.memory_space<hbm>>
      tpu.enqueue_dma source(%dma_start3A_744 : memref<16x128xf32, #tpu.memory_space<hbm>>) target(%arg41 : memref<16x128xf32, #tpu.memory_space<vmem>>) target_semaphore(%arg47 : memref<!tpu.dma_semaphore, #tpu.memory_space<semaphore_mem>>)
      %slice3A_745 = vector.extract_strided_slice %get3A_579 {offsets = [15], sizes = [1], strides = [1]} : vector<16xi32> to vector<1xi32>
      %squeeze3A_746 = vector.extract %slice3A_745[0] : i32 from vector<1xi32>
      %shift_right_logical3A_747 = arith.constant 7 : i32
      %shift_right_logical3A_748 = arith.shrui %squeeze3A_746, %shift_right_logical3A_747 : i32
      %shift_left3A_749 = arith.constant 7 : i32
      %shift_left3A_750 = arith.shli %shift_right_logical3A_748, %shift_left3A_749 : i32
      %multiple_of3A_751 = tpu.assume_multiple %shift_left3A_750, 128 : i32
      %dma_start3A_752 = arith.constant 0 : i32
      %dma_start3A_753 = tpu.memref_slice %arg4[%dma_start3A_752, %multiple_of3A_751] : memref<16x1000000xf32, #tpu.memory_space<hbm>> -> memref<16x128xf32, #tpu.memory_space<hbm>>
      %dma_start3A_754 = arith.constant 0 : i32
      %dma_start3A_755 = tpu.memref_slice %arg4[%dma_start3A_754, %multiple_of3A_751] : memref<16x1000000xf32, #tpu.memory_space<hbm>> -> memref<16x128xf32, #tpu.memory_space<hbm>>
      tpu.enqueue_dma source(%dma_start3A_755 : memref<16x128xf32, #tpu.memory_space<hbm>>) target(%arg42 : memref<16x128xf32, #tpu.memory_space<vmem>>) target_semaphore(%arg47 : memref<!tpu.dma_semaphore, #tpu.memory_space<semaphore_mem>>)
      %dma_wait3A_756 = arith.constant 0 : i32
      %dma_wait3A_757 = arith.constant 0 : i32
      %dma_wait3A_758 = tpu.memref_slice %arg4[%dma_wait3A_756, %dma_wait3A_757] : memref<16x1000000xf32, #tpu.memory_space<hbm>> -> memref<16x128xf32, #tpu.memory_space<hbm>>
      %dma_wait3A_759 = arith.constant 0 : i32
      %dma_wait3A_760 = arith.constant 0 : i32
      %dma_wait3A_761 = tpu.memref_slice %arg4[%dma_wait3A_759, %dma_wait3A_760] : memref<16x1000000xf32, #tpu.memory_space<hbm>> -> memref<16x128xf32, #tpu.memory_space<hbm>>
      tpu.wait_dma2 semaphore(%arg46 : memref<!tpu.dma_semaphore, #tpu.memory_space<semaphore_mem>>) src(%dma_wait3A_761 : memref<16x128xf32, #tpu.memory_space<hbm>>) dst(%arg11 : memref<16x128xf32, #tpu.memory_space<vmem>>)
      %dma_wait3A_762 = arith.constant 0 : i32
      %dma_wait3A_763 = arith.constant 0 : i32
      %dma_wait3A_764 = tpu.memref_slice %arg4[%dma_wait3A_762, %dma_wait3A_763] : memref<16x1000000xf32, #tpu.memory_space<hbm>> -> memref<16x128xf32, #tpu.memory_space<hbm>>
      %dma_wait3A_765 = arith.constant 0 : i32
      %dma_wait3A_766 = arith.constant 0 : i32
      %dma_wait3A_767 = tpu.memref_slice %arg4[%dma_wait3A_765, %dma_wait3A_766] : memref<16x1000000xf32, #tpu.memory_space<hbm>> -> memref<16x128xf32, #tpu.memory_space<hbm>>
      tpu.wait_dma2 semaphore(%arg46 : memref<!tpu.dma_semaphore, #tpu.memory_space<semaphore_mem>>) src(%dma_wait3A_767 : memref<16x128xf32, #tpu.memory_space<hbm>>) dst(%arg12 : memref<16x128xf32, #tpu.memory_space<vmem>>)
      %dma_wait3A_768 = arith.constant 0 : i32
      %dma_wait3A_769 = arith.constant 0 : i32
      %dma_wait3A_770 = tpu.memref_slice %arg4[%dma_wait3A_768, %dma_wait3A_769] : memref<16x1000000xf32, #tpu.memory_space<hbm>> -> memref<16x128xf32, #tpu.memory_space<hbm>>
      %dma_wait3A_771 = arith.constant 0 : i32
      %dma_wait3A_772 = arith.constant 0 : i32
      %dma_wait3A_773 = tpu.memref_slice %arg4[%dma_wait3A_771, %dma_wait3A_772] : memref<16x1000000xf32, #tpu.memory_space<hbm>> -> memref<16x128xf32, #tpu.memory_space<hbm>>
      tpu.wait_dma2 semaphore(%arg46 : memref<!tpu.dma_semaphore, #tpu.memory_space<semaphore_mem>>) src(%dma_wait3A_773 : memref<16x128xf32, #tpu.memory_space<hbm>>) dst(%arg13 : memref<16x128xf32, #tpu.memory_space<vmem>>)
      %dma_wait3A_774 = arith.constant 0 : i32
      %dma_wait3A_775 = arith.constant 0 : i32
      %dma_wait3A_776 = tpu.memref_slice %arg4[%dma_wait3A_774, %dma_wait3A_775] : memref<16x1000000xf32, #tpu.memory_space<hbm>> -> memref<16x128xf32, #tpu.memory_space<hbm>>
      %dma_wait3A_777 = arith.constant 0 : i32
      %dma_wait3A_778 = arith.constant 0 : i32
      %dma_wait3A_779 = tpu.memref_slice %arg4[%dma_wait3A_777, %dma_wait3A_778] : memref<16x1000000xf32, #tpu.memory_space<hbm>> -> memref<16x128xf32, #tpu.memory_space<hbm>>
      tpu.wait_dma2 semaphore(%arg46 : memref<!tpu.dma_semaphore, #tpu.memory_space<semaphore_mem>>) src(%dma_wait3A_779 : memref<16x128xf32, #tpu.memory_space<hbm>>) dst(%arg14 : memref<16x128xf32, #tpu.memory_space<vmem>>)
      %dma_wait3A_780 = arith.constant 0 : i32
      %dma_wait3A_781 = arith.constant 0 : i32
      %dma_wait3A_782 = tpu.memref_slice %arg4[%dma_wait3A_780, %dma_wait3A_781] : memref<16x1000000xf32, #tpu.memory_space<hbm>> -> memref<16x128xf32, #tpu.memory_space<hbm>>
      %dma_wait3A_783 = arith.constant 0 : i32
      %dma_wait3A_784 = arith.constant 0 : i32
      %dma_wait3A_785 = tpu.memref_slice %arg4[%dma_wait3A_783, %dma_wait3A_784] : memref<16x1000000xf32, #tpu.memory_space<hbm>> -> memref<16x128xf32, #tpu.memory_space<hbm>>
      tpu.wait_dma2 semaphore(%arg46 : memref<!tpu.dma_semaphore, #tpu.memory_space<semaphore_mem>>) src(%dma_wait3A_785 : memref<16x128xf32, #tpu.memory_space<hbm>>) dst(%arg15 : memref<16x128xf32, #tpu.memory_space<vmem>>)
      %dma_wait3A_786 = arith.constant 0 : i32
      %dma_wait3A_787 = arith.constant 0 : i32
      %dma_wait3A_788 = tpu.memref_slice %arg4[%dma_wait3A_786, %dma_wait3A_787] : memref<16x1000000xf32, #tpu.memory_space<hbm>> -> memref<16x128xf32, #tpu.memory_space<hbm>>
      %dma_wait3A_789 = arith.constant 0 : i32
      %dma_wait3A_790 = arith.constant 0 : i32
      %dma_wait3A_791 = tpu.memref_slice %arg4[%dma_wait3A_789, %dma_wait3A_790] : memref<16x1000000xf32, #tpu.memory_space<hbm>> -> memref<16x128xf32, #tpu.memory_space<hbm>>
      tpu.wait_dma2 semaphore(%arg46 : memref<!tpu.dma_semaphore, #tpu.memory_space<semaphore_mem>>) src(%dma_wait3A_791 : memref<16x128xf32, #tpu.memory_space<hbm>>) dst(%arg16 : memref<16x128xf32, #tpu.memory_space<vmem>>)
      %dma_wait3A_792 = arith.constant 0 : i32
      %dma_wait3A_793 = arith.constant 0 : i32
      %dma_wait3A_794 = tpu.memref_slice %arg4[%dma_wait3A_792, %dma_wait3A_793] : memref<16x1000000xf32, #tpu.memory_space<hbm>> -> memref<16x128xf32, #tpu.memory_space<hbm>>
      %dma_wait3A_795 = arith.constant 0 : i32
      %dma_wait3A_796 = arith.constant 0 : i32
      %dma_wait3A_797 = tpu.memref_slice %arg4[%dma_wait3A_795, %dma_wait3A_796] : memref<16x1000000xf32, #tpu.memory_space<hbm>> -> memref<16x128xf32, #tpu.memory_space<hbm>>
      tpu.wait_dma2 semaphore(%arg46 : memref<!tpu.dma_semaphore, #tpu.memory_space<semaphore_mem>>) src(%dma_wait3A_797 : memref<16x128xf32, #tpu.memory_space<hbm>>) dst(%arg17 : memref<16x128xf32, #tpu.memory_space<vmem>>)
      %dma_wait3A_798 = arith.constant 0 : i32
      %dma_wait3A_799 = arith.constant 0 : i32
      %dma_wait3A_800 = tpu.memref_slice %arg4[%dma_wait3A_798, %dma_wait3A_799] : memref<16x1000000xf32, #tpu.memory_space<hbm>> -> memref<16x128xf32, #tpu.memory_space<hbm>>
      %dma_wait3A_801 = arith.constant 0 : i32
      %dma_wait3A_802 = arith.constant 0 : i32
      %dma_wait3A_803 = tpu.memref_slice %arg4[%dma_wait3A_801, %dma_wait3A_802] : memref<16x1000000xf32, #tpu.memory_space<hbm>> -> memref<16x128xf32, #tpu.memory_space<hbm>>
      tpu.wait_dma2 semaphore(%arg46 : memref<!tpu.dma_semaphore, #tpu.memory_space<semaphore_mem>>) src(%dma_wait3A_803 : memref<16x128xf32, #tpu.memory_space<hbm>>) dst(%arg18 : memref<16x128xf32, #tpu.memory_space<vmem>>)
      %dma_wait3A_804 = arith.constant 0 : i32
      %dma_wait3A_805 = arith.constant 0 : i32
      %dma_wait3A_806 = tpu.memref_slice %arg4[%dma_wait3A_804, %dma_wait3A_805] : memref<16x1000000xf32, #tpu.memory_space<hbm>> -> memref<16x128xf32, #tpu.memory_space<hbm>>
      %dma_wait3A_807 = arith.constant 0 : i32
      %dma_wait3A_808 = arith.constant 0 : i32
      %dma_wait3A_809 = tpu.memref_slice %arg4[%dma_wait3A_807, %dma_wait3A_808] : memref<16x1000000xf32, #tpu.memory_space<hbm>> -> memref<16x128xf32, #tpu.memory_space<hbm>>
      tpu.wait_dma2 semaphore(%arg46 : memref<!tpu.dma_semaphore, #tpu.memory_space<semaphore_mem>>) src(%dma_wait3A_809 : memref<16x128xf32, #tpu.memory_space<hbm>>) dst(%arg19 : memref<16x128xf32, #tpu.memory_space<vmem>>)
      %dma_wait3A_810 = arith.constant 0 : i32
      %dma_wait3A_811 = arith.constant 0 : i32
      %dma_wait3A_812 = tpu.memref_slice %arg4[%dma_wait3A_810, %dma_wait3A_811] : memref<16x1000000xf32, #tpu.memory_space<hbm>> -> memref<16x128xf32, #tpu.memory_space<hbm>>
      %dma_wait3A_813 = arith.constant 0 : i32
      %dma_wait3A_814 = arith.constant 0 : i32
      %dma_wait3A_815 = tpu.memref_slice %arg4[%dma_wait3A_813, %dma_wait3A_814] : memref<16x1000000xf32, #tpu.memory_space<hbm>> -> memref<16x128xf32, #tpu.memory_space<hbm>>
      tpu.wait_dma2 semaphore(%arg46 : memref<!tpu.dma_semaphore, #tpu.memory_space<semaphore_mem>>) src(%dma_wait3A_815 : memref<16x128xf32, #tpu.memory_space<hbm>>) dst(%arg20 : memref<16x128xf32, #tpu.memory_space<vmem>>)
      %dma_wait3A_816 = arith.constant 0 : i32
      %dma_wait3A_817 = arith.constant 0 : i32
      %dma_wait3A_818 = tpu.memref_slice %arg4[%dma_wait3A_816, %dma_wait3A_817] : memref<16x1000000xf32, #tpu.memory_space<hbm>> -> memref<16x128xf32, #tpu.memory_space<hbm>>
      %dma_wait3A_819 = arith.constant 0 : i32
      %dma_wait3A_820 = arith.constant 0 : i32
      %dma_wait3A_821 = tpu.memref_slice %arg4[%dma_wait3A_819, %dma_wait3A_820] : memref<16x1000000xf32, #tpu.memory_space<hbm>> -> memref<16x128xf32, #tpu.memory_space<hbm>>
      tpu.wait_dma2 semaphore(%arg46 : memref<!tpu.dma_semaphore, #tpu.memory_space<semaphore_mem>>) src(%dma_wait3A_821 : memref<16x128xf32, #tpu.memory_space<hbm>>) dst(%arg21 : memref<16x128xf32, #tpu.memory_space<vmem>>)
      %dma_wait3A_822 = arith.constant 0 : i32
      %dma_wait3A_823 = arith.constant 0 : i32
      %dma_wait3A_824 = tpu.memref_slice %arg4[%dma_wait3A_822, %dma_wait3A_823] : memref<16x1000000xf32, #tpu.memory_space<hbm>> -> memref<16x128xf32, #tpu.memory_space<hbm>>
      %dma_wait3A_825 = arith.constant 0 : i32
      %dma_wait3A_826 = arith.constant 0 : i32
      %dma_wait3A_827 = tpu.memref_slice %arg4[%dma_wait3A_825, %dma_wait3A_826] : memref<16x1000000xf32, #tpu.memory_space<hbm>> -> memref<16x128xf32, #tpu.memory_space<hbm>>
      tpu.wait_dma2 semaphore(%arg46 : memref<!tpu.dma_semaphore, #tpu.memory_space<semaphore_mem>>) src(%dma_wait3A_827 : memref<16x128xf32, #tpu.memory_space<hbm>>) dst(%arg22 : memref<16x128xf32, #tpu.memory_space<vmem>>)
      %dma_wait3A_828 = arith.constant 0 : i32
      %dma_wait3A_829 = arith.constant 0 : i32
      %dma_wait3A_830 = tpu.memref_slice %arg4[%dma_wait3A_828, %dma_wait3A_829] : memref<16x1000000xf32, #tpu.memory_space<hbm>> -> memref<16x128xf32, #tpu.memory_space<hbm>>
      %dma_wait3A_831 = arith.constant 0 : i32
      %dma_wait3A_832 = arith.constant 0 : i32
      %dma_wait3A_833 = tpu.memref_slice %arg4[%dma_wait3A_831, %dma_wait3A_832] : memref<16x1000000xf32, #tpu.memory_space<hbm>> -> memref<16x128xf32, #tpu.memory_space<hbm>>
      tpu.wait_dma2 semaphore(%arg46 : memref<!tpu.dma_semaphore, #tpu.memory_space<semaphore_mem>>) src(%dma_wait3A_833 : memref<16x128xf32, #tpu.memory_space<hbm>>) dst(%arg23 : memref<16x128xf32, #tpu.memory_space<vmem>>)
      %dma_wait3A_834 = arith.constant 0 : i32
      %dma_wait3A_835 = arith.constant 0 : i32
      %dma_wait3A_836 = tpu.memref_slice %arg4[%dma_wait3A_834, %dma_wait3A_835] : memref<16x1000000xf32, #tpu.memory_space<hbm>> -> memref<16x128xf32, #tpu.memory_space<hbm>>
      %dma_wait3A_837 = arith.constant 0 : i32
      %dma_wait3A_838 = arith.constant 0 : i32
      %dma_wait3A_839 = tpu.memref_slice %arg4[%dma_wait3A_837, %dma_wait3A_838] : memref<16x1000000xf32, #tpu.memory_space<hbm>> -> memref<16x128xf32, #tpu.memory_space<hbm>>
      tpu.wait_dma2 semaphore(%arg46 : memref<!tpu.dma_semaphore, #tpu.memory_space<semaphore_mem>>) src(%dma_wait3A_839 : memref<16x128xf32, #tpu.memory_space<hbm>>) dst(%arg24 : memref<16x128xf32, #tpu.memory_space<vmem>>)
      %dma_wait3A_840 = arith.constant 0 : i32
      %dma_wait3A_841 = arith.constant 0 : i32
      %dma_wait3A_842 = tpu.memref_slice %arg4[%dma_wait3A_840, %dma_wait3A_841] : memref<16x1000000xf32, #tpu.memory_space<hbm>> -> memref<16x128xf32, #tpu.memory_space<hbm>>
      %dma_wait3A_843 = arith.constant 0 : i32
      %dma_wait3A_844 = arith.constant 0 : i32
      %dma_wait3A_845 = tpu.memref_slice %arg4[%dma_wait3A_843, %dma_wait3A_844] : memref<16x1000000xf32, #tpu.memory_space<hbm>> -> memref<16x128xf32, #tpu.memory_space<hbm>>
      tpu.wait_dma2 semaphore(%arg46 : memref<!tpu.dma_semaphore, #tpu.memory_space<semaphore_mem>>) src(%dma_wait3A_845 : memref<16x128xf32, #tpu.memory_space<hbm>>) dst(%arg25 : memref<16x128xf32, #tpu.memory_space<vmem>>)
      %dma_wait3A_846 = arith.constant 0 : i32
      %dma_wait3A_847 = arith.constant 0 : i32
      %dma_wait3A_848 = tpu.memref_slice %arg4[%dma_wait3A_846, %dma_wait3A_847] : memref<16x1000000xf32, #tpu.memory_space<hbm>> -> memref<16x128xf32, #tpu.memory_space<hbm>>
      %dma_wait3A_849 = arith.constant 0 : i32
      %dma_wait3A_850 = arith.constant 0 : i32
      %dma_wait3A_851 = tpu.memref_slice %arg4[%dma_wait3A_849, %dma_wait3A_850] : memref<16x1000000xf32, #tpu.memory_space<hbm>> -> memref<16x128xf32, #tpu.memory_space<hbm>>
      tpu.wait_dma2 semaphore(%arg46 : memref<!tpu.dma_semaphore, #tpu.memory_space<semaphore_mem>>) src(%dma_wait3A_851 : memref<16x128xf32, #tpu.memory_space<hbm>>) dst(%arg26 : memref<16x128xf32, #tpu.memory_space<vmem>>)
      %mul3A_852 = arith.constant 16 : i32
      %mul3A_853 = arith.muli %mul3A_571, %mul3A_852 : i32
      %get3A_854 = arith.index_cast %mul3A_853 : i32 to index
      %get3A_855 = tpu.vector_load %arg9[%get3A_854] {strides = array<i32>} : memref<512xi32, #tpu.memory_space<vmem>>, vector<16xi32>,
      %slice3A_856 = vector.extract_strided_slice %get3A_855 {offsets = [0], sizes = [1], strides = [1]} : vector<16xi32> to vector<1xi32>
      %squeeze3A_857 = vector.extract %slice3A_856[0] : i32 from vector<1xi32>
      %and3A = arith.constant 127 : i32
      %and3A_858 = arith.andi %squeeze3A_857, %and3A : i32
      %broadcast_in_dim3A = vector.broadcast %and3A_858 : i32 to vector<16xi32>
      %gather3A = tpu.vector_load_idx %arg11[%iota3A, %broadcast_in_dim3A] : memref<16x128xf32, #tpu.memory_space<vmem>>[vector<16xi32>, vector<16xi32>], vector<16xf32>,
      %add3A_859 = arith.constant 0 : i32
      %add3A_860 = arith.addi %mul3A_853, %add3A_859 : i32
      %broadcast_in_dim3A_861 = vector.broadcast %add3A_860 : i32 to vector<16xi32>
      tpu.vector_store_idx %arg43[%iota3A, %broadcast_in_dim3A_861], %gather3A : memref<16x512xf32, #tpu.memory_space<vmem>>[vector<16xi32>, vector<16xi32>], vector<16xf32>,
      %slice3A_862 = vector.extract_strided_slice %get3A_855 {offsets = [1], sizes = [1], strides = [1]} : vector<16xi32> to vector<1xi32>
      %squeeze3A_863 = vector.extract %slice3A_862[0] : i32 from vector<1xi32>
      %and3A_864 = arith.constant 127 : i32
      %and3A_865 = arith.andi %squeeze3A_863, %and3A_864 : i32
      %broadcast_in_dim3A_866 = vector.broadcast %and3A_865 : i32 to vector<16xi32>
      %gather3A_867 = tpu.vector_load_idx %arg12[%iota3A, %broadcast_in_dim3A_866] : memref<16x128xf32, #tpu.memory_space<vmem>>[vector<16xi32>, vector<16xi32>], vector<16xf32>,
      %add3A_868 = arith.constant 1 : i32
      %add3A_869 = arith.addi %mul3A_853, %add3A_868 : i32
      %broadcast_in_dim3A_870 = vector.broadcast %add3A_869 : i32 to vector<16xi32>
      tpu.vector_store_idx %arg43[%iota3A, %broadcast_in_dim3A_870], %gather3A_867 : memref<16x512xf32, #tpu.memory_space<vmem>>[vector<16xi32>, vector<16xi32>], vector<16xf32>,
      %slice3A_871 = vector.extract_strided_slice %get3A_855 {offsets = [2], sizes = [1], strides = [1]} : vector<16xi32> to vector<1xi32>
      %squeeze3A_872 = vector.extract %slice3A_871[0] : i32 from vector<1xi32>
      %and3A_873 = arith.constant 127 : i32
      %and3A_874 = arith.andi %squeeze3A_872, %and3A_873 : i32
      %broadcast_in_dim3A_875 = vector.broadcast %and3A_874 : i32 to vector<16xi32>
      %gather3A_876 = tpu.vector_load_idx %arg13[%iota3A, %broadcast_in_dim3A_875] : memref<16x128xf32, #tpu.memory_space<vmem>>[vector<16xi32>, vector<16xi32>], vector<16xf32>,
      %add3A_877 = arith.constant 2 : i32
      %add3A_878 = arith.addi %mul3A_853, %add3A_877 : i32
      %broadcast_in_dim3A_879 = vector.broadcast %add3A_878 : i32 to vector<16xi32>
      tpu.vector_store_idx %arg43[%iota3A, %broadcast_in_dim3A_879], %gather3A_876 : memref<16x512xf32, #tpu.memory_space<vmem>>[vector<16xi32>, vector<16xi32>], vector<16xf32>,
      %slice3A_880 = vector.extract_strided_slice %get3A_855 {offsets = [3], sizes = [1], strides = [1]} : vector<16xi32> to vector<1xi32>
      %squeeze3A_881 = vector.extract %slice3A_880[0] : i32 from vector<1xi32>
      %and3A_882 = arith.constant 127 : i32
      %and3A_883 = arith.andi %squeeze3A_881, %and3A_882 : i32
      %broadcast_in_dim3A_884 = vector.broadcast %and3A_883 : i32 to vector<16xi32>
      %gather3A_885 = tpu.vector_load_idx %arg14[%iota3A, %broadcast_in_dim3A_884] : memref<16x128xf32, #tpu.memory_space<vmem>>[vector<16xi32>, vector<16xi32>], vector<16xf32>,
      %add3A_886 = arith.constant 3 : i32
      %add3A_887 = arith.addi %mul3A_853, %add3A_886 : i32
      %broadcast_in_dim3A_888 = vector.broadcast %add3A_887 : i32 to vector<16xi32>
      tpu.vector_store_idx %arg43[%iota3A, %broadcast_in_dim3A_888], %gather3A_885 : memref<16x512xf32, #tpu.memory_space<vmem>>[vector<16xi32>, vector<16xi32>], vector<16xf32>,
      %slice3A_889 = vector.extract_strided_slice %get3A_855 {offsets = [4], sizes = [1], strides = [1]} : vector<16xi32> to vector<1xi32>
      %squeeze3A_890 = vector.extract %slice3A_889[0] : i32 from vector<1xi32>
      %and3A_891 = arith.constant 127 : i32
      %and3A_892 = arith.andi %squeeze3A_890, %and3A_891 : i32
      %broadcast_in_dim3A_893 = vector.broadcast %and3A_892 : i32 to vector<16xi32>
      %gather3A_894 = tpu.vector_load_idx %arg15[%iota3A, %broadcast_in_dim3A_893] : memref<16x128xf32, #tpu.memory_space<vmem>>[vector<16xi32>, vector<16xi32>], vector<16xf32>,
      %add3A_895 = arith.constant 4 : i32
      %add3A_896 = arith.addi %mul3A_853, %add3A_895 : i32
      %broadcast_in_dim3A_897 = vector.broadcast %add3A_896 : i32 to vector<16xi32>
      tpu.vector_store_idx %arg43[%iota3A, %broadcast_in_dim3A_897], %gather3A_894 : memref<16x512xf32, #tpu.memory_space<vmem>>[vector<16xi32>, vector<16xi32>], vector<16xf32>,
      %slice3A_898 = vector.extract_strided_slice %get3A_855 {offsets = [5], sizes = [1], strides = [1]} : vector<16xi32> to vector<1xi32>
      %squeeze3A_899 = vector.extract %slice3A_898[0] : i32 from vector<1xi32>
      %and3A_900 = arith.constant 127 : i32
      %and3A_901 = arith.andi %squeeze3A_899, %and3A_900 : i32
      %broadcast_in_dim3A_902 = vector.broadcast %and3A_901 : i32 to vector<16xi32>
      %gather3A_903 = tpu.vector_load_idx %arg16[%iota3A, %broadcast_in_dim3A_902] : memref<16x128xf32, #tpu.memory_space<vmem>>[vector<16xi32>, vector<16xi32>], vector<16xf32>,
      %add3A_904 = arith.constant 5 : i32
      %add3A_905 = arith.addi %mul3A_853, %add3A_904 : i32
      %broadcast_in_dim3A_906 = vector.broadcast %add3A_905 : i32 to vector<16xi32>
      tpu.vector_store_idx %arg43[%iota3A, %broadcast_in_dim3A_906], %gather3A_903 : memref<16x512xf32, #tpu.memory_space<vmem>>[vector<16xi32>, vector<16xi32>], vector<16xf32>,
      %slice3A_907 = vector.extract_strided_slice %get3A_855 {offsets = [6], sizes = [1], strides = [1]} : vector<16xi32> to vector<1xi32>
      %squeeze3A_908 = vector.extract %slice3A_907[0] : i32 from vector<1xi32>
      %and3A_909 = arith.constant 127 : i32
      %and3A_910 = arith.andi %squeeze3A_908, %and3A_909 : i32
      %broadcast_in_dim3A_911 = vector.broadcast %and3A_910 : i32 to vector<16xi32>
      %gather3A_912 = tpu.vector_load_idx %arg17[%iota3A, %broadcast_in_dim3A_911] : memref<16x128xf32, #tpu.memory_space<vmem>>[vector<16xi32>, vector<16xi32>], vector<16xf32>,
      %add3A_913 = arith.constant 6 : i32
      %add3A_914 = arith.addi %mul3A_853, %add3A_913 : i32
      %broadcast_in_dim3A_915 = vector.broadcast %add3A_914 : i32 to vector<16xi32>
      tpu.vector_store_idx %arg43[%iota3A, %broadcast_in_dim3A_915], %gather3A_912 : memref<16x512xf32, #tpu.memory_space<vmem>>[vector<16xi32>, vector<16xi32>], vector<16xf32>,
      %slice3A_916 = vector.extract_strided_slice %get3A_855 {offsets = [7], sizes = [1], strides = [1]} : vector<16xi32> to vector<1xi32>
      %squeeze3A_917 = vector.extract %slice3A_916[0] : i32 from vector<1xi32>
      %and3A_918 = arith.constant 127 : i32
      %and3A_919 = arith.andi %squeeze3A_917, %and3A_918 : i32
      %broadcast_in_dim3A_920 = vector.broadcast %and3A_919 : i32 to vector<16xi32>
      %gather3A_921 = tpu.vector_load_idx %arg18[%iota3A, %broadcast_in_dim3A_920] : memref<16x128xf32, #tpu.memory_space<vmem>>[vector<16xi32>, vector<16xi32>], vector<16xf32>,
      %add3A_922 = arith.constant 7 : i32
      %add3A_923 = arith.addi %mul3A_853, %add3A_922 : i32
      %broadcast_in_dim3A_924 = vector.broadcast %add3A_923 : i32 to vector<16xi32>
      tpu.vector_store_idx %arg43[%iota3A, %broadcast_in_dim3A_924], %gather3A_921 : memref<16x512xf32, #tpu.memory_space<vmem>>[vector<16xi32>, vector<16xi32>], vector<16xf32>,
      %slice3A_925 = vector.extract_strided_slice %get3A_855 {offsets = [8], sizes = [1], strides = [1]} : vector<16xi32> to vector<1xi32>
      %squeeze3A_926 = vector.extract %slice3A_925[0] : i32 from vector<1xi32>
      %and3A_927 = arith.constant 127 : i32
      %and3A_928 = arith.andi %squeeze3A_926, %and3A_927 : i32
      %broadcast_in_dim3A_929 = vector.broadcast %and3A_928 : i32 to vector<16xi32>
      %gather3A_930 = tpu.vector_load_idx %arg19[%iota3A, %broadcast_in_dim3A_929] : memref<16x128xf32, #tpu.memory_space<vmem>>[vector<16xi32>, vector<16xi32>], vector<16xf32>,
      %add3A_931 = arith.constant 8 : i32
      %add3A_932 = arith.addi %mul3A_853, %add3A_931 : i32
      %broadcast_in_dim3A_933 = vector.broadcast %add3A_932 : i32 to vector<16xi32>
      tpu.vector_store_idx %arg43[%iota3A, %broadcast_in_dim3A_933], %gather3A_930 : memref<16x512xf32, #tpu.memory_space<vmem>>[vector<16xi32>, vector<16xi32>], vector<16xf32>,
      %slice3A_934 = vector.extract_strided_slice %get3A_855 {offsets = [9], sizes = [1], strides = [1]} : vector<16xi32> to vector<1xi32>
      %squeeze3A_935 = vector.extract %slice3A_934[0] : i32 from vector<1xi32>
      %and3A_936 = arith.constant 127 : i32
      %and3A_937 = arith.andi %squeeze3A_935, %and3A_936 : i32
      %broadcast_in_dim3A_938 = vector.broadcast %and3A_937 : i32 to vector<16xi32>
      %gather3A_939 = tpu.vector_load_idx %arg20[%iota3A, %broadcast_in_dim3A_938] : memref<16x128xf32, #tpu.memory_space<vmem>>[vector<16xi32>, vector<16xi32>], vector<16xf32>,
      %add3A_940 = arith.constant 9 : i32
      %add3A_941 = arith.addi %mul3A_853, %add3A_940 : i32
      %broadcast_in_dim3A_942 = vector.broadcast %add3A_941 : i32 to vector<16xi32>
      tpu.vector_store_idx %arg43[%iota3A, %broadcast_in_dim3A_942], %gather3A_939 : memref<16x512xf32, #tpu.memory_space<vmem>>[vector<16xi32>, vector<16xi32>], vector<16xf32>,
      %slice3A_943 = vector.extract_strided_slice %get3A_855 {offsets = [10], sizes = [1], strides = [1]} : vector<16xi32> to vector<1xi32>
      %squeeze3A_944 = vector.extract %slice3A_943[0] : i32 from vector<1xi32>
      %and3A_945 = arith.constant 127 : i32
      %and3A_946 = arith.andi %squeeze3A_944, %and3A_945 : i32
      %broadcast_in_dim3A_947 = vector.broadcast %and3A_946 : i32 to vector<16xi32>
      %gather3A_948 = tpu.vector_load_idx %arg21[%iota3A, %broadcast_in_dim3A_947] : memref<16x128xf32, #tpu.memory_space<vmem>>[vector<16xi32>, vector<16xi32>], vector<16xf32>,
      %add3A_949 = arith.constant 10 : i32
      %add3A_950 = arith.addi %mul3A_853, %add3A_949 : i32
      %broadcast_in_dim3A_951 = vector.broadcast %add3A_950 : i32 to vector<16xi32>
      tpu.vector_store_idx %arg43[%iota3A, %broadcast_in_dim3A_951], %gather3A_948 : memref<16x512xf32, #tpu.memory_space<vmem>>[vector<16xi32>, vector<16xi32>], vector<16xf32>,
      %slice3A_952 = vector.extract_strided_slice %get3A_855 {offsets = [11], sizes = [1], strides = [1]} : vector<16xi32> to vector<1xi32>
      %squeeze3A_953 = vector.extract %slice3A_952[0] : i32 from vector<1xi32>
      %and3A_954 = arith.constant 127 : i32
      %and3A_955 = arith.andi %squeeze3A_953, %and3A_954 : i32
      %broadcast_in_dim3A_956 = vector.broadcast %and3A_955 : i32 to vector<16xi32>
      %gather3A_957 = tpu.vector_load_idx %arg22[%iota3A, %broadcast_in_dim3A_956] : memref<16x128xf32, #tpu.memory_space<vmem>>[vector<16xi32>, vector<16xi32>], vector<16xf32>,
      %add3A_958 = arith.constant 11 : i32
      %add3A_959 = arith.addi %mul3A_853, %add3A_958 : i32
      %broadcast_in_dim3A_960 = vector.broadcast %add3A_959 : i32 to vector<16xi32>
      tpu.vector_store_idx %arg43[%iota3A, %broadcast_in_dim3A_960], %gather3A_957 : memref<16x512xf32, #tpu.memory_space<vmem>>[vector<16xi32>, vector<16xi32>], vector<16xf32>,
      %slice3A_961 = vector.extract_strided_slice %get3A_855 {offsets = [12], sizes = [1], strides = [1]} : vector<16xi32> to vector<1xi32>
      %squeeze3A_962 = vector.extract %slice3A_961[0] : i32 from vector<1xi32>
      %and3A_963 = arith.constant 127 : i32
      %and3A_964 = arith.andi %squeeze3A_962, %and3A_963 : i32
      %broadcast_in_dim3A_965 = vector.broadcast %and3A_964 : i32 to vector<16xi32>
      %gather3A_966 = tpu.vector_load_idx %arg23[%iota3A, %broadcast_in_dim3A_965] : memref<16x128xf32, #tpu.memory_space<vmem>>[vector<16xi32>, vector<16xi32>], vector<16xf32>,
      %add3A_967 = arith.constant 12 : i32
      %add3A_968 = arith.addi %mul3A_853, %add3A_967 : i32
      %broadcast_in_dim3A_969 = vector.broadcast %add3A_968 : i32 to vector<16xi32>
      tpu.vector_store_idx %arg43[%iota3A, %broadcast_in_dim3A_969], %gather3A_966 : memref<16x512xf32, #tpu.memory_space<vmem>>[vector<16xi32>, vector<16xi32>], vector<16xf32>,
      %slice3A_970 = vector.extract_strided_slice %get3A_855 {offsets = [13], sizes = [1], strides = [1]} : vector<16xi32> to vector<1xi32>
      %squeeze3A_971 = vector.extract %slice3A_970[0] : i32 from vector<1xi32>
      %and3A_972 = arith.constant 127 : i32
      %and3A_973 = arith.andi %squeeze3A_971, %and3A_972 : i32
      %broadcast_in_dim3A_974 = vector.broadcast %and3A_973 : i32 to vector<16xi32>
      %gather3A_975 = tpu.vector_load_idx %arg24[%iota3A, %broadcast_in_dim3A_974] : memref<16x128xf32, #tpu.memory_space<vmem>>[vector<16xi32>, vector<16xi32>], vector<16xf32>,
      %add3A_976 = arith.constant 13 : i32
      %add3A_977 = arith.addi %mul3A_853, %add3A_976 : i32
      %broadcast_in_dim3A_978 = vector.broadcast %add3A_977 : i32 to vector<16xi32>
      tpu.vector_store_idx %arg43[%iota3A, %broadcast_in_dim3A_978], %gather3A_975 : memref<16x512xf32, #tpu.memory_space<vmem>>[vector<16xi32>, vector<16xi32>], vector<16xf32>,
      %slice3A_979 = vector.extract_strided_slice %get3A_855 {offsets = [14], sizes = [1], strides = [1]} : vector<16xi32> to vector<1xi32>
      %squeeze3A_980 = vector.extract %slice3A_979[0] : i32 from vector<1xi32>
      %and3A_981 = arith.constant 127 : i32
      %and3A_982 = arith.andi %squeeze3A_980, %and3A_981 : i32
      %broadcast_in_dim3A_983 = vector.broadcast %and3A_982 : i32 to vector<16xi32>
      %gather3A_984 = tpu.vector_load_idx %arg25[%iota3A, %broadcast_in_dim3A_983] : memref<16x128xf32, #tpu.memory_space<vmem>>[vector<16xi32>, vector<16xi32>], vector<16xf32>,
      %add3A_985 = arith.constant 14 : i32
      %add3A_986 = arith.addi %mul3A_853, %add3A_985 : i32
      %broadcast_in_dim3A_987 = vector.broadcast %add3A_986 : i32 to vector<16xi32>
      tpu.vector_store_idx %arg43[%iota3A, %broadcast_in_dim3A_987], %gather3A_984 : memref<16x512xf32, #tpu.memory_space<vmem>>[vector<16xi32>, vector<16xi32>], vector<16xf32>,
      %slice3A_988 = vector.extract_strided_slice %get3A_855 {offsets = [15], sizes = [1], strides = [1]} : vector<16xi32> to vector<1xi32>
      %squeeze3A_989 = vector.extract %slice3A_988[0] : i32 from vector<1xi32>
      %and3A_990 = arith.constant 127 : i32
      %and3A_991 = arith.andi %squeeze3A_989, %and3A_990 : i32
      %broadcast_in_dim3A_992 = vector.broadcast %and3A_991 : i32 to vector<16xi32>
      %gather3A_993 = tpu.vector_load_idx %arg26[%iota3A, %broadcast_in_dim3A_992] : memref<16x128xf32, #tpu.memory_space<vmem>>[vector<16xi32>, vector<16xi32>], vector<16xf32>,
      %add3A_994 = arith.constant 15 : i32
      %add3A_995 = arith.addi %mul3A_853, %add3A_994 : i32
      %broadcast_in_dim3A_996 = vector.broadcast %add3A_995 : i32 to vector<16xi32>
      tpu.vector_store_idx %arg43[%iota3A, %broadcast_in_dim3A_996], %gather3A_993 : memref<16x512xf32, #tpu.memory_space<vmem>>[vector<16xi32>, vector<16xi32>], vector<16xf32>,
      %add3A_997 = arith.constant 2 : i32
      %add3A_998 = arith.addi %mul3A_571, %add3A_997 : i32
      %min3A_999 = arith.constant 31 : i32
      %min3A_1000 = arith.minsi %add3A_998, %min3A_999 : i32
      %mul3A_1001 = arith.constant 16 : i32
      %mul3A_1002 = arith.muli %min3A_1000, %mul3A_1001 : i32
      %get3A_1003 = arith.index_cast %mul3A_1002 : i32 to index
      %get3A_1004 = tpu.vector_load %arg9[%get3A_1003] {strides = array<i32>} : memref<512xi32, #tpu.memory_space<vmem>>, vector<16xi32>,
      %slice3A_1005 = vector.extract_strided_slice %get3A_1004 {offsets = [0], sizes = [1], strides = [1]} : vector<16xi32> to vector<1xi32>
      %squeeze3A_1006 = vector.extract %slice3A_1005[0] : i32 from vector<1xi32>
      %shift_right_logical3A_1007 = arith.constant 7 : i32
      %shift_right_logical3A_1008 = arith.shrui %squeeze3A_1006, %shift_right_logical3A_1007 : i32
      %shift_left3A_1009 = arith.constant 7 : i32
      %shift_left3A_1010 = arith.shli %shift_right_logical3A_1008, %shift_left3A_1009 : i32
      %multiple_of3A_1011 = tpu.assume_multiple %shift_left3A_1010, 128 : i32
      %dma_start3A_1012 = arith.constant 0 : i32
      %dma_start3A_1013 = tpu.memref_slice %arg4[%dma_start3A_1012, %multiple_of3A_1011] : memref<16x1000000xf32, #tpu.memory_space<hbm>> -> memref<16x128xf32, #tpu.memory_space<hbm>>
      %dma_start3A_1014 = arith.constant 0 : i32
      %dma_start3A_1015 = tpu.memref_slice %arg4[%dma_start3A_1014, %multiple_of3A_1011] : memref<16x1000000xf32, #tpu.memory_space<hbm>> -> memref<16x128xf32, #tpu.memory_space<hbm>>
      tpu.enqueue_dma source(%dma_start3A_1015 : memref<16x128xf32, #tpu.memory_space<hbm>>) target(%arg11 : memref<16x128xf32, #tpu.memory_space<vmem>>) target_semaphore(%arg46 : memref<!tpu.dma_semaphore, #tpu.memory_space<semaphore_mem>>)
      %slice3A_1016 = vector.extract_strided_slice %get3A_1004 {offsets = [1], sizes = [1], strides = [1]} : vector<16xi32> to vector<1xi32>
      %squeeze3A_1017 = vector.extract %slice3A_1016[0] : i32 from vector<1xi32>
      %shift_right_logical3A_1018 = arith.constant 7 : i32
      %shift_right_logical3A_1019 = arith.shrui %squeeze3A_1017, %shift_right_logical3A_1018 : i32
      %shift_left3A_1020 = arith.constant 7 : i32
      %shift_left3A_1021 = arith.shli %shift_right_logical3A_1019, %shift_left3A_1020 : i32
      %multiple_of3A_1022 = tpu.assume_multiple %shift_left3A_1021, 128 : i32
      %dma_start3A_1023 = arith.constant 0 : i32
      %dma_start3A_1024 = tpu.memref_slice %arg4[%dma_start3A_1023, %multiple_of3A_1022] : memref<16x1000000xf32, #tpu.memory_space<hbm>> -> memref<16x128xf32, #tpu.memory_space<hbm>>
      %dma_start3A_1025 = arith.constant 0 : i32
      %dma_start3A_1026 = tpu.memref_slice %arg4[%dma_start3A_1025, %multiple_of3A_1022] : memref<16x1000000xf32, #tpu.memory_space<hbm>> -> memref<16x128xf32, #tpu.memory_space<hbm>>
      tpu.enqueue_dma source(%dma_start3A_1026 : memref<16x128xf32, #tpu.memory_space<hbm>>) target(%arg12 : memref<16x128xf32, #tpu.memory_space<vmem>>) target_semaphore(%arg46 : memref<!tpu.dma_semaphore, #tpu.memory_space<semaphore_mem>>)
      %slice3A_1027 = vector.extract_strided_slice %get3A_1004 {offsets = [2], sizes = [1], strides = [1]} : vector<16xi32> to vector<1xi32>
      %squeeze3A_1028 = vector.extract %slice3A_1027[0] : i32 from vector<1xi32>
      %shift_right_logical3A_1029 = arith.constant 7 : i32
      %shift_right_logical3A_1030 = arith.shrui %squeeze3A_1028, %shift_right_logical3A_1029 : i32
      %shift_left3A_1031 = arith.constant 7 : i32
      %shift_left3A_1032 = arith.shli %shift_right_logical3A_1030, %shift_left3A_1031 : i32
      %multiple_of3A_1033 = tpu.assume_multiple %shift_left3A_1032, 128 : i32
      %dma_start3A_1034 = arith.constant 0 : i32
      %dma_start3A_1035 = tpu.memref_slice %arg4[%dma_start3A_1034, %multiple_of3A_1033] : memref<16x1000000xf32, #tpu.memory_space<hbm>> -> memref<16x128xf32, #tpu.memory_space<hbm>>
      %dma_start3A_1036 = arith.constant 0 : i32
      %dma_start3A_1037 = tpu.memref_slice %arg4[%dma_start3A_1036, %multiple_of3A_1033] : memref<16x1000000xf32, #tpu.memory_space<hbm>> -> memref<16x128xf32, #tpu.memory_space<hbm>>
      tpu.enqueue_dma source(%dma_start3A_1037 : memref<16x128xf32, #tpu.memory_space<hbm>>) target(%arg13 : memref<16x128xf32, #tpu.memory_space<vmem>>) target_semaphore(%arg46 : memref<!tpu.dma_semaphore, #tpu.memory_space<semaphore_mem>>)
      %slice3A_1038 = vector.extract_strided_slice %get3A_1004 {offsets = [3], sizes = [1], strides = [1]} : vector<16xi32> to vector<1xi32>
      %squeeze3A_1039 = vector.extract %slice3A_1038[0] : i32 from vector<1xi32>
      %shift_right_logical3A_1040 = arith.constant 7 : i32
      %shift_right_logical3A_1041 = arith.shrui %squeeze3A_1039, %shift_right_logical3A_1040 : i32
      %shift_left3A_1042 = arith.constant 7 : i32
      %shift_left3A_1043 = arith.shli %shift_right_logical3A_1041, %shift_left3A_1042 : i32
      %multiple_of3A_1044 = tpu.assume_multiple %shift_left3A_1043, 128 : i32
      %dma_start3A_1045 = arith.constant 0 : i32
      %dma_start3A_1046 = tpu.memref_slice %arg4[%dma_start3A_1045, %multiple_of3A_1044] : memref<16x1000000xf32, #tpu.memory_space<hbm>> -> memref<16x128xf32, #tpu.memory_space<hbm>>
      %dma_start3A_1047 = arith.constant 0 : i32
      %dma_start3A_1048 = tpu.memref_slice %arg4[%dma_start3A_1047, %multiple_of3A_1044] : memref<16x1000000xf32, #tpu.memory_space<hbm>> -> memref<16x128xf32, #tpu.memory_space<hbm>>
      tpu.enqueue_dma source(%dma_start3A_1048 : memref<16x128xf32, #tpu.memory_space<hbm>>) target(%arg14 : memref<16x128xf32, #tpu.memory_space<vmem>>) target_semaphore(%arg46 : memref<!tpu.dma_semaphore, #tpu.memory_space<semaphore_mem>>)
      %slice3A_1049 = vector.extract_strided_slice %get3A_1004 {offsets = [4], sizes = [1], strides = [1]} : vector<16xi32> to vector<1xi32>
      %squeeze3A_1050 = vector.extract %slice3A_1049[0] : i32 from vector<1xi32>
      %shift_right_logical3A_1051 = arith.constant 7 : i32
      %shift_right_logical3A_1052 = arith.shrui %squeeze3A_1050, %shift_right_logical3A_1051 : i32
      %shift_left3A_1053 = arith.constant 7 : i32
      %shift_left3A_1054 = arith.shli %shift_right_logical3A_1052, %shift_left3A_1053 : i32
      %multiple_of3A_1055 = tpu.assume_multiple %shift_left3A_1054, 128 : i32
      %dma_start3A_1056 = arith.constant 0 : i32
      %dma_start3A_1057 = tpu.memref_slice %arg4[%dma_start3A_1056, %multiple_of3A_1055] : memref<16x1000000xf32, #tpu.memory_space<hbm>> -> memref<16x128xf32, #tpu.memory_space<hbm>>
      %dma_start3A_1058 = arith.constant 0 : i32
      %dma_start3A_1059 = tpu.memref_slice %arg4[%dma_start3A_1058, %multiple_of3A_1055] : memref<16x1000000xf32, #tpu.memory_space<hbm>> -> memref<16x128xf32, #tpu.memory_space<hbm>>
      tpu.enqueue_dma source(%dma_start3A_1059 : memref<16x128xf32, #tpu.memory_space<hbm>>) target(%arg15 : memref<16x128xf32, #tpu.memory_space<vmem>>) target_semaphore(%arg46 : memref<!tpu.dma_semaphore, #tpu.memory_space<semaphore_mem>>)
      %slice3A_1060 = vector.extract_strided_slice %get3A_1004 {offsets = [5], sizes = [1], strides = [1]} : vector<16xi32> to vector<1xi32>
      %squeeze3A_1061 = vector.extract %slice3A_1060[0] : i32 from vector<1xi32>
      %shift_right_logical3A_1062 = arith.constant 7 : i32
      %shift_right_logical3A_1063 = arith.shrui %squeeze3A_1061, %shift_right_logical3A_1062 : i32
      %shift_left3A_1064 = arith.constant 7 : i32
      %shift_left3A_1065 = arith.shli %shift_right_logical3A_1063, %shift_left3A_1064 : i32
      %multiple_of3A_1066 = tpu.assume_multiple %shift_left3A_1065, 128 : i32
      %dma_start3A_1067 = arith.constant 0 : i32
      %dma_start3A_1068 = tpu.memref_slice %arg4[%dma_start3A_1067, %multiple_of3A_1066] : memref<16x1000000xf32, #tpu.memory_space<hbm>> -> memref<16x128xf32, #tpu.memory_space<hbm>>
      %dma_start3A_1069 = arith.constant 0 : i32
      %dma_start3A_1070 = tpu.memref_slice %arg4[%dma_start3A_1069, %multiple_of3A_1066] : memref<16x1000000xf32, #tpu.memory_space<hbm>> -> memref<16x128xf32, #tpu.memory_space<hbm>>
      tpu.enqueue_dma source(%dma_start3A_1070 : memref<16x128xf32, #tpu.memory_space<hbm>>) target(%arg16 : memref<16x128xf32, #tpu.memory_space<vmem>>) target_semaphore(%arg46 : memref<!tpu.dma_semaphore, #tpu.memory_space<semaphore_mem>>)
      %slice3A_1071 = vector.extract_strided_slice %get3A_1004 {offsets = [6], sizes = [1], strides = [1]} : vector<16xi32> to vector<1xi32>
      %squeeze3A_1072 = vector.extract %slice3A_1071[0] : i32 from vector<1xi32>
      %shift_right_logical3A_1073 = arith.constant 7 : i32
      %shift_right_logical3A_1074 = arith.shrui %squeeze3A_1072, %shift_right_logical3A_1073 : i32
      %shift_left3A_1075 = arith.constant 7 : i32
      %shift_left3A_1076 = arith.shli %shift_right_logical3A_1074, %shift_left3A_1075 : i32
      %multiple_of3A_1077 = tpu.assume_multiple %shift_left3A_1076, 128 : i32
      %dma_start3A_1078 = arith.constant 0 : i32
      %dma_start3A_1079 = tpu.memref_slice %arg4[%dma_start3A_1078, %multiple_of3A_1077] : memref<16x1000000xf32, #tpu.memory_space<hbm>> -> memref<16x128xf32, #tpu.memory_space<hbm>>
      %dma_start3A_1080 = arith.constant 0 : i32
      %dma_start3A_1081 = tpu.memref_slice %arg4[%dma_start3A_1080, %multiple_of3A_1077] : memref<16x1000000xf32, #tpu.memory_space<hbm>> -> memref<16x128xf32, #tpu.memory_space<hbm>>
      tpu.enqueue_dma source(%dma_start3A_1081 : memref<16x128xf32, #tpu.memory_space<hbm>>) target(%arg17 : memref<16x128xf32, #tpu.memory_space<vmem>>) target_semaphore(%arg46 : memref<!tpu.dma_semaphore, #tpu.memory_space<semaphore_mem>>)
      %slice3A_1082 = vector.extract_strided_slice %get3A_1004 {offsets = [7], sizes = [1], strides = [1]} : vector<16xi32> to vector<1xi32>
      %squeeze3A_1083 = vector.extract %slice3A_1082[0] : i32 from vector<1xi32>
      %shift_right_logical3A_1084 = arith.constant 7 : i32
      %shift_right_logical3A_1085 = arith.shrui %squeeze3A_1083, %shift_right_logical3A_1084 : i32
      %shift_left3A_1086 = arith.constant 7 : i32
      %shift_left3A_1087 = arith.shli %shift_right_logical3A_1085, %shift_left3A_1086 : i32
      %multiple_of3A_1088 = tpu.assume_multiple %shift_left3A_1087, 128 : i32
      %dma_start3A_1089 = arith.constant 0 : i32
      %dma_start3A_1090 = tpu.memref_slice %arg4[%dma_start3A_1089, %multiple_of3A_1088] : memref<16x1000000xf32, #tpu.memory_space<hbm>> -> memref<16x128xf32, #tpu.memory_space<hbm>>
      %dma_start3A_1091 = arith.constant 0 : i32
      %dma_start3A_1092 = tpu.memref_slice %arg4[%dma_start3A_1091, %multiple_of3A_1088] : memref<16x1000000xf32, #tpu.memory_space<hbm>> -> memref<16x128xf32, #tpu.memory_space<hbm>>
      tpu.enqueue_dma source(%dma_start3A_1092 : memref<16x128xf32, #tpu.memory_space<hbm>>) target(%arg18 : memref<16x128xf32, #tpu.memory_space<vmem>>) target_semaphore(%arg46 : memref<!tpu.dma_semaphore, #tpu.memory_space<semaphore_mem>>)
      %slice3A_1093 = vector.extract_strided_slice %get3A_1004 {offsets = [8], sizes = [1], strides = [1]} : vector<16xi32> to vector<1xi32>
      %squeeze3A_1094 = vector.extract %slice3A_1093[0] : i32 from vector<1xi32>
      %shift_right_logical3A_1095 = arith.constant 7 : i32
      %shift_right_logical3A_1096 = arith.shrui %squeeze3A_1094, %shift_right_logical3A_1095 : i32
      %shift_left3A_1097 = arith.constant 7 : i32
      %shift_left3A_1098 = arith.shli %shift_right_logical3A_1096, %shift_left3A_1097 : i32
      %multiple_of3A_1099 = tpu.assume_multiple %shift_left3A_1098, 128 : i32
      %dma_start3A_1100 = arith.constant 0 : i32
      %dma_start3A_1101 = tpu.memref_slice %arg4[%dma_start3A_1100, %multiple_of3A_1099] : memref<16x1000000xf32, #tpu.memory_space<hbm>> -> memref<16x128xf32, #tpu.memory_space<hbm>>
      %dma_start3A_1102 = arith.constant 0 : i32
      %dma_start3A_1103 = tpu.memref_slice %arg4[%dma_start3A_1102, %multiple_of3A_1099] : memref<16x1000000xf32, #tpu.memory_space<hbm>> -> memref<16x128xf32, #tpu.memory_space<hbm>>
      tpu.enqueue_dma source(%dma_start3A_1103 : memref<16x128xf32, #tpu.memory_space<hbm>>) target(%arg19 : memref<16x128xf32, #tpu.memory_space<vmem>>) target_semaphore(%arg46 : memref<!tpu.dma_semaphore, #tpu.memory_space<semaphore_mem>>)
      %slice3A_1104 = vector.extract_strided_slice %get3A_1004 {offsets = [9], sizes = [1], strides = [1]} : vector<16xi32> to vector<1xi32>
      %squeeze3A_1105 = vector.extract %slice3A_1104[0] : i32 from vector<1xi32>
      %shift_right_logical3A_1106 = arith.constant 7 : i32
      %shift_right_logical3A_1107 = arith.shrui %squeeze3A_1105, %shift_right_logical3A_1106 : i32
      %shift_left3A_1108 = arith.constant 7 : i32
      %shift_left3A_1109 = arith.shli %shift_right_logical3A_1107, %shift_left3A_1108 : i32
      %multiple_of3A_1110 = tpu.assume_multiple %shift_left3A_1109, 128 : i32
      %dma_start3A_1111 = arith.constant 0 : i32
      %dma_start3A_1112 = tpu.memref_slice %arg4[%dma_start3A_1111, %multiple_of3A_1110] : memref<16x1000000xf32, #tpu.memory_space<hbm>> -> memref<16x128xf32, #tpu.memory_space<hbm>>
      %dma_start3A_1113 = arith.constant 0 : i32
      %dma_start3A_1114 = tpu.memref_slice %arg4[%dma_start3A_1113, %multiple_of3A_1110] : memref<16x1000000xf32, #tpu.memory_space<hbm>> -> memref<16x128xf32, #tpu.memory_space<hbm>>
      tpu.enqueue_dma source(%dma_start3A_1114 : memref<16x128xf32, #tpu.memory_space<hbm>>) target(%arg20 : memref<16x128xf32, #tpu.memory_space<vmem>>) target_semaphore(%arg46 : memref<!tpu.dma_semaphore, #tpu.memory_space<semaphore_mem>>)
      %slice3A_1115 = vector.extract_strided_slice %get3A_1004 {offsets = [10], sizes = [1], strides = [1]} : vector<16xi32> to vector<1xi32>
      %squeeze3A_1116 = vector.extract %slice3A_1115[0] : i32 from vector<1xi32>
      %shift_right_logical3A_1117 = arith.constant 7 : i32
      %shift_right_logical3A_1118 = arith.shrui %squeeze3A_1116, %shift_right_logical3A_1117 : i32
      %shift_left3A_1119 = arith.constant 7 : i32
      %shift_left3A_1120 = arith.shli %shift_right_logical3A_1118, %shift_left3A_1119 : i32
      %multiple_of3A_1121 = tpu.assume_multiple %shift_left3A_1120, 128 : i32
      %dma_start3A_1122 = arith.constant 0 : i32
      %dma_start3A_1123 = tpu.memref_slice %arg4[%dma_start3A_1122, %multiple_of3A_1121] : memref<16x1000000xf32, #tpu.memory_space<hbm>> -> memref<16x128xf32, #tpu.memory_space<hbm>>
      %dma_start3A_1124 = arith.constant 0 : i32
      %dma_start3A_1125 = tpu.memref_slice %arg4[%dma_start3A_1124, %multiple_of3A_1121] : memref<16x1000000xf32, #tpu.memory_space<hbm>> -> memref<16x128xf32, #tpu.memory_space<hbm>>
      tpu.enqueue_dma source(%dma_start3A_1125 : memref<16x128xf32, #tpu.memory_space<hbm>>) target(%arg21 : memref<16x128xf32, #tpu.memory_space<vmem>>) target_semaphore(%arg46 : memref<!tpu.dma_semaphore, #tpu.memory_space<semaphore_mem>>)
      %slice3A_1126 = vector.extract_strided_slice %get3A_1004 {offsets = [11], sizes = [1], strides = [1]} : vector<16xi32> to vector<1xi32>
      %squeeze3A_1127 = vector.extract %slice3A_1126[0] : i32 from vector<1xi32>
      %shift_right_logical3A_1128 = arith.constant 7 : i32
      %shift_right_logical3A_1129 = arith.shrui %squeeze3A_1127, %shift_right_logical3A_1128 : i32
      %shift_left3A_1130 = arith.constant 7 : i32
      %shift_left3A_1131 = arith.shli %shift_right_logical3A_1129, %shift_left3A_1130 : i32
      %multiple_of3A_1132 = tpu.assume_multiple %shift_left3A_1131, 128 : i32
      %dma_start3A_1133 = arith.constant 0 : i32
      %dma_start3A_1134 = tpu.memref_slice %arg4[%dma_start3A_1133, %multiple_of3A_1132] : memref<16x1000000xf32, #tpu.memory_space<hbm>> -> memref<16x128xf32, #tpu.memory_space<hbm>>
      %dma_start3A_1135 = arith.constant 0 : i32
      %dma_start3A_1136 = tpu.memref_slice %arg4[%dma_start3A_1135, %multiple_of3A_1132] : memref<16x1000000xf32, #tpu.memory_space<hbm>> -> memref<16x128xf32, #tpu.memory_space<hbm>>
      tpu.enqueue_dma source(%dma_start3A_1136 : memref<16x128xf32, #tpu.memory_space<hbm>>) target(%arg22 : memref<16x128xf32, #tpu.memory_space<vmem>>) target_semaphore(%arg46 : memref<!tpu.dma_semaphore, #tpu.memory_space<semaphore_mem>>)
      %slice3A_1137 = vector.extract_strided_slice %get3A_1004 {offsets = [12], sizes = [1], strides = [1]} : vector<16xi32> to vector<1xi32>
      %squeeze3A_1138 = vector.extract %slice3A_1137[0] : i32 from vector<1xi32>
      %shift_right_logical3A_1139 = arith.constant 7 : i32
      %shift_right_logical3A_1140 = arith.shrui %squeeze3A_1138, %shift_right_logical3A_1139 : i32
      %shift_left3A_1141 = arith.constant 7 : i32
      %shift_left3A_1142 = arith.shli %shift_right_logical3A_1140, %shift_left3A_1141 : i32
      %multiple_of3A_1143 = tpu.assume_multiple %shift_left3A_1142, 128 : i32
      %dma_start3A_1144 = arith.constant 0 : i32
      %dma_start3A_1145 = tpu.memref_slice %arg4[%dma_start3A_1144, %multiple_of3A_1143] : memref<16x1000000xf32, #tpu.memory_space<hbm>> -> memref<16x128xf32, #tpu.memory_space<hbm>>
      %dma_start3A_1146 = arith.constant 0 : i32
      %dma_start3A_1147 = tpu.memref_slice %arg4[%dma_start3A_1146, %multiple_of3A_1143] : memref<16x1000000xf32, #tpu.memory_space<hbm>> -> memref<16x128xf32, #tpu.memory_space<hbm>>
      tpu.enqueue_dma source(%dma_start3A_1147 : memref<16x128xf32, #tpu.memory_space<hbm>>) target(%arg23 : memref<16x128xf32, #tpu.memory_space<vmem>>) target_semaphore(%arg46 : memref<!tpu.dma_semaphore, #tpu.memory_space<semaphore_mem>>)
      %slice3A_1148 = vector.extract_strided_slice %get3A_1004 {offsets = [13], sizes = [1], strides = [1]} : vector<16xi32> to vector<1xi32>
      %squeeze3A_1149 = vector.extract %slice3A_1148[0] : i32 from vector<1xi32>
      %shift_right_logical3A_1150 = arith.constant 7 : i32
      %shift_right_logical3A_1151 = arith.shrui %squeeze3A_1149, %shift_right_logical3A_1150 : i32
      %shift_left3A_1152 = arith.constant 7 : i32
      %shift_left3A_1153 = arith.shli %shift_right_logical3A_1151, %shift_left3A_1152 : i32
      %multiple_of3A_1154 = tpu.assume_multiple %shift_left3A_1153, 128 : i32
      %dma_start3A_1155 = arith.constant 0 : i32
      %dma_start3A_1156 = tpu.memref_slice %arg4[%dma_start3A_1155, %multiple_of3A_1154] : memref<16x1000000xf32, #tpu.memory_space<hbm>> -> memref<16x128xf32, #tpu.memory_space<hbm>>
      %dma_start3A_1157 = arith.constant 0 : i32
      %dma_start3A_1158 = tpu.memref_slice %arg4[%dma_start3A_1157, %multiple_of3A_1154] : memref<16x1000000xf32, #tpu.memory_space<hbm>> -> memref<16x128xf32, #tpu.memory_space<hbm>>
      tpu.enqueue_dma source(%dma_start3A_1158 : memref<16x128xf32, #tpu.memory_space<hbm>>) target(%arg24 : memref<16x128xf32, #tpu.memory_space<vmem>>) target_semaphore(%arg46 : memref<!tpu.dma_semaphore, #tpu.memory_space<semaphore_mem>>)
      %slice3A_1159 = vector.extract_strided_slice %get3A_1004 {offsets = [14], sizes = [1], strides = [1]} : vector<16xi32> to vector<1xi32>
      %squeeze3A_1160 = vector.extract %slice3A_1159[0] : i32 from vector<1xi32>
      %shift_right_logical3A_1161 = arith.constant 7 : i32
      %shift_right_logical3A_1162 = arith.shrui %squeeze3A_1160, %shift_right_logical3A_1161 : i32
      %shift_left3A_1163 = arith.constant 7 : i32
      %shift_left3A_1164 = arith.shli %shift_right_logical3A_1162, %shift_left3A_1163 : i32
      %multiple_of3A_1165 = tpu.assume_multiple %shift_left3A_1164, 128 : i32
      %dma_start3A_1166 = arith.constant 0 : i32
      %dma_start3A_1167 = tpu.memref_slice %arg4[%dma_start3A_1166, %multiple_of3A_1165] : memref<16x1000000xf32, #tpu.memory_space<hbm>> -> memref<16x128xf32, #tpu.memory_space<hbm>>
      %dma_start3A_1168 = arith.constant 0 : i32
      %dma_start3A_1169 = tpu.memref_slice %arg4[%dma_start3A_1168, %multiple_of3A_1165] : memref<16x1000000xf32, #tpu.memory_space<hbm>> -> memref<16x128xf32, #tpu.memory_space<hbm>>
      tpu.enqueue_dma source(%dma_start3A_1169 : memref<16x128xf32, #tpu.memory_space<hbm>>) target(%arg25 : memref<16x128xf32, #tpu.memory_space<vmem>>) target_semaphore(%arg46 : memref<!tpu.dma_semaphore, #tpu.memory_space<semaphore_mem>>)
      %slice3A_1170 = vector.extract_strided_slice %get3A_1004 {offsets = [15], sizes = [1], strides = [1]} : vector<16xi32> to vector<1xi32>
      %squeeze3A_1171 = vector.extract %slice3A_1170[0] : i32 from vector<1xi32>
      %shift_right_logical3A_1172 = arith.constant 7 : i32
      %shift_right_logical3A_1173 = arith.shrui %squeeze3A_1171, %shift_right_logical3A_1172 : i32
      %shift_left3A_1174 = arith.constant 7 : i32
      %shift_left3A_1175 = arith.shli %shift_right_logical3A_1173, %shift_left3A_1174 : i32
      %multiple_of3A_1176 = tpu.assume_multiple %shift_left3A_1175, 128 : i32
      %dma_start3A_1177 = arith.constant 0 : i32
      %dma_start3A_1178 = tpu.memref_slice %arg4[%dma_start3A_1177, %multiple_of3A_1176] : memref<16x1000000xf32, #tpu.memory_space<hbm>> -> memref<16x128xf32, #tpu.memory_space<hbm>>
      %dma_start3A_1179 = arith.constant 0 : i32
      %dma_start3A_1180 = tpu.memref_slice %arg4[%dma_start3A_1179, %multiple_of3A_1176] : memref<16x1000000xf32, #tpu.memory_space<hbm>> -> memref<16x128xf32, #tpu.memory_space<hbm>>
      tpu.enqueue_dma source(%dma_start3A_1180 : memref<16x128xf32, #tpu.memory_space<hbm>>) target(%arg26 : memref<16x128xf32, #tpu.memory_space<vmem>>) target_semaphore(%arg46 : memref<!tpu.dma_semaphore, #tpu.memory_space<semaphore_mem>>)
      %dma_wait3A_1181 = arith.constant 0 : i32
      %dma_wait3A_1182 = arith.constant 0 : i32
      %dma_wait3A_1183 = tpu.memref_slice %arg4[%dma_wait3A_1181, %dma_wait3A_1182] : memref<16x1000000xf32, #tpu.memory_space<hbm>> -> memref<16x128xf32, #tpu.memory_space<hbm>>
      %dma_wait3A_1184 = arith.constant 0 : i32
      %dma_wait3A_1185 = arith.constant 0 : i32
      %dma_wait3A_1186 = tpu.memref_slice %arg4[%dma_wait3A_1184, %dma_wait3A_1185] : memref<16x1000000xf32, #tpu.memory_space<hbm>> -> memref<16x128xf32, #tpu.memory_space<hbm>>
      tpu.wait_dma2 semaphore(%arg47 : memref<!tpu.dma_semaphore, #tpu.memory_space<semaphore_mem>>) src(%dma_wait3A_1186 : memref<16x128xf32, #tpu.memory_space<hbm>>) dst(%arg27 : memref<16x128xf32, #tpu.memory_space<vmem>>)
      %dma_wait3A_1187 = arith.constant 0 : i32
      %dma_wait3A_1188 = arith.constant 0 : i32
      %dma_wait3A_1189 = tpu.memref_slice %arg4[%dma_wait3A_1187, %dma_wait3A_1188] : memref<16x1000000xf32, #tpu.memory_space<hbm>> -> memref<16x128xf32, #tpu.memory_space<hbm>>
      %dma_wait3A_1190 = arith.constant 0 : i32
      %dma_wait3A_1191 = arith.constant 0 : i32
      %dma_wait3A_1192 = tpu.memref_slice %arg4[%dma_wait3A_1190, %dma_wait3A_1191] : memref<16x1000000xf32, #tpu.memory_space<hbm>> -> memref<16x128xf32, #tpu.memory_space<hbm>>
      tpu.wait_dma2 semaphore(%arg47 : memref<!tpu.dma_semaphore, #tpu.memory_space<semaphore_mem>>) src(%dma_wait3A_1192 : memref<16x128xf32, #tpu.memory_space<hbm>>) dst(%arg28 : memref<16x128xf32, #tpu.memory_space<vmem>>)
      %dma_wait3A_1193 = arith.constant 0 : i32
      %dma_wait3A_1194 = arith.constant 0 : i32
      %dma_wait3A_1195 = tpu.memref_slice %arg4[%dma_wait3A_1193, %dma_wait3A_1194] : memref<16x1000000xf32, #tpu.memory_space<hbm>> -> memref<16x128xf32, #tpu.memory_space<hbm>>
      %dma_wait3A_1196 = arith.constant 0 : i32
      %dma_wait3A_1197 = arith.constant 0 : i32
      %dma_wait3A_1198 = tpu.memref_slice %arg4[%dma_wait3A_1196, %dma_wait3A_1197] : memref<16x1000000xf32, #tpu.memory_space<hbm>> -> memref<16x128xf32, #tpu.memory_space<hbm>>
      tpu.wait_dma2 semaphore(%arg47 : memref<!tpu.dma_semaphore, #tpu.memory_space<semaphore_mem>>) src(%dma_wait3A_1198 : memref<16x128xf32, #tpu.memory_space<hbm>>) dst(%arg29 : memref<16x128xf32, #tpu.memory_space<vmem>>)
      %dma_wait3A_1199 = arith.constant 0 : i32
      %dma_wait3A_1200 = arith.constant 0 : i32
      %dma_wait3A_1201 = tpu.memref_slice %arg4[%dma_wait3A_1199, %dma_wait3A_1200] : memref<16x1000000xf32, #tpu.memory_space<hbm>> -> memref<16x128xf32, #tpu.memory_space<hbm>>
      %dma_wait3A_1202 = arith.constant 0 : i32
      %dma_wait3A_1203 = arith.constant 0 : i32
      %dma_wait3A_1204 = tpu.memref_slice %arg4[%dma_wait3A_1202, %dma_wait3A_1203] : memref<16x1000000xf32, #tpu.memory_space<hbm>> -> memref<16x128xf32, #tpu.memory_space<hbm>>
      tpu.wait_dma2 semaphore(%arg47 : memref<!tpu.dma_semaphore, #tpu.memory_space<semaphore_mem>>) src(%dma_wait3A_1204 : memref<16x128xf32, #tpu.memory_space<hbm>>) dst(%arg30 : memref<16x128xf32, #tpu.memory_space<vmem>>)
      %dma_wait3A_1205 = arith.constant 0 : i32
      %dma_wait3A_1206 = arith.constant 0 : i32
      %dma_wait3A_1207 = tpu.memref_slice %arg4[%dma_wait3A_1205, %dma_wait3A_1206] : memref<16x1000000xf32, #tpu.memory_space<hbm>> -> memref<16x128xf32, #tpu.memory_space<hbm>>
      %dma_wait3A_1208 = arith.constant 0 : i32
      %dma_wait3A_1209 = arith.constant 0 : i32
      %dma_wait3A_1210 = tpu.memref_slice %arg4[%dma_wait3A_1208, %dma_wait3A_1209] : memref<16x1000000xf32, #tpu.memory_space<hbm>> -> memref<16x128xf32, #tpu.memory_space<hbm>>
      tpu.wait_dma2 semaphore(%arg47 : memref<!tpu.dma_semaphore, #tpu.memory_space<semaphore_mem>>) src(%dma_wait3A_1210 : memref<16x128xf32, #tpu.memory_space<hbm>>) dst(%arg31 : memref<16x128xf32, #tpu.memory_space<vmem>>)
      %dma_wait3A_1211 = arith.constant 0 : i32
      %dma_wait3A_1212 = arith.constant 0 : i32
      %dma_wait3A_1213 = tpu.memref_slice %arg4[%dma_wait3A_1211, %dma_wait3A_1212] : memref<16x1000000xf32, #tpu.memory_space<hbm>> -> memref<16x128xf32, #tpu.memory_space<hbm>>
      %dma_wait3A_1214 = arith.constant 0 : i32
      %dma_wait3A_1215 = arith.constant 0 : i32
      %dma_wait3A_1216 = tpu.memref_slice %arg4[%dma_wait3A_1214, %dma_wait3A_1215] : memref<16x1000000xf32, #tpu.memory_space<hbm>> -> memref<16x128xf32, #tpu.memory_space<hbm>>
      tpu.wait_dma2 semaphore(%arg47 : memref<!tpu.dma_semaphore, #tpu.memory_space<semaphore_mem>>) src(%dma_wait3A_1216 : memref<16x128xf32, #tpu.memory_space<hbm>>) dst(%arg32 : memref<16x128xf32, #tpu.memory_space<vmem>>)
      %dma_wait3A_1217 = arith.constant 0 : i32
      %dma_wait3A_1218 = arith.constant 0 : i32
      %dma_wait3A_1219 = tpu.memref_slice %arg4[%dma_wait3A_1217, %dma_wait3A_1218] : memref<16x1000000xf32, #tpu.memory_space<hbm>> -> memref<16x128xf32, #tpu.memory_space<hbm>>
      %dma_wait3A_1220 = arith.constant 0 : i32
      %dma_wait3A_1221 = arith.constant 0 : i32
      %dma_wait3A_1222 = tpu.memref_slice %arg4[%dma_wait3A_1220, %dma_wait3A_1221] : memref<16x1000000xf32, #tpu.memory_space<hbm>> -> memref<16x128xf32, #tpu.memory_space<hbm>>
      tpu.wait_dma2 semaphore(%arg47 : memref<!tpu.dma_semaphore, #tpu.memory_space<semaphore_mem>>) src(%dma_wait3A_1222 : memref<16x128xf32, #tpu.memory_space<hbm>>) dst(%arg33 : memref<16x128xf32, #tpu.memory_space<vmem>>)
      %dma_wait3A_1223 = arith.constant 0 : i32
      %dma_wait3A_1224 = arith.constant 0 : i32
      %dma_wait3A_1225 = tpu.memref_slice %arg4[%dma_wait3A_1223, %dma_wait3A_1224] : memref<16x1000000xf32, #tpu.memory_space<hbm>> -> memref<16x128xf32, #tpu.memory_space<hbm>>
      %dma_wait3A_1226 = arith.constant 0 : i32
      %dma_wait3A_1227 = arith.constant 0 : i32
      %dma_wait3A_1228 = tpu.memref_slice %arg4[%dma_wait3A_1226, %dma_wait3A_1227] : memref<16x1000000xf32, #tpu.memory_space<hbm>> -> memref<16x128xf32, #tpu.memory_space<hbm>>
      tpu.wait_dma2 semaphore(%arg47 : memref<!tpu.dma_semaphore, #tpu.memory_space<semaphore_mem>>) src(%dma_wait3A_1228 : memref<16x128xf32, #tpu.memory_space<hbm>>) dst(%arg34 : memref<16x128xf32, #tpu.memory_space<vmem>>)
      %dma_wait3A_1229 = arith.constant 0 : i32
      %dma_wait3A_1230 = arith.constant 0 : i32
      %dma_wait3A_1231 = tpu.memref_slice %arg4[%dma_wait3A_1229, %dma_wait3A_1230] : memref<16x1000000xf32, #tpu.memory_space<hbm>> -> memref<16x128xf32, #tpu.memory_space<hbm>>
      %dma_wait3A_1232 = arith.constant 0 : i32
      %dma_wait3A_1233 = arith.constant 0 : i32
      %dma_wait3A_1234 = tpu.memref_slice %arg4[%dma_wait3A_1232, %dma_wait3A_1233] : memref<16x1000000xf32, #tpu.memory_space<hbm>> -> memref<16x128xf32, #tpu.memory_space<hbm>>
      tpu.wait_dma2 semaphore(%arg47 : memref<!tpu.dma_semaphore, #tpu.memory_space<semaphore_mem>>) src(%dma_wait3A_1234 : memref<16x128xf32, #tpu.memory_space<hbm>>) dst(%arg35 : memref<16x128xf32, #tpu.memory_space<vmem>>)
      %dma_wait3A_1235 = arith.constant 0 : i32
      %dma_wait3A_1236 = arith.constant 0 : i32
      %dma_wait3A_1237 = tpu.memref_slice %arg4[%dma_wait3A_1235, %dma_wait3A_1236] : memref<16x1000000xf32, #tpu.memory_space<hbm>> -> memref<16x128xf32, #tpu.memory_space<hbm>>
      %dma_wait3A_1238 = arith.constant 0 : i32
      %dma_wait3A_1239 = arith.constant 0 : i32
      %dma_wait3A_1240 = tpu.memref_slice %arg4[%dma_wait3A_1238, %dma_wait3A_1239] : memref<16x1000000xf32, #tpu.memory_space<hbm>> -> memref<16x128xf32, #tpu.memory_space<hbm>>
      tpu.wait_dma2 semaphore(%arg47 : memref<!tpu.dma_semaphore, #tpu.memory_space<semaphore_mem>>) src(%dma_wait3A_1240 : memref<16x128xf32, #tpu.memory_space<hbm>>) dst(%arg36 : memref<16x128xf32, #tpu.memory_space<vmem>>)
      %dma_wait3A_1241 = arith.constant 0 : i32
      %dma_wait3A_1242 = arith.constant 0 : i32
      %dma_wait3A_1243 = tpu.memref_slice %arg4[%dma_wait3A_1241, %dma_wait3A_1242] : memref<16x1000000xf32, #tpu.memory_space<hbm>> -> memref<16x128xf32, #tpu.memory_space<hbm>>
      %dma_wait3A_1244 = arith.constant 0 : i32
      %dma_wait3A_1245 = arith.constant 0 : i32
      %dma_wait3A_1246 = tpu.memref_slice %arg4[%dma_wait3A_1244, %dma_wait3A_1245] : memref<16x1000000xf32, #tpu.memory_space<hbm>> -> memref<16x128xf32, #tpu.memory_space<hbm>>
      tpu.wait_dma2 semaphore(%arg47 : memref<!tpu.dma_semaphore, #tpu.memory_space<semaphore_mem>>) src(%dma_wait3A_1246 : memref<16x128xf32, #tpu.memory_space<hbm>>) dst(%arg37 : memref<16x128xf32, #tpu.memory_space<vmem>>)
      %dma_wait3A_1247 = arith.constant 0 : i32
      %dma_wait3A_1248 = arith.constant 0 : i32
      %dma_wait3A_1249 = tpu.memref_slice %arg4[%dma_wait3A_1247, %dma_wait3A_1248] : memref<16x1000000xf32, #tpu.memory_space<hbm>> -> memref<16x128xf32, #tpu.memory_space<hbm>>
      %dma_wait3A_1250 = arith.constant 0 : i32
      %dma_wait3A_1251 = arith.constant 0 : i32
      %dma_wait3A_1252 = tpu.memref_slice %arg4[%dma_wait3A_1250, %dma_wait3A_1251] : memref<16x1000000xf32, #tpu.memory_space<hbm>> -> memref<16x128xf32, #tpu.memory_space<hbm>>
      tpu.wait_dma2 semaphore(%arg47 : memref<!tpu.dma_semaphore, #tpu.memory_space<semaphore_mem>>) src(%dma_wait3A_1252 : memref<16x128xf32, #tpu.memory_space<hbm>>) dst(%arg38 : memref<16x128xf32, #tpu.memory_space<vmem>>)
      %dma_wait3A_1253 = arith.constant 0 : i32
      %dma_wait3A_1254 = arith.constant 0 : i32
      %dma_wait3A_1255 = tpu.memref_slice %arg4[%dma_wait3A_1253, %dma_wait3A_1254] : memref<16x1000000xf32, #tpu.memory_space<hbm>> -> memref<16x128xf32, #tpu.memory_space<hbm>>
      %dma_wait3A_1256 = arith.constant 0 : i32
      %dma_wait3A_1257 = arith.constant 0 : i32
      %dma_wait3A_1258 = tpu.memref_slice %arg4[%dma_wait3A_1256, %dma_wait3A_1257] : memref<16x1000000xf32, #tpu.memory_space<hbm>> -> memref<16x128xf32, #tpu.memory_space<hbm>>
      tpu.wait_dma2 semaphore(%arg47 : memref<!tpu.dma_semaphore, #tpu.memory_space<semaphore_mem>>) src(%dma_wait3A_1258 : memref<16x128xf32, #tpu.memory_space<hbm>>) dst(%arg39 : memref<16x128xf32, #tpu.memory_space<vmem>>)
      %dma_wait3A_1259 = arith.constant 0 : i32
      %dma_wait3A_1260 = arith.constant 0 : i32
      %dma_wait3A_1261 = tpu.memref_slice %arg4[%dma_wait3A_1259, %dma_wait3A_1260] : memref<16x1000000xf32, #tpu.memory_space<hbm>> -> memref<16x128xf32, #tpu.memory_space<hbm>>
      %dma_wait3A_1262 = arith.constant 0 : i32
      %dma_wait3A_1263 = arith.constant 0 : i32
      %dma_wait3A_1264 = tpu.memref_slice %arg4[%dma_wait3A_1262, %dma_wait3A_1263] : memref<16x1000000xf32, #tpu.memory_space<hbm>> -> memref<16x128xf32, #tpu.memory_space<hbm>>
      tpu.wait_dma2 semaphore(%arg47 : memref<!tpu.dma_semaphore, #tpu.memory_space<semaphore_mem>>) src(%dma_wait3A_1264 : memref<16x128xf32, #tpu.memory_space<hbm>>) dst(%arg40 : memref<16x128xf32, #tpu.memory_space<vmem>>)
      %dma_wait3A_1265 = arith.constant 0 : i32
      %dma_wait3A_1266 = arith.constant 0 : i32
      %dma_wait3A_1267 = tpu.memref_slice %arg4[%dma_wait3A_1265, %dma_wait3A_1266] : memref<16x1000000xf32, #tpu.memory_space<hbm>> -> memref<16x128xf32, #tpu.memory_space<hbm>>
      %dma_wait3A_1268 = arith.constant 0 : i32
      %dma_wait3A_1269 = arith.constant 0 : i32
      %dma_wait3A_1270 = tpu.memref_slice %arg4[%dma_wait3A_1268, %dma_wait3A_1269] : memref<16x1000000xf32, #tpu.memory_space<hbm>> -> memref<16x128xf32, #tpu.memory_space<hbm>>
      tpu.wait_dma2 semaphore(%arg47 : memref<!tpu.dma_semaphore, #tpu.memory_space<semaphore_mem>>) src(%dma_wait3A_1270 : memref<16x128xf32, #tpu.memory_space<hbm>>) dst(%arg41 : memref<16x128xf32, #tpu.memory_space<vmem>>)
      %dma_wait3A_1271 = arith.constant 0 : i32
      %dma_wait3A_1272 = arith.constant 0 : i32
      %dma_wait3A_1273 = tpu.memref_slice %arg4[%dma_wait3A_1271, %dma_wait3A_1272] : memref<16x1000000xf32, #tpu.memory_space<hbm>> -> memref<16x128xf32, #tpu.memory_space<hbm>>
      %dma_wait3A_1274 = arith.constant 0 : i32
      %dma_wait3A_1275 = arith.constant 0 : i32
      %dma_wait3A_1276 = tpu.memref_slice %arg4[%dma_wait3A_1274, %dma_wait3A_1275] : memref<16x1000000xf32, #tpu.memory_space<hbm>> -> memref<16x128xf32, #tpu.memory_space<hbm>>
      tpu.wait_dma2 semaphore(%arg47 : memref<!tpu.dma_semaphore, #tpu.memory_space<semaphore_mem>>) src(%dma_wait3A_1276 : memref<16x128xf32, #tpu.memory_space<hbm>>) dst(%arg42 : memref<16x128xf32, #tpu.memory_space<vmem>>)
      %add3A_1277 = arith.constant 1 : i32
      %add3A_1278 = arith.addi %mul3A_571, %add3A_1277 : i32
      %mul3A_1279 = arith.constant 16 : i32
      %mul3A_1280 = arith.muli %add3A_1278, %mul3A_1279 : i32
      %get3A_1281 = arith.index_cast %mul3A_1280 : i32 to index
      %get3A_1282 = tpu.vector_load %arg9[%get3A_1281] {strides = array<i32>} : memref<512xi32, #tpu.memory_space<vmem>>, vector<16xi32>,
      %slice3A_1283 = vector.extract_strided_slice %get3A_1282 {offsets = [0], sizes = [1], strides = [1]} : vector<16xi32> to vector<1xi32>
      %squeeze3A_1284 = vector.extract %slice3A_1283[0] : i32 from vector<1xi32>
      %and3A_1285 = arith.constant 127 : i32
      %and3A_1286 = arith.andi %squeeze3A_1284, %and3A_1285 : i32
      %broadcast_in_dim3A_1287 = vector.broadcast %and3A_1286 : i32 to vector<16xi32>
      %gather3A_1288 = tpu.vector_load_idx %arg27[%iota3A, %broadcast_in_dim3A_1287] : memref<16x128xf32, #tpu.memory_space<vmem>>[vector<16xi32>, vector<16xi32>], vector<16xf32>,
      %add3A_1289 = arith.constant 0 : i32
      %add3A_1290 = arith.addi %mul3A_1280, %add3A_1289 : i32
      %broadcast_in_dim3A_1291 = vector.broadcast %add3A_1290 : i32 to vector<16xi32>
      tpu.vector_store_idx %arg43[%iota3A, %broadcast_in_dim3A_1291], %gather3A_1288 : memref<16x512xf32, #tpu.memory_space<vmem>>[vector<16xi32>, vector<16xi32>], vector<16xf32>,
      %slice3A_1292 = vector.extract_strided_slice %get3A_1282 {offsets = [1], sizes = [1], strides = [1]} : vector<16xi32> to vector<1xi32>
      %squeeze3A_1293 = vector.extract %slice3A_1292[0] : i32 from vector<1xi32>
      %and3A_1294 = arith.constant 127 : i32
      %and3A_1295 = arith.andi %squeeze3A_1293, %and3A_1294 : i32
      %broadcast_in_dim3A_1296 = vector.broadcast %and3A_1295 : i32 to vector<16xi32>
      %gather3A_1297 = tpu.vector_load_idx %arg28[%iota3A, %broadcast_in_dim3A_1296] : memref<16x128xf32, #tpu.memory_space<vmem>>[vector<16xi32>, vector<16xi32>], vector<16xf32>,
      %add3A_1298 = arith.constant 1 : i32
      %add3A_1299 = arith.addi %mul3A_1280, %add3A_1298 : i32
      %broadcast_in_dim3A_1300 = vector.broadcast %add3A_1299 : i32 to vector<16xi32>
      tpu.vector_store_idx %arg43[%iota3A, %broadcast_in_dim3A_1300], %gather3A_1297 : memref<16x512xf32, #tpu.memory_space<vmem>>[vector<16xi32>, vector<16xi32>], vector<16xf32>,
      %slice3A_1301 = vector.extract_strided_slice %get3A_1282 {offsets = [2], sizes = [1], strides = [1]} : vector<16xi32> to vector<1xi32>
      %squeeze3A_1302 = vector.extract %slice3A_1301[0] : i32 from vector<1xi32>
      %and3A_1303 = arith.constant 127 : i32
      %and3A_1304 = arith.andi %squeeze3A_1302, %and3A_1303 : i32
      %broadcast_in_dim3A_1305 = vector.broadcast %and3A_1304 : i32 to vector<16xi32>
      %gather3A_1306 = tpu.vector_load_idx %arg29[%iota3A, %broadcast_in_dim3A_1305] : memref<16x128xf32, #tpu.memory_space<vmem>>[vector<16xi32>, vector<16xi32>], vector<16xf32>,
      %add3A_1307 = arith.constant 2 : i32
      %add3A_1308 = arith.addi %mul3A_1280, %add3A_1307 : i32
      %broadcast_in_dim3A_1309 = vector.broadcast %add3A_1308 : i32 to vector<16xi32>
      tpu.vector_store_idx %arg43[%iota3A, %broadcast_in_dim3A_1309], %gather3A_1306 : memref<16x512xf32, #tpu.memory_space<vmem>>[vector<16xi32>, vector<16xi32>], vector<16xf32>,
      %slice3A_1310 = vector.extract_strided_slice %get3A_1282 {offsets = [3], sizes = [1], strides = [1]} : vector<16xi32> to vector<1xi32>
      %squeeze3A_1311 = vector.extract %slice3A_1310[0] : i32 from vector<1xi32>
      %and3A_1312 = arith.constant 127 : i32
      %and3A_1313 = arith.andi %squeeze3A_1311, %and3A_1312 : i32
      %broadcast_in_dim3A_1314 = vector.broadcast %and3A_1313 : i32 to vector<16xi32>
      %gather3A_1315 = tpu.vector_load_idx %arg30[%iota3A, %broadcast_in_dim3A_1314] : memref<16x128xf32, #tpu.memory_space<vmem>>[vector<16xi32>, vector<16xi32>], vector<16xf32>,
      %add3A_1316 = arith.constant 3 : i32
      %add3A_1317 = arith.addi %mul3A_1280, %add3A_1316 : i32
      %broadcast_in_dim3A_1318 = vector.broadcast %add3A_1317 : i32 to vector<16xi32>
      tpu.vector_store_idx %arg43[%iota3A, %broadcast_in_dim3A_1318], %gather3A_1315 : memref<16x512xf32, #tpu.memory_space<vmem>>[vector<16xi32>, vector<16xi32>], vector<16xf32>,
      %slice3A_1319 = vector.extract_strided_slice %get3A_1282 {offsets = [4], sizes = [1], strides = [1]} : vector<16xi32> to vector<1xi32>
      %squeeze3A_1320 = vector.extract %slice3A_1319[0] : i32 from vector<1xi32>
      %and3A_1321 = arith.constant 127 : i32
      %and3A_1322 = arith.andi %squeeze3A_1320, %and3A_1321 : i32
      %broadcast_in_dim3A_1323 = vector.broadcast %and3A_1322 : i32 to vector<16xi32>
      %gather3A_1324 = tpu.vector_load_idx %arg31[%iota3A, %broadcast_in_dim3A_1323] : memref<16x128xf32, #tpu.memory_space<vmem>>[vector<16xi32>, vector<16xi32>], vector<16xf32>,
      %add3A_1325 = arith.constant 4 : i32
      %add3A_1326 = arith.addi %mul3A_1280, %add3A_1325 : i32
      %broadcast_in_dim3A_1327 = vector.broadcast %add3A_1326 : i32 to vector<16xi32>
      tpu.vector_store_idx %arg43[%iota3A, %broadcast_in_dim3A_1327], %gather3A_1324 : memref<16x512xf32, #tpu.memory_space<vmem>>[vector<16xi32>, vector<16xi32>], vector<16xf32>,
      %slice3A_1328 = vector.extract_strided_slice %get3A_1282 {offsets = [5], sizes = [1], strides = [1]} : vector<16xi32> to vector<1xi32>
      %squeeze3A_1329 = vector.extract %slice3A_1328[0] : i32 from vector<1xi32>
      %and3A_1330 = arith.constant 127 : i32
      %and3A_1331 = arith.andi %squeeze3A_1329, %and3A_1330 : i32
      %broadcast_in_dim3A_1332 = vector.broadcast %and3A_1331 : i32 to vector<16xi32>
      %gather3A_1333 = tpu.vector_load_idx %arg32[%iota3A, %broadcast_in_dim3A_1332] : memref<16x128xf32, #tpu.memory_space<vmem>>[vector<16xi32>, vector<16xi32>], vector<16xf32>,
      %add3A_1334 = arith.constant 5 : i32
      %add3A_1335 = arith.addi %mul3A_1280, %add3A_1334 : i32
      %broadcast_in_dim3A_1336 = vector.broadcast %add3A_1335 : i32 to vector<16xi32>
      tpu.vector_store_idx %arg43[%iota3A, %broadcast_in_dim3A_1336], %gather3A_1333 : memref<16x512xf32, #tpu.memory_space<vmem>>[vector<16xi32>, vector<16xi32>], vector<16xf32>,
      %slice3A_1337 = vector.extract_strided_slice %get3A_1282 {offsets = [6], sizes = [1], strides = [1]} : vector<16xi32> to vector<1xi32>
      %squeeze3A_1338 = vector.extract %slice3A_1337[0] : i32 from vector<1xi32>
      %and3A_1339 = arith.constant 127 : i32
      %and3A_1340 = arith.andi %squeeze3A_1338, %and3A_1339 : i32
      %broadcast_in_dim3A_1341 = vector.broadcast %and3A_1340 : i32 to vector<16xi32>
      %gather3A_1342 = tpu.vector_load_idx %arg33[%iota3A, %broadcast_in_dim3A_1341] : memref<16x128xf32, #tpu.memory_space<vmem>>[vector<16xi32>, vector<16xi32>], vector<16xf32>,
      %add3A_1343 = arith.constant 6 : i32
      %add3A_1344 = arith.addi %mul3A_1280, %add3A_1343 : i32
      %broadcast_in_dim3A_1345 = vector.broadcast %add3A_1344 : i32 to vector<16xi32>
      tpu.vector_store_idx %arg43[%iota3A, %broadcast_in_dim3A_1345], %gather3A_1342 : memref<16x512xf32, #tpu.memory_space<vmem>>[vector<16xi32>, vector<16xi32>], vector<16xf32>,
      %slice3A_1346 = vector.extract_strided_slice %get3A_1282 {offsets = [7], sizes = [1], strides = [1]} : vector<16xi32> to vector<1xi32>
      %squeeze3A_1347 = vector.extract %slice3A_1346[0] : i32 from vector<1xi32>
      %and3A_1348 = arith.constant 127 : i32
      %and3A_1349 = arith.andi %squeeze3A_1347, %and3A_1348 : i32
      %broadcast_in_dim3A_1350 = vector.broadcast %and3A_1349 : i32 to vector<16xi32>
      %gather3A_1351 = tpu.vector_load_idx %arg34[%iota3A, %broadcast_in_dim3A_1350] : memref<16x128xf32, #tpu.memory_space<vmem>>[vector<16xi32>, vector<16xi32>], vector<16xf32>,
      %add3A_1352 = arith.constant 7 : i32
      %add3A_1353 = arith.addi %mul3A_1280, %add3A_1352 : i32
      %broadcast_in_dim3A_1354 = vector.broadcast %add3A_1353 : i32 to vector<16xi32>
      tpu.vector_store_idx %arg43[%iota3A, %broadcast_in_dim3A_1354], %gather3A_1351 : memref<16x512xf32, #tpu.memory_space<vmem>>[vector<16xi32>, vector<16xi32>], vector<16xf32>,
      %slice3A_1355 = vector.extract_strided_slice %get3A_1282 {offsets = [8], sizes = [1], strides = [1]} : vector<16xi32> to vector<1xi32>
      %squeeze3A_1356 = vector.extract %slice3A_1355[0] : i32 from vector<1xi32>
      %and3A_1357 = arith.constant 127 : i32
      %and3A_1358 = arith.andi %squeeze3A_1356, %and3A_1357 : i32
      %broadcast_in_dim3A_1359 = vector.broadcast %and3A_1358 : i32 to vector<16xi32>
      %gather3A_1360 = tpu.vector_load_idx %arg35[%iota3A, %broadcast_in_dim3A_1359] : memref<16x128xf32, #tpu.memory_space<vmem>>[vector<16xi32>, vector<16xi32>], vector<16xf32>,
      %add3A_1361 = arith.constant 8 : i32
      %add3A_1362 = arith.addi %mul3A_1280, %add3A_1361 : i32
      %broadcast_in_dim3A_1363 = vector.broadcast %add3A_1362 : i32 to vector<16xi32>
      tpu.vector_store_idx %arg43[%iota3A, %broadcast_in_dim3A_1363], %gather3A_1360 : memref<16x512xf32, #tpu.memory_space<vmem>>[vector<16xi32>, vector<16xi32>], vector<16xf32>,
      %slice3A_1364 = vector.extract_strided_slice %get3A_1282 {offsets = [9], sizes = [1], strides = [1]} : vector<16xi32> to vector<1xi32>
      %squeeze3A_1365 = vector.extract %slice3A_1364[0] : i32 from vector<1xi32>
      %and3A_1366 = arith.constant 127 : i32
      %and3A_1367 = arith.andi %squeeze3A_1365, %and3A_1366 : i32
      %broadcast_in_dim3A_1368 = vector.broadcast %and3A_1367 : i32 to vector<16xi32>
      %gather3A_1369 = tpu.vector_load_idx %arg36[%iota3A, %broadcast_in_dim3A_1368] : memref<16x128xf32, #tpu.memory_space<vmem>>[vector<16xi32>, vector<16xi32>], vector<16xf32>,
      %add3A_1370 = arith.constant 9 : i32
      %add3A_1371 = arith.addi %mul3A_1280, %add3A_1370 : i32
      %broadcast_in_dim3A_1372 = vector.broadcast %add3A_1371 : i32 to vector<16xi32>
      tpu.vector_store_idx %arg43[%iota3A, %broadcast_in_dim3A_1372], %gather3A_1369 : memref<16x512xf32, #tpu.memory_space<vmem>>[vector<16xi32>, vector<16xi32>], vector<16xf32>,
      %slice3A_1373 = vector.extract_strided_slice %get3A_1282 {offsets = [10], sizes = [1], strides = [1]} : vector<16xi32> to vector<1xi32>
      %squeeze3A_1374 = vector.extract %slice3A_1373[0] : i32 from vector<1xi32>
      %and3A_1375 = arith.constant 127 : i32
      %and3A_1376 = arith.andi %squeeze3A_1374, %and3A_1375 : i32
      %broadcast_in_dim3A_1377 = vector.broadcast %and3A_1376 : i32 to vector<16xi32>
      %gather3A_1378 = tpu.vector_load_idx %arg37[%iota3A, %broadcast_in_dim3A_1377] : memref<16x128xf32, #tpu.memory_space<vmem>>[vector<16xi32>, vector<16xi32>], vector<16xf32>,
      %add3A_1379 = arith.constant 10 : i32
      %add3A_1380 = arith.addi %mul3A_1280, %add3A_1379 : i32
      %broadcast_in_dim3A_1381 = vector.broadcast %add3A_1380 : i32 to vector<16xi32>
      tpu.vector_store_idx %arg43[%iota3A, %broadcast_in_dim3A_1381], %gather3A_1378 : memref<16x512xf32, #tpu.memory_space<vmem>>[vector<16xi32>, vector<16xi32>], vector<16xf32>,
      %slice3A_1382 = vector.extract_strided_slice %get3A_1282 {offsets = [11], sizes = [1], strides = [1]} : vector<16xi32> to vector<1xi32>
      %squeeze3A_1383 = vector.extract %slice3A_1382[0] : i32 from vector<1xi32>
      %and3A_1384 = arith.constant 127 : i32
      %and3A_1385 = arith.andi %squeeze3A_1383, %and3A_1384 : i32
      %broadcast_in_dim3A_1386 = vector.broadcast %and3A_1385 : i32 to vector<16xi32>
      %gather3A_1387 = tpu.vector_load_idx %arg38[%iota3A, %broadcast_in_dim3A_1386] : memref<16x128xf32, #tpu.memory_space<vmem>>[vector<16xi32>, vector<16xi32>], vector<16xf32>,
      %add3A_1388 = arith.constant 11 : i32
      %add3A_1389 = arith.addi %mul3A_1280, %add3A_1388 : i32
      %broadcast_in_dim3A_1390 = vector.broadcast %add3A_1389 : i32 to vector<16xi32>
      tpu.vector_store_idx %arg43[%iota3A, %broadcast_in_dim3A_1390], %gather3A_1387 : memref<16x512xf32, #tpu.memory_space<vmem>>[vector<16xi32>, vector<16xi32>], vector<16xf32>,
      %slice3A_1391 = vector.extract_strided_slice %get3A_1282 {offsets = [12], sizes = [1], strides = [1]} : vector<16xi32> to vector<1xi32>
      %squeeze3A_1392 = vector.extract %slice3A_1391[0] : i32 from vector<1xi32>
      %and3A_1393 = arith.constant 127 : i32
      %and3A_1394 = arith.andi %squeeze3A_1392, %and3A_1393 : i32
      %broadcast_in_dim3A_1395 = vector.broadcast %and3A_1394 : i32 to vector<16xi32>
      %gather3A_1396 = tpu.vector_load_idx %arg39[%iota3A, %broadcast_in_dim3A_1395] : memref<16x128xf32, #tpu.memory_space<vmem>>[vector<16xi32>, vector<16xi32>], vector<16xf32>,
      %add3A_1397 = arith.constant 12 : i32
      %add3A_1398 = arith.addi %mul3A_1280, %add3A_1397 : i32
      %broadcast_in_dim3A_1399 = vector.broadcast %add3A_1398 : i32 to vector<16xi32>
      tpu.vector_store_idx %arg43[%iota3A, %broadcast_in_dim3A_1399], %gather3A_1396 : memref<16x512xf32, #tpu.memory_space<vmem>>[vector<16xi32>, vector<16xi32>], vector<16xf32>,
      %slice3A_1400 = vector.extract_strided_slice %get3A_1282 {offsets = [13], sizes = [1], strides = [1]} : vector<16xi32> to vector<1xi32>
      %squeeze3A_1401 = vector.extract %slice3A_1400[0] : i32 from vector<1xi32>
      %and3A_1402 = arith.constant 127 : i32
      %and3A_1403 = arith.andi %squeeze3A_1401, %and3A_1402 : i32
      %broadcast_in_dim3A_1404 = vector.broadcast %and3A_1403 : i32 to vector<16xi32>
      %gather3A_1405 = tpu.vector_load_idx %arg40[%iota3A, %broadcast_in_dim3A_1404] : memref<16x128xf32, #tpu.memory_space<vmem>>[vector<16xi32>, vector<16xi32>], vector<16xf32>,
      %add3A_1406 = arith.constant 13 : i32
      %add3A_1407 = arith.addi %mul3A_1280, %add3A_1406 : i32
      %broadcast_in_dim3A_1408 = vector.broadcast %add3A_1407 : i32 to vector<16xi32>
      tpu.vector_store_idx %arg43[%iota3A, %broadcast_in_dim3A_1408], %gather3A_1405 : memref<16x512xf32, #tpu.memory_space<vmem>>[vector<16xi32>, vector<16xi32>], vector<16xf32>,
      %slice3A_1409 = vector.extract_strided_slice %get3A_1282 {offsets = [14], sizes = [1], strides = [1]} : vector<16xi32> to vector<1xi32>
      %squeeze3A_1410 = vector.extract %slice3A_1409[0] : i32 from vector<1xi32>
      %and3A_1411 = arith.constant 127 : i32
      %and3A_1412 = arith.andi %squeeze3A_1410, %and3A_1411 : i32
      %broadcast_in_dim3A_1413 = vector.broadcast %and3A_1412 : i32 to vector<16xi32>
      %gather3A_1414 = tpu.vector_load_idx %arg41[%iota3A, %broadcast_in_dim3A_1413] : memref<16x128xf32, #tpu.memory_space<vmem>>[vector<16xi32>, vector<16xi32>], vector<16xf32>,
      %add3A_1415 = arith.constant 14 : i32
      %add3A_1416 = arith.addi %mul3A_1280, %add3A_1415 : i32
      %broadcast_in_dim3A_1417 = vector.broadcast %add3A_1416 : i32 to vector<16xi32>
      tpu.vector_store_idx %arg43[%iota3A, %broadcast_in_dim3A_1417], %gather3A_1414 : memref<16x512xf32, #tpu.memory_space<vmem>>[vector<16xi32>, vector<16xi32>], vector<16xf32>,
      %slice3A_1418 = vector.extract_strided_slice %get3A_1282 {offsets = [15], sizes = [1], strides = [1]} : vector<16xi32> to vector<1xi32>
      %squeeze3A_1419 = vector.extract %slice3A_1418[0] : i32 from vector<1xi32>
      %and3A_1420 = arith.constant 127 : i32
      %and3A_1421 = arith.andi %squeeze3A_1419, %and3A_1420 : i32
      %broadcast_in_dim3A_1422 = vector.broadcast %and3A_1421 : i32 to vector<16xi32>
      %gather3A_1423 = tpu.vector_load_idx %arg42[%iota3A, %broadcast_in_dim3A_1422] : memref<16x128xf32, #tpu.memory_space<vmem>>[vector<16xi32>, vector<16xi32>], vector<16xf32>,
      %add3A_1424 = arith.constant 15 : i32
      %add3A_1425 = arith.addi %mul3A_1280, %add3A_1424 : i32
      %broadcast_in_dim3A_1426 = vector.broadcast %add3A_1425 : i32 to vector<16xi32>
      tpu.vector_store_idx %arg43[%iota3A, %broadcast_in_dim3A_1426], %gather3A_1423 : memref<16x512xf32, #tpu.memory_space<vmem>>[vector<16xi32>, vector<16xi32>], vector<16xf32>,
    }
    %scan3A_182 = arith.constant 16 : i32
    %dma_wait3A = arith.constant 0 : i32
    %dma_wait3A_183 = arith.constant 0 : i32
    %dma_wait3A_184 = tpu.memref_slice %arg4[%dma_wait3A, %dma_wait3A_183] : memref<16x1000000xf32, #tpu.memory_space<hbm>> -> memref<16x128xf32, #tpu.memory_space<hbm>>
    %dma_wait3A_185 = arith.constant 0 : i32
    %dma_wait3A_186 = arith.constant 0 : i32
    %dma_wait3A_187 = tpu.memref_slice %arg4[%dma_wait3A_185, %dma_wait3A_186] : memref<16x1000000xf32, #tpu.memory_space<hbm>> -> memref<16x128xf32, #tpu.memory_space<hbm>>
    tpu.wait_dma2 semaphore(%arg46 : memref<!tpu.dma_semaphore, #tpu.memory_space<semaphore_mem>>) src(%dma_wait3A_187 : memref<16x128xf32, #tpu.memory_space<hbm>>) dst(%arg11 : memref<16x128xf32, #tpu.memory_space<vmem>>)
    %dma_wait3A_188 = arith.constant 0 : i32
    %dma_wait3A_189 = arith.constant 0 : i32
    %dma_wait3A_190 = tpu.memref_slice %arg4[%dma_wait3A_188, %dma_wait3A_189] : memref<16x1000000xf32, #tpu.memory_space<hbm>> -> memref<16x128xf32, #tpu.memory_space<hbm>>
    %dma_wait3A_191 = arith.constant 0 : i32
    %dma_wait3A_192 = arith.constant 0 : i32
    %dma_wait3A_193 = tpu.memref_slice %arg4[%dma_wait3A_191, %dma_wait3A_192] : memref<16x1000000xf32, #tpu.memory_space<hbm>> -> memref<16x128xf32, #tpu.memory_space<hbm>>
    tpu.wait_dma2 semaphore(%arg46 : memref<!tpu.dma_semaphore, #tpu.memory_space<semaphore_mem>>) src(%dma_wait3A_193 : memref<16x128xf32, #tpu.memory_space<hbm>>) dst(%arg12 : memref<16x128xf32, #tpu.memory_space<vmem>>)
    %dma_wait3A_194 = arith.constant 0 : i32
    %dma_wait3A_195 = arith.constant 0 : i32
    %dma_wait3A_196 = tpu.memref_slice %arg4[%dma_wait3A_194, %dma_wait3A_195] : memref<16x1000000xf32, #tpu.memory_space<hbm>> -> memref<16x128xf32, #tpu.memory_space<hbm>>
    %dma_wait3A_197 = arith.constant 0 : i32
    %dma_wait3A_198 = arith.constant 0 : i32
    %dma_wait3A_199 = tpu.memref_slice %arg4[%dma_wait3A_197, %dma_wait3A_198] : memref<16x1000000xf32, #tpu.memory_space<hbm>> -> memref<16x128xf32, #tpu.memory_space<hbm>>
    tpu.wait_dma2 semaphore(%arg46 : memref<!tpu.dma_semaphore, #tpu.memory_space<semaphore_mem>>) src(%dma_wait3A_199 : memref<16x128xf32, #tpu.memory_space<hbm>>) dst(%arg13 : memref<16x128xf32, #tpu.memory_space<vmem>>)
    %dma_wait3A_200 = arith.constant 0 : i32
    %dma_wait3A_201 = arith.constant 0 : i32
    %dma_wait3A_202 = tpu.memref_slice %arg4[%dma_wait3A_200, %dma_wait3A_201] : memref<16x1000000xf32, #tpu.memory_space<hbm>> -> memref<16x128xf32, #tpu.memory_space<hbm>>
    %dma_wait3A_203 = arith.constant 0 : i32
    %dma_wait3A_204 = arith.constant 0 : i32
    %dma_wait3A_205 = tpu.memref_slice %arg4[%dma_wait3A_203, %dma_wait3A_204] : memref<16x1000000xf32, #tpu.memory_space<hbm>> -> memref<16x128xf32, #tpu.memory_space<hbm>>
    tpu.wait_dma2 semaphore(%arg46 : memref<!tpu.dma_semaphore, #tpu.memory_space<semaphore_mem>>) src(%dma_wait3A_205 : memref<16x128xf32, #tpu.memory_space<hbm>>) dst(%arg14 : memref<16x128xf32, #tpu.memory_space<vmem>>)
    %dma_wait3A_206 = arith.constant 0 : i32
    %dma_wait3A_207 = arith.constant 0 : i32
    %dma_wait3A_208 = tpu.memref_slice %arg4[%dma_wait3A_206, %dma_wait3A_207] : memref<16x1000000xf32, #tpu.memory_space<hbm>> -> memref<16x128xf32, #tpu.memory_space<hbm>>
    %dma_wait3A_209 = arith.constant 0 : i32
    %dma_wait3A_210 = arith.constant 0 : i32
    %dma_wait3A_211 = tpu.memref_slice %arg4[%dma_wait3A_209, %dma_wait3A_210] : memref<16x1000000xf32, #tpu.memory_space<hbm>> -> memref<16x128xf32, #tpu.memory_space<hbm>>
    tpu.wait_dma2 semaphore(%arg46 : memref<!tpu.dma_semaphore, #tpu.memory_space<semaphore_mem>>) src(%dma_wait3A_211 : memref<16x128xf32, #tpu.memory_space<hbm>>) dst(%arg15 : memref<16x128xf32, #tpu.memory_space<vmem>>)
    %dma_wait3A_212 = arith.constant 0 : i32
    %dma_wait3A_213 = arith.constant 0 : i32
    %dma_wait3A_214 = tpu.memref_slice %arg4[%dma_wait3A_212, %dma_wait3A_213] : memref<16x1000000xf32, #tpu.memory_space<hbm>> -> memref<16x128xf32, #tpu.memory_space<hbm>>
    %dma_wait3A_215 = arith.constant 0 : i32
    %dma_wait3A_216 = arith.constant 0 : i32
    %dma_wait3A_217 = tpu.memref_slice %arg4[%dma_wait3A_215, %dma_wait3A_216] : memref<16x1000000xf32, #tpu.memory_space<hbm>> -> memref<16x128xf32, #tpu.memory_space<hbm>>
    tpu.wait_dma2 semaphore(%arg46 : memref<!tpu.dma_semaphore, #tpu.memory_space<semaphore_mem>>) src(%dma_wait3A_217 : memref<16x128xf32, #tpu.memory_space<hbm>>) dst(%arg16 : memref<16x128xf32, #tpu.memory_space<vmem>>)
    %dma_wait3A_218 = arith.constant 0 : i32
    %dma_wait3A_219 = arith.constant 0 : i32
    %dma_wait3A_220 = tpu.memref_slice %arg4[%dma_wait3A_218, %dma_wait3A_219] : memref<16x1000000xf32, #tpu.memory_space<hbm>> -> memref<16x128xf32, #tpu.memory_space<hbm>>
    %dma_wait3A_221 = arith.constant 0 : i32
    %dma_wait3A_222 = arith.constant 0 : i32
    %dma_wait3A_223 = tpu.memref_slice %arg4[%dma_wait3A_221, %dma_wait3A_222] : memref<16x1000000xf32, #tpu.memory_space<hbm>> -> memref<16x128xf32, #tpu.memory_space<hbm>>
    tpu.wait_dma2 semaphore(%arg46 : memref<!tpu.dma_semaphore, #tpu.memory_space<semaphore_mem>>) src(%dma_wait3A_223 : memref<16x128xf32, #tpu.memory_space<hbm>>) dst(%arg17 : memref<16x128xf32, #tpu.memory_space<vmem>>)
    %dma_wait3A_224 = arith.constant 0 : i32
    %dma_wait3A_225 = arith.constant 0 : i32
    %dma_wait3A_226 = tpu.memref_slice %arg4[%dma_wait3A_224, %dma_wait3A_225] : memref<16x1000000xf32, #tpu.memory_space<hbm>> -> memref<16x128xf32, #tpu.memory_space<hbm>>
    %dma_wait3A_227 = arith.constant 0 : i32
    %dma_wait3A_228 = arith.constant 0 : i32
    %dma_wait3A_229 = tpu.memref_slice %arg4[%dma_wait3A_227, %dma_wait3A_228] : memref<16x1000000xf32, #tpu.memory_space<hbm>> -> memref<16x128xf32, #tpu.memory_space<hbm>>
    tpu.wait_dma2 semaphore(%arg46 : memref<!tpu.dma_semaphore, #tpu.memory_space<semaphore_mem>>) src(%dma_wait3A_229 : memref<16x128xf32, #tpu.memory_space<hbm>>) dst(%arg18 : memref<16x128xf32, #tpu.memory_space<vmem>>)
    %dma_wait3A_230 = arith.constant 0 : i32
    %dma_wait3A_231 = arith.constant 0 : i32
    %dma_wait3A_232 = tpu.memref_slice %arg4[%dma_wait3A_230, %dma_wait3A_231] : memref<16x1000000xf32, #tpu.memory_space<hbm>> -> memref<16x128xf32, #tpu.memory_space<hbm>>
    %dma_wait3A_233 = arith.constant 0 : i32
    %dma_wait3A_234 = arith.constant 0 : i32
    %dma_wait3A_235 = tpu.memref_slice %arg4[%dma_wait3A_233, %dma_wait3A_234] : memref<16x1000000xf32, #tpu.memory_space<hbm>> -> memref<16x128xf32, #tpu.memory_space<hbm>>
    tpu.wait_dma2 semaphore(%arg46 : memref<!tpu.dma_semaphore, #tpu.memory_space<semaphore_mem>>) src(%dma_wait3A_235 : memref<16x128xf32, #tpu.memory_space<hbm>>) dst(%arg19 : memref<16x128xf32, #tpu.memory_space<vmem>>)
    %dma_wait3A_236 = arith.constant 0 : i32
    %dma_wait3A_237 = arith.constant 0 : i32
    %dma_wait3A_238 = tpu.memref_slice %arg4[%dma_wait3A_236, %dma_wait3A_237] : memref<16x1000000xf32, #tpu.memory_space<hbm>> -> memref<16x128xf32, #tpu.memory_space<hbm>>
    %dma_wait3A_239 = arith.constant 0 : i32
    %dma_wait3A_240 = arith.constant 0 : i32
    %dma_wait3A_241 = tpu.memref_slice %arg4[%dma_wait3A_239, %dma_wait3A_240] : memref<16x1000000xf32, #tpu.memory_space<hbm>> -> memref<16x128xf32, #tpu.memory_space<hbm>>
    tpu.wait_dma2 semaphore(%arg46 : memref<!tpu.dma_semaphore, #tpu.memory_space<semaphore_mem>>) src(%dma_wait3A_241 : memref<16x128xf32, #tpu.memory_space<hbm>>) dst(%arg20 : memref<16x128xf32, #tpu.memory_space<vmem>>)
    %dma_wait3A_242 = arith.constant 0 : i32
    %dma_wait3A_243 = arith.constant 0 : i32
    %dma_wait3A_244 = tpu.memref_slice %arg4[%dma_wait3A_242, %dma_wait3A_243] : memref<16x1000000xf32, #tpu.memory_space<hbm>> -> memref<16x128xf32, #tpu.memory_space<hbm>>
    %dma_wait3A_245 = arith.constant 0 : i32
    %dma_wait3A_246 = arith.constant 0 : i32
    %dma_wait3A_247 = tpu.memref_slice %arg4[%dma_wait3A_245, %dma_wait3A_246] : memref<16x1000000xf32, #tpu.memory_space<hbm>> -> memref<16x128xf32, #tpu.memory_space<hbm>>
    tpu.wait_dma2 semaphore(%arg46 : memref<!tpu.dma_semaphore, #tpu.memory_space<semaphore_mem>>) src(%dma_wait3A_247 : memref<16x128xf32, #tpu.memory_space<hbm>>) dst(%arg21 : memref<16x128xf32, #tpu.memory_space<vmem>>)
    %dma_wait3A_248 = arith.constant 0 : i32
    %dma_wait3A_249 = arith.constant 0 : i32
    %dma_wait3A_250 = tpu.memref_slice %arg4[%dma_wait3A_248, %dma_wait3A_249] : memref<16x1000000xf32, #tpu.memory_space<hbm>> -> memref<16x128xf32, #tpu.memory_space<hbm>>
    %dma_wait3A_251 = arith.constant 0 : i32
    %dma_wait3A_252 = arith.constant 0 : i32
    %dma_wait3A_253 = tpu.memref_slice %arg4[%dma_wait3A_251, %dma_wait3A_252] : memref<16x1000000xf32, #tpu.memory_space<hbm>> -> memref<16x128xf32, #tpu.memory_space<hbm>>
    tpu.wait_dma2 semaphore(%arg46 : memref<!tpu.dma_semaphore, #tpu.memory_space<semaphore_mem>>) src(%dma_wait3A_253 : memref<16x128xf32, #tpu.memory_space<hbm>>) dst(%arg22 : memref<16x128xf32, #tpu.memory_space<vmem>>)
    %dma_wait3A_254 = arith.constant 0 : i32
    %dma_wait3A_255 = arith.constant 0 : i32
    %dma_wait3A_256 = tpu.memref_slice %arg4[%dma_wait3A_254, %dma_wait3A_255] : memref<16x1000000xf32, #tpu.memory_space<hbm>> -> memref<16x128xf32, #tpu.memory_space<hbm>>
    %dma_wait3A_257 = arith.constant 0 : i32
    %dma_wait3A_258 = arith.constant 0 : i32
    %dma_wait3A_259 = tpu.memref_slice %arg4[%dma_wait3A_257, %dma_wait3A_258] : memref<16x1000000xf32, #tpu.memory_space<hbm>> -> memref<16x128xf32, #tpu.memory_space<hbm>>
    tpu.wait_dma2 semaphore(%arg46 : memref<!tpu.dma_semaphore, #tpu.memory_space<semaphore_mem>>) src(%dma_wait3A_259 : memref<16x128xf32, #tpu.memory_space<hbm>>) dst(%arg23 : memref<16x128xf32, #tpu.memory_space<vmem>>)
    %dma_wait3A_260 = arith.constant 0 : i32
    %dma_wait3A_261 = arith.constant 0 : i32
    %dma_wait3A_262 = tpu.memref_slice %arg4[%dma_wait3A_260, %dma_wait3A_261] : memref<16x1000000xf32, #tpu.memory_space<hbm>> -> memref<16x128xf32, #tpu.memory_space<hbm>>
    %dma_wait3A_263 = arith.constant 0 : i32
    %dma_wait3A_264 = arith.constant 0 : i32
    %dma_wait3A_265 = tpu.memref_slice %arg4[%dma_wait3A_263, %dma_wait3A_264] : memref<16x1000000xf32, #tpu.memory_space<hbm>> -> memref<16x128xf32, #tpu.memory_space<hbm>>
    tpu.wait_dma2 semaphore(%arg46 : memref<!tpu.dma_semaphore, #tpu.memory_space<semaphore_mem>>) src(%dma_wait3A_265 : memref<16x128xf32, #tpu.memory_space<hbm>>) dst(%arg24 : memref<16x128xf32, #tpu.memory_space<vmem>>)
    %dma_wait3A_266 = arith.constant 0 : i32
    %dma_wait3A_267 = arith.constant 0 : i32
    %dma_wait3A_268 = tpu.memref_slice %arg4[%dma_wait3A_266, %dma_wait3A_267] : memref<16x1000000xf32, #tpu.memory_space<hbm>> -> memref<16x128xf32, #tpu.memory_space<hbm>>
    %dma_wait3A_269 = arith.constant 0 : i32
    %dma_wait3A_270 = arith.constant 0 : i32
    %dma_wait3A_271 = tpu.memref_slice %arg4[%dma_wait3A_269, %dma_wait3A_270] : memref<16x1000000xf32, #tpu.memory_space<hbm>> -> memref<16x128xf32, #tpu.memory_space<hbm>>
    tpu.wait_dma2 semaphore(%arg46 : memref<!tpu.dma_semaphore, #tpu.memory_space<semaphore_mem>>) src(%dma_wait3A_271 : memref<16x128xf32, #tpu.memory_space<hbm>>) dst(%arg25 : memref<16x128xf32, #tpu.memory_space<vmem>>)
    %dma_wait3A_272 = arith.constant 0 : i32
    %dma_wait3A_273 = arith.constant 0 : i32
    %dma_wait3A_274 = tpu.memref_slice %arg4[%dma_wait3A_272, %dma_wait3A_273] : memref<16x1000000xf32, #tpu.memory_space<hbm>> -> memref<16x128xf32, #tpu.memory_space<hbm>>
    %dma_wait3A_275 = arith.constant 0 : i32
    %dma_wait3A_276 = arith.constant 0 : i32
    %dma_wait3A_277 = tpu.memref_slice %arg4[%dma_wait3A_275, %dma_wait3A_276] : memref<16x1000000xf32, #tpu.memory_space<hbm>> -> memref<16x128xf32, #tpu.memory_space<hbm>>
    tpu.wait_dma2 semaphore(%arg46 : memref<!tpu.dma_semaphore, #tpu.memory_space<semaphore_mem>>) src(%dma_wait3A_277 : memref<16x128xf32, #tpu.memory_space<hbm>>) dst(%arg26 : memref<16x128xf32, #tpu.memory_space<vmem>>)
    "tpu.region"() ({
      %run_scoped3A = tpu.sem_alloc : memref<!tpu.dma_semaphore, #tpu.memory_space<semaphore_mem>>
      %dma_start3A_569 = arith.constant 0 : i32
      %dma_start3A_570 = tpu.memref_slice %arg7[%dma_start3A_569, %mul3A_2] : memref<16x16384xf32, #tpu.memory_space<hbm>> -> memref<16x512xf32, #tpu.memory_space<hbm>>
      %dma_start3A_571 = arith.constant 0 : i32
      %dma_start3A_572 = tpu.memref_slice %arg7[%dma_start3A_571, %mul3A_2] : memref<16x16384xf32, #tpu.memory_space<hbm>> -> memref<16x512xf32, #tpu.memory_space<hbm>>
      tpu.enqueue_dma source(%arg43 : memref<16x512xf32, #tpu.memory_space<vmem>>) target(%dma_start3A_572 : memref<16x512xf32, #tpu.memory_space<hbm>>) target_semaphore(%run_scoped3A : memref<!tpu.dma_semaphore, #tpu.memory_space<semaphore_mem>>)
      %dma_wait3A_573 = arith.constant 0 : i32
      %dma_wait3A_574 = tpu.memref_slice %arg7[%dma_wait3A_573, %mul3A_2] : memref<16x16384xf32, #tpu.memory_space<hbm>> -> memref<16x512xf32, #tpu.memory_space<hbm>>
      %dma_wait3A_575 = arith.constant 0 : i32
      %dma_wait3A_576 = tpu.memref_slice %arg7[%dma_wait3A_575, %mul3A_2] : memref<16x16384xf32, #tpu.memory_space<hbm>> -> memref<16x512xf32, #tpu.memory_space<hbm>>
      tpu.wait_dma2 semaphore(%run_scoped3A : memref<!tpu.dma_semaphore, #tpu.memory_space<semaphore_mem>>) src(%arg43 : memref<16x512xf32, #tpu.memory_space<vmem>>) dst(%dma_wait3A_576 : memref<16x512xf32, #tpu.memory_space<hbm>>)
      tpu.yield
    }) : () -> ()
    %min3A_278 = arith.constant 0 : i32
    %min3A_279 = arith.constant 31 : i32
    %min3A_280 = arith.minsi %min3A_278, %min3A_279 : i32
    %mul3A_281 = arith.constant 16 : i32
    %mul3A_282 = arith.muli %min3A_280, %mul3A_281 : i32
    %get3A_283 = arith.index_cast %mul3A_282 : i32 to index
    %get3A_284 = tpu.vector_load %arg10[%get3A_283] {strides = array<i32>} : memref<512xi32, #tpu.memory_space<vmem>>, vector<16xi32>,
    %slice3A_285 = vector.extract_strided_slice %get3A_284 {offsets = [0], sizes = [1], strides = [1]} : vector<16xi32> to vector<1xi32>
    %squeeze3A_286 = vector.extract %slice3A_285[0] : i32 from vector<1xi32>
    %shift_right_logical3A_287 = arith.constant 7 : i32
    %shift_right_logical3A_288 = arith.shrui %squeeze3A_286, %shift_right_logical3A_287 : i32
    %shift_left3A_289 = arith.constant 7 : i32
    %shift_left3A_290 = arith.shli %shift_right_logical3A_288, %shift_left3A_289 : i32
    %multiple_of3A_291 = tpu.assume_multiple %shift_left3A_290, 128 : i32
    %dma_start3A_292 = arith.constant 0 : i32
    %dma_start3A_293 = tpu.memref_slice %arg5[%dma_start3A_292, %multiple_of3A_291] : memref<16x1000000xf32, #tpu.memory_space<hbm>> -> memref<16x128xf32, #tpu.memory_space<hbm>>
    %dma_start3A_294 = arith.constant 0 : i32
    %dma_start3A_295 = tpu.memref_slice %arg5[%dma_start3A_294, %multiple_of3A_291] : memref<16x1000000xf32, #tpu.memory_space<hbm>> -> memref<16x128xf32, #tpu.memory_space<hbm>>
    tpu.enqueue_dma source(%dma_start3A_295 : memref<16x128xf32, #tpu.memory_space<hbm>>) target(%arg11 : memref<16x128xf32, #tpu.memory_space<vmem>>) target_semaphore(%arg46 : memref<!tpu.dma_semaphore, #tpu.memory_space<semaphore_mem>>)
    %slice3A_296 = vector.extract_strided_slice %get3A_284 {offsets = [1], sizes = [1], strides = [1]} : vector<16xi32> to vector<1xi32>
    %squeeze3A_297 = vector.extract %slice3A_296[0] : i32 from vector<1xi32>
    %shift_right_logical3A_298 = arith.constant 7 : i32
    %shift_right_logical3A_299 = arith.shrui %squeeze3A_297, %shift_right_logical3A_298 : i32
    %shift_left3A_300 = arith.constant 7 : i32
    %shift_left3A_301 = arith.shli %shift_right_logical3A_299, %shift_left3A_300 : i32
    %multiple_of3A_302 = tpu.assume_multiple %shift_left3A_301, 128 : i32
    %dma_start3A_303 = arith.constant 0 : i32
    %dma_start3A_304 = tpu.memref_slice %arg5[%dma_start3A_303, %multiple_of3A_302] : memref<16x1000000xf32, #tpu.memory_space<hbm>> -> memref<16x128xf32, #tpu.memory_space<hbm>>
    %dma_start3A_305 = arith.constant 0 : i32
    %dma_start3A_306 = tpu.memref_slice %arg5[%dma_start3A_305, %multiple_of3A_302] : memref<16x1000000xf32, #tpu.memory_space<hbm>> -> memref<16x128xf32, #tpu.memory_space<hbm>>
    tpu.enqueue_dma source(%dma_start3A_306 : memref<16x128xf32, #tpu.memory_space<hbm>>) target(%arg12 : memref<16x128xf32, #tpu.memory_space<vmem>>) target_semaphore(%arg46 : memref<!tpu.dma_semaphore, #tpu.memory_space<semaphore_mem>>)
    %slice3A_307 = vector.extract_strided_slice %get3A_284 {offsets = [2], sizes = [1], strides = [1]} : vector<16xi32> to vector<1xi32>
    %squeeze3A_308 = vector.extract %slice3A_307[0] : i32 from vector<1xi32>
    %shift_right_logical3A_309 = arith.constant 7 : i32
    %shift_right_logical3A_310 = arith.shrui %squeeze3A_308, %shift_right_logical3A_309 : i32
    %shift_left3A_311 = arith.constant 7 : i32
    %shift_left3A_312 = arith.shli %shift_right_logical3A_310, %shift_left3A_311 : i32
    %multiple_of3A_313 = tpu.assume_multiple %shift_left3A_312, 128 : i32
    %dma_start3A_314 = arith.constant 0 : i32
    %dma_start3A_315 = tpu.memref_slice %arg5[%dma_start3A_314, %multiple_of3A_313] : memref<16x1000000xf32, #tpu.memory_space<hbm>> -> memref<16x128xf32, #tpu.memory_space<hbm>>
    %dma_start3A_316 = arith.constant 0 : i32
    %dma_start3A_317 = tpu.memref_slice %arg5[%dma_start3A_316, %multiple_of3A_313] : memref<16x1000000xf32, #tpu.memory_space<hbm>> -> memref<16x128xf32, #tpu.memory_space<hbm>>
    tpu.enqueue_dma source(%dma_start3A_317 : memref<16x128xf32, #tpu.memory_space<hbm>>) target(%arg13 : memref<16x128xf32, #tpu.memory_space<vmem>>) target_semaphore(%arg46 : memref<!tpu.dma_semaphore, #tpu.memory_space<semaphore_mem>>)
    %slice3A_318 = vector.extract_strided_slice %get3A_284 {offsets = [3], sizes = [1], strides = [1]} : vector<16xi32> to vector<1xi32>
    %squeeze3A_319 = vector.extract %slice3A_318[0] : i32 from vector<1xi32>
    %shift_right_logical3A_320 = arith.constant 7 : i32
    %shift_right_logical3A_321 = arith.shrui %squeeze3A_319, %shift_right_logical3A_320 : i32
    %shift_left3A_322 = arith.constant 7 : i32
    %shift_left3A_323 = arith.shli %shift_right_logical3A_321, %shift_left3A_322 : i32
    %multiple_of3A_324 = tpu.assume_multiple %shift_left3A_323, 128 : i32
    %dma_start3A_325 = arith.constant 0 : i32
    %dma_start3A_326 = tpu.memref_slice %arg5[%dma_start3A_325, %multiple_of3A_324] : memref<16x1000000xf32, #tpu.memory_space<hbm>> -> memref<16x128xf32, #tpu.memory_space<hbm>>
    %dma_start3A_327 = arith.constant 0 : i32
    %dma_start3A_328 = tpu.memref_slice %arg5[%dma_start3A_327, %multiple_of3A_324] : memref<16x1000000xf32, #tpu.memory_space<hbm>> -> memref<16x128xf32, #tpu.memory_space<hbm>>
    tpu.enqueue_dma source(%dma_start3A_328 : memref<16x128xf32, #tpu.memory_space<hbm>>) target(%arg14 : memref<16x128xf32, #tpu.memory_space<vmem>>) target_semaphore(%arg46 : memref<!tpu.dma_semaphore, #tpu.memory_space<semaphore_mem>>)
    %slice3A_329 = vector.extract_strided_slice %get3A_284 {offsets = [4], sizes = [1], strides = [1]} : vector<16xi32> to vector<1xi32>
    %squeeze3A_330 = vector.extract %slice3A_329[0] : i32 from vector<1xi32>
    %shift_right_logical3A_331 = arith.constant 7 : i32
    %shift_right_logical3A_332 = arith.shrui %squeeze3A_330, %shift_right_logical3A_331 : i32
    %shift_left3A_333 = arith.constant 7 : i32
    %shift_left3A_334 = arith.shli %shift_right_logical3A_332, %shift_left3A_333 : i32
    %multiple_of3A_335 = tpu.assume_multiple %shift_left3A_334, 128 : i32
    %dma_start3A_336 = arith.constant 0 : i32
    %dma_start3A_337 = tpu.memref_slice %arg5[%dma_start3A_336, %multiple_of3A_335] : memref<16x1000000xf32, #tpu.memory_space<hbm>> -> memref<16x128xf32, #tpu.memory_space<hbm>>
    %dma_start3A_338 = arith.constant 0 : i32
    %dma_start3A_339 = tpu.memref_slice %arg5[%dma_start3A_338, %multiple_of3A_335] : memref<16x1000000xf32, #tpu.memory_space<hbm>> -> memref<16x128xf32, #tpu.memory_space<hbm>>
    tpu.enqueue_dma source(%dma_start3A_339 : memref<16x128xf32, #tpu.memory_space<hbm>>) target(%arg15 : memref<16x128xf32, #tpu.memory_space<vmem>>) target_semaphore(%arg46 : memref<!tpu.dma_semaphore, #tpu.memory_space<semaphore_mem>>)
    %slice3A_340 = vector.extract_strided_slice %get3A_284 {offsets = [5], sizes = [1], strides = [1]} : vector<16xi32> to vector<1xi32>
    %squeeze3A_341 = vector.extract %slice3A_340[0] : i32 from vector<1xi32>
    %shift_right_logical3A_342 = arith.constant 7 : i32
    %shift_right_logical3A_343 = arith.shrui %squeeze3A_341, %shift_right_logical3A_342 : i32
    %shift_left3A_344 = arith.constant 7 : i32
    %shift_left3A_345 = arith.shli %shift_right_logical3A_343, %shift_left3A_344 : i32
    %multiple_of3A_346 = tpu.assume_multiple %shift_left3A_345, 128 : i32
    %dma_start3A_347 = arith.constant 0 : i32
    %dma_start3A_348 = tpu.memref_slice %arg5[%dma_start3A_347, %multiple_of3A_346] : memref<16x1000000xf32, #tpu.memory_space<hbm>> -> memref<16x128xf32, #tpu.memory_space<hbm>>
    %dma_start3A_349 = arith.constant 0 : i32
    %dma_start3A_350 = tpu.memref_slice %arg5[%dma_start3A_349, %multiple_of3A_346] : memref<16x1000000xf32, #tpu.memory_space<hbm>> -> memref<16x128xf32, #tpu.memory_space<hbm>>
    tpu.enqueue_dma source(%dma_start3A_350 : memref<16x128xf32, #tpu.memory_space<hbm>>) target(%arg16 : memref<16x128xf32, #tpu.memory_space<vmem>>) target_semaphore(%arg46 : memref<!tpu.dma_semaphore, #tpu.memory_space<semaphore_mem>>)
    %slice3A_351 = vector.extract_strided_slice %get3A_284 {offsets = [6], sizes = [1], strides = [1]} : vector<16xi32> to vector<1xi32>
    %squeeze3A_352 = vector.extract %slice3A_351[0] : i32 from vector<1xi32>
    %shift_right_logical3A_353 = arith.constant 7 : i32
    %shift_right_logical3A_354 = arith.shrui %squeeze3A_352, %shift_right_logical3A_353 : i32
    %shift_left3A_355 = arith.constant 7 : i32
    %shift_left3A_356 = arith.shli %shift_right_logical3A_354, %shift_left3A_355 : i32
    %multiple_of3A_357 = tpu.assume_multiple %shift_left3A_356, 128 : i32
    %dma_start3A_358 = arith.constant 0 : i32
    %dma_start3A_359 = tpu.memref_slice %arg5[%dma_start3A_358, %multiple_of3A_357] : memref<16x1000000xf32, #tpu.memory_space<hbm>> -> memref<16x128xf32, #tpu.memory_space<hbm>>
    %dma_start3A_360 = arith.constant 0 : i32
    %dma_start3A_361 = tpu.memref_slice %arg5[%dma_start3A_360, %multiple_of3A_357] : memref<16x1000000xf32, #tpu.memory_space<hbm>> -> memref<16x128xf32, #tpu.memory_space<hbm>>
    tpu.enqueue_dma source(%dma_start3A_361 : memref<16x128xf32, #tpu.memory_space<hbm>>) target(%arg17 : memref<16x128xf32, #tpu.memory_space<vmem>>) target_semaphore(%arg46 : memref<!tpu.dma_semaphore, #tpu.memory_space<semaphore_mem>>)
    %slice3A_362 = vector.extract_strided_slice %get3A_284 {offsets = [7], sizes = [1], strides = [1]} : vector<16xi32> to vector<1xi32>
    %squeeze3A_363 = vector.extract %slice3A_362[0] : i32 from vector<1xi32>
    %shift_right_logical3A_364 = arith.constant 7 : i32
    %shift_right_logical3A_365 = arith.shrui %squeeze3A_363, %shift_right_logical3A_364 : i32
    %shift_left3A_366 = arith.constant 7 : i32
    %shift_left3A_367 = arith.shli %shift_right_logical3A_365, %shift_left3A_366 : i32
    %multiple_of3A_368 = tpu.assume_multiple %shift_left3A_367, 128 : i32
    %dma_start3A_369 = arith.constant 0 : i32
    %dma_start3A_370 = tpu.memref_slice %arg5[%dma_start3A_369, %multiple_of3A_368] : memref<16x1000000xf32, #tpu.memory_space<hbm>> -> memref<16x128xf32, #tpu.memory_space<hbm>>
    %dma_start3A_371 = arith.constant 0 : i32
    %dma_start3A_372 = tpu.memref_slice %arg5[%dma_start3A_371, %multiple_of3A_368] : memref<16x1000000xf32, #tpu.memory_space<hbm>> -> memref<16x128xf32, #tpu.memory_space<hbm>>
    tpu.enqueue_dma source(%dma_start3A_372 : memref<16x128xf32, #tpu.memory_space<hbm>>) target(%arg18 : memref<16x128xf32, #tpu.memory_space<vmem>>) target_semaphore(%arg46 : memref<!tpu.dma_semaphore, #tpu.memory_space<semaphore_mem>>)
    %slice3A_373 = vector.extract_strided_slice %get3A_284 {offsets = [8], sizes = [1], strides = [1]} : vector<16xi32> to vector<1xi32>
    %squeeze3A_374 = vector.extract %slice3A_373[0] : i32 from vector<1xi32>
    %shift_right_logical3A_375 = arith.constant 7 : i32
    %shift_right_logical3A_376 = arith.shrui %squeeze3A_374, %shift_right_logical3A_375 : i32
    %shift_left3A_377 = arith.constant 7 : i32
    %shift_left3A_378 = arith.shli %shift_right_logical3A_376, %shift_left3A_377 : i32
    %multiple_of3A_379 = tpu.assume_multiple %shift_left3A_378, 128 : i32
    %dma_start3A_380 = arith.constant 0 : i32
    %dma_start3A_381 = tpu.memref_slice %arg5[%dma_start3A_380, %multiple_of3A_379] : memref<16x1000000xf32, #tpu.memory_space<hbm>> -> memref<16x128xf32, #tpu.memory_space<hbm>>
    %dma_start3A_382 = arith.constant 0 : i32
    %dma_start3A_383 = tpu.memref_slice %arg5[%dma_start3A_382, %multiple_of3A_379] : memref<16x1000000xf32, #tpu.memory_space<hbm>> -> memref<16x128xf32, #tpu.memory_space<hbm>>
    tpu.enqueue_dma source(%dma_start3A_383 : memref<16x128xf32, #tpu.memory_space<hbm>>) target(%arg19 : memref<16x128xf32, #tpu.memory_space<vmem>>) target_semaphore(%arg46 : memref<!tpu.dma_semaphore, #tpu.memory_space<semaphore_mem>>)
    %slice3A_384 = vector.extract_strided_slice %get3A_284 {offsets = [9], sizes = [1], strides = [1]} : vector<16xi32> to vector<1xi32>
    %squeeze3A_385 = vector.extract %slice3A_384[0] : i32 from vector<1xi32>
    %shift_right_logical3A_386 = arith.constant 7 : i32
    %shift_right_logical3A_387 = arith.shrui %squeeze3A_385, %shift_right_logical3A_386 : i32
    %shift_left3A_388 = arith.constant 7 : i32
    %shift_left3A_389 = arith.shli %shift_right_logical3A_387, %shift_left3A_388 : i32
    %multiple_of3A_390 = tpu.assume_multiple %shift_left3A_389, 128 : i32
    %dma_start3A_391 = arith.constant 0 : i32
    %dma_start3A_392 = tpu.memref_slice %arg5[%dma_start3A_391, %multiple_of3A_390] : memref<16x1000000xf32, #tpu.memory_space<hbm>> -> memref<16x128xf32, #tpu.memory_space<hbm>>
    %dma_start3A_393 = arith.constant 0 : i32
    %dma_start3A_394 = tpu.memref_slice %arg5[%dma_start3A_393, %multiple_of3A_390] : memref<16x1000000xf32, #tpu.memory_space<hbm>> -> memref<16x128xf32, #tpu.memory_space<hbm>>
    tpu.enqueue_dma source(%dma_start3A_394 : memref<16x128xf32, #tpu.memory_space<hbm>>) target(%arg20 : memref<16x128xf32, #tpu.memory_space<vmem>>) target_semaphore(%arg46 : memref<!tpu.dma_semaphore, #tpu.memory_space<semaphore_mem>>)
    %slice3A_395 = vector.extract_strided_slice %get3A_284 {offsets = [10], sizes = [1], strides = [1]} : vector<16xi32> to vector<1xi32>
    %squeeze3A_396 = vector.extract %slice3A_395[0] : i32 from vector<1xi32>
    %shift_right_logical3A_397 = arith.constant 7 : i32
    %shift_right_logical3A_398 = arith.shrui %squeeze3A_396, %shift_right_logical3A_397 : i32
    %shift_left3A_399 = arith.constant 7 : i32
    %shift_left3A_400 = arith.shli %shift_right_logical3A_398, %shift_left3A_399 : i32
    %multiple_of3A_401 = tpu.assume_multiple %shift_left3A_400, 128 : i32
    %dma_start3A_402 = arith.constant 0 : i32
    %dma_start3A_403 = tpu.memref_slice %arg5[%dma_start3A_402, %multiple_of3A_401] : memref<16x1000000xf32, #tpu.memory_space<hbm>> -> memref<16x128xf32, #tpu.memory_space<hbm>>
    %dma_start3A_404 = arith.constant 0 : i32
    %dma_start3A_405 = tpu.memref_slice %arg5[%dma_start3A_404, %multiple_of3A_401] : memref<16x1000000xf32, #tpu.memory_space<hbm>> -> memref<16x128xf32, #tpu.memory_space<hbm>>
    tpu.enqueue_dma source(%dma_start3A_405 : memref<16x128xf32, #tpu.memory_space<hbm>>) target(%arg21 : memref<16x128xf32, #tpu.memory_space<vmem>>) target_semaphore(%arg46 : memref<!tpu.dma_semaphore, #tpu.memory_space<semaphore_mem>>)
    %slice3A_406 = vector.extract_strided_slice %get3A_284 {offsets = [11], sizes = [1], strides = [1]} : vector<16xi32> to vector<1xi32>
    %squeeze3A_407 = vector.extract %slice3A_406[0] : i32 from vector<1xi32>
    %shift_right_logical3A_408 = arith.constant 7 : i32
    %shift_right_logical3A_409 = arith.shrui %squeeze3A_407, %shift_right_logical3A_408 : i32
    %shift_left3A_410 = arith.constant 7 : i32
    %shift_left3A_411 = arith.shli %shift_right_logical3A_409, %shift_left3A_410 : i32
    %multiple_of3A_412 = tpu.assume_multiple %shift_left3A_411, 128 : i32
    %dma_start3A_413 = arith.constant 0 : i32
    %dma_start3A_414 = tpu.memref_slice %arg5[%dma_start3A_413, %multiple_of3A_412] : memref<16x1000000xf32, #tpu.memory_space<hbm>> -> memref<16x128xf32, #tpu.memory_space<hbm>>
    %dma_start3A_415 = arith.constant 0 : i32
    %dma_start3A_416 = tpu.memref_slice %arg5[%dma_start3A_415, %multiple_of3A_412] : memref<16x1000000xf32, #tpu.memory_space<hbm>> -> memref<16x128xf32, #tpu.memory_space<hbm>>
    tpu.enqueue_dma source(%dma_start3A_416 : memref<16x128xf32, #tpu.memory_space<hbm>>) target(%arg22 : memref<16x128xf32, #tpu.memory_space<vmem>>) target_semaphore(%arg46 : memref<!tpu.dma_semaphore, #tpu.memory_space<semaphore_mem>>)
    %slice3A_417 = vector.extract_strided_slice %get3A_284 {offsets = [12], sizes = [1], strides = [1]} : vector<16xi32> to vector<1xi32>
    %squeeze3A_418 = vector.extract %slice3A_417[0] : i32 from vector<1xi32>
    %shift_right_logical3A_419 = arith.constant 7 : i32
    %shift_right_logical3A_420 = arith.shrui %squeeze3A_418, %shift_right_logical3A_419 : i32
    %shift_left3A_421 = arith.constant 7 : i32
    %shift_left3A_422 = arith.shli %shift_right_logical3A_420, %shift_left3A_421 : i32
    %multiple_of3A_423 = tpu.assume_multiple %shift_left3A_422, 128 : i32
    %dma_start3A_424 = arith.constant 0 : i32
    %dma_start3A_425 = tpu.memref_slice %arg5[%dma_start3A_424, %multiple_of3A_423] : memref<16x1000000xf32, #tpu.memory_space<hbm>> -> memref<16x128xf32, #tpu.memory_space<hbm>>
    %dma_start3A_426 = arith.constant 0 : i32
    %dma_start3A_427 = tpu.memref_slice %arg5[%dma_start3A_426, %multiple_of3A_423] : memref<16x1000000xf32, #tpu.memory_space<hbm>> -> memref<16x128xf32, #tpu.memory_space<hbm>>
    tpu.enqueue_dma source(%dma_start3A_427 : memref<16x128xf32, #tpu.memory_space<hbm>>) target(%arg23 : memref<16x128xf32, #tpu.memory_space<vmem>>) target_semaphore(%arg46 : memref<!tpu.dma_semaphore, #tpu.memory_space<semaphore_mem>>)
    %slice3A_428 = vector.extract_strided_slice %get3A_284 {offsets = [13], sizes = [1], strides = [1]} : vector<16xi32> to vector<1xi32>
    %squeeze3A_429 = vector.extract %slice3A_428[0] : i32 from vector<1xi32>
    %shift_right_logical3A_430 = arith.constant 7 : i32
    %shift_right_logical3A_431 = arith.shrui %squeeze3A_429, %shift_right_logical3A_430 : i32
    %shift_left3A_432 = arith.constant 7 : i32
    %shift_left3A_433 = arith.shli %shift_right_logical3A_431, %shift_left3A_432 : i32
    %multiple_of3A_434 = tpu.assume_multiple %shift_left3A_433, 128 : i32
    %dma_start3A_435 = arith.constant 0 : i32
    %dma_start3A_436 = tpu.memref_slice %arg5[%dma_start3A_435, %multiple_of3A_434] : memref<16x1000000xf32, #tpu.memory_space<hbm>> -> memref<16x128xf32, #tpu.memory_space<hbm>>
    %dma_start3A_437 = arith.constant 0 : i32
    %dma_start3A_438 = tpu.memref_slice %arg5[%dma_start3A_437, %multiple_of3A_434] : memref<16x1000000xf32, #tpu.memory_space<hbm>> -> memref<16x128xf32, #tpu.memory_space<hbm>>
    tpu.enqueue_dma source(%dma_start3A_438 : memref<16x128xf32, #tpu.memory_space<hbm>>) target(%arg24 : memref<16x128xf32, #tpu.memory_space<vmem>>) target_semaphore(%arg46 : memref<!tpu.dma_semaphore, #tpu.memory_space<semaphore_mem>>)
    %slice3A_439 = vector.extract_strided_slice %get3A_284 {offsets = [14], sizes = [1], strides = [1]} : vector<16xi32> to vector<1xi32>
    %squeeze3A_440 = vector.extract %slice3A_439[0] : i32 from vector<1xi32>
    %shift_right_logical3A_441 = arith.constant 7 : i32
    %shift_right_logical3A_442 = arith.shrui %squeeze3A_440, %shift_right_logical3A_441 : i32
    %shift_left3A_443 = arith.constant 7 : i32
    %shift_left3A_444 = arith.shli %shift_right_logical3A_442, %shift_left3A_443 : i32
    %multiple_of3A_445 = tpu.assume_multiple %shift_left3A_444, 128 : i32
    %dma_start3A_446 = arith.constant 0 : i32
    %dma_start3A_447 = tpu.memref_slice %arg5[%dma_start3A_446, %multiple_of3A_445] : memref<16x1000000xf32, #tpu.memory_space<hbm>> -> memref<16x128xf32, #tpu.memory_space<hbm>>
    %dma_start3A_448 = arith.constant 0 : i32
    %dma_start3A_449 = tpu.memref_slice %arg5[%dma_start3A_448, %multiple_of3A_445] : memref<16x1000000xf32, #tpu.memory_space<hbm>> -> memref<16x128xf32, #tpu.memory_space<hbm>>
    tpu.enqueue_dma source(%dma_start3A_449 : memref<16x128xf32, #tpu.memory_space<hbm>>) target(%arg25 : memref<16x128xf32, #tpu.memory_space<vmem>>) target_semaphore(%arg46 : memref<!tpu.dma_semaphore, #tpu.memory_space<semaphore_mem>>)
    %slice3A_450 = vector.extract_strided_slice %get3A_284 {offsets = [15], sizes = [1], strides = [1]} : vector<16xi32> to vector<1xi32>
    %squeeze3A_451 = vector.extract %slice3A_450[0] : i32 from vector<1xi32>
    %shift_right_logical3A_452 = arith.constant 7 : i32
    %shift_right_logical3A_453 = arith.shrui %squeeze3A_451, %shift_right_logical3A_452 : i32
    %shift_left3A_454 = arith.constant 7 : i32
    %shift_left3A_455 = arith.shli %shift_right_logical3A_453, %shift_left3A_454 : i32
    %multiple_of3A_456 = tpu.assume_multiple %shift_left3A_455, 128 : i32
    %dma_start3A_457 = arith.constant 0 : i32
    %dma_start3A_458 = tpu.memref_slice %arg5[%dma_start3A_457, %multiple_of3A_456] : memref<16x1000000xf32, #tpu.memory_space<hbm>> -> memref<16x128xf32, #tpu.memory_space<hbm>>
    %dma_start3A_459 = arith.constant 0 : i32
    %dma_start3A_460 = tpu.memref_slice %arg5[%dma_start3A_459, %multiple_of3A_456] : memref<16x1000000xf32, #tpu.memory_space<hbm>> -> memref<16x128xf32, #tpu.memory_space<hbm>>
    tpu.enqueue_dma source(%dma_start3A_460 : memref<16x128xf32, #tpu.memory_space<hbm>>) target(%arg26 : memref<16x128xf32, #tpu.memory_space<vmem>>) target_semaphore(%arg46 : memref<!tpu.dma_semaphore, #tpu.memory_space<semaphore_mem>>)
    %scan3A_461 = arith.constant 0 : i32
    %scan3A_462 = arith.constant 0 : i32
    %scan3A_463 = arith.constant 16 : i32
    %scan3A_464 = arith.addi %scan3A_462, %scan3A_463 : i32
    %scan3A_465 = arith.constant 1 : i32
    scf.for %scan3A_569 = %scan3A_462 to %scan3A_464 step %scan3A_465  : i32 {
      %mul3A_570 = arith.constant 2 : i32
      %mul3A_571 = arith.muli %scan3A_569, %mul3A_570 : i32
      %add3A_572 = arith.constant 1 : i32
      %add3A_573 = arith.addi %mul3A_571, %add3A_572 : i32
      %min3A_574 = arith.constant 31 : i32
      %min3A_575 = arith.minsi %add3A_573, %min3A_574 : i32
      %mul3A_576 = arith.constant 16 : i32
      %mul3A_577 = arith.muli %min3A_575, %mul3A_576 : i32
      %get3A_578 = arith.index_cast %mul3A_577 : i32 to index
      %get3A_579 = tpu.vector_load %arg10[%get3A_578] {strides = array<i32>} : memref<512xi32, #tpu.memory_space<vmem>>, vector<16xi32>,
      %slice3A_580 = vector.extract_strided_slice %get3A_579 {offsets = [0], sizes = [1], strides = [1]} : vector<16xi32> to vector<1xi32>
      %squeeze3A_581 = vector.extract %slice3A_580[0] : i32 from vector<1xi32>
      %shift_right_logical3A_582 = arith.constant 7 : i32
      %shift_right_logical3A_583 = arith.shrui %squeeze3A_581, %shift_right_logical3A_582 : i32
      %shift_left3A_584 = arith.constant 7 : i32
      %shift_left3A_585 = arith.shli %shift_right_logical3A_583, %shift_left3A_584 : i32
      %multiple_of3A_586 = tpu.assume_multiple %shift_left3A_585, 128 : i32
      %dma_start3A_587 = arith.constant 0 : i32
      %dma_start3A_588 = tpu.memref_slice %arg5[%dma_start3A_587, %multiple_of3A_586] : memref<16x1000000xf32, #tpu.memory_space<hbm>> -> memref<16x128xf32, #tpu.memory_space<hbm>>
      %dma_start3A_589 = arith.constant 0 : i32
      %dma_start3A_590 = tpu.memref_slice %arg5[%dma_start3A_589, %multiple_of3A_586] : memref<16x1000000xf32, #tpu.memory_space<hbm>> -> memref<16x128xf32, #tpu.memory_space<hbm>>
      tpu.enqueue_dma source(%dma_start3A_590 : memref<16x128xf32, #tpu.memory_space<hbm>>) target(%arg27 : memref<16x128xf32, #tpu.memory_space<vmem>>) target_semaphore(%arg47 : memref<!tpu.dma_semaphore, #tpu.memory_space<semaphore_mem>>)
      %slice3A_591 = vector.extract_strided_slice %get3A_579 {offsets = [1], sizes = [1], strides = [1]} : vector<16xi32> to vector<1xi32>
      %squeeze3A_592 = vector.extract %slice3A_591[0] : i32 from vector<1xi32>
      %shift_right_logical3A_593 = arith.constant 7 : i32
      %shift_right_logical3A_594 = arith.shrui %squeeze3A_592, %shift_right_logical3A_593 : i32
      %shift_left3A_595 = arith.constant 7 : i32
      %shift_left3A_596 = arith.shli %shift_right_logical3A_594, %shift_left3A_595 : i32
      %multiple_of3A_597 = tpu.assume_multiple %shift_left3A_596, 128 : i32
      %dma_start3A_598 = arith.constant 0 : i32
      %dma_start3A_599 = tpu.memref_slice %arg5[%dma_start3A_598, %multiple_of3A_597] : memref<16x1000000xf32, #tpu.memory_space<hbm>> -> memref<16x128xf32, #tpu.memory_space<hbm>>
      %dma_start3A_600 = arith.constant 0 : i32
      %dma_start3A_601 = tpu.memref_slice %arg5[%dma_start3A_600, %multiple_of3A_597] : memref<16x1000000xf32, #tpu.memory_space<hbm>> -> memref<16x128xf32, #tpu.memory_space<hbm>>
      tpu.enqueue_dma source(%dma_start3A_601 : memref<16x128xf32, #tpu.memory_space<hbm>>) target(%arg28 : memref<16x128xf32, #tpu.memory_space<vmem>>) target_semaphore(%arg47 : memref<!tpu.dma_semaphore, #tpu.memory_space<semaphore_mem>>)
      %slice3A_602 = vector.extract_strided_slice %get3A_579 {offsets = [2], sizes = [1], strides = [1]} : vector<16xi32> to vector<1xi32>
      %squeeze3A_603 = vector.extract %slice3A_602[0] : i32 from vector<1xi32>
      %shift_right_logical3A_604 = arith.constant 7 : i32
      %shift_right_logical3A_605 = arith.shrui %squeeze3A_603, %shift_right_logical3A_604 : i32
      %shift_left3A_606 = arith.constant 7 : i32
      %shift_left3A_607 = arith.shli %shift_right_logical3A_605, %shift_left3A_606 : i32
      %multiple_of3A_608 = tpu.assume_multiple %shift_left3A_607, 128 : i32
      %dma_start3A_609 = arith.constant 0 : i32
      %dma_start3A_610 = tpu.memref_slice %arg5[%dma_start3A_609, %multiple_of3A_608] : memref<16x1000000xf32, #tpu.memory_space<hbm>> -> memref<16x128xf32, #tpu.memory_space<hbm>>
      %dma_start3A_611 = arith.constant 0 : i32
      %dma_start3A_612 = tpu.memref_slice %arg5[%dma_start3A_611, %multiple_of3A_608] : memref<16x1000000xf32, #tpu.memory_space<hbm>> -> memref<16x128xf32, #tpu.memory_space<hbm>>
      tpu.enqueue_dma source(%dma_start3A_612 : memref<16x128xf32, #tpu.memory_space<hbm>>) target(%arg29 : memref<16x128xf32, #tpu.memory_space<vmem>>) target_semaphore(%arg47 : memref<!tpu.dma_semaphore, #tpu.memory_space<semaphore_mem>>)
      %slice3A_613 = vector.extract_strided_slice %get3A_579 {offsets = [3], sizes = [1], strides = [1]} : vector<16xi32> to vector<1xi32>
      %squeeze3A_614 = vector.extract %slice3A_613[0] : i32 from vector<1xi32>
      %shift_right_logical3A_615 = arith.constant 7 : i32
      %shift_right_logical3A_616 = arith.shrui %squeeze3A_614, %shift_right_logical3A_615 : i32
      %shift_left3A_617 = arith.constant 7 : i32
      %shift_left3A_618 = arith.shli %shift_right_logical3A_616, %shift_left3A_617 : i32
      %multiple_of3A_619 = tpu.assume_multiple %shift_left3A_618, 128 : i32
      %dma_start3A_620 = arith.constant 0 : i32
      %dma_start3A_621 = tpu.memref_slice %arg5[%dma_start3A_620, %multiple_of3A_619] : memref<16x1000000xf32, #tpu.memory_space<hbm>> -> memref<16x128xf32, #tpu.memory_space<hbm>>
      %dma_start3A_622 = arith.constant 0 : i32
      %dma_start3A_623 = tpu.memref_slice %arg5[%dma_start3A_622, %multiple_of3A_619] : memref<16x1000000xf32, #tpu.memory_space<hbm>> -> memref<16x128xf32, #tpu.memory_space<hbm>>
      tpu.enqueue_dma source(%dma_start3A_623 : memref<16x128xf32, #tpu.memory_space<hbm>>) target(%arg30 : memref<16x128xf32, #tpu.memory_space<vmem>>) target_semaphore(%arg47 : memref<!tpu.dma_semaphore, #tpu.memory_space<semaphore_mem>>)
      %slice3A_624 = vector.extract_strided_slice %get3A_579 {offsets = [4], sizes = [1], strides = [1]} : vector<16xi32> to vector<1xi32>
      %squeeze3A_625 = vector.extract %slice3A_624[0] : i32 from vector<1xi32>
      %shift_right_logical3A_626 = arith.constant 7 : i32
      %shift_right_logical3A_627 = arith.shrui %squeeze3A_625, %shift_right_logical3A_626 : i32
      %shift_left3A_628 = arith.constant 7 : i32
      %shift_left3A_629 = arith.shli %shift_right_logical3A_627, %shift_left3A_628 : i32
      %multiple_of3A_630 = tpu.assume_multiple %shift_left3A_629, 128 : i32
      %dma_start3A_631 = arith.constant 0 : i32
      %dma_start3A_632 = tpu.memref_slice %arg5[%dma_start3A_631, %multiple_of3A_630] : memref<16x1000000xf32, #tpu.memory_space<hbm>> -> memref<16x128xf32, #tpu.memory_space<hbm>>
      %dma_start3A_633 = arith.constant 0 : i32
      %dma_start3A_634 = tpu.memref_slice %arg5[%dma_start3A_633, %multiple_of3A_630] : memref<16x1000000xf32, #tpu.memory_space<hbm>> -> memref<16x128xf32, #tpu.memory_space<hbm>>
      tpu.enqueue_dma source(%dma_start3A_634 : memref<16x128xf32, #tpu.memory_space<hbm>>) target(%arg31 : memref<16x128xf32, #tpu.memory_space<vmem>>) target_semaphore(%arg47 : memref<!tpu.dma_semaphore, #tpu.memory_space<semaphore_mem>>)
      %slice3A_635 = vector.extract_strided_slice %get3A_579 {offsets = [5], sizes = [1], strides = [1]} : vector<16xi32> to vector<1xi32>
      %squeeze3A_636 = vector.extract %slice3A_635[0] : i32 from vector<1xi32>
      %shift_right_logical3A_637 = arith.constant 7 : i32
      %shift_right_logical3A_638 = arith.shrui %squeeze3A_636, %shift_right_logical3A_637 : i32
      %shift_left3A_639 = arith.constant 7 : i32
      %shift_left3A_640 = arith.shli %shift_right_logical3A_638, %shift_left3A_639 : i32
      %multiple_of3A_641 = tpu.assume_multiple %shift_left3A_640, 128 : i32
      %dma_start3A_642 = arith.constant 0 : i32
      %dma_start3A_643 = tpu.memref_slice %arg5[%dma_start3A_642, %multiple_of3A_641] : memref<16x1000000xf32, #tpu.memory_space<hbm>> -> memref<16x128xf32, #tpu.memory_space<hbm>>
      %dma_start3A_644 = arith.constant 0 : i32
      %dma_start3A_645 = tpu.memref_slice %arg5[%dma_start3A_644, %multiple_of3A_641] : memref<16x1000000xf32, #tpu.memory_space<hbm>> -> memref<16x128xf32, #tpu.memory_space<hbm>>
      tpu.enqueue_dma source(%dma_start3A_645 : memref<16x128xf32, #tpu.memory_space<hbm>>) target(%arg32 : memref<16x128xf32, #tpu.memory_space<vmem>>) target_semaphore(%arg47 : memref<!tpu.dma_semaphore, #tpu.memory_space<semaphore_mem>>)
      %slice3A_646 = vector.extract_strided_slice %get3A_579 {offsets = [6], sizes = [1], strides = [1]} : vector<16xi32> to vector<1xi32>
      %squeeze3A_647 = vector.extract %slice3A_646[0] : i32 from vector<1xi32>
      %shift_right_logical3A_648 = arith.constant 7 : i32
      %shift_right_logical3A_649 = arith.shrui %squeeze3A_647, %shift_right_logical3A_648 : i32
      %shift_left3A_650 = arith.constant 7 : i32
      %shift_left3A_651 = arith.shli %shift_right_logical3A_649, %shift_left3A_650 : i32
      %multiple_of3A_652 = tpu.assume_multiple %shift_left3A_651, 128 : i32
      %dma_start3A_653 = arith.constant 0 : i32
      %dma_start3A_654 = tpu.memref_slice %arg5[%dma_start3A_653, %multiple_of3A_652] : memref<16x1000000xf32, #tpu.memory_space<hbm>> -> memref<16x128xf32, #tpu.memory_space<hbm>>
      %dma_start3A_655 = arith.constant 0 : i32
      %dma_start3A_656 = tpu.memref_slice %arg5[%dma_start3A_655, %multiple_of3A_652] : memref<16x1000000xf32, #tpu.memory_space<hbm>> -> memref<16x128xf32, #tpu.memory_space<hbm>>
      tpu.enqueue_dma source(%dma_start3A_656 : memref<16x128xf32, #tpu.memory_space<hbm>>) target(%arg33 : memref<16x128xf32, #tpu.memory_space<vmem>>) target_semaphore(%arg47 : memref<!tpu.dma_semaphore, #tpu.memory_space<semaphore_mem>>)
      %slice3A_657 = vector.extract_strided_slice %get3A_579 {offsets = [7], sizes = [1], strides = [1]} : vector<16xi32> to vector<1xi32>
      %squeeze3A_658 = vector.extract %slice3A_657[0] : i32 from vector<1xi32>
      %shift_right_logical3A_659 = arith.constant 7 : i32
      %shift_right_logical3A_660 = arith.shrui %squeeze3A_658, %shift_right_logical3A_659 : i32
      %shift_left3A_661 = arith.constant 7 : i32
      %shift_left3A_662 = arith.shli %shift_right_logical3A_660, %shift_left3A_661 : i32
      %multiple_of3A_663 = tpu.assume_multiple %shift_left3A_662, 128 : i32
      %dma_start3A_664 = arith.constant 0 : i32
      %dma_start3A_665 = tpu.memref_slice %arg5[%dma_start3A_664, %multiple_of3A_663] : memref<16x1000000xf32, #tpu.memory_space<hbm>> -> memref<16x128xf32, #tpu.memory_space<hbm>>
      %dma_start3A_666 = arith.constant 0 : i32
      %dma_start3A_667 = tpu.memref_slice %arg5[%dma_start3A_666, %multiple_of3A_663] : memref<16x1000000xf32, #tpu.memory_space<hbm>> -> memref<16x128xf32, #tpu.memory_space<hbm>>
      tpu.enqueue_dma source(%dma_start3A_667 : memref<16x128xf32, #tpu.memory_space<hbm>>) target(%arg34 : memref<16x128xf32, #tpu.memory_space<vmem>>) target_semaphore(%arg47 : memref<!tpu.dma_semaphore, #tpu.memory_space<semaphore_mem>>)
      %slice3A_668 = vector.extract_strided_slice %get3A_579 {offsets = [8], sizes = [1], strides = [1]} : vector<16xi32> to vector<1xi32>
      %squeeze3A_669 = vector.extract %slice3A_668[0] : i32 from vector<1xi32>
      %shift_right_logical3A_670 = arith.constant 7 : i32
      %shift_right_logical3A_671 = arith.shrui %squeeze3A_669, %shift_right_logical3A_670 : i32
      %shift_left3A_672 = arith.constant 7 : i32
      %shift_left3A_673 = arith.shli %shift_right_logical3A_671, %shift_left3A_672 : i32
      %multiple_of3A_674 = tpu.assume_multiple %shift_left3A_673, 128 : i32
      %dma_start3A_675 = arith.constant 0 : i32
      %dma_start3A_676 = tpu.memref_slice %arg5[%dma_start3A_675, %multiple_of3A_674] : memref<16x1000000xf32, #tpu.memory_space<hbm>> -> memref<16x128xf32, #tpu.memory_space<hbm>>
      %dma_start3A_677 = arith.constant 0 : i32
      %dma_start3A_678 = tpu.memref_slice %arg5[%dma_start3A_677, %multiple_of3A_674] : memref<16x1000000xf32, #tpu.memory_space<hbm>> -> memref<16x128xf32, #tpu.memory_space<hbm>>
      tpu.enqueue_dma source(%dma_start3A_678 : memref<16x128xf32, #tpu.memory_space<hbm>>) target(%arg35 : memref<16x128xf32, #tpu.memory_space<vmem>>) target_semaphore(%arg47 : memref<!tpu.dma_semaphore, #tpu.memory_space<semaphore_mem>>)
      %slice3A_679 = vector.extract_strided_slice %get3A_579 {offsets = [9], sizes = [1], strides = [1]} : vector<16xi32> to vector<1xi32>
      %squeeze3A_680 = vector.extract %slice3A_679[0] : i32 from vector<1xi32>
      %shift_right_logical3A_681 = arith.constant 7 : i32
      %shift_right_logical3A_682 = arith.shrui %squeeze3A_680, %shift_right_logical3A_681 : i32
      %shift_left3A_683 = arith.constant 7 : i32
      %shift_left3A_684 = arith.shli %shift_right_logical3A_682, %shift_left3A_683 : i32
      %multiple_of3A_685 = tpu.assume_multiple %shift_left3A_684, 128 : i32
      %dma_start3A_686 = arith.constant 0 : i32
      %dma_start3A_687 = tpu.memref_slice %arg5[%dma_start3A_686, %multiple_of3A_685] : memref<16x1000000xf32, #tpu.memory_space<hbm>> -> memref<16x128xf32, #tpu.memory_space<hbm>>
      %dma_start3A_688 = arith.constant 0 : i32
      %dma_start3A_689 = tpu.memref_slice %arg5[%dma_start3A_688, %multiple_of3A_685] : memref<16x1000000xf32, #tpu.memory_space<hbm>> -> memref<16x128xf32, #tpu.memory_space<hbm>>
      tpu.enqueue_dma source(%dma_start3A_689 : memref<16x128xf32, #tpu.memory_space<hbm>>) target(%arg36 : memref<16x128xf32, #tpu.memory_space<vmem>>) target_semaphore(%arg47 : memref<!tpu.dma_semaphore, #tpu.memory_space<semaphore_mem>>)
      %slice3A_690 = vector.extract_strided_slice %get3A_579 {offsets = [10], sizes = [1], strides = [1]} : vector<16xi32> to vector<1xi32>
      %squeeze3A_691 = vector.extract %slice3A_690[0] : i32 from vector<1xi32>
      %shift_right_logical3A_692 = arith.constant 7 : i32
      %shift_right_logical3A_693 = arith.shrui %squeeze3A_691, %shift_right_logical3A_692 : i32
      %shift_left3A_694 = arith.constant 7 : i32
      %shift_left3A_695 = arith.shli %shift_right_logical3A_693, %shift_left3A_694 : i32
      %multiple_of3A_696 = tpu.assume_multiple %shift_left3A_695, 128 : i32
      %dma_start3A_697 = arith.constant 0 : i32
      %dma_start3A_698 = tpu.memref_slice %arg5[%dma_start3A_697, %multiple_of3A_696] : memref<16x1000000xf32, #tpu.memory_space<hbm>> -> memref<16x128xf32, #tpu.memory_space<hbm>>
      %dma_start3A_699 = arith.constant 0 : i32
      %dma_start3A_700 = tpu.memref_slice %arg5[%dma_start3A_699, %multiple_of3A_696] : memref<16x1000000xf32, #tpu.memory_space<hbm>> -> memref<16x128xf32, #tpu.memory_space<hbm>>
      tpu.enqueue_dma source(%dma_start3A_700 : memref<16x128xf32, #tpu.memory_space<hbm>>) target(%arg37 : memref<16x128xf32, #tpu.memory_space<vmem>>) target_semaphore(%arg47 : memref<!tpu.dma_semaphore, #tpu.memory_space<semaphore_mem>>)
      %slice3A_701 = vector.extract_strided_slice %get3A_579 {offsets = [11], sizes = [1], strides = [1]} : vector<16xi32> to vector<1xi32>
      %squeeze3A_702 = vector.extract %slice3A_701[0] : i32 from vector<1xi32>
      %shift_right_logical3A_703 = arith.constant 7 : i32
      %shift_right_logical3A_704 = arith.shrui %squeeze3A_702, %shift_right_logical3A_703 : i32
      %shift_left3A_705 = arith.constant 7 : i32
      %shift_left3A_706 = arith.shli %shift_right_logical3A_704, %shift_left3A_705 : i32
      %multiple_of3A_707 = tpu.assume_multiple %shift_left3A_706, 128 : i32
      %dma_start3A_708 = arith.constant 0 : i32
      %dma_start3A_709 = tpu.memref_slice %arg5[%dma_start3A_708, %multiple_of3A_707] : memref<16x1000000xf32, #tpu.memory_space<hbm>> -> memref<16x128xf32, #tpu.memory_space<hbm>>
      %dma_start3A_710 = arith.constant 0 : i32
      %dma_start3A_711 = tpu.memref_slice %arg5[%dma_start3A_710, %multiple_of3A_707] : memref<16x1000000xf32, #tpu.memory_space<hbm>> -> memref<16x128xf32, #tpu.memory_space<hbm>>
      tpu.enqueue_dma source(%dma_start3A_711 : memref<16x128xf32, #tpu.memory_space<hbm>>) target(%arg38 : memref<16x128xf32, #tpu.memory_space<vmem>>) target_semaphore(%arg47 : memref<!tpu.dma_semaphore, #tpu.memory_space<semaphore_mem>>)
      %slice3A_712 = vector.extract_strided_slice %get3A_579 {offsets = [12], sizes = [1], strides = [1]} : vector<16xi32> to vector<1xi32>
      %squeeze3A_713 = vector.extract %slice3A_712[0] : i32 from vector<1xi32>
      %shift_right_logical3A_714 = arith.constant 7 : i32
      %shift_right_logical3A_715 = arith.shrui %squeeze3A_713, %shift_right_logical3A_714 : i32
      %shift_left3A_716 = arith.constant 7 : i32
      %shift_left3A_717 = arith.shli %shift_right_logical3A_715, %shift_left3A_716 : i32
      %multiple_of3A_718 = tpu.assume_multiple %shift_left3A_717, 128 : i32
      %dma_start3A_719 = arith.constant 0 : i32
      %dma_start3A_720 = tpu.memref_slice %arg5[%dma_start3A_719, %multiple_of3A_718] : memref<16x1000000xf32, #tpu.memory_space<hbm>> -> memref<16x128xf32, #tpu.memory_space<hbm>>
      %dma_start3A_721 = arith.constant 0 : i32
      %dma_start3A_722 = tpu.memref_slice %arg5[%dma_start3A_721, %multiple_of3A_718] : memref<16x1000000xf32, #tpu.memory_space<hbm>> -> memref<16x128xf32, #tpu.memory_space<hbm>>
      tpu.enqueue_dma source(%dma_start3A_722 : memref<16x128xf32, #tpu.memory_space<hbm>>) target(%arg39 : memref<16x128xf32, #tpu.memory_space<vmem>>) target_semaphore(%arg47 : memref<!tpu.dma_semaphore, #tpu.memory_space<semaphore_mem>>)
      %slice3A_723 = vector.extract_strided_slice %get3A_579 {offsets = [13], sizes = [1], strides = [1]} : vector<16xi32> to vector<1xi32>
      %squeeze3A_724 = vector.extract %slice3A_723[0] : i32 from vector<1xi32>
      %shift_right_logical3A_725 = arith.constant 7 : i32
      %shift_right_logical3A_726 = arith.shrui %squeeze3A_724, %shift_right_logical3A_725 : i32
      %shift_left3A_727 = arith.constant 7 : i32
      %shift_left3A_728 = arith.shli %shift_right_logical3A_726, %shift_left3A_727 : i32
      %multiple_of3A_729 = tpu.assume_multiple %shift_left3A_728, 128 : i32
      %dma_start3A_730 = arith.constant 0 : i32
      %dma_start3A_731 = tpu.memref_slice %arg5[%dma_start3A_730, %multiple_of3A_729] : memref<16x1000000xf32, #tpu.memory_space<hbm>> -> memref<16x128xf32, #tpu.memory_space<hbm>>
      %dma_start3A_732 = arith.constant 0 : i32
      %dma_start3A_733 = tpu.memref_slice %arg5[%dma_start3A_732, %multiple_of3A_729] : memref<16x1000000xf32, #tpu.memory_space<hbm>> -> memref<16x128xf32, #tpu.memory_space<hbm>>
      tpu.enqueue_dma source(%dma_start3A_733 : memref<16x128xf32, #tpu.memory_space<hbm>>) target(%arg40 : memref<16x128xf32, #tpu.memory_space<vmem>>) target_semaphore(%arg47 : memref<!tpu.dma_semaphore, #tpu.memory_space<semaphore_mem>>)
      %slice3A_734 = vector.extract_strided_slice %get3A_579 {offsets = [14], sizes = [1], strides = [1]} : vector<16xi32> to vector<1xi32>
      %squeeze3A_735 = vector.extract %slice3A_734[0] : i32 from vector<1xi32>
      %shift_right_logical3A_736 = arith.constant 7 : i32
      %shift_right_logical3A_737 = arith.shrui %squeeze3A_735, %shift_right_logical3A_736 : i32
      %shift_left3A_738 = arith.constant 7 : i32
      %shift_left3A_739 = arith.shli %shift_right_logical3A_737, %shift_left3A_738 : i32
      %multiple_of3A_740 = tpu.assume_multiple %shift_left3A_739, 128 : i32
      %dma_start3A_741 = arith.constant 0 : i32
      %dma_start3A_742 = tpu.memref_slice %arg5[%dma_start3A_741, %multiple_of3A_740] : memref<16x1000000xf32, #tpu.memory_space<hbm>> -> memref<16x128xf32, #tpu.memory_space<hbm>>
      %dma_start3A_743 = arith.constant 0 : i32
      %dma_start3A_744 = tpu.memref_slice %arg5[%dma_start3A_743, %multiple_of3A_740] : memref<16x1000000xf32, #tpu.memory_space<hbm>> -> memref<16x128xf32, #tpu.memory_space<hbm>>
      tpu.enqueue_dma source(%dma_start3A_744 : memref<16x128xf32, #tpu.memory_space<hbm>>) target(%arg41 : memref<16x128xf32, #tpu.memory_space<vmem>>) target_semaphore(%arg47 : memref<!tpu.dma_semaphore, #tpu.memory_space<semaphore_mem>>)
      %slice3A_745 = vector.extract_strided_slice %get3A_579 {offsets = [15], sizes = [1], strides = [1]} : vector<16xi32> to vector<1xi32>
      %squeeze3A_746 = vector.extract %slice3A_745[0] : i32 from vector<1xi32>
      %shift_right_logical3A_747 = arith.constant 7 : i32
      %shift_right_logical3A_748 = arith.shrui %squeeze3A_746, %shift_right_logical3A_747 : i32
      %shift_left3A_749 = arith.constant 7 : i32
      %shift_left3A_750 = arith.shli %shift_right_logical3A_748, %shift_left3A_749 : i32
      %multiple_of3A_751 = tpu.assume_multiple %shift_left3A_750, 128 : i32
      %dma_start3A_752 = arith.constant 0 : i32
      %dma_start3A_753 = tpu.memref_slice %arg5[%dma_start3A_752, %multiple_of3A_751] : memref<16x1000000xf32, #tpu.memory_space<hbm>> -> memref<16x128xf32, #tpu.memory_space<hbm>>
      %dma_start3A_754 = arith.constant 0 : i32
      %dma_start3A_755 = tpu.memref_slice %arg5[%dma_start3A_754, %multiple_of3A_751] : memref<16x1000000xf32, #tpu.memory_space<hbm>> -> memref<16x128xf32, #tpu.memory_space<hbm>>
      tpu.enqueue_dma source(%dma_start3A_755 : memref<16x128xf32, #tpu.memory_space<hbm>>) target(%arg42 : memref<16x128xf32, #tpu.memory_space<vmem>>) target_semaphore(%arg47 : memref<!tpu.dma_semaphore, #tpu.memory_space<semaphore_mem>>)
      %dma_wait3A_756 = arith.constant 0 : i32
      %dma_wait3A_757 = arith.constant 0 : i32
      %dma_wait3A_758 = tpu.memref_slice %arg4[%dma_wait3A_756, %dma_wait3A_757] : memref<16x1000000xf32, #tpu.memory_space<hbm>> -> memref<16x128xf32, #tpu.memory_space<hbm>>
      %dma_wait3A_759 = arith.constant 0 : i32
      %dma_wait3A_760 = arith.constant 0 : i32
      %dma_wait3A_761 = tpu.memref_slice %arg4[%dma_wait3A_759, %dma_wait3A_760] : memref<16x1000000xf32, #tpu.memory_space<hbm>> -> memref<16x128xf32, #tpu.memory_space<hbm>>
      tpu.wait_dma2 semaphore(%arg46 : memref<!tpu.dma_semaphore, #tpu.memory_space<semaphore_mem>>) src(%dma_wait3A_761 : memref<16x128xf32, #tpu.memory_space<hbm>>) dst(%arg11 : memref<16x128xf32, #tpu.memory_space<vmem>>)
      %dma_wait3A_762 = arith.constant 0 : i32
      %dma_wait3A_763 = arith.constant 0 : i32
      %dma_wait3A_764 = tpu.memref_slice %arg4[%dma_wait3A_762, %dma_wait3A_763] : memref<16x1000000xf32, #tpu.memory_space<hbm>> -> memref<16x128xf32, #tpu.memory_space<hbm>>
      %dma_wait3A_765 = arith.constant 0 : i32
      %dma_wait3A_766 = arith.constant 0 : i32
      %dma_wait3A_767 = tpu.memref_slice %arg4[%dma_wait3A_765, %dma_wait3A_766] : memref<16x1000000xf32, #tpu.memory_space<hbm>> -> memref<16x128xf32, #tpu.memory_space<hbm>>
      tpu.wait_dma2 semaphore(%arg46 : memref<!tpu.dma_semaphore, #tpu.memory_space<semaphore_mem>>) src(%dma_wait3A_767 : memref<16x128xf32, #tpu.memory_space<hbm>>) dst(%arg12 : memref<16x128xf32, #tpu.memory_space<vmem>>)
      %dma_wait3A_768 = arith.constant 0 : i32
      %dma_wait3A_769 = arith.constant 0 : i32
      %dma_wait3A_770 = tpu.memref_slice %arg4[%dma_wait3A_768, %dma_wait3A_769] : memref<16x1000000xf32, #tpu.memory_space<hbm>> -> memref<16x128xf32, #tpu.memory_space<hbm>>
      %dma_wait3A_771 = arith.constant 0 : i32
      %dma_wait3A_772 = arith.constant 0 : i32
      %dma_wait3A_773 = tpu.memref_slice %arg4[%dma_wait3A_771, %dma_wait3A_772] : memref<16x1000000xf32, #tpu.memory_space<hbm>> -> memref<16x128xf32, #tpu.memory_space<hbm>>
      tpu.wait_dma2 semaphore(%arg46 : memref<!tpu.dma_semaphore, #tpu.memory_space<semaphore_mem>>) src(%dma_wait3A_773 : memref<16x128xf32, #tpu.memory_space<hbm>>) dst(%arg13 : memref<16x128xf32, #tpu.memory_space<vmem>>)
      %dma_wait3A_774 = arith.constant 0 : i32
      %dma_wait3A_775 = arith.constant 0 : i32
      %dma_wait3A_776 = tpu.memref_slice %arg4[%dma_wait3A_774, %dma_wait3A_775] : memref<16x1000000xf32, #tpu.memory_space<hbm>> -> memref<16x128xf32, #tpu.memory_space<hbm>>
      %dma_wait3A_777 = arith.constant 0 : i32
      %dma_wait3A_778 = arith.constant 0 : i32
      %dma_wait3A_779 = tpu.memref_slice %arg4[%dma_wait3A_777, %dma_wait3A_778] : memref<16x1000000xf32, #tpu.memory_space<hbm>> -> memref<16x128xf32, #tpu.memory_space<hbm>>
      tpu.wait_dma2 semaphore(%arg46 : memref<!tpu.dma_semaphore, #tpu.memory_space<semaphore_mem>>) src(%dma_wait3A_779 : memref<16x128xf32, #tpu.memory_space<hbm>>) dst(%arg14 : memref<16x128xf32, #tpu.memory_space<vmem>>)
      %dma_wait3A_780 = arith.constant 0 : i32
      %dma_wait3A_781 = arith.constant 0 : i32
      %dma_wait3A_782 = tpu.memref_slice %arg4[%dma_wait3A_780, %dma_wait3A_781] : memref<16x1000000xf32, #tpu.memory_space<hbm>> -> memref<16x128xf32, #tpu.memory_space<hbm>>
      %dma_wait3A_783 = arith.constant 0 : i32
      %dma_wait3A_784 = arith.constant 0 : i32
      %dma_wait3A_785 = tpu.memref_slice %arg4[%dma_wait3A_783, %dma_wait3A_784] : memref<16x1000000xf32, #tpu.memory_space<hbm>> -> memref<16x128xf32, #tpu.memory_space<hbm>>
      tpu.wait_dma2 semaphore(%arg46 : memref<!tpu.dma_semaphore, #tpu.memory_space<semaphore_mem>>) src(%dma_wait3A_785 : memref<16x128xf32, #tpu.memory_space<hbm>>) dst(%arg15 : memref<16x128xf32, #tpu.memory_space<vmem>>)
      %dma_wait3A_786 = arith.constant 0 : i32
      %dma_wait3A_787 = arith.constant 0 : i32
      %dma_wait3A_788 = tpu.memref_slice %arg4[%dma_wait3A_786, %dma_wait3A_787] : memref<16x1000000xf32, #tpu.memory_space<hbm>> -> memref<16x128xf32, #tpu.memory_space<hbm>>
      %dma_wait3A_789 = arith.constant 0 : i32
      %dma_wait3A_790 = arith.constant 0 : i32
      %dma_wait3A_791 = tpu.memref_slice %arg4[%dma_wait3A_789, %dma_wait3A_790] : memref<16x1000000xf32, #tpu.memory_space<hbm>> -> memref<16x128xf32, #tpu.memory_space<hbm>>
      tpu.wait_dma2 semaphore(%arg46 : memref<!tpu.dma_semaphore, #tpu.memory_space<semaphore_mem>>) src(%dma_wait3A_791 : memref<16x128xf32, #tpu.memory_space<hbm>>) dst(%arg16 : memref<16x128xf32, #tpu.memory_space<vmem>>)
      %dma_wait3A_792 = arith.constant 0 : i32
      %dma_wait3A_793 = arith.constant 0 : i32
      %dma_wait3A_794 = tpu.memref_slice %arg4[%dma_wait3A_792, %dma_wait3A_793] : memref<16x1000000xf32, #tpu.memory_space<hbm>> -> memref<16x128xf32, #tpu.memory_space<hbm>>
      %dma_wait3A_795 = arith.constant 0 : i32
      %dma_wait3A_796 = arith.constant 0 : i32
      %dma_wait3A_797 = tpu.memref_slice %arg4[%dma_wait3A_795, %dma_wait3A_796] : memref<16x1000000xf32, #tpu.memory_space<hbm>> -> memref<16x128xf32, #tpu.memory_space<hbm>>
      tpu.wait_dma2 semaphore(%arg46 : memref<!tpu.dma_semaphore, #tpu.memory_space<semaphore_mem>>) src(%dma_wait3A_797 : memref<16x128xf32, #tpu.memory_space<hbm>>) dst(%arg17 : memref<16x128xf32, #tpu.memory_space<vmem>>)
      %dma_wait3A_798 = arith.constant 0 : i32
      %dma_wait3A_799 = arith.constant 0 : i32
      %dma_wait3A_800 = tpu.memref_slice %arg4[%dma_wait3A_798, %dma_wait3A_799] : memref<16x1000000xf32, #tpu.memory_space<hbm>> -> memref<16x128xf32, #tpu.memory_space<hbm>>
      %dma_wait3A_801 = arith.constant 0 : i32
      %dma_wait3A_802 = arith.constant 0 : i32
      %dma_wait3A_803 = tpu.memref_slice %arg4[%dma_wait3A_801, %dma_wait3A_802] : memref<16x1000000xf32, #tpu.memory_space<hbm>> -> memref<16x128xf32, #tpu.memory_space<hbm>>
      tpu.wait_dma2 semaphore(%arg46 : memref<!tpu.dma_semaphore, #tpu.memory_space<semaphore_mem>>) src(%dma_wait3A_803 : memref<16x128xf32, #tpu.memory_space<hbm>>) dst(%arg18 : memref<16x128xf32, #tpu.memory_space<vmem>>)
      %dma_wait3A_804 = arith.constant 0 : i32
      %dma_wait3A_805 = arith.constant 0 : i32
      %dma_wait3A_806 = tpu.memref_slice %arg4[%dma_wait3A_804, %dma_wait3A_805] : memref<16x1000000xf32, #tpu.memory_space<hbm>> -> memref<16x128xf32, #tpu.memory_space<hbm>>
      %dma_wait3A_807 = arith.constant 0 : i32
      %dma_wait3A_808 = arith.constant 0 : i32
      %dma_wait3A_809 = tpu.memref_slice %arg4[%dma_wait3A_807, %dma_wait3A_808] : memref<16x1000000xf32, #tpu.memory_space<hbm>> -> memref<16x128xf32, #tpu.memory_space<hbm>>
      tpu.wait_dma2 semaphore(%arg46 : memref<!tpu.dma_semaphore, #tpu.memory_space<semaphore_mem>>) src(%dma_wait3A_809 : memref<16x128xf32, #tpu.memory_space<hbm>>) dst(%arg19 : memref<16x128xf32, #tpu.memory_space<vmem>>)
      %dma_wait3A_810 = arith.constant 0 : i32
      %dma_wait3A_811 = arith.constant 0 : i32
      %dma_wait3A_812 = tpu.memref_slice %arg4[%dma_wait3A_810, %dma_wait3A_811] : memref<16x1000000xf32, #tpu.memory_space<hbm>> -> memref<16x128xf32, #tpu.memory_space<hbm>>
      %dma_wait3A_813 = arith.constant 0 : i32
      %dma_wait3A_814 = arith.constant 0 : i32
      %dma_wait3A_815 = tpu.memref_slice %arg4[%dma_wait3A_813, %dma_wait3A_814] : memref<16x1000000xf32, #tpu.memory_space<hbm>> -> memref<16x128xf32, #tpu.memory_space<hbm>>
      tpu.wait_dma2 semaphore(%arg46 : memref<!tpu.dma_semaphore, #tpu.memory_space<semaphore_mem>>) src(%dma_wait3A_815 : memref<16x128xf32, #tpu.memory_space<hbm>>) dst(%arg20 : memref<16x128xf32, #tpu.memory_space<vmem>>)
      %dma_wait3A_816 = arith.constant 0 : i32
      %dma_wait3A_817 = arith.constant 0 : i32
      %dma_wait3A_818 = tpu.memref_slice %arg4[%dma_wait3A_816, %dma_wait3A_817] : memref<16x1000000xf32, #tpu.memory_space<hbm>> -> memref<16x128xf32, #tpu.memory_space<hbm>>
      %dma_wait3A_819 = arith.constant 0 : i32
      %dma_wait3A_820 = arith.constant 0 : i32
      %dma_wait3A_821 = tpu.memref_slice %arg4[%dma_wait3A_819, %dma_wait3A_820] : memref<16x1000000xf32, #tpu.memory_space<hbm>> -> memref<16x128xf32, #tpu.memory_space<hbm>>
      tpu.wait_dma2 semaphore(%arg46 : memref<!tpu.dma_semaphore, #tpu.memory_space<semaphore_mem>>) src(%dma_wait3A_821 : memref<16x128xf32, #tpu.memory_space<hbm>>) dst(%arg21 : memref<16x128xf32, #tpu.memory_space<vmem>>)
      %dma_wait3A_822 = arith.constant 0 : i32
      %dma_wait3A_823 = arith.constant 0 : i32
      %dma_wait3A_824 = tpu.memref_slice %arg4[%dma_wait3A_822, %dma_wait3A_823] : memref<16x1000000xf32, #tpu.memory_space<hbm>> -> memref<16x128xf32, #tpu.memory_space<hbm>>
      %dma_wait3A_825 = arith.constant 0 : i32
      %dma_wait3A_826 = arith.constant 0 : i32
      %dma_wait3A_827 = tpu.memref_slice %arg4[%dma_wait3A_825, %dma_wait3A_826] : memref<16x1000000xf32, #tpu.memory_space<hbm>> -> memref<16x128xf32, #tpu.memory_space<hbm>>
      tpu.wait_dma2 semaphore(%arg46 : memref<!tpu.dma_semaphore, #tpu.memory_space<semaphore_mem>>) src(%dma_wait3A_827 : memref<16x128xf32, #tpu.memory_space<hbm>>) dst(%arg22 : memref<16x128xf32, #tpu.memory_space<vmem>>)
      %dma_wait3A_828 = arith.constant 0 : i32
      %dma_wait3A_829 = arith.constant 0 : i32
      %dma_wait3A_830 = tpu.memref_slice %arg4[%dma_wait3A_828, %dma_wait3A_829] : memref<16x1000000xf32, #tpu.memory_space<hbm>> -> memref<16x128xf32, #tpu.memory_space<hbm>>
      %dma_wait3A_831 = arith.constant 0 : i32
      %dma_wait3A_832 = arith.constant 0 : i32
      %dma_wait3A_833 = tpu.memref_slice %arg4[%dma_wait3A_831, %dma_wait3A_832] : memref<16x1000000xf32, #tpu.memory_space<hbm>> -> memref<16x128xf32, #tpu.memory_space<hbm>>
      tpu.wait_dma2 semaphore(%arg46 : memref<!tpu.dma_semaphore, #tpu.memory_space<semaphore_mem>>) src(%dma_wait3A_833 : memref<16x128xf32, #tpu.memory_space<hbm>>) dst(%arg23 : memref<16x128xf32, #tpu.memory_space<vmem>>)
      %dma_wait3A_834 = arith.constant 0 : i32
      %dma_wait3A_835 = arith.constant 0 : i32
      %dma_wait3A_836 = tpu.memref_slice %arg4[%dma_wait3A_834, %dma_wait3A_835] : memref<16x1000000xf32, #tpu.memory_space<hbm>> -> memref<16x128xf32, #tpu.memory_space<hbm>>
      %dma_wait3A_837 = arith.constant 0 : i32
      %dma_wait3A_838 = arith.constant 0 : i32
      %dma_wait3A_839 = tpu.memref_slice %arg4[%dma_wait3A_837, %dma_wait3A_838] : memref<16x1000000xf32, #tpu.memory_space<hbm>> -> memref<16x128xf32, #tpu.memory_space<hbm>>
      tpu.wait_dma2 semaphore(%arg46 : memref<!tpu.dma_semaphore, #tpu.memory_space<semaphore_mem>>) src(%dma_wait3A_839 : memref<16x128xf32, #tpu.memory_space<hbm>>) dst(%arg24 : memref<16x128xf32, #tpu.memory_space<vmem>>)
      %dma_wait3A_840 = arith.constant 0 : i32
      %dma_wait3A_841 = arith.constant 0 : i32
      %dma_wait3A_842 = tpu.memref_slice %arg4[%dma_wait3A_840, %dma_wait3A_841] : memref<16x1000000xf32, #tpu.memory_space<hbm>> -> memref<16x128xf32, #tpu.memory_space<hbm>>
      %dma_wait3A_843 = arith.constant 0 : i32
      %dma_wait3A_844 = arith.constant 0 : i32
      %dma_wait3A_845 = tpu.memref_slice %arg4[%dma_wait3A_843, %dma_wait3A_844] : memref<16x1000000xf32, #tpu.memory_space<hbm>> -> memref<16x128xf32, #tpu.memory_space<hbm>>
      tpu.wait_dma2 semaphore(%arg46 : memref<!tpu.dma_semaphore, #tpu.memory_space<semaphore_mem>>) src(%dma_wait3A_845 : memref<16x128xf32, #tpu.memory_space<hbm>>) dst(%arg25 : memref<16x128xf32, #tpu.memory_space<vmem>>)
      %dma_wait3A_846 = arith.constant 0 : i32
      %dma_wait3A_847 = arith.constant 0 : i32
      %dma_wait3A_848 = tpu.memref_slice %arg4[%dma_wait3A_846, %dma_wait3A_847] : memref<16x1000000xf32, #tpu.memory_space<hbm>> -> memref<16x128xf32, #tpu.memory_space<hbm>>
      %dma_wait3A_849 = arith.constant 0 : i32
      %dma_wait3A_850 = arith.constant 0 : i32
      %dma_wait3A_851 = tpu.memref_slice %arg4[%dma_wait3A_849, %dma_wait3A_850] : memref<16x1000000xf32, #tpu.memory_space<hbm>> -> memref<16x128xf32, #tpu.memory_space<hbm>>
      tpu.wait_dma2 semaphore(%arg46 : memref<!tpu.dma_semaphore, #tpu.memory_space<semaphore_mem>>) src(%dma_wait3A_851 : memref<16x128xf32, #tpu.memory_space<hbm>>) dst(%arg26 : memref<16x128xf32, #tpu.memory_space<vmem>>)
      %mul3A_852 = arith.constant 16 : i32
      %mul3A_853 = arith.muli %mul3A_571, %mul3A_852 : i32
      %get3A_854 = arith.index_cast %mul3A_853 : i32 to index
      %get3A_855 = tpu.vector_load %arg10[%get3A_854] {strides = array<i32>} : memref<512xi32, #tpu.memory_space<vmem>>, vector<16xi32>,
      %slice3A_856 = vector.extract_strided_slice %get3A_855 {offsets = [0], sizes = [1], strides = [1]} : vector<16xi32> to vector<1xi32>
      %squeeze3A_857 = vector.extract %slice3A_856[0] : i32 from vector<1xi32>
      %and3A = arith.constant 127 : i32
      %and3A_858 = arith.andi %squeeze3A_857, %and3A : i32
      %broadcast_in_dim3A = vector.broadcast %and3A_858 : i32 to vector<16xi32>
      %gather3A = tpu.vector_load_idx %arg11[%iota3A, %broadcast_in_dim3A] : memref<16x128xf32, #tpu.memory_space<vmem>>[vector<16xi32>, vector<16xi32>], vector<16xf32>,
      %add3A_859 = arith.constant 0 : i32
      %add3A_860 = arith.addi %mul3A_853, %add3A_859 : i32
      %broadcast_in_dim3A_861 = vector.broadcast %add3A_860 : i32 to vector<16xi32>
      tpu.vector_store_idx %arg44[%iota3A, %broadcast_in_dim3A_861], %gather3A : memref<16x512xf32, #tpu.memory_space<vmem>>[vector<16xi32>, vector<16xi32>], vector<16xf32>,
      %slice3A_862 = vector.extract_strided_slice %get3A_855 {offsets = [1], sizes = [1], strides = [1]} : vector<16xi32> to vector<1xi32>
      %squeeze3A_863 = vector.extract %slice3A_862[0] : i32 from vector<1xi32>
      %and3A_864 = arith.constant 127 : i32
      %and3A_865 = arith.andi %squeeze3A_863, %and3A_864 : i32
      %broadcast_in_dim3A_866 = vector.broadcast %and3A_865 : i32 to vector<16xi32>
      %gather3A_867 = tpu.vector_load_idx %arg12[%iota3A, %broadcast_in_dim3A_866] : memref<16x128xf32, #tpu.memory_space<vmem>>[vector<16xi32>, vector<16xi32>], vector<16xf32>,
      %add3A_868 = arith.constant 1 : i32
      %add3A_869 = arith.addi %mul3A_853, %add3A_868 : i32
      %broadcast_in_dim3A_870 = vector.broadcast %add3A_869 : i32 to vector<16xi32>
      tpu.vector_store_idx %arg44[%iota3A, %broadcast_in_dim3A_870], %gather3A_867 : memref<16x512xf32, #tpu.memory_space<vmem>>[vector<16xi32>, vector<16xi32>], vector<16xf32>,
      %slice3A_871 = vector.extract_strided_slice %get3A_855 {offsets = [2], sizes = [1], strides = [1]} : vector<16xi32> to vector<1xi32>
      %squeeze3A_872 = vector.extract %slice3A_871[0] : i32 from vector<1xi32>
      %and3A_873 = arith.constant 127 : i32
      %and3A_874 = arith.andi %squeeze3A_872, %and3A_873 : i32
      %broadcast_in_dim3A_875 = vector.broadcast %and3A_874 : i32 to vector<16xi32>
      %gather3A_876 = tpu.vector_load_idx %arg13[%iota3A, %broadcast_in_dim3A_875] : memref<16x128xf32, #tpu.memory_space<vmem>>[vector<16xi32>, vector<16xi32>], vector<16xf32>,
      %add3A_877 = arith.constant 2 : i32
      %add3A_878 = arith.addi %mul3A_853, %add3A_877 : i32
      %broadcast_in_dim3A_879 = vector.broadcast %add3A_878 : i32 to vector<16xi32>
      tpu.vector_store_idx %arg44[%iota3A, %broadcast_in_dim3A_879], %gather3A_876 : memref<16x512xf32, #tpu.memory_space<vmem>>[vector<16xi32>, vector<16xi32>], vector<16xf32>,
      %slice3A_880 = vector.extract_strided_slice %get3A_855 {offsets = [3], sizes = [1], strides = [1]} : vector<16xi32> to vector<1xi32>
      %squeeze3A_881 = vector.extract %slice3A_880[0] : i32 from vector<1xi32>
      %and3A_882 = arith.constant 127 : i32
      %and3A_883 = arith.andi %squeeze3A_881, %and3A_882 : i32
      %broadcast_in_dim3A_884 = vector.broadcast %and3A_883 : i32 to vector<16xi32>
      %gather3A_885 = tpu.vector_load_idx %arg14[%iota3A, %broadcast_in_dim3A_884] : memref<16x128xf32, #tpu.memory_space<vmem>>[vector<16xi32>, vector<16xi32>], vector<16xf32>,
      %add3A_886 = arith.constant 3 : i32
      %add3A_887 = arith.addi %mul3A_853, %add3A_886 : i32
      %broadcast_in_dim3A_888 = vector.broadcast %add3A_887 : i32 to vector<16xi32>
      tpu.vector_store_idx %arg44[%iota3A, %broadcast_in_dim3A_888], %gather3A_885 : memref<16x512xf32, #tpu.memory_space<vmem>>[vector<16xi32>, vector<16xi32>], vector<16xf32>,
      %slice3A_889 = vector.extract_strided_slice %get3A_855 {offsets = [4], sizes = [1], strides = [1]} : vector<16xi32> to vector<1xi32>
      %squeeze3A_890 = vector.extract %slice3A_889[0] : i32 from vector<1xi32>
      %and3A_891 = arith.constant 127 : i32
      %and3A_892 = arith.andi %squeeze3A_890, %and3A_891 : i32
      %broadcast_in_dim3A_893 = vector.broadcast %and3A_892 : i32 to vector<16xi32>
      %gather3A_894 = tpu.vector_load_idx %arg15[%iota3A, %broadcast_in_dim3A_893] : memref<16x128xf32, #tpu.memory_space<vmem>>[vector<16xi32>, vector<16xi32>], vector<16xf32>,
      %add3A_895 = arith.constant 4 : i32
      %add3A_896 = arith.addi %mul3A_853, %add3A_895 : i32
      %broadcast_in_dim3A_897 = vector.broadcast %add3A_896 : i32 to vector<16xi32>
      tpu.vector_store_idx %arg44[%iota3A, %broadcast_in_dim3A_897], %gather3A_894 : memref<16x512xf32, #tpu.memory_space<vmem>>[vector<16xi32>, vector<16xi32>], vector<16xf32>,
      %slice3A_898 = vector.extract_strided_slice %get3A_855 {offsets = [5], sizes = [1], strides = [1]} : vector<16xi32> to vector<1xi32>
      %squeeze3A_899 = vector.extract %slice3A_898[0] : i32 from vector<1xi32>
      %and3A_900 = arith.constant 127 : i32
      %and3A_901 = arith.andi %squeeze3A_899, %and3A_900 : i32
      %broadcast_in_dim3A_902 = vector.broadcast %and3A_901 : i32 to vector<16xi32>
      %gather3A_903 = tpu.vector_load_idx %arg16[%iota3A, %broadcast_in_dim3A_902] : memref<16x128xf32, #tpu.memory_space<vmem>>[vector<16xi32>, vector<16xi32>], vector<16xf32>,
      %add3A_904 = arith.constant 5 : i32
      %add3A_905 = arith.addi %mul3A_853, %add3A_904 : i32
      %broadcast_in_dim3A_906 = vector.broadcast %add3A_905 : i32 to vector<16xi32>
      tpu.vector_store_idx %arg44[%iota3A, %broadcast_in_dim3A_906], %gather3A_903 : memref<16x512xf32, #tpu.memory_space<vmem>>[vector<16xi32>, vector<16xi32>], vector<16xf32>,
      %slice3A_907 = vector.extract_strided_slice %get3A_855 {offsets = [6], sizes = [1], strides = [1]} : vector<16xi32> to vector<1xi32>
      %squeeze3A_908 = vector.extract %slice3A_907[0] : i32 from vector<1xi32>
      %and3A_909 = arith.constant 127 : i32
      %and3A_910 = arith.andi %squeeze3A_908, %and3A_909 : i32
      %broadcast_in_dim3A_911 = vector.broadcast %and3A_910 : i32 to vector<16xi32>
      %gather3A_912 = tpu.vector_load_idx %arg17[%iota3A, %broadcast_in_dim3A_911] : memref<16x128xf32, #tpu.memory_space<vmem>>[vector<16xi32>, vector<16xi32>], vector<16xf32>,
      %add3A_913 = arith.constant 6 : i32
      %add3A_914 = arith.addi %mul3A_853, %add3A_913 : i32
      %broadcast_in_dim3A_915 = vector.broadcast %add3A_914 : i32 to vector<16xi32>
      tpu.vector_store_idx %arg44[%iota3A, %broadcast_in_dim3A_915], %gather3A_912 : memref<16x512xf32, #tpu.memory_space<vmem>>[vector<16xi32>, vector<16xi32>], vector<16xf32>,
      %slice3A_916 = vector.extract_strided_slice %get3A_855 {offsets = [7], sizes = [1], strides = [1]} : vector<16xi32> to vector<1xi32>
      %squeeze3A_917 = vector.extract %slice3A_916[0] : i32 from vector<1xi32>
      %and3A_918 = arith.constant 127 : i32
      %and3A_919 = arith.andi %squeeze3A_917, %and3A_918 : i32
      %broadcast_in_dim3A_920 = vector.broadcast %and3A_919 : i32 to vector<16xi32>
      %gather3A_921 = tpu.vector_load_idx %arg18[%iota3A, %broadcast_in_dim3A_920] : memref<16x128xf32, #tpu.memory_space<vmem>>[vector<16xi32>, vector<16xi32>], vector<16xf32>,
      %add3A_922 = arith.constant 7 : i32
      %add3A_923 = arith.addi %mul3A_853, %add3A_922 : i32
      %broadcast_in_dim3A_924 = vector.broadcast %add3A_923 : i32 to vector<16xi32>
      tpu.vector_store_idx %arg44[%iota3A, %broadcast_in_dim3A_924], %gather3A_921 : memref<16x512xf32, #tpu.memory_space<vmem>>[vector<16xi32>, vector<16xi32>], vector<16xf32>,
      %slice3A_925 = vector.extract_strided_slice %get3A_855 {offsets = [8], sizes = [1], strides = [1]} : vector<16xi32> to vector<1xi32>
      %squeeze3A_926 = vector.extract %slice3A_925[0] : i32 from vector<1xi32>
      %and3A_927 = arith.constant 127 : i32
      %and3A_928 = arith.andi %squeeze3A_926, %and3A_927 : i32
      %broadcast_in_dim3A_929 = vector.broadcast %and3A_928 : i32 to vector<16xi32>
      %gather3A_930 = tpu.vector_load_idx %arg19[%iota3A, %broadcast_in_dim3A_929] : memref<16x128xf32, #tpu.memory_space<vmem>>[vector<16xi32>, vector<16xi32>], vector<16xf32>,
      %add3A_931 = arith.constant 8 : i32
      %add3A_932 = arith.addi %mul3A_853, %add3A_931 : i32
      %broadcast_in_dim3A_933 = vector.broadcast %add3A_932 : i32 to vector<16xi32>
      tpu.vector_store_idx %arg44[%iota3A, %broadcast_in_dim3A_933], %gather3A_930 : memref<16x512xf32, #tpu.memory_space<vmem>>[vector<16xi32>, vector<16xi32>], vector<16xf32>,
      %slice3A_934 = vector.extract_strided_slice %get3A_855 {offsets = [9], sizes = [1], strides = [1]} : vector<16xi32> to vector<1xi32>
      %squeeze3A_935 = vector.extract %slice3A_934[0] : i32 from vector<1xi32>
      %and3A_936 = arith.constant 127 : i32
      %and3A_937 = arith.andi %squeeze3A_935, %and3A_936 : i32
      %broadcast_in_dim3A_938 = vector.broadcast %and3A_937 : i32 to vector<16xi32>
      %gather3A_939 = tpu.vector_load_idx %arg20[%iota3A, %broadcast_in_dim3A_938] : memref<16x128xf32, #tpu.memory_space<vmem>>[vector<16xi32>, vector<16xi32>], vector<16xf32>,
      %add3A_940 = arith.constant 9 : i32
      %add3A_941 = arith.addi %mul3A_853, %add3A_940 : i32
      %broadcast_in_dim3A_942 = vector.broadcast %add3A_941 : i32 to vector<16xi32>
      tpu.vector_store_idx %arg44[%iota3A, %broadcast_in_dim3A_942], %gather3A_939 : memref<16x512xf32, #tpu.memory_space<vmem>>[vector<16xi32>, vector<16xi32>], vector<16xf32>,
      %slice3A_943 = vector.extract_strided_slice %get3A_855 {offsets = [10], sizes = [1], strides = [1]} : vector<16xi32> to vector<1xi32>
      %squeeze3A_944 = vector.extract %slice3A_943[0] : i32 from vector<1xi32>
      %and3A_945 = arith.constant 127 : i32
      %and3A_946 = arith.andi %squeeze3A_944, %and3A_945 : i32
      %broadcast_in_dim3A_947 = vector.broadcast %and3A_946 : i32 to vector<16xi32>
      %gather3A_948 = tpu.vector_load_idx %arg21[%iota3A, %broadcast_in_dim3A_947] : memref<16x128xf32, #tpu.memory_space<vmem>>[vector<16xi32>, vector<16xi32>], vector<16xf32>,
      %add3A_949 = arith.constant 10 : i32
      %add3A_950 = arith.addi %mul3A_853, %add3A_949 : i32
      %broadcast_in_dim3A_951 = vector.broadcast %add3A_950 : i32 to vector<16xi32>
      tpu.vector_store_idx %arg44[%iota3A, %broadcast_in_dim3A_951], %gather3A_948 : memref<16x512xf32, #tpu.memory_space<vmem>>[vector<16xi32>, vector<16xi32>], vector<16xf32>,
      %slice3A_952 = vector.extract_strided_slice %get3A_855 {offsets = [11], sizes = [1], strides = [1]} : vector<16xi32> to vector<1xi32>
      %squeeze3A_953 = vector.extract %slice3A_952[0] : i32 from vector<1xi32>
      %and3A_954 = arith.constant 127 : i32
      %and3A_955 = arith.andi %squeeze3A_953, %and3A_954 : i32
      %broadcast_in_dim3A_956 = vector.broadcast %and3A_955 : i32 to vector<16xi32>
      %gather3A_957 = tpu.vector_load_idx %arg22[%iota3A, %broadcast_in_dim3A_956] : memref<16x128xf32, #tpu.memory_space<vmem>>[vector<16xi32>, vector<16xi32>], vector<16xf32>,
      %add3A_958 = arith.constant 11 : i32
      %add3A_959 = arith.addi %mul3A_853, %add3A_958 : i32
      %broadcast_in_dim3A_960 = vector.broadcast %add3A_959 : i32 to vector<16xi32>
      tpu.vector_store_idx %arg44[%iota3A, %broadcast_in_dim3A_960], %gather3A_957 : memref<16x512xf32, #tpu.memory_space<vmem>>[vector<16xi32>, vector<16xi32>], vector<16xf32>,
      %slice3A_961 = vector.extract_strided_slice %get3A_855 {offsets = [12], sizes = [1], strides = [1]} : vector<16xi32> to vector<1xi32>
      %squeeze3A_962 = vector.extract %slice3A_961[0] : i32 from vector<1xi32>
      %and3A_963 = arith.constant 127 : i32
      %and3A_964 = arith.andi %squeeze3A_962, %and3A_963 : i32
      %broadcast_in_dim3A_965 = vector.broadcast %and3A_964 : i32 to vector<16xi32>
      %gather3A_966 = tpu.vector_load_idx %arg23[%iota3A, %broadcast_in_dim3A_965] : memref<16x128xf32, #tpu.memory_space<vmem>>[vector<16xi32>, vector<16xi32>], vector<16xf32>,
      %add3A_967 = arith.constant 12 : i32
      %add3A_968 = arith.addi %mul3A_853, %add3A_967 : i32
      %broadcast_in_dim3A_969 = vector.broadcast %add3A_968 : i32 to vector<16xi32>
      tpu.vector_store_idx %arg44[%iota3A, %broadcast_in_dim3A_969], %gather3A_966 : memref<16x512xf32, #tpu.memory_space<vmem>>[vector<16xi32>, vector<16xi32>], vector<16xf32>,
      %slice3A_970 = vector.extract_strided_slice %get3A_855 {offsets = [13], sizes = [1], strides = [1]} : vector<16xi32> to vector<1xi32>
      %squeeze3A_971 = vector.extract %slice3A_970[0] : i32 from vector<1xi32>
      %and3A_972 = arith.constant 127 : i32
      %and3A_973 = arith.andi %squeeze3A_971, %and3A_972 : i32
      %broadcast_in_dim3A_974 = vector.broadcast %and3A_973 : i32 to vector<16xi32>
      %gather3A_975 = tpu.vector_load_idx %arg24[%iota3A, %broadcast_in_dim3A_974] : memref<16x128xf32, #tpu.memory_space<vmem>>[vector<16xi32>, vector<16xi32>], vector<16xf32>,
      %add3A_976 = arith.constant 13 : i32
      %add3A_977 = arith.addi %mul3A_853, %add3A_976 : i32
      %broadcast_in_dim3A_978 = vector.broadcast %add3A_977 : i32 to vector<16xi32>
      tpu.vector_store_idx %arg44[%iota3A, %broadcast_in_dim3A_978], %gather3A_975 : memref<16x512xf32, #tpu.memory_space<vmem>>[vector<16xi32>, vector<16xi32>], vector<16xf32>,
      %slice3A_979 = vector.extract_strided_slice %get3A_855 {offsets = [14], sizes = [1], strides = [1]} : vector<16xi32> to vector<1xi32>
      %squeeze3A_980 = vector.extract %slice3A_979[0] : i32 from vector<1xi32>
      %and3A_981 = arith.constant 127 : i32
      %and3A_982 = arith.andi %squeeze3A_980, %and3A_981 : i32
      %broadcast_in_dim3A_983 = vector.broadcast %and3A_982 : i32 to vector<16xi32>
      %gather3A_984 = tpu.vector_load_idx %arg25[%iota3A, %broadcast_in_dim3A_983] : memref<16x128xf32, #tpu.memory_space<vmem>>[vector<16xi32>, vector<16xi32>], vector<16xf32>,
      %add3A_985 = arith.constant 14 : i32
      %add3A_986 = arith.addi %mul3A_853, %add3A_985 : i32
      %broadcast_in_dim3A_987 = vector.broadcast %add3A_986 : i32 to vector<16xi32>
      tpu.vector_store_idx %arg44[%iota3A, %broadcast_in_dim3A_987], %gather3A_984 : memref<16x512xf32, #tpu.memory_space<vmem>>[vector<16xi32>, vector<16xi32>], vector<16xf32>,
      %slice3A_988 = vector.extract_strided_slice %get3A_855 {offsets = [15], sizes = [1], strides = [1]} : vector<16xi32> to vector<1xi32>
      %squeeze3A_989 = vector.extract %slice3A_988[0] : i32 from vector<1xi32>
      %and3A_990 = arith.constant 127 : i32
      %and3A_991 = arith.andi %squeeze3A_989, %and3A_990 : i32
      %broadcast_in_dim3A_992 = vector.broadcast %and3A_991 : i32 to vector<16xi32>
      %gather3A_993 = tpu.vector_load_idx %arg26[%iota3A, %broadcast_in_dim3A_992] : memref<16x128xf32, #tpu.memory_space<vmem>>[vector<16xi32>, vector<16xi32>], vector<16xf32>,
      %add3A_994 = arith.constant 15 : i32
      %add3A_995 = arith.addi %mul3A_853, %add3A_994 : i32
      %broadcast_in_dim3A_996 = vector.broadcast %add3A_995 : i32 to vector<16xi32>
      tpu.vector_store_idx %arg44[%iota3A, %broadcast_in_dim3A_996], %gather3A_993 : memref<16x512xf32, #tpu.memory_space<vmem>>[vector<16xi32>, vector<16xi32>], vector<16xf32>,
      %add3A_997 = arith.constant 2 : i32
      %add3A_998 = arith.addi %mul3A_571, %add3A_997 : i32
      %min3A_999 = arith.constant 31 : i32
      %min3A_1000 = arith.minsi %add3A_998, %min3A_999 : i32
      %mul3A_1001 = arith.constant 16 : i32
      %mul3A_1002 = arith.muli %min3A_1000, %mul3A_1001 : i32
      %get3A_1003 = arith.index_cast %mul3A_1002 : i32 to index
      %get3A_1004 = tpu.vector_load %arg10[%get3A_1003] {strides = array<i32>} : memref<512xi32, #tpu.memory_space<vmem>>, vector<16xi32>,
      %slice3A_1005 = vector.extract_strided_slice %get3A_1004 {offsets = [0], sizes = [1], strides = [1]} : vector<16xi32> to vector<1xi32>
      %squeeze3A_1006 = vector.extract %slice3A_1005[0] : i32 from vector<1xi32>
      %shift_right_logical3A_1007 = arith.constant 7 : i32
      %shift_right_logical3A_1008 = arith.shrui %squeeze3A_1006, %shift_right_logical3A_1007 : i32
      %shift_left3A_1009 = arith.constant 7 : i32
      %shift_left3A_1010 = arith.shli %shift_right_logical3A_1008, %shift_left3A_1009 : i32
      %multiple_of3A_1011 = tpu.assume_multiple %shift_left3A_1010, 128 : i32
      %dma_start3A_1012 = arith.constant 0 : i32
      %dma_start3A_1013 = tpu.memref_slice %arg5[%dma_start3A_1012, %multiple_of3A_1011] : memref<16x1000000xf32, #tpu.memory_space<hbm>> -> memref<16x128xf32, #tpu.memory_space<hbm>>
      %dma_start3A_1014 = arith.constant 0 : i32
      %dma_start3A_1015 = tpu.memref_slice %arg5[%dma_start3A_1014, %multiple_of3A_1011] : memref<16x1000000xf32, #tpu.memory_space<hbm>> -> memref<16x128xf32, #tpu.memory_space<hbm>>
      tpu.enqueue_dma source(%dma_start3A_1015 : memref<16x128xf32, #tpu.memory_space<hbm>>) target(%arg11 : memref<16x128xf32, #tpu.memory_space<vmem>>) target_semaphore(%arg46 : memref<!tpu.dma_semaphore, #tpu.memory_space<semaphore_mem>>)
      %slice3A_1016 = vector.extract_strided_slice %get3A_1004 {offsets = [1], sizes = [1], strides = [1]} : vector<16xi32> to vector<1xi32>
      %squeeze3A_1017 = vector.extract %slice3A_1016[0] : i32 from vector<1xi32>
      %shift_right_logical3A_1018 = arith.constant 7 : i32
      %shift_right_logical3A_1019 = arith.shrui %squeeze3A_1017, %shift_right_logical3A_1018 : i32
      %shift_left3A_1020 = arith.constant 7 : i32
      %shift_left3A_1021 = arith.shli %shift_right_logical3A_1019, %shift_left3A_1020 : i32
      %multiple_of3A_1022 = tpu.assume_multiple %shift_left3A_1021, 128 : i32
      %dma_start3A_1023 = arith.constant 0 : i32
      %dma_start3A_1024 = tpu.memref_slice %arg5[%dma_start3A_1023, %multiple_of3A_1022] : memref<16x1000000xf32, #tpu.memory_space<hbm>> -> memref<16x128xf32, #tpu.memory_space<hbm>>
      %dma_start3A_1025 = arith.constant 0 : i32
      %dma_start3A_1026 = tpu.memref_slice %arg5[%dma_start3A_1025, %multiple_of3A_1022] : memref<16x1000000xf32, #tpu.memory_space<hbm>> -> memref<16x128xf32, #tpu.memory_space<hbm>>
      tpu.enqueue_dma source(%dma_start3A_1026 : memref<16x128xf32, #tpu.memory_space<hbm>>) target(%arg12 : memref<16x128xf32, #tpu.memory_space<vmem>>) target_semaphore(%arg46 : memref<!tpu.dma_semaphore, #tpu.memory_space<semaphore_mem>>)
      %slice3A_1027 = vector.extract_strided_slice %get3A_1004 {offsets = [2], sizes = [1], strides = [1]} : vector<16xi32> to vector<1xi32>
      %squeeze3A_1028 = vector.extract %slice3A_1027[0] : i32 from vector<1xi32>
      %shift_right_logical3A_1029 = arith.constant 7 : i32
      %shift_right_logical3A_1030 = arith.shrui %squeeze3A_1028, %shift_right_logical3A_1029 : i32
      %shift_left3A_1031 = arith.constant 7 : i32
      %shift_left3A_1032 = arith.shli %shift_right_logical3A_1030, %shift_left3A_1031 : i32
      %multiple_of3A_1033 = tpu.assume_multiple %shift_left3A_1032, 128 : i32
      %dma_start3A_1034 = arith.constant 0 : i32
      %dma_start3A_1035 = tpu.memref_slice %arg5[%dma_start3A_1034, %multiple_of3A_1033] : memref<16x1000000xf32, #tpu.memory_space<hbm>> -> memref<16x128xf32, #tpu.memory_space<hbm>>
      %dma_start3A_1036 = arith.constant 0 : i32
      %dma_start3A_1037 = tpu.memref_slice %arg5[%dma_start3A_1036, %multiple_of3A_1033] : memref<16x1000000xf32, #tpu.memory_space<hbm>> -> memref<16x128xf32, #tpu.memory_space<hbm>>
      tpu.enqueue_dma source(%dma_start3A_1037 : memref<16x128xf32, #tpu.memory_space<hbm>>) target(%arg13 : memref<16x128xf32, #tpu.memory_space<vmem>>) target_semaphore(%arg46 : memref<!tpu.dma_semaphore, #tpu.memory_space<semaphore_mem>>)
      %slice3A_1038 = vector.extract_strided_slice %get3A_1004 {offsets = [3], sizes = [1], strides = [1]} : vector<16xi32> to vector<1xi32>
      %squeeze3A_1039 = vector.extract %slice3A_1038[0] : i32 from vector<1xi32>
      %shift_right_logical3A_1040 = arith.constant 7 : i32
      %shift_right_logical3A_1041 = arith.shrui %squeeze3A_1039, %shift_right_logical3A_1040 : i32
      %shift_left3A_1042 = arith.constant 7 : i32
      %shift_left3A_1043 = arith.shli %shift_right_logical3A_1041, %shift_left3A_1042 : i32
      %multiple_of3A_1044 = tpu.assume_multiple %shift_left3A_1043, 128 : i32
      %dma_start3A_1045 = arith.constant 0 : i32
      %dma_start3A_1046 = tpu.memref_slice %arg5[%dma_start3A_1045, %multiple_of3A_1044] : memref<16x1000000xf32, #tpu.memory_space<hbm>> -> memref<16x128xf32, #tpu.memory_space<hbm>>
      %dma_start3A_1047 = arith.constant 0 : i32
      %dma_start3A_1048 = tpu.memref_slice %arg5[%dma_start3A_1047, %multiple_of3A_1044] : memref<16x1000000xf32, #tpu.memory_space<hbm>> -> memref<16x128xf32, #tpu.memory_space<hbm>>
      tpu.enqueue_dma source(%dma_start3A_1048 : memref<16x128xf32, #tpu.memory_space<hbm>>) target(%arg14 : memref<16x128xf32, #tpu.memory_space<vmem>>) target_semaphore(%arg46 : memref<!tpu.dma_semaphore, #tpu.memory_space<semaphore_mem>>)
      %slice3A_1049 = vector.extract_strided_slice %get3A_1004 {offsets = [4], sizes = [1], strides = [1]} : vector<16xi32> to vector<1xi32>
      %squeeze3A_1050 = vector.extract %slice3A_1049[0] : i32 from vector<1xi32>
      %shift_right_logical3A_1051 = arith.constant 7 : i32
      %shift_right_logical3A_1052 = arith.shrui %squeeze3A_1050, %shift_right_logical3A_1051 : i32
      %shift_left3A_1053 = arith.constant 7 : i32
      %shift_left3A_1054 = arith.shli %shift_right_logical3A_1052, %shift_left3A_1053 : i32
      %multiple_of3A_1055 = tpu.assume_multiple %shift_left3A_1054, 128 : i32
      %dma_start3A_1056 = arith.constant 0 : i32
      %dma_start3A_1057 = tpu.memref_slice %arg5[%dma_start3A_1056, %multiple_of3A_1055] : memref<16x1000000xf32, #tpu.memory_space<hbm>> -> memref<16x128xf32, #tpu.memory_space<hbm>>
      %dma_start3A_1058 = arith.constant 0 : i32
      %dma_start3A_1059 = tpu.memref_slice %arg5[%dma_start3A_1058, %multiple_of3A_1055] : memref<16x1000000xf32, #tpu.memory_space<hbm>> -> memref<16x128xf32, #tpu.memory_space<hbm>>
      tpu.enqueue_dma source(%dma_start3A_1059 : memref<16x128xf32, #tpu.memory_space<hbm>>) target(%arg15 : memref<16x128xf32, #tpu.memory_space<vmem>>) target_semaphore(%arg46 : memref<!tpu.dma_semaphore, #tpu.memory_space<semaphore_mem>>)
      %slice3A_1060 = vector.extract_strided_slice %get3A_1004 {offsets = [5], sizes = [1], strides = [1]} : vector<16xi32> to vector<1xi32>
      %squeeze3A_1061 = vector.extract %slice3A_1060[0] : i32 from vector<1xi32>
      %shift_right_logical3A_1062 = arith.constant 7 : i32
      %shift_right_logical3A_1063 = arith.shrui %squeeze3A_1061, %shift_right_logical3A_1062 : i32
      %shift_left3A_1064 = arith.constant 7 : i32
      %shift_left3A_1065 = arith.shli %shift_right_logical3A_1063, %shift_left3A_1064 : i32
      %multiple_of3A_1066 = tpu.assume_multiple %shift_left3A_1065, 128 : i32
      %dma_start3A_1067 = arith.constant 0 : i32
      %dma_start3A_1068 = tpu.memref_slice %arg5[%dma_start3A_1067, %multiple_of3A_1066] : memref<16x1000000xf32, #tpu.memory_space<hbm>> -> memref<16x128xf32, #tpu.memory_space<hbm>>
      %dma_start3A_1069 = arith.constant 0 : i32
      %dma_start3A_1070 = tpu.memref_slice %arg5[%dma_start3A_1069, %multiple_of3A_1066] : memref<16x1000000xf32, #tpu.memory_space<hbm>> -> memref<16x128xf32, #tpu.memory_space<hbm>>
      tpu.enqueue_dma source(%dma_start3A_1070 : memref<16x128xf32, #tpu.memory_space<hbm>>) target(%arg16 : memref<16x128xf32, #tpu.memory_space<vmem>>) target_semaphore(%arg46 : memref<!tpu.dma_semaphore, #tpu.memory_space<semaphore_mem>>)
      %slice3A_1071 = vector.extract_strided_slice %get3A_1004 {offsets = [6], sizes = [1], strides = [1]} : vector<16xi32> to vector<1xi32>
      %squeeze3A_1072 = vector.extract %slice3A_1071[0] : i32 from vector<1xi32>
      %shift_right_logical3A_1073 = arith.constant 7 : i32
      %shift_right_logical3A_1074 = arith.shrui %squeeze3A_1072, %shift_right_logical3A_1073 : i32
      %shift_left3A_1075 = arith.constant 7 : i32
      %shift_left3A_1076 = arith.shli %shift_right_logical3A_1074, %shift_left3A_1075 : i32
      %multiple_of3A_1077 = tpu.assume_multiple %shift_left3A_1076, 128 : i32
      %dma_start3A_1078 = arith.constant 0 : i32
      %dma_start3A_1079 = tpu.memref_slice %arg5[%dma_start3A_1078, %multiple_of3A_1077] : memref<16x1000000xf32, #tpu.memory_space<hbm>> -> memref<16x128xf32, #tpu.memory_space<hbm>>
      %dma_start3A_1080 = arith.constant 0 : i32
      %dma_start3A_1081 = tpu.memref_slice %arg5[%dma_start3A_1080, %multiple_of3A_1077] : memref<16x1000000xf32, #tpu.memory_space<hbm>> -> memref<16x128xf32, #tpu.memory_space<hbm>>
      tpu.enqueue_dma source(%dma_start3A_1081 : memref<16x128xf32, #tpu.memory_space<hbm>>) target(%arg17 : memref<16x128xf32, #tpu.memory_space<vmem>>) target_semaphore(%arg46 : memref<!tpu.dma_semaphore, #tpu.memory_space<semaphore_mem>>)
      %slice3A_1082 = vector.extract_strided_slice %get3A_1004 {offsets = [7], sizes = [1], strides = [1]} : vector<16xi32> to vector<1xi32>
      %squeeze3A_1083 = vector.extract %slice3A_1082[0] : i32 from vector<1xi32>
      %shift_right_logical3A_1084 = arith.constant 7 : i32
      %shift_right_logical3A_1085 = arith.shrui %squeeze3A_1083, %shift_right_logical3A_1084 : i32
      %shift_left3A_1086 = arith.constant 7 : i32
      %shift_left3A_1087 = arith.shli %shift_right_logical3A_1085, %shift_left3A_1086 : i32
      %multiple_of3A_1088 = tpu.assume_multiple %shift_left3A_1087, 128 : i32
      %dma_start3A_1089 = arith.constant 0 : i32
      %dma_start3A_1090 = tpu.memref_slice %arg5[%dma_start3A_1089, %multiple_of3A_1088] : memref<16x1000000xf32, #tpu.memory_space<hbm>> -> memref<16x128xf32, #tpu.memory_space<hbm>>
      %dma_start3A_1091 = arith.constant 0 : i32
      %dma_start3A_1092 = tpu.memref_slice %arg5[%dma_start3A_1091, %multiple_of3A_1088] : memref<16x1000000xf32, #tpu.memory_space<hbm>> -> memref<16x128xf32, #tpu.memory_space<hbm>>
      tpu.enqueue_dma source(%dma_start3A_1092 : memref<16x128xf32, #tpu.memory_space<hbm>>) target(%arg18 : memref<16x128xf32, #tpu.memory_space<vmem>>) target_semaphore(%arg46 : memref<!tpu.dma_semaphore, #tpu.memory_space<semaphore_mem>>)
      %slice3A_1093 = vector.extract_strided_slice %get3A_1004 {offsets = [8], sizes = [1], strides = [1]} : vector<16xi32> to vector<1xi32>
      %squeeze3A_1094 = vector.extract %slice3A_1093[0] : i32 from vector<1xi32>
      %shift_right_logical3A_1095 = arith.constant 7 : i32
      %shift_right_logical3A_1096 = arith.shrui %squeeze3A_1094, %shift_right_logical3A_1095 : i32
      %shift_left3A_1097 = arith.constant 7 : i32
      %shift_left3A_1098 = arith.shli %shift_right_logical3A_1096, %shift_left3A_1097 : i32
      %multiple_of3A_1099 = tpu.assume_multiple %shift_left3A_1098, 128 : i32
      %dma_start3A_1100 = arith.constant 0 : i32
      %dma_start3A_1101 = tpu.memref_slice %arg5[%dma_start3A_1100, %multiple_of3A_1099] : memref<16x1000000xf32, #tpu.memory_space<hbm>> -> memref<16x128xf32, #tpu.memory_space<hbm>>
      %dma_start3A_1102 = arith.constant 0 : i32
      %dma_start3A_1103 = tpu.memref_slice %arg5[%dma_start3A_1102, %multiple_of3A_1099] : memref<16x1000000xf32, #tpu.memory_space<hbm>> -> memref<16x128xf32, #tpu.memory_space<hbm>>
      tpu.enqueue_dma source(%dma_start3A_1103 : memref<16x128xf32, #tpu.memory_space<hbm>>) target(%arg19 : memref<16x128xf32, #tpu.memory_space<vmem>>) target_semaphore(%arg46 : memref<!tpu.dma_semaphore, #tpu.memory_space<semaphore_mem>>)
      %slice3A_1104 = vector.extract_strided_slice %get3A_1004 {offsets = [9], sizes = [1], strides = [1]} : vector<16xi32> to vector<1xi32>
      %squeeze3A_1105 = vector.extract %slice3A_1104[0] : i32 from vector<1xi32>
      %shift_right_logical3A_1106 = arith.constant 7 : i32
      %shift_right_logical3A_1107 = arith.shrui %squeeze3A_1105, %shift_right_logical3A_1106 : i32
      %shift_left3A_1108 = arith.constant 7 : i32
      %shift_left3A_1109 = arith.shli %shift_right_logical3A_1107, %shift_left3A_1108 : i32
      %multiple_of3A_1110 = tpu.assume_multiple %shift_left3A_1109, 128 : i32
      %dma_start3A_1111 = arith.constant 0 : i32
      %dma_start3A_1112 = tpu.memref_slice %arg5[%dma_start3A_1111, %multiple_of3A_1110] : memref<16x1000000xf32, #tpu.memory_space<hbm>> -> memref<16x128xf32, #tpu.memory_space<hbm>>
      %dma_start3A_1113 = arith.constant 0 : i32
      %dma_start3A_1114 = tpu.memref_slice %arg5[%dma_start3A_1113, %multiple_of3A_1110] : memref<16x1000000xf32, #tpu.memory_space<hbm>> -> memref<16x128xf32, #tpu.memory_space<hbm>>
      tpu.enqueue_dma source(%dma_start3A_1114 : memref<16x128xf32, #tpu.memory_space<hbm>>) target(%arg20 : memref<16x128xf32, #tpu.memory_space<vmem>>) target_semaphore(%arg46 : memref<!tpu.dma_semaphore, #tpu.memory_space<semaphore_mem>>)
      %slice3A_1115 = vector.extract_strided_slice %get3A_1004 {offsets = [10], sizes = [1], strides = [1]} : vector<16xi32> to vector<1xi32>
      %squeeze3A_1116 = vector.extract %slice3A_1115[0] : i32 from vector<1xi32>
      %shift_right_logical3A_1117 = arith.constant 7 : i32
      %shift_right_logical3A_1118 = arith.shrui %squeeze3A_1116, %shift_right_logical3A_1117 : i32
      %shift_left3A_1119 = arith.constant 7 : i32
      %shift_left3A_1120 = arith.shli %shift_right_logical3A_1118, %shift_left3A_1119 : i32
      %multiple_of3A_1121 = tpu.assume_multiple %shift_left3A_1120, 128 : i32
      %dma_start3A_1122 = arith.constant 0 : i32
      %dma_start3A_1123 = tpu.memref_slice %arg5[%dma_start3A_1122, %multiple_of3A_1121] : memref<16x1000000xf32, #tpu.memory_space<hbm>> -> memref<16x128xf32, #tpu.memory_space<hbm>>
      %dma_start3A_1124 = arith.constant 0 : i32
      %dma_start3A_1125 = tpu.memref_slice %arg5[%dma_start3A_1124, %multiple_of3A_1121] : memref<16x1000000xf32, #tpu.memory_space<hbm>> -> memref<16x128xf32, #tpu.memory_space<hbm>>
      tpu.enqueue_dma source(%dma_start3A_1125 : memref<16x128xf32, #tpu.memory_space<hbm>>) target(%arg21 : memref<16x128xf32, #tpu.memory_space<vmem>>) target_semaphore(%arg46 : memref<!tpu.dma_semaphore, #tpu.memory_space<semaphore_mem>>)
      %slice3A_1126 = vector.extract_strided_slice %get3A_1004 {offsets = [11], sizes = [1], strides = [1]} : vector<16xi32> to vector<1xi32>
      %squeeze3A_1127 = vector.extract %slice3A_1126[0] : i32 from vector<1xi32>
      %shift_right_logical3A_1128 = arith.constant 7 : i32
      %shift_right_logical3A_1129 = arith.shrui %squeeze3A_1127, %shift_right_logical3A_1128 : i32
      %shift_left3A_1130 = arith.constant 7 : i32
      %shift_left3A_1131 = arith.shli %shift_right_logical3A_1129, %shift_left3A_1130 : i32
      %multiple_of3A_1132 = tpu.assume_multiple %shift_left3A_1131, 128 : i32
      %dma_start3A_1133 = arith.constant 0 : i32
      %dma_start3A_1134 = tpu.memref_slice %arg5[%dma_start3A_1133, %multiple_of3A_1132] : memref<16x1000000xf32, #tpu.memory_space<hbm>> -> memref<16x128xf32, #tpu.memory_space<hbm>>
      %dma_start3A_1135 = arith.constant 0 : i32
      %dma_start3A_1136 = tpu.memref_slice %arg5[%dma_start3A_1135, %multiple_of3A_1132] : memref<16x1000000xf32, #tpu.memory_space<hbm>> -> memref<16x128xf32, #tpu.memory_space<hbm>>
      tpu.enqueue_dma source(%dma_start3A_1136 : memref<16x128xf32, #tpu.memory_space<hbm>>) target(%arg22 : memref<16x128xf32, #tpu.memory_space<vmem>>) target_semaphore(%arg46 : memref<!tpu.dma_semaphore, #tpu.memory_space<semaphore_mem>>)
      %slice3A_1137 = vector.extract_strided_slice %get3A_1004 {offsets = [12], sizes = [1], strides = [1]} : vector<16xi32> to vector<1xi32>
      %squeeze3A_1138 = vector.extract %slice3A_1137[0] : i32 from vector<1xi32>
      %shift_right_logical3A_1139 = arith.constant 7 : i32
      %shift_right_logical3A_1140 = arith.shrui %squeeze3A_1138, %shift_right_logical3A_1139 : i32
      %shift_left3A_1141 = arith.constant 7 : i32
      %shift_left3A_1142 = arith.shli %shift_right_logical3A_1140, %shift_left3A_1141 : i32
      %multiple_of3A_1143 = tpu.assume_multiple %shift_left3A_1142, 128 : i32
      %dma_start3A_1144 = arith.constant 0 : i32
      %dma_start3A_1145 = tpu.memref_slice %arg5[%dma_start3A_1144, %multiple_of3A_1143] : memref<16x1000000xf32, #tpu.memory_space<hbm>> -> memref<16x128xf32, #tpu.memory_space<hbm>>
      %dma_start3A_1146 = arith.constant 0 : i32
      %dma_start3A_1147 = tpu.memref_slice %arg5[%dma_start3A_1146, %multiple_of3A_1143] : memref<16x1000000xf32, #tpu.memory_space<hbm>> -> memref<16x128xf32, #tpu.memory_space<hbm>>
      tpu.enqueue_dma source(%dma_start3A_1147 : memref<16x128xf32, #tpu.memory_space<hbm>>) target(%arg23 : memref<16x128xf32, #tpu.memory_space<vmem>>) target_semaphore(%arg46 : memref<!tpu.dma_semaphore, #tpu.memory_space<semaphore_mem>>)
      %slice3A_1148 = vector.extract_strided_slice %get3A_1004 {offsets = [13], sizes = [1], strides = [1]} : vector<16xi32> to vector<1xi32>
      %squeeze3A_1149 = vector.extract %slice3A_1148[0] : i32 from vector<1xi32>
      %shift_right_logical3A_1150 = arith.constant 7 : i32
      %shift_right_logical3A_1151 = arith.shrui %squeeze3A_1149, %shift_right_logical3A_1150 : i32
      %shift_left3A_1152 = arith.constant 7 : i32
      %shift_left3A_1153 = arith.shli %shift_right_logical3A_1151, %shift_left3A_1152 : i32
      %multiple_of3A_1154 = tpu.assume_multiple %shift_left3A_1153, 128 : i32
      %dma_start3A_1155 = arith.constant 0 : i32
      %dma_start3A_1156 = tpu.memref_slice %arg5[%dma_start3A_1155, %multiple_of3A_1154] : memref<16x1000000xf32, #tpu.memory_space<hbm>> -> memref<16x128xf32, #tpu.memory_space<hbm>>
      %dma_start3A_1157 = arith.constant 0 : i32
      %dma_start3A_1158 = tpu.memref_slice %arg5[%dma_start3A_1157, %multiple_of3A_1154] : memref<16x1000000xf32, #tpu.memory_space<hbm>> -> memref<16x128xf32, #tpu.memory_space<hbm>>
      tpu.enqueue_dma source(%dma_start3A_1158 : memref<16x128xf32, #tpu.memory_space<hbm>>) target(%arg24 : memref<16x128xf32, #tpu.memory_space<vmem>>) target_semaphore(%arg46 : memref<!tpu.dma_semaphore, #tpu.memory_space<semaphore_mem>>)
      %slice3A_1159 = vector.extract_strided_slice %get3A_1004 {offsets = [14], sizes = [1], strides = [1]} : vector<16xi32> to vector<1xi32>
      %squeeze3A_1160 = vector.extract %slice3A_1159[0] : i32 from vector<1xi32>
      %shift_right_logical3A_1161 = arith.constant 7 : i32
      %shift_right_logical3A_1162 = arith.shrui %squeeze3A_1160, %shift_right_logical3A_1161 : i32
      %shift_left3A_1163 = arith.constant 7 : i32
      %shift_left3A_1164 = arith.shli %shift_right_logical3A_1162, %shift_left3A_1163 : i32
      %multiple_of3A_1165 = tpu.assume_multiple %shift_left3A_1164, 128 : i32
      %dma_start3A_1166 = arith.constant 0 : i32
      %dma_start3A_1167 = tpu.memref_slice %arg5[%dma_start3A_1166, %multiple_of3A_1165] : memref<16x1000000xf32, #tpu.memory_space<hbm>> -> memref<16x128xf32, #tpu.memory_space<hbm>>
      %dma_start3A_1168 = arith.constant 0 : i32
      %dma_start3A_1169 = tpu.memref_slice %arg5[%dma_start3A_1168, %multiple_of3A_1165] : memref<16x1000000xf32, #tpu.memory_space<hbm>> -> memref<16x128xf32, #tpu.memory_space<hbm>>
      tpu.enqueue_dma source(%dma_start3A_1169 : memref<16x128xf32, #tpu.memory_space<hbm>>) target(%arg25 : memref<16x128xf32, #tpu.memory_space<vmem>>) target_semaphore(%arg46 : memref<!tpu.dma_semaphore, #tpu.memory_space<semaphore_mem>>)
      %slice3A_1170 = vector.extract_strided_slice %get3A_1004 {offsets = [15], sizes = [1], strides = [1]} : vector<16xi32> to vector<1xi32>
      %squeeze3A_1171 = vector.extract %slice3A_1170[0] : i32 from vector<1xi32>
      %shift_right_logical3A_1172 = arith.constant 7 : i32
      %shift_right_logical3A_1173 = arith.shrui %squeeze3A_1171, %shift_right_logical3A_1172 : i32
      %shift_left3A_1174 = arith.constant 7 : i32
      %shift_left3A_1175 = arith.shli %shift_right_logical3A_1173, %shift_left3A_1174 : i32
      %multiple_of3A_1176 = tpu.assume_multiple %shift_left3A_1175, 128 : i32
      %dma_start3A_1177 = arith.constant 0 : i32
      %dma_start3A_1178 = tpu.memref_slice %arg5[%dma_start3A_1177, %multiple_of3A_1176] : memref<16x1000000xf32, #tpu.memory_space<hbm>> -> memref<16x128xf32, #tpu.memory_space<hbm>>
      %dma_start3A_1179 = arith.constant 0 : i32
      %dma_start3A_1180 = tpu.memref_slice %arg5[%dma_start3A_1179, %multiple_of3A_1176] : memref<16x1000000xf32, #tpu.memory_space<hbm>> -> memref<16x128xf32, #tpu.memory_space<hbm>>
      tpu.enqueue_dma source(%dma_start3A_1180 : memref<16x128xf32, #tpu.memory_space<hbm>>) target(%arg26 : memref<16x128xf32, #tpu.memory_space<vmem>>) target_semaphore(%arg46 : memref<!tpu.dma_semaphore, #tpu.memory_space<semaphore_mem>>)
      %dma_wait3A_1181 = arith.constant 0 : i32
      %dma_wait3A_1182 = arith.constant 0 : i32
      %dma_wait3A_1183 = tpu.memref_slice %arg4[%dma_wait3A_1181, %dma_wait3A_1182] : memref<16x1000000xf32, #tpu.memory_space<hbm>> -> memref<16x128xf32, #tpu.memory_space<hbm>>
      %dma_wait3A_1184 = arith.constant 0 : i32
      %dma_wait3A_1185 = arith.constant 0 : i32
      %dma_wait3A_1186 = tpu.memref_slice %arg4[%dma_wait3A_1184, %dma_wait3A_1185] : memref<16x1000000xf32, #tpu.memory_space<hbm>> -> memref<16x128xf32, #tpu.memory_space<hbm>>
      tpu.wait_dma2 semaphore(%arg47 : memref<!tpu.dma_semaphore, #tpu.memory_space<semaphore_mem>>) src(%dma_wait3A_1186 : memref<16x128xf32, #tpu.memory_space<hbm>>) dst(%arg27 : memref<16x128xf32, #tpu.memory_space<vmem>>)
      %dma_wait3A_1187 = arith.constant 0 : i32
      %dma_wait3A_1188 = arith.constant 0 : i32
      %dma_wait3A_1189 = tpu.memref_slice %arg4[%dma_wait3A_1187, %dma_wait3A_1188] : memref<16x1000000xf32, #tpu.memory_space<hbm>> -> memref<16x128xf32, #tpu.memory_space<hbm>>
      %dma_wait3A_1190 = arith.constant 0 : i32
      %dma_wait3A_1191 = arith.constant 0 : i32
      %dma_wait3A_1192 = tpu.memref_slice %arg4[%dma_wait3A_1190, %dma_wait3A_1191] : memref<16x1000000xf32, #tpu.memory_space<hbm>> -> memref<16x128xf32, #tpu.memory_space<hbm>>
      tpu.wait_dma2 semaphore(%arg47 : memref<!tpu.dma_semaphore, #tpu.memory_space<semaphore_mem>>) src(%dma_wait3A_1192 : memref<16x128xf32, #tpu.memory_space<hbm>>) dst(%arg28 : memref<16x128xf32, #tpu.memory_space<vmem>>)
      %dma_wait3A_1193 = arith.constant 0 : i32
      %dma_wait3A_1194 = arith.constant 0 : i32
      %dma_wait3A_1195 = tpu.memref_slice %arg4[%dma_wait3A_1193, %dma_wait3A_1194] : memref<16x1000000xf32, #tpu.memory_space<hbm>> -> memref<16x128xf32, #tpu.memory_space<hbm>>
      %dma_wait3A_1196 = arith.constant 0 : i32
      %dma_wait3A_1197 = arith.constant 0 : i32
      %dma_wait3A_1198 = tpu.memref_slice %arg4[%dma_wait3A_1196, %dma_wait3A_1197] : memref<16x1000000xf32, #tpu.memory_space<hbm>> -> memref<16x128xf32, #tpu.memory_space<hbm>>
      tpu.wait_dma2 semaphore(%arg47 : memref<!tpu.dma_semaphore, #tpu.memory_space<semaphore_mem>>) src(%dma_wait3A_1198 : memref<16x128xf32, #tpu.memory_space<hbm>>) dst(%arg29 : memref<16x128xf32, #tpu.memory_space<vmem>>)
      %dma_wait3A_1199 = arith.constant 0 : i32
      %dma_wait3A_1200 = arith.constant 0 : i32
      %dma_wait3A_1201 = tpu.memref_slice %arg4[%dma_wait3A_1199, %dma_wait3A_1200] : memref<16x1000000xf32, #tpu.memory_space<hbm>> -> memref<16x128xf32, #tpu.memory_space<hbm>>
      %dma_wait3A_1202 = arith.constant 0 : i32
      %dma_wait3A_1203 = arith.constant 0 : i32
      %dma_wait3A_1204 = tpu.memref_slice %arg4[%dma_wait3A_1202, %dma_wait3A_1203] : memref<16x1000000xf32, #tpu.memory_space<hbm>> -> memref<16x128xf32, #tpu.memory_space<hbm>>
      tpu.wait_dma2 semaphore(%arg47 : memref<!tpu.dma_semaphore, #tpu.memory_space<semaphore_mem>>) src(%dma_wait3A_1204 : memref<16x128xf32, #tpu.memory_space<hbm>>) dst(%arg30 : memref<16x128xf32, #tpu.memory_space<vmem>>)
      %dma_wait3A_1205 = arith.constant 0 : i32
      %dma_wait3A_1206 = arith.constant 0 : i32
      %dma_wait3A_1207 = tpu.memref_slice %arg4[%dma_wait3A_1205, %dma_wait3A_1206] : memref<16x1000000xf32, #tpu.memory_space<hbm>> -> memref<16x128xf32, #tpu.memory_space<hbm>>
      %dma_wait3A_1208 = arith.constant 0 : i32
      %dma_wait3A_1209 = arith.constant 0 : i32
      %dma_wait3A_1210 = tpu.memref_slice %arg4[%dma_wait3A_1208, %dma_wait3A_1209] : memref<16x1000000xf32, #tpu.memory_space<hbm>> -> memref<16x128xf32, #tpu.memory_space<hbm>>
      tpu.wait_dma2 semaphore(%arg47 : memref<!tpu.dma_semaphore, #tpu.memory_space<semaphore_mem>>) src(%dma_wait3A_1210 : memref<16x128xf32, #tpu.memory_space<hbm>>) dst(%arg31 : memref<16x128xf32, #tpu.memory_space<vmem>>)
      %dma_wait3A_1211 = arith.constant 0 : i32
      %dma_wait3A_1212 = arith.constant 0 : i32
      %dma_wait3A_1213 = tpu.memref_slice %arg4[%dma_wait3A_1211, %dma_wait3A_1212] : memref<16x1000000xf32, #tpu.memory_space<hbm>> -> memref<16x128xf32, #tpu.memory_space<hbm>>
      %dma_wait3A_1214 = arith.constant 0 : i32
      %dma_wait3A_1215 = arith.constant 0 : i32
      %dma_wait3A_1216 = tpu.memref_slice %arg4[%dma_wait3A_1214, %dma_wait3A_1215] : memref<16x1000000xf32, #tpu.memory_space<hbm>> -> memref<16x128xf32, #tpu.memory_space<hbm>>
      tpu.wait_dma2 semaphore(%arg47 : memref<!tpu.dma_semaphore, #tpu.memory_space<semaphore_mem>>) src(%dma_wait3A_1216 : memref<16x128xf32, #tpu.memory_space<hbm>>) dst(%arg32 : memref<16x128xf32, #tpu.memory_space<vmem>>)
      %dma_wait3A_1217 = arith.constant 0 : i32
      %dma_wait3A_1218 = arith.constant 0 : i32
      %dma_wait3A_1219 = tpu.memref_slice %arg4[%dma_wait3A_1217, %dma_wait3A_1218] : memref<16x1000000xf32, #tpu.memory_space<hbm>> -> memref<16x128xf32, #tpu.memory_space<hbm>>
      %dma_wait3A_1220 = arith.constant 0 : i32
      %dma_wait3A_1221 = arith.constant 0 : i32
      %dma_wait3A_1222 = tpu.memref_slice %arg4[%dma_wait3A_1220, %dma_wait3A_1221] : memref<16x1000000xf32, #tpu.memory_space<hbm>> -> memref<16x128xf32, #tpu.memory_space<hbm>>
      tpu.wait_dma2 semaphore(%arg47 : memref<!tpu.dma_semaphore, #tpu.memory_space<semaphore_mem>>) src(%dma_wait3A_1222 : memref<16x128xf32, #tpu.memory_space<hbm>>) dst(%arg33 : memref<16x128xf32, #tpu.memory_space<vmem>>)
      %dma_wait3A_1223 = arith.constant 0 : i32
      %dma_wait3A_1224 = arith.constant 0 : i32
      %dma_wait3A_1225 = tpu.memref_slice %arg4[%dma_wait3A_1223, %dma_wait3A_1224] : memref<16x1000000xf32, #tpu.memory_space<hbm>> -> memref<16x128xf32, #tpu.memory_space<hbm>>
      %dma_wait3A_1226 = arith.constant 0 : i32
      %dma_wait3A_1227 = arith.constant 0 : i32
      %dma_wait3A_1228 = tpu.memref_slice %arg4[%dma_wait3A_1226, %dma_wait3A_1227] : memref<16x1000000xf32, #tpu.memory_space<hbm>> -> memref<16x128xf32, #tpu.memory_space<hbm>>
      tpu.wait_dma2 semaphore(%arg47 : memref<!tpu.dma_semaphore, #tpu.memory_space<semaphore_mem>>) src(%dma_wait3A_1228 : memref<16x128xf32, #tpu.memory_space<hbm>>) dst(%arg34 : memref<16x128xf32, #tpu.memory_space<vmem>>)
      %dma_wait3A_1229 = arith.constant 0 : i32
      %dma_wait3A_1230 = arith.constant 0 : i32
      %dma_wait3A_1231 = tpu.memref_slice %arg4[%dma_wait3A_1229, %dma_wait3A_1230] : memref<16x1000000xf32, #tpu.memory_space<hbm>> -> memref<16x128xf32, #tpu.memory_space<hbm>>
      %dma_wait3A_1232 = arith.constant 0 : i32
      %dma_wait3A_1233 = arith.constant 0 : i32
      %dma_wait3A_1234 = tpu.memref_slice %arg4[%dma_wait3A_1232, %dma_wait3A_1233] : memref<16x1000000xf32, #tpu.memory_space<hbm>> -> memref<16x128xf32, #tpu.memory_space<hbm>>
      tpu.wait_dma2 semaphore(%arg47 : memref<!tpu.dma_semaphore, #tpu.memory_space<semaphore_mem>>) src(%dma_wait3A_1234 : memref<16x128xf32, #tpu.memory_space<hbm>>) dst(%arg35 : memref<16x128xf32, #tpu.memory_space<vmem>>)
      %dma_wait3A_1235 = arith.constant 0 : i32
      %dma_wait3A_1236 = arith.constant 0 : i32
      %dma_wait3A_1237 = tpu.memref_slice %arg4[%dma_wait3A_1235, %dma_wait3A_1236] : memref<16x1000000xf32, #tpu.memory_space<hbm>> -> memref<16x128xf32, #tpu.memory_space<hbm>>
      %dma_wait3A_1238 = arith.constant 0 : i32
      %dma_wait3A_1239 = arith.constant 0 : i32
      %dma_wait3A_1240 = tpu.memref_slice %arg4[%dma_wait3A_1238, %dma_wait3A_1239] : memref<16x1000000xf32, #tpu.memory_space<hbm>> -> memref<16x128xf32, #tpu.memory_space<hbm>>
      tpu.wait_dma2 semaphore(%arg47 : memref<!tpu.dma_semaphore, #tpu.memory_space<semaphore_mem>>) src(%dma_wait3A_1240 : memref<16x128xf32, #tpu.memory_space<hbm>>) dst(%arg36 : memref<16x128xf32, #tpu.memory_space<vmem>>)
      %dma_wait3A_1241 = arith.constant 0 : i32
      %dma_wait3A_1242 = arith.constant 0 : i32
      %dma_wait3A_1243 = tpu.memref_slice %arg4[%dma_wait3A_1241, %dma_wait3A_1242] : memref<16x1000000xf32, #tpu.memory_space<hbm>> -> memref<16x128xf32, #tpu.memory_space<hbm>>
      %dma_wait3A_1244 = arith.constant 0 : i32
      %dma_wait3A_1245 = arith.constant 0 : i32
      %dma_wait3A_1246 = tpu.memref_slice %arg4[%dma_wait3A_1244, %dma_wait3A_1245] : memref<16x1000000xf32, #tpu.memory_space<hbm>> -> memref<16x128xf32, #tpu.memory_space<hbm>>
      tpu.wait_dma2 semaphore(%arg47 : memref<!tpu.dma_semaphore, #tpu.memory_space<semaphore_mem>>) src(%dma_wait3A_1246 : memref<16x128xf32, #tpu.memory_space<hbm>>) dst(%arg37 : memref<16x128xf32, #tpu.memory_space<vmem>>)
      %dma_wait3A_1247 = arith.constant 0 : i32
      %dma_wait3A_1248 = arith.constant 0 : i32
      %dma_wait3A_1249 = tpu.memref_slice %arg4[%dma_wait3A_1247, %dma_wait3A_1248] : memref<16x1000000xf32, #tpu.memory_space<hbm>> -> memref<16x128xf32, #tpu.memory_space<hbm>>
      %dma_wait3A_1250 = arith.constant 0 : i32
      %dma_wait3A_1251 = arith.constant 0 : i32
      %dma_wait3A_1252 = tpu.memref_slice %arg4[%dma_wait3A_1250, %dma_wait3A_1251] : memref<16x1000000xf32, #tpu.memory_space<hbm>> -> memref<16x128xf32, #tpu.memory_space<hbm>>
      tpu.wait_dma2 semaphore(%arg47 : memref<!tpu.dma_semaphore, #tpu.memory_space<semaphore_mem>>) src(%dma_wait3A_1252 : memref<16x128xf32, #tpu.memory_space<hbm>>) dst(%arg38 : memref<16x128xf32, #tpu.memory_space<vmem>>)
      %dma_wait3A_1253 = arith.constant 0 : i32
      %dma_wait3A_1254 = arith.constant 0 : i32
      %dma_wait3A_1255 = tpu.memref_slice %arg4[%dma_wait3A_1253, %dma_wait3A_1254] : memref<16x1000000xf32, #tpu.memory_space<hbm>> -> memref<16x128xf32, #tpu.memory_space<hbm>>
      %dma_wait3A_1256 = arith.constant 0 : i32
      %dma_wait3A_1257 = arith.constant 0 : i32
      %dma_wait3A_1258 = tpu.memref_slice %arg4[%dma_wait3A_1256, %dma_wait3A_1257] : memref<16x1000000xf32, #tpu.memory_space<hbm>> -> memref<16x128xf32, #tpu.memory_space<hbm>>
      tpu.wait_dma2 semaphore(%arg47 : memref<!tpu.dma_semaphore, #tpu.memory_space<semaphore_mem>>) src(%dma_wait3A_1258 : memref<16x128xf32, #tpu.memory_space<hbm>>) dst(%arg39 : memref<16x128xf32, #tpu.memory_space<vmem>>)
      %dma_wait3A_1259 = arith.constant 0 : i32
      %dma_wait3A_1260 = arith.constant 0 : i32
      %dma_wait3A_1261 = tpu.memref_slice %arg4[%dma_wait3A_1259, %dma_wait3A_1260] : memref<16x1000000xf32, #tpu.memory_space<hbm>> -> memref<16x128xf32, #tpu.memory_space<hbm>>
      %dma_wait3A_1262 = arith.constant 0 : i32
      %dma_wait3A_1263 = arith.constant 0 : i32
      %dma_wait3A_1264 = tpu.memref_slice %arg4[%dma_wait3A_1262, %dma_wait3A_1263] : memref<16x1000000xf32, #tpu.memory_space<hbm>> -> memref<16x128xf32, #tpu.memory_space<hbm>>
      tpu.wait_dma2 semaphore(%arg47 : memref<!tpu.dma_semaphore, #tpu.memory_space<semaphore_mem>>) src(%dma_wait3A_1264 : memref<16x128xf32, #tpu.memory_space<hbm>>) dst(%arg40 : memref<16x128xf32, #tpu.memory_space<vmem>>)
      %dma_wait3A_1265 = arith.constant 0 : i32
      %dma_wait3A_1266 = arith.constant 0 : i32
      %dma_wait3A_1267 = tpu.memref_slice %arg4[%dma_wait3A_1265, %dma_wait3A_1266] : memref<16x1000000xf32, #tpu.memory_space<hbm>> -> memref<16x128xf32, #tpu.memory_space<hbm>>
      %dma_wait3A_1268 = arith.constant 0 : i32
      %dma_wait3A_1269 = arith.constant 0 : i32
      %dma_wait3A_1270 = tpu.memref_slice %arg4[%dma_wait3A_1268, %dma_wait3A_1269] : memref<16x1000000xf32, #tpu.memory_space<hbm>> -> memref<16x128xf32, #tpu.memory_space<hbm>>
      tpu.wait_dma2 semaphore(%arg47 : memref<!tpu.dma_semaphore, #tpu.memory_space<semaphore_mem>>) src(%dma_wait3A_1270 : memref<16x128xf32, #tpu.memory_space<hbm>>) dst(%arg41 : memref<16x128xf32, #tpu.memory_space<vmem>>)
      %dma_wait3A_1271 = arith.constant 0 : i32
      %dma_wait3A_1272 = arith.constant 0 : i32
      %dma_wait3A_1273 = tpu.memref_slice %arg4[%dma_wait3A_1271, %dma_wait3A_1272] : memref<16x1000000xf32, #tpu.memory_space<hbm>> -> memref<16x128xf32, #tpu.memory_space<hbm>>
      %dma_wait3A_1274 = arith.constant 0 : i32
      %dma_wait3A_1275 = arith.constant 0 : i32
      %dma_wait3A_1276 = tpu.memref_slice %arg4[%dma_wait3A_1274, %dma_wait3A_1275] : memref<16x1000000xf32, #tpu.memory_space<hbm>> -> memref<16x128xf32, #tpu.memory_space<hbm>>
      tpu.wait_dma2 semaphore(%arg47 : memref<!tpu.dma_semaphore, #tpu.memory_space<semaphore_mem>>) src(%dma_wait3A_1276 : memref<16x128xf32, #tpu.memory_space<hbm>>) dst(%arg42 : memref<16x128xf32, #tpu.memory_space<vmem>>)
      %add3A_1277 = arith.constant 1 : i32
      %add3A_1278 = arith.addi %mul3A_571, %add3A_1277 : i32
      %mul3A_1279 = arith.constant 16 : i32
      %mul3A_1280 = arith.muli %add3A_1278, %mul3A_1279 : i32
      %get3A_1281 = arith.index_cast %mul3A_1280 : i32 to index
      %get3A_1282 = tpu.vector_load %arg10[%get3A_1281] {strides = array<i32>} : memref<512xi32, #tpu.memory_space<vmem>>, vector<16xi32>,
      %slice3A_1283 = vector.extract_strided_slice %get3A_1282 {offsets = [0], sizes = [1], strides = [1]} : vector<16xi32> to vector<1xi32>
      %squeeze3A_1284 = vector.extract %slice3A_1283[0] : i32 from vector<1xi32>
      %and3A_1285 = arith.constant 127 : i32
      %and3A_1286 = arith.andi %squeeze3A_1284, %and3A_1285 : i32
      %broadcast_in_dim3A_1287 = vector.broadcast %and3A_1286 : i32 to vector<16xi32>
      %gather3A_1288 = tpu.vector_load_idx %arg27[%iota3A, %broadcast_in_dim3A_1287] : memref<16x128xf32, #tpu.memory_space<vmem>>[vector<16xi32>, vector<16xi32>], vector<16xf32>,
      %add3A_1289 = arith.constant 0 : i32
      %add3A_1290 = arith.addi %mul3A_1280, %add3A_1289 : i32
      %broadcast_in_dim3A_1291 = vector.broadcast %add3A_1290 : i32 to vector<16xi32>
      tpu.vector_store_idx %arg44[%iota3A, %broadcast_in_dim3A_1291], %gather3A_1288 : memref<16x512xf32, #tpu.memory_space<vmem>>[vector<16xi32>, vector<16xi32>], vector<16xf32>,
      %slice3A_1292 = vector.extract_strided_slice %get3A_1282 {offsets = [1], sizes = [1], strides = [1]} : vector<16xi32> to vector<1xi32>
      %squeeze3A_1293 = vector.extract %slice3A_1292[0] : i32 from vector<1xi32>
      %and3A_1294 = arith.constant 127 : i32
      %and3A_1295 = arith.andi %squeeze3A_1293, %and3A_1294 : i32
      %broadcast_in_dim3A_1296 = vector.broadcast %and3A_1295 : i32 to vector<16xi32>
      %gather3A_1297 = tpu.vector_load_idx %arg28[%iota3A, %broadcast_in_dim3A_1296] : memref<16x128xf32, #tpu.memory_space<vmem>>[vector<16xi32>, vector<16xi32>], vector<16xf32>,
      %add3A_1298 = arith.constant 1 : i32
      %add3A_1299 = arith.addi %mul3A_1280, %add3A_1298 : i32
      %broadcast_in_dim3A_1300 = vector.broadcast %add3A_1299 : i32 to vector<16xi32>
      tpu.vector_store_idx %arg44[%iota3A, %broadcast_in_dim3A_1300], %gather3A_1297 : memref<16x512xf32, #tpu.memory_space<vmem>>[vector<16xi32>, vector<16xi32>], vector<16xf32>,
      %slice3A_1301 = vector.extract_strided_slice %get3A_1282 {offsets = [2], sizes = [1], strides = [1]} : vector<16xi32> to vector<1xi32>
      %squeeze3A_1302 = vector.extract %slice3A_1301[0] : i32 from vector<1xi32>
      %and3A_1303 = arith.constant 127 : i32
      %and3A_1304 = arith.andi %squeeze3A_1302, %and3A_1303 : i32
      %broadcast_in_dim3A_1305 = vector.broadcast %and3A_1304 : i32 to vector<16xi32>
      %gather3A_1306 = tpu.vector_load_idx %arg29[%iota3A, %broadcast_in_dim3A_1305] : memref<16x128xf32, #tpu.memory_space<vmem>>[vector<16xi32>, vector<16xi32>], vector<16xf32>,
      %add3A_1307 = arith.constant 2 : i32
      %add3A_1308 = arith.addi %mul3A_1280, %add3A_1307 : i32
      %broadcast_in_dim3A_1309 = vector.broadcast %add3A_1308 : i32 to vector<16xi32>
      tpu.vector_store_idx %arg44[%iota3A, %broadcast_in_dim3A_1309], %gather3A_1306 : memref<16x512xf32, #tpu.memory_space<vmem>>[vector<16xi32>, vector<16xi32>], vector<16xf32>,
      %slice3A_1310 = vector.extract_strided_slice %get3A_1282 {offsets = [3], sizes = [1], strides = [1]} : vector<16xi32> to vector<1xi32>
      %squeeze3A_1311 = vector.extract %slice3A_1310[0] : i32 from vector<1xi32>
      %and3A_1312 = arith.constant 127 : i32
      %and3A_1313 = arith.andi %squeeze3A_1311, %and3A_1312 : i32
      %broadcast_in_dim3A_1314 = vector.broadcast %and3A_1313 : i32 to vector<16xi32>
      %gather3A_1315 = tpu.vector_load_idx %arg30[%iota3A, %broadcast_in_dim3A_1314] : memref<16x128xf32, #tpu.memory_space<vmem>>[vector<16xi32>, vector<16xi32>], vector<16xf32>,
      %add3A_1316 = arith.constant 3 : i32
      %add3A_1317 = arith.addi %mul3A_1280, %add3A_1316 : i32
      %broadcast_in_dim3A_1318 = vector.broadcast %add3A_1317 : i32 to vector<16xi32>
      tpu.vector_store_idx %arg44[%iota3A, %broadcast_in_dim3A_1318], %gather3A_1315 : memref<16x512xf32, #tpu.memory_space<vmem>>[vector<16xi32>, vector<16xi32>], vector<16xf32>,
      %slice3A_1319 = vector.extract_strided_slice %get3A_1282 {offsets = [4], sizes = [1], strides = [1]} : vector<16xi32> to vector<1xi32>
      %squeeze3A_1320 = vector.extract %slice3A_1319[0] : i32 from vector<1xi32>
      %and3A_1321 = arith.constant 127 : i32
      %and3A_1322 = arith.andi %squeeze3A_1320, %and3A_1321 : i32
      %broadcast_in_dim3A_1323 = vector.broadcast %and3A_1322 : i32 to vector<16xi32>
      %gather3A_1324 = tpu.vector_load_idx %arg31[%iota3A, %broadcast_in_dim3A_1323] : memref<16x128xf32, #tpu.memory_space<vmem>>[vector<16xi32>, vector<16xi32>], vector<16xf32>,
      %add3A_1325 = arith.constant 4 : i32
      %add3A_1326 = arith.addi %mul3A_1280, %add3A_1325 : i32
      %broadcast_in_dim3A_1327 = vector.broadcast %add3A_1326 : i32 to vector<16xi32>
      tpu.vector_store_idx %arg44[%iota3A, %broadcast_in_dim3A_1327], %gather3A_1324 : memref<16x512xf32, #tpu.memory_space<vmem>>[vector<16xi32>, vector<16xi32>], vector<16xf32>,
      %slice3A_1328 = vector.extract_strided_slice %get3A_1282 {offsets = [5], sizes = [1], strides = [1]} : vector<16xi32> to vector<1xi32>
      %squeeze3A_1329 = vector.extract %slice3A_1328[0] : i32 from vector<1xi32>
      %and3A_1330 = arith.constant 127 : i32
      %and3A_1331 = arith.andi %squeeze3A_1329, %and3A_1330 : i32
      %broadcast_in_dim3A_1332 = vector.broadcast %and3A_1331 : i32 to vector<16xi32>
      %gather3A_1333 = tpu.vector_load_idx %arg32[%iota3A, %broadcast_in_dim3A_1332] : memref<16x128xf32, #tpu.memory_space<vmem>>[vector<16xi32>, vector<16xi32>], vector<16xf32>,
      %add3A_1334 = arith.constant 5 : i32
      %add3A_1335 = arith.addi %mul3A_1280, %add3A_1334 : i32
      %broadcast_in_dim3A_1336 = vector.broadcast %add3A_1335 : i32 to vector<16xi32>
      tpu.vector_store_idx %arg44[%iota3A, %broadcast_in_dim3A_1336], %gather3A_1333 : memref<16x512xf32, #tpu.memory_space<vmem>>[vector<16xi32>, vector<16xi32>], vector<16xf32>,
      %slice3A_1337 = vector.extract_strided_slice %get3A_1282 {offsets = [6], sizes = [1], strides = [1]} : vector<16xi32> to vector<1xi32>
      %squeeze3A_1338 = vector.extract %slice3A_1337[0] : i32 from vector<1xi32>
      %and3A_1339 = arith.constant 127 : i32
      %and3A_1340 = arith.andi %squeeze3A_1338, %and3A_1339 : i32
      %broadcast_in_dim3A_1341 = vector.broadcast %and3A_1340 : i32 to vector<16xi32>
      %gather3A_1342 = tpu.vector_load_idx %arg33[%iota3A, %broadcast_in_dim3A_1341] : memref<16x128xf32, #tpu.memory_space<vmem>>[vector<16xi32>, vector<16xi32>], vector<16xf32>,
      %add3A_1343 = arith.constant 6 : i32
      %add3A_1344 = arith.addi %mul3A_1280, %add3A_1343 : i32
      %broadcast_in_dim3A_1345 = vector.broadcast %add3A_1344 : i32 to vector<16xi32>
      tpu.vector_store_idx %arg44[%iota3A, %broadcast_in_dim3A_1345], %gather3A_1342 : memref<16x512xf32, #tpu.memory_space<vmem>>[vector<16xi32>, vector<16xi32>], vector<16xf32>,
      %slice3A_1346 = vector.extract_strided_slice %get3A_1282 {offsets = [7], sizes = [1], strides = [1]} : vector<16xi32> to vector<1xi32>
      %squeeze3A_1347 = vector.extract %slice3A_1346[0] : i32 from vector<1xi32>
      %and3A_1348 = arith.constant 127 : i32
      %and3A_1349 = arith.andi %squeeze3A_1347, %and3A_1348 : i32
      %broadcast_in_dim3A_1350 = vector.broadcast %and3A_1349 : i32 to vector<16xi32>
      %gather3A_1351 = tpu.vector_load_idx %arg34[%iota3A, %broadcast_in_dim3A_1350] : memref<16x128xf32, #tpu.memory_space<vmem>>[vector<16xi32>, vector<16xi32>], vector<16xf32>,
      %add3A_1352 = arith.constant 7 : i32
      %add3A_1353 = arith.addi %mul3A_1280, %add3A_1352 : i32
      %broadcast_in_dim3A_1354 = vector.broadcast %add3A_1353 : i32 to vector<16xi32>
      tpu.vector_store_idx %arg44[%iota3A, %broadcast_in_dim3A_1354], %gather3A_1351 : memref<16x512xf32, #tpu.memory_space<vmem>>[vector<16xi32>, vector<16xi32>], vector<16xf32>,
      %slice3A_1355 = vector.extract_strided_slice %get3A_1282 {offsets = [8], sizes = [1], strides = [1]} : vector<16xi32> to vector<1xi32>
      %squeeze3A_1356 = vector.extract %slice3A_1355[0] : i32 from vector<1xi32>
      %and3A_1357 = arith.constant 127 : i32
      %and3A_1358 = arith.andi %squeeze3A_1356, %and3A_1357 : i32
      %broadcast_in_dim3A_1359 = vector.broadcast %and3A_1358 : i32 to vector<16xi32>
      %gather3A_1360 = tpu.vector_load_idx %arg35[%iota3A, %broadcast_in_dim3A_1359] : memref<16x128xf32, #tpu.memory_space<vmem>>[vector<16xi32>, vector<16xi32>], vector<16xf32>,
      %add3A_1361 = arith.constant 8 : i32
      %add3A_1362 = arith.addi %mul3A_1280, %add3A_1361 : i32
      %broadcast_in_dim3A_1363 = vector.broadcast %add3A_1362 : i32 to vector<16xi32>
      tpu.vector_store_idx %arg44[%iota3A, %broadcast_in_dim3A_1363], %gather3A_1360 : memref<16x512xf32, #tpu.memory_space<vmem>>[vector<16xi32>, vector<16xi32>], vector<16xf32>,
      %slice3A_1364 = vector.extract_strided_slice %get3A_1282 {offsets = [9], sizes = [1], strides = [1]} : vector<16xi32> to vector<1xi32>
      %squeeze3A_1365 = vector.extract %slice3A_1364[0] : i32 from vector<1xi32>
      %and3A_1366 = arith.constant 127 : i32
      %and3A_1367 = arith.andi %squeeze3A_1365, %and3A_1366 : i32
      %broadcast_in_dim3A_1368 = vector.broadcast %and3A_1367 : i32 to vector<16xi32>
      %gather3A_1369 = tpu.vector_load_idx %arg36[%iota3A, %broadcast_in_dim3A_1368] : memref<16x128xf32, #tpu.memory_space<vmem>>[vector<16xi32>, vector<16xi32>], vector<16xf32>,
      %add3A_1370 = arith.constant 9 : i32
      %add3A_1371 = arith.addi %mul3A_1280, %add3A_1370 : i32
      %broadcast_in_dim3A_1372 = vector.broadcast %add3A_1371 : i32 to vector<16xi32>
      tpu.vector_store_idx %arg44[%iota3A, %broadcast_in_dim3A_1372], %gather3A_1369 : memref<16x512xf32, #tpu.memory_space<vmem>>[vector<16xi32>, vector<16xi32>], vector<16xf32>,
      %slice3A_1373 = vector.extract_strided_slice %get3A_1282 {offsets = [10], sizes = [1], strides = [1]} : vector<16xi32> to vector<1xi32>
      %squeeze3A_1374 = vector.extract %slice3A_1373[0] : i32 from vector<1xi32>
      %and3A_1375 = arith.constant 127 : i32
      %and3A_1376 = arith.andi %squeeze3A_1374, %and3A_1375 : i32
      %broadcast_in_dim3A_1377 = vector.broadcast %and3A_1376 : i32 to vector<16xi32>
      %gather3A_1378 = tpu.vector_load_idx %arg37[%iota3A, %broadcast_in_dim3A_1377] : memref<16x128xf32, #tpu.memory_space<vmem>>[vector<16xi32>, vector<16xi32>], vector<16xf32>,
      %add3A_1379 = arith.constant 10 : i32
      %add3A_1380 = arith.addi %mul3A_1280, %add3A_1379 : i32
      %broadcast_in_dim3A_1381 = vector.broadcast %add3A_1380 : i32 to vector<16xi32>
      tpu.vector_store_idx %arg44[%iota3A, %broadcast_in_dim3A_1381], %gather3A_1378 : memref<16x512xf32, #tpu.memory_space<vmem>>[vector<16xi32>, vector<16xi32>], vector<16xf32>,
      %slice3A_1382 = vector.extract_strided_slice %get3A_1282 {offsets = [11], sizes = [1], strides = [1]} : vector<16xi32> to vector<1xi32>
      %squeeze3A_1383 = vector.extract %slice3A_1382[0] : i32 from vector<1xi32>
      %and3A_1384 = arith.constant 127 : i32
      %and3A_1385 = arith.andi %squeeze3A_1383, %and3A_1384 : i32
      %broadcast_in_dim3A_1386 = vector.broadcast %and3A_1385 : i32 to vector<16xi32>
      %gather3A_1387 = tpu.vector_load_idx %arg38[%iota3A, %broadcast_in_dim3A_1386] : memref<16x128xf32, #tpu.memory_space<vmem>>[vector<16xi32>, vector<16xi32>], vector<16xf32>,
      %add3A_1388 = arith.constant 11 : i32
      %add3A_1389 = arith.addi %mul3A_1280, %add3A_1388 : i32
      %broadcast_in_dim3A_1390 = vector.broadcast %add3A_1389 : i32 to vector<16xi32>
      tpu.vector_store_idx %arg44[%iota3A, %broadcast_in_dim3A_1390], %gather3A_1387 : memref<16x512xf32, #tpu.memory_space<vmem>>[vector<16xi32>, vector<16xi32>], vector<16xf32>,
      %slice3A_1391 = vector.extract_strided_slice %get3A_1282 {offsets = [12], sizes = [1], strides = [1]} : vector<16xi32> to vector<1xi32>
      %squeeze3A_1392 = vector.extract %slice3A_1391[0] : i32 from vector<1xi32>
      %and3A_1393 = arith.constant 127 : i32
      %and3A_1394 = arith.andi %squeeze3A_1392, %and3A_1393 : i32
      %broadcast_in_dim3A_1395 = vector.broadcast %and3A_1394 : i32 to vector<16xi32>
      %gather3A_1396 = tpu.vector_load_idx %arg39[%iota3A, %broadcast_in_dim3A_1395] : memref<16x128xf32, #tpu.memory_space<vmem>>[vector<16xi32>, vector<16xi32>], vector<16xf32>,
      %add3A_1397 = arith.constant 12 : i32
      %add3A_1398 = arith.addi %mul3A_1280, %add3A_1397 : i32
      %broadcast_in_dim3A_1399 = vector.broadcast %add3A_1398 : i32 to vector<16xi32>
      tpu.vector_store_idx %arg44[%iota3A, %broadcast_in_dim3A_1399], %gather3A_1396 : memref<16x512xf32, #tpu.memory_space<vmem>>[vector<16xi32>, vector<16xi32>], vector<16xf32>,
      %slice3A_1400 = vector.extract_strided_slice %get3A_1282 {offsets = [13], sizes = [1], strides = [1]} : vector<16xi32> to vector<1xi32>
      %squeeze3A_1401 = vector.extract %slice3A_1400[0] : i32 from vector<1xi32>
      %and3A_1402 = arith.constant 127 : i32
      %and3A_1403 = arith.andi %squeeze3A_1401, %and3A_1402 : i32
      %broadcast_in_dim3A_1404 = vector.broadcast %and3A_1403 : i32 to vector<16xi32>
      %gather3A_1405 = tpu.vector_load_idx %arg40[%iota3A, %broadcast_in_dim3A_1404] : memref<16x128xf32, #tpu.memory_space<vmem>>[vector<16xi32>, vector<16xi32>], vector<16xf32>,
      %add3A_1406 = arith.constant 13 : i32
      %add3A_1407 = arith.addi %mul3A_1280, %add3A_1406 : i32
      %broadcast_in_dim3A_1408 = vector.broadcast %add3A_1407 : i32 to vector<16xi32>
      tpu.vector_store_idx %arg44[%iota3A, %broadcast_in_dim3A_1408], %gather3A_1405 : memref<16x512xf32, #tpu.memory_space<vmem>>[vector<16xi32>, vector<16xi32>], vector<16xf32>,
      %slice3A_1409 = vector.extract_strided_slice %get3A_1282 {offsets = [14], sizes = [1], strides = [1]} : vector<16xi32> to vector<1xi32>
      %squeeze3A_1410 = vector.extract %slice3A_1409[0] : i32 from vector<1xi32>
      %and3A_1411 = arith.constant 127 : i32
      %and3A_1412 = arith.andi %squeeze3A_1410, %and3A_1411 : i32
      %broadcast_in_dim3A_1413 = vector.broadcast %and3A_1412 : i32 to vector<16xi32>
      %gather3A_1414 = tpu.vector_load_idx %arg41[%iota3A, %broadcast_in_dim3A_1413] : memref<16x128xf32, #tpu.memory_space<vmem>>[vector<16xi32>, vector<16xi32>], vector<16xf32>,
      %add3A_1415 = arith.constant 14 : i32
      %add3A_1416 = arith.addi %mul3A_1280, %add3A_1415 : i32
      %broadcast_in_dim3A_1417 = vector.broadcast %add3A_1416 : i32 to vector<16xi32>
      tpu.vector_store_idx %arg44[%iota3A, %broadcast_in_dim3A_1417], %gather3A_1414 : memref<16x512xf32, #tpu.memory_space<vmem>>[vector<16xi32>, vector<16xi32>], vector<16xf32>,
      %slice3A_1418 = vector.extract_strided_slice %get3A_1282 {offsets = [15], sizes = [1], strides = [1]} : vector<16xi32> to vector<1xi32>
      %squeeze3A_1419 = vector.extract %slice3A_1418[0] : i32 from vector<1xi32>
      %and3A_1420 = arith.constant 127 : i32
      %and3A_1421 = arith.andi %squeeze3A_1419, %and3A_1420 : i32
      %broadcast_in_dim3A_1422 = vector.broadcast %and3A_1421 : i32 to vector<16xi32>
      %gather3A_1423 = tpu.vector_load_idx %arg42[%iota3A, %broadcast_in_dim3A_1422] : memref<16x128xf32, #tpu.memory_space<vmem>>[vector<16xi32>, vector<16xi32>], vector<16xf32>,
      %add3A_1424 = arith.constant 15 : i32
      %add3A_1425 = arith.addi %mul3A_1280, %add3A_1424 : i32
      %broadcast_in_dim3A_1426 = vector.broadcast %add3A_1425 : i32 to vector<16xi32>
      tpu.vector_store_idx %arg44[%iota3A, %broadcast_in_dim3A_1426], %gather3A_1423 : memref<16x512xf32, #tpu.memory_space<vmem>>[vector<16xi32>, vector<16xi32>], vector<16xf32>,
    }
    %scan3A_466 = arith.constant 16 : i32
    %dma_wait3A_467 = arith.constant 0 : i32
    %dma_wait3A_468 = arith.constant 0 : i32
    %dma_wait3A_469 = tpu.memref_slice %arg4[%dma_wait3A_467, %dma_wait3A_468] : memref<16x1000000xf32, #tpu.memory_space<hbm>> -> memref<16x128xf32, #tpu.memory_space<hbm>>
    %dma_wait3A_470 = arith.constant 0 : i32
    %dma_wait3A_471 = arith.constant 0 : i32
    %dma_wait3A_472 = tpu.memref_slice %arg4[%dma_wait3A_470, %dma_wait3A_471] : memref<16x1000000xf32, #tpu.memory_space<hbm>> -> memref<16x128xf32, #tpu.memory_space<hbm>>
    tpu.wait_dma2 semaphore(%arg46 : memref<!tpu.dma_semaphore, #tpu.memory_space<semaphore_mem>>) src(%dma_wait3A_472 : memref<16x128xf32, #tpu.memory_space<hbm>>) dst(%arg11 : memref<16x128xf32, #tpu.memory_space<vmem>>)
    %dma_wait3A_473 = arith.constant 0 : i32
    %dma_wait3A_474 = arith.constant 0 : i32
    %dma_wait3A_475 = tpu.memref_slice %arg4[%dma_wait3A_473, %dma_wait3A_474] : memref<16x1000000xf32, #tpu.memory_space<hbm>> -> memref<16x128xf32, #tpu.memory_space<hbm>>
    %dma_wait3A_476 = arith.constant 0 : i32
    %dma_wait3A_477 = arith.constant 0 : i32
    %dma_wait3A_478 = tpu.memref_slice %arg4[%dma_wait3A_476, %dma_wait3A_477] : memref<16x1000000xf32, #tpu.memory_space<hbm>> -> memref<16x128xf32, #tpu.memory_space<hbm>>
    tpu.wait_dma2 semaphore(%arg46 : memref<!tpu.dma_semaphore, #tpu.memory_space<semaphore_mem>>) src(%dma_wait3A_478 : memref<16x128xf32, #tpu.memory_space<hbm>>) dst(%arg12 : memref<16x128xf32, #tpu.memory_space<vmem>>)
    %dma_wait3A_479 = arith.constant 0 : i32
    %dma_wait3A_480 = arith.constant 0 : i32
    %dma_wait3A_481 = tpu.memref_slice %arg4[%dma_wait3A_479, %dma_wait3A_480] : memref<16x1000000xf32, #tpu.memory_space<hbm>> -> memref<16x128xf32, #tpu.memory_space<hbm>>
    %dma_wait3A_482 = arith.constant 0 : i32
    %dma_wait3A_483 = arith.constant 0 : i32
    %dma_wait3A_484 = tpu.memref_slice %arg4[%dma_wait3A_482, %dma_wait3A_483] : memref<16x1000000xf32, #tpu.memory_space<hbm>> -> memref<16x128xf32, #tpu.memory_space<hbm>>
    tpu.wait_dma2 semaphore(%arg46 : memref<!tpu.dma_semaphore, #tpu.memory_space<semaphore_mem>>) src(%dma_wait3A_484 : memref<16x128xf32, #tpu.memory_space<hbm>>) dst(%arg13 : memref<16x128xf32, #tpu.memory_space<vmem>>)
    %dma_wait3A_485 = arith.constant 0 : i32
    %dma_wait3A_486 = arith.constant 0 : i32
    %dma_wait3A_487 = tpu.memref_slice %arg4[%dma_wait3A_485, %dma_wait3A_486] : memref<16x1000000xf32, #tpu.memory_space<hbm>> -> memref<16x128xf32, #tpu.memory_space<hbm>>
    %dma_wait3A_488 = arith.constant 0 : i32
    %dma_wait3A_489 = arith.constant 0 : i32
    %dma_wait3A_490 = tpu.memref_slice %arg4[%dma_wait3A_488, %dma_wait3A_489] : memref<16x1000000xf32, #tpu.memory_space<hbm>> -> memref<16x128xf32, #tpu.memory_space<hbm>>
    tpu.wait_dma2 semaphore(%arg46 : memref<!tpu.dma_semaphore, #tpu.memory_space<semaphore_mem>>) src(%dma_wait3A_490 : memref<16x128xf32, #tpu.memory_space<hbm>>) dst(%arg14 : memref<16x128xf32, #tpu.memory_space<vmem>>)
    %dma_wait3A_491 = arith.constant 0 : i32
    %dma_wait3A_492 = arith.constant 0 : i32
    %dma_wait3A_493 = tpu.memref_slice %arg4[%dma_wait3A_491, %dma_wait3A_492] : memref<16x1000000xf32, #tpu.memory_space<hbm>> -> memref<16x128xf32, #tpu.memory_space<hbm>>
    %dma_wait3A_494 = arith.constant 0 : i32
    %dma_wait3A_495 = arith.constant 0 : i32
    %dma_wait3A_496 = tpu.memref_slice %arg4[%dma_wait3A_494, %dma_wait3A_495] : memref<16x1000000xf32, #tpu.memory_space<hbm>> -> memref<16x128xf32, #tpu.memory_space<hbm>>
    tpu.wait_dma2 semaphore(%arg46 : memref<!tpu.dma_semaphore, #tpu.memory_space<semaphore_mem>>) src(%dma_wait3A_496 : memref<16x128xf32, #tpu.memory_space<hbm>>) dst(%arg15 : memref<16x128xf32, #tpu.memory_space<vmem>>)
    %dma_wait3A_497 = arith.constant 0 : i32
    %dma_wait3A_498 = arith.constant 0 : i32
    %dma_wait3A_499 = tpu.memref_slice %arg4[%dma_wait3A_497, %dma_wait3A_498] : memref<16x1000000xf32, #tpu.memory_space<hbm>> -> memref<16x128xf32, #tpu.memory_space<hbm>>
    %dma_wait3A_500 = arith.constant 0 : i32
    %dma_wait3A_501 = arith.constant 0 : i32
    %dma_wait3A_502 = tpu.memref_slice %arg4[%dma_wait3A_500, %dma_wait3A_501] : memref<16x1000000xf32, #tpu.memory_space<hbm>> -> memref<16x128xf32, #tpu.memory_space<hbm>>
    tpu.wait_dma2 semaphore(%arg46 : memref<!tpu.dma_semaphore, #tpu.memory_space<semaphore_mem>>) src(%dma_wait3A_502 : memref<16x128xf32, #tpu.memory_space<hbm>>) dst(%arg16 : memref<16x128xf32, #tpu.memory_space<vmem>>)
    %dma_wait3A_503 = arith.constant 0 : i32
    %dma_wait3A_504 = arith.constant 0 : i32
    %dma_wait3A_505 = tpu.memref_slice %arg4[%dma_wait3A_503, %dma_wait3A_504] : memref<16x1000000xf32, #tpu.memory_space<hbm>> -> memref<16x128xf32, #tpu.memory_space<hbm>>
    %dma_wait3A_506 = arith.constant 0 : i32
    %dma_wait3A_507 = arith.constant 0 : i32
    %dma_wait3A_508 = tpu.memref_slice %arg4[%dma_wait3A_506, %dma_wait3A_507] : memref<16x1000000xf32, #tpu.memory_space<hbm>> -> memref<16x128xf32, #tpu.memory_space<hbm>>
    tpu.wait_dma2 semaphore(%arg46 : memref<!tpu.dma_semaphore, #tpu.memory_space<semaphore_mem>>) src(%dma_wait3A_508 : memref<16x128xf32, #tpu.memory_space<hbm>>) dst(%arg17 : memref<16x128xf32, #tpu.memory_space<vmem>>)
    %dma_wait3A_509 = arith.constant 0 : i32
    %dma_wait3A_510 = arith.constant 0 : i32
    %dma_wait3A_511 = tpu.memref_slice %arg4[%dma_wait3A_509, %dma_wait3A_510] : memref<16x1000000xf32, #tpu.memory_space<hbm>> -> memref<16x128xf32, #tpu.memory_space<hbm>>
    %dma_wait3A_512 = arith.constant 0 : i32
    %dma_wait3A_513 = arith.constant 0 : i32
    %dma_wait3A_514 = tpu.memref_slice %arg4[%dma_wait3A_512, %dma_wait3A_513] : memref<16x1000000xf32, #tpu.memory_space<hbm>> -> memref<16x128xf32, #tpu.memory_space<hbm>>
    tpu.wait_dma2 semaphore(%arg46 : memref<!tpu.dma_semaphore, #tpu.memory_space<semaphore_mem>>) src(%dma_wait3A_514 : memref<16x128xf32, #tpu.memory_space<hbm>>) dst(%arg18 : memref<16x128xf32, #tpu.memory_space<vmem>>)
    %dma_wait3A_515 = arith.constant 0 : i32
    %dma_wait3A_516 = arith.constant 0 : i32
    %dma_wait3A_517 = tpu.memref_slice %arg4[%dma_wait3A_515, %dma_wait3A_516] : memref<16x1000000xf32, #tpu.memory_space<hbm>> -> memref<16x128xf32, #tpu.memory_space<hbm>>
    %dma_wait3A_518 = arith.constant 0 : i32
    %dma_wait3A_519 = arith.constant 0 : i32
    %dma_wait3A_520 = tpu.memref_slice %arg4[%dma_wait3A_518, %dma_wait3A_519] : memref<16x1000000xf32, #tpu.memory_space<hbm>> -> memref<16x128xf32, #tpu.memory_space<hbm>>
    tpu.wait_dma2 semaphore(%arg46 : memref<!tpu.dma_semaphore, #tpu.memory_space<semaphore_mem>>) src(%dma_wait3A_520 : memref<16x128xf32, #tpu.memory_space<hbm>>) dst(%arg19 : memref<16x128xf32, #tpu.memory_space<vmem>>)
    %dma_wait3A_521 = arith.constant 0 : i32
    %dma_wait3A_522 = arith.constant 0 : i32
    %dma_wait3A_523 = tpu.memref_slice %arg4[%dma_wait3A_521, %dma_wait3A_522] : memref<16x1000000xf32, #tpu.memory_space<hbm>> -> memref<16x128xf32, #tpu.memory_space<hbm>>
    %dma_wait3A_524 = arith.constant 0 : i32
    %dma_wait3A_525 = arith.constant 0 : i32
    %dma_wait3A_526 = tpu.memref_slice %arg4[%dma_wait3A_524, %dma_wait3A_525] : memref<16x1000000xf32, #tpu.memory_space<hbm>> -> memref<16x128xf32, #tpu.memory_space<hbm>>
    tpu.wait_dma2 semaphore(%arg46 : memref<!tpu.dma_semaphore, #tpu.memory_space<semaphore_mem>>) src(%dma_wait3A_526 : memref<16x128xf32, #tpu.memory_space<hbm>>) dst(%arg20 : memref<16x128xf32, #tpu.memory_space<vmem>>)
    %dma_wait3A_527 = arith.constant 0 : i32
    %dma_wait3A_528 = arith.constant 0 : i32
    %dma_wait3A_529 = tpu.memref_slice %arg4[%dma_wait3A_527, %dma_wait3A_528] : memref<16x1000000xf32, #tpu.memory_space<hbm>> -> memref<16x128xf32, #tpu.memory_space<hbm>>
    %dma_wait3A_530 = arith.constant 0 : i32
    %dma_wait3A_531 = arith.constant 0 : i32
    %dma_wait3A_532 = tpu.memref_slice %arg4[%dma_wait3A_530, %dma_wait3A_531] : memref<16x1000000xf32, #tpu.memory_space<hbm>> -> memref<16x128xf32, #tpu.memory_space<hbm>>
    tpu.wait_dma2 semaphore(%arg46 : memref<!tpu.dma_semaphore, #tpu.memory_space<semaphore_mem>>) src(%dma_wait3A_532 : memref<16x128xf32, #tpu.memory_space<hbm>>) dst(%arg21 : memref<16x128xf32, #tpu.memory_space<vmem>>)
    %dma_wait3A_533 = arith.constant 0 : i32
    %dma_wait3A_534 = arith.constant 0 : i32
    %dma_wait3A_535 = tpu.memref_slice %arg4[%dma_wait3A_533, %dma_wait3A_534] : memref<16x1000000xf32, #tpu.memory_space<hbm>> -> memref<16x128xf32, #tpu.memory_space<hbm>>
    %dma_wait3A_536 = arith.constant 0 : i32
    %dma_wait3A_537 = arith.constant 0 : i32
    %dma_wait3A_538 = tpu.memref_slice %arg4[%dma_wait3A_536, %dma_wait3A_537] : memref<16x1000000xf32, #tpu.memory_space<hbm>> -> memref<16x128xf32, #tpu.memory_space<hbm>>
    tpu.wait_dma2 semaphore(%arg46 : memref<!tpu.dma_semaphore, #tpu.memory_space<semaphore_mem>>) src(%dma_wait3A_538 : memref<16x128xf32, #tpu.memory_space<hbm>>) dst(%arg22 : memref<16x128xf32, #tpu.memory_space<vmem>>)
    %dma_wait3A_539 = arith.constant 0 : i32
    %dma_wait3A_540 = arith.constant 0 : i32
    %dma_wait3A_541 = tpu.memref_slice %arg4[%dma_wait3A_539, %dma_wait3A_540] : memref<16x1000000xf32, #tpu.memory_space<hbm>> -> memref<16x128xf32, #tpu.memory_space<hbm>>
    %dma_wait3A_542 = arith.constant 0 : i32
    %dma_wait3A_543 = arith.constant 0 : i32
    %dma_wait3A_544 = tpu.memref_slice %arg4[%dma_wait3A_542, %dma_wait3A_543] : memref<16x1000000xf32, #tpu.memory_space<hbm>> -> memref<16x128xf32, #tpu.memory_space<hbm>>
    tpu.wait_dma2 semaphore(%arg46 : memref<!tpu.dma_semaphore, #tpu.memory_space<semaphore_mem>>) src(%dma_wait3A_544 : memref<16x128xf32, #tpu.memory_space<hbm>>) dst(%arg23 : memref<16x128xf32, #tpu.memory_space<vmem>>)
    %dma_wait3A_545 = arith.constant 0 : i32
    %dma_wait3A_546 = arith.constant 0 : i32
    %dma_wait3A_547 = tpu.memref_slice %arg4[%dma_wait3A_545, %dma_wait3A_546] : memref<16x1000000xf32, #tpu.memory_space<hbm>> -> memref<16x128xf32, #tpu.memory_space<hbm>>
    %dma_wait3A_548 = arith.constant 0 : i32
    %dma_wait3A_549 = arith.constant 0 : i32
    %dma_wait3A_550 = tpu.memref_slice %arg4[%dma_wait3A_548, %dma_wait3A_549] : memref<16x1000000xf32, #tpu.memory_space<hbm>> -> memref<16x128xf32, #tpu.memory_space<hbm>>
    tpu.wait_dma2 semaphore(%arg46 : memref<!tpu.dma_semaphore, #tpu.memory_space<semaphore_mem>>) src(%dma_wait3A_550 : memref<16x128xf32, #tpu.memory_space<hbm>>) dst(%arg24 : memref<16x128xf32, #tpu.memory_space<vmem>>)
    %dma_wait3A_551 = arith.constant 0 : i32
    %dma_wait3A_552 = arith.constant 0 : i32
    %dma_wait3A_553 = tpu.memref_slice %arg4[%dma_wait3A_551, %dma_wait3A_552] : memref<16x1000000xf32, #tpu.memory_space<hbm>> -> memref<16x128xf32, #tpu.memory_space<hbm>>
    %dma_wait3A_554 = arith.constant 0 : i32
    %dma_wait3A_555 = arith.constant 0 : i32
    %dma_wait3A_556 = tpu.memref_slice %arg4[%dma_wait3A_554, %dma_wait3A_555] : memref<16x1000000xf32, #tpu.memory_space<hbm>> -> memref<16x128xf32, #tpu.memory_space<hbm>>
    tpu.wait_dma2 semaphore(%arg46 : memref<!tpu.dma_semaphore, #tpu.memory_space<semaphore_mem>>) src(%dma_wait3A_556 : memref<16x128xf32, #tpu.memory_space<hbm>>) dst(%arg25 : memref<16x128xf32, #tpu.memory_space<vmem>>)
    %dma_wait3A_557 = arith.constant 0 : i32
    %dma_wait3A_558 = arith.constant 0 : i32
    %dma_wait3A_559 = tpu.memref_slice %arg4[%dma_wait3A_557, %dma_wait3A_558] : memref<16x1000000xf32, #tpu.memory_space<hbm>> -> memref<16x128xf32, #tpu.memory_space<hbm>>
    %dma_wait3A_560 = arith.constant 0 : i32
    %dma_wait3A_561 = arith.constant 0 : i32
    %dma_wait3A_562 = tpu.memref_slice %arg4[%dma_wait3A_560, %dma_wait3A_561] : memref<16x1000000xf32, #tpu.memory_space<hbm>> -> memref<16x128xf32, #tpu.memory_space<hbm>>
    tpu.wait_dma2 semaphore(%arg46 : memref<!tpu.dma_semaphore, #tpu.memory_space<semaphore_mem>>) src(%dma_wait3A_562 : memref<16x128xf32, #tpu.memory_space<hbm>>) dst(%arg26 : memref<16x128xf32, #tpu.memory_space<vmem>>)
    "tpu.region"() ({
      %run_scoped3A = tpu.sem_alloc : memref<!tpu.dma_semaphore, #tpu.memory_space<semaphore_mem>>
      %dma_start3A_569 = arith.constant 0 : i32
      %dma_start3A_570 = tpu.memref_slice %arg8[%dma_start3A_569, %mul3A_2] : memref<16x16384xf32, #tpu.memory_space<hbm>> -> memref<16x512xf32, #tpu.memory_space<hbm>>
      %dma_start3A_571 = arith.constant 0 : i32
      %dma_start3A_572 = tpu.memref_slice %arg8[%dma_start3A_571, %mul3A_2] : memref<16x16384xf32, #tpu.memory_space<hbm>> -> memref<16x512xf32, #tpu.memory_space<hbm>>
      tpu.enqueue_dma source(%arg44 : memref<16x512xf32, #tpu.memory_space<vmem>>) target(%dma_start3A_572 : memref<16x512xf32, #tpu.memory_space<hbm>>) target_semaphore(%run_scoped3A : memref<!tpu.dma_semaphore, #tpu.memory_space<semaphore_mem>>)
      %dma_wait3A_573 = arith.constant 0 : i32
      %dma_wait3A_574 = tpu.memref_slice %arg8[%dma_wait3A_573, %mul3A_2] : memref<16x16384xf32, #tpu.memory_space<hbm>> -> memref<16x512xf32, #tpu.memory_space<hbm>>
      %dma_wait3A_575 = arith.constant 0 : i32
      %dma_wait3A_576 = tpu.memref_slice %arg8[%dma_wait3A_575, %mul3A_2] : memref<16x16384xf32, #tpu.memory_space<hbm>> -> memref<16x512xf32, #tpu.memory_space<hbm>>
      tpu.wait_dma2 semaphore(%run_scoped3A : memref<!tpu.dma_semaphore, #tpu.memory_space<semaphore_mem>>) src(%arg44 : memref<16x512xf32, #tpu.memory_space<vmem>>) dst(%dma_wait3A_576 : memref<16x512xf32, #tpu.memory_space<hbm>>)
      tpu.yield
    }) : () -> ()
    %scan3A_563 = arith.constant 0 : i32
    %scan3A_564 = arith.constant 0 : i32
    %scan3A_565 = arith.constant 32 : i32
    %scan3A_566 = arith.addi %scan3A_564, %scan3A_565 : i32
    %scan3A_567 = arith.constant 1 : i32
    scf.for %scan3A_569 = %scan3A_564 to %scan3A_566 step %scan3A_567  : i32 {
      %mul3A_570 = arith.constant 16 : i32
      %mul3A_571 = arith.muli %scan3A_569, %mul3A_570 : i32
      %add3A_572 = vector.broadcast %mul3A_571 : i32 to vector<16xi32>
      %add3A_573 = arith.addi %add3A_572, %iota3A : vector<16xi32>
      %broadcast_in_dim3A = arith.constant 0 : i32
      %broadcast_in_dim3A_574 = vector.broadcast %broadcast_in_dim3A : i32 to vector<16xi32>
      %gather3A = tpu.vector_load_idx %arg43[%broadcast_in_dim3A_574, %add3A_573] : memref<16x512xf32, #tpu.memory_space<vmem>>[vector<16xi32>, vector<16xi32>], vector<16xf32>,
      %broadcast_in_dim3A_575 = arith.constant 0 : i32
      %broadcast_in_dim3A_576 = vector.broadcast %broadcast_in_dim3A_575 : i32 to vector<16xi32>
      %gather3A_577 = tpu.vector_load_idx %arg44[%broadcast_in_dim3A_576, %add3A_573] : memref<16x512xf32, #tpu.memory_space<vmem>>[vector<16xi32>, vector<16xi32>], vector<16xf32>,
      %mul3A_578 = arith.mulf %gather3A, %gather3A_577 : vector<16xf32>
      %broadcast_in_dim3A_579 = arith.constant 1 : i32
      %broadcast_in_dim3A_580 = vector.broadcast %broadcast_in_dim3A_579 : i32 to vector<16xi32>
      %gather3A_581 = tpu.vector_load_idx %arg43[%broadcast_in_dim3A_580, %add3A_573] : memref<16x512xf32, #tpu.memory_space<vmem>>[vector<16xi32>, vector<16xi32>], vector<16xf32>,
      %gather3A_582 = tpu.vector_load_idx %arg44[%broadcast_in_dim3A_580, %add3A_573] : memref<16x512xf32, #tpu.memory_space<vmem>>[vector<16xi32>, vector<16xi32>], vector<16xf32>,
      %mul3A_583 = arith.mulf %gather3A_581, %gather3A_582 : vector<16xf32>
      %add3A_584 = arith.addf %mul3A_578, %mul3A_583 : vector<16xf32>
      %broadcast_in_dim3A_585 = arith.constant 2 : i32
      %broadcast_in_dim3A_586 = vector.broadcast %broadcast_in_dim3A_585 : i32 to vector<16xi32>
      %gather3A_587 = tpu.vector_load_idx %arg43[%broadcast_in_dim3A_586, %add3A_573] : memref<16x512xf32, #tpu.memory_space<vmem>>[vector<16xi32>, vector<16xi32>], vector<16xf32>,
      %gather3A_588 = tpu.vector_load_idx %arg44[%broadcast_in_dim3A_586, %add3A_573] : memref<16x512xf32, #tpu.memory_space<vmem>>[vector<16xi32>, vector<16xi32>], vector<16xf32>,
      %mul3A_589 = arith.mulf %gather3A_587, %gather3A_588 : vector<16xf32>
      %add3A_590 = arith.addf %add3A_584, %mul3A_589 : vector<16xf32>
      %broadcast_in_dim3A_591 = arith.constant 3 : i32
      %broadcast_in_dim3A_592 = vector.broadcast %broadcast_in_dim3A_591 : i32 to vector<16xi32>
      %gather3A_593 = tpu.vector_load_idx %arg43[%broadcast_in_dim3A_592, %add3A_573] : memref<16x512xf32, #tpu.memory_space<vmem>>[vector<16xi32>, vector<16xi32>], vector<16xf32>,
      %gather3A_594 = tpu.vector_load_idx %arg44[%broadcast_in_dim3A_592, %add3A_573] : memref<16x512xf32, #tpu.memory_space<vmem>>[vector<16xi32>, vector<16xi32>], vector<16xf32>,
      %mul3A_595 = arith.mulf %gather3A_593, %gather3A_594 : vector<16xf32>
      %add3A_596 = arith.addf %add3A_590, %mul3A_595 : vector<16xf32>
      %broadcast_in_dim3A_597 = arith.constant 4 : i32
      %broadcast_in_dim3A_598 = vector.broadcast %broadcast_in_dim3A_597 : i32 to vector<16xi32>
      %gather3A_599 = tpu.vector_load_idx %arg43[%broadcast_in_dim3A_598, %add3A_573] : memref<16x512xf32, #tpu.memory_space<vmem>>[vector<16xi32>, vector<16xi32>], vector<16xf32>,
      %gather3A_600 = tpu.vector_load_idx %arg44[%broadcast_in_dim3A_598, %add3A_573] : memref<16x512xf32, #tpu.memory_space<vmem>>[vector<16xi32>, vector<16xi32>], vector<16xf32>,
      %mul3A_601 = arith.mulf %gather3A_599, %gather3A_600 : vector<16xf32>
      %add3A_602 = arith.addf %add3A_596, %mul3A_601 : vector<16xf32>
      %broadcast_in_dim3A_603 = arith.constant 5 : i32
      %broadcast_in_dim3A_604 = vector.broadcast %broadcast_in_dim3A_603 : i32 to vector<16xi32>
      %gather3A_605 = tpu.vector_load_idx %arg43[%broadcast_in_dim3A_604, %add3A_573] : memref<16x512xf32, #tpu.memory_space<vmem>>[vector<16xi32>, vector<16xi32>], vector<16xf32>,
      %gather3A_606 = tpu.vector_load_idx %arg44[%broadcast_in_dim3A_604, %add3A_573] : memref<16x512xf32, #tpu.memory_space<vmem>>[vector<16xi32>, vector<16xi32>], vector<16xf32>,
      %mul3A_607 = arith.mulf %gather3A_605, %gather3A_606 : vector<16xf32>
      %add3A_608 = arith.addf %add3A_602, %mul3A_607 : vector<16xf32>
      %broadcast_in_dim3A_609 = arith.constant 6 : i32
      %broadcast_in_dim3A_610 = vector.broadcast %broadcast_in_dim3A_609 : i32 to vector<16xi32>
      %gather3A_611 = tpu.vector_load_idx %arg43[%broadcast_in_dim3A_610, %add3A_573] : memref<16x512xf32, #tpu.memory_space<vmem>>[vector<16xi32>, vector<16xi32>], vector<16xf32>,
      %gather3A_612 = tpu.vector_load_idx %arg44[%broadcast_in_dim3A_610, %add3A_573] : memref<16x512xf32, #tpu.memory_space<vmem>>[vector<16xi32>, vector<16xi32>], vector<16xf32>,
      %mul3A_613 = arith.mulf %gather3A_611, %gather3A_612 : vector<16xf32>
      %add3A_614 = arith.addf %add3A_608, %mul3A_613 : vector<16xf32>
      %broadcast_in_dim3A_615 = arith.constant 7 : i32
      %broadcast_in_dim3A_616 = vector.broadcast %broadcast_in_dim3A_615 : i32 to vector<16xi32>
      %gather3A_617 = tpu.vector_load_idx %arg43[%broadcast_in_dim3A_616, %add3A_573] : memref<16x512xf32, #tpu.memory_space<vmem>>[vector<16xi32>, vector<16xi32>], vector<16xf32>,
      %gather3A_618 = tpu.vector_load_idx %arg44[%broadcast_in_dim3A_616, %add3A_573] : memref<16x512xf32, #tpu.memory_space<vmem>>[vector<16xi32>, vector<16xi32>], vector<16xf32>,
      %mul3A_619 = arith.mulf %gather3A_617, %gather3A_618 : vector<16xf32>
      %add3A_620 = arith.addf %add3A_614, %mul3A_619 : vector<16xf32>
      %broadcast_in_dim3A_621 = arith.constant 8 : i32
      %broadcast_in_dim3A_622 = vector.broadcast %broadcast_in_dim3A_621 : i32 to vector<16xi32>
      %gather3A_623 = tpu.vector_load_idx %arg43[%broadcast_in_dim3A_622, %add3A_573] : memref<16x512xf32, #tpu.memory_space<vmem>>[vector<16xi32>, vector<16xi32>], vector<16xf32>,
      %gather3A_624 = tpu.vector_load_idx %arg44[%broadcast_in_dim3A_622, %add3A_573] : memref<16x512xf32, #tpu.memory_space<vmem>>[vector<16xi32>, vector<16xi32>], vector<16xf32>,
      %mul3A_625 = arith.mulf %gather3A_623, %gather3A_624 : vector<16xf32>
      %add3A_626 = arith.addf %add3A_620, %mul3A_625 : vector<16xf32>
      %broadcast_in_dim3A_627 = arith.constant 9 : i32
      %broadcast_in_dim3A_628 = vector.broadcast %broadcast_in_dim3A_627 : i32 to vector<16xi32>
      %gather3A_629 = tpu.vector_load_idx %arg43[%broadcast_in_dim3A_628, %add3A_573] : memref<16x512xf32, #tpu.memory_space<vmem>>[vector<16xi32>, vector<16xi32>], vector<16xf32>,
      %gather3A_630 = tpu.vector_load_idx %arg44[%broadcast_in_dim3A_628, %add3A_573] : memref<16x512xf32, #tpu.memory_space<vmem>>[vector<16xi32>, vector<16xi32>], vector<16xf32>,
      %mul3A_631 = arith.mulf %gather3A_629, %gather3A_630 : vector<16xf32>
      %add3A_632 = arith.addf %add3A_626, %mul3A_631 : vector<16xf32>
      %broadcast_in_dim3A_633 = arith.constant 10 : i32
      %broadcast_in_dim3A_634 = vector.broadcast %broadcast_in_dim3A_633 : i32 to vector<16xi32>
      %gather3A_635 = tpu.vector_load_idx %arg43[%broadcast_in_dim3A_634, %add3A_573] : memref<16x512xf32, #tpu.memory_space<vmem>>[vector<16xi32>, vector<16xi32>], vector<16xf32>,
      %gather3A_636 = tpu.vector_load_idx %arg44[%broadcast_in_dim3A_634, %add3A_573] : memref<16x512xf32, #tpu.memory_space<vmem>>[vector<16xi32>, vector<16xi32>], vector<16xf32>,
      %mul3A_637 = arith.mulf %gather3A_635, %gather3A_636 : vector<16xf32>
      %add3A_638 = arith.addf %add3A_632, %mul3A_637 : vector<16xf32>
      %broadcast_in_dim3A_639 = arith.constant 11 : i32
      %broadcast_in_dim3A_640 = vector.broadcast %broadcast_in_dim3A_639 : i32 to vector<16xi32>
      %gather3A_641 = tpu.vector_load_idx %arg43[%broadcast_in_dim3A_640, %add3A_573] : memref<16x512xf32, #tpu.memory_space<vmem>>[vector<16xi32>, vector<16xi32>], vector<16xf32>,
      %gather3A_642 = tpu.vector_load_idx %arg44[%broadcast_in_dim3A_640, %add3A_573] : memref<16x512xf32, #tpu.memory_space<vmem>>[vector<16xi32>, vector<16xi32>], vector<16xf32>,
      %mul3A_643 = arith.mulf %gather3A_641, %gather3A_642 : vector<16xf32>
      %add3A_644 = arith.addf %add3A_638, %mul3A_643 : vector<16xf32>
      %broadcast_in_dim3A_645 = arith.constant 12 : i32
      %broadcast_in_dim3A_646 = vector.broadcast %broadcast_in_dim3A_645 : i32 to vector<16xi32>
      %gather3A_647 = tpu.vector_load_idx %arg43[%broadcast_in_dim3A_646, %add3A_573] : memref<16x512xf32, #tpu.memory_space<vmem>>[vector<16xi32>, vector<16xi32>], vector<16xf32>,
      %gather3A_648 = tpu.vector_load_idx %arg44[%broadcast_in_dim3A_646, %add3A_573] : memref<16x512xf32, #tpu.memory_space<vmem>>[vector<16xi32>, vector<16xi32>], vector<16xf32>,
      %mul3A_649 = arith.mulf %gather3A_647, %gather3A_648 : vector<16xf32>
      %add3A_650 = arith.addf %add3A_644, %mul3A_649 : vector<16xf32>
      %broadcast_in_dim3A_651 = arith.constant 13 : i32
      %broadcast_in_dim3A_652 = vector.broadcast %broadcast_in_dim3A_651 : i32 to vector<16xi32>
      %gather3A_653 = tpu.vector_load_idx %arg43[%broadcast_in_dim3A_652, %add3A_573] : memref<16x512xf32, #tpu.memory_space<vmem>>[vector<16xi32>, vector<16xi32>], vector<16xf32>,
      %gather3A_654 = tpu.vector_load_idx %arg44[%broadcast_in_dim3A_652, %add3A_573] : memref<16x512xf32, #tpu.memory_space<vmem>>[vector<16xi32>, vector<16xi32>], vector<16xf32>,
      %mul3A_655 = arith.mulf %gather3A_653, %gather3A_654 : vector<16xf32>
      %add3A_656 = arith.addf %add3A_650, %mul3A_655 : vector<16xf32>
      %broadcast_in_dim3A_657 = arith.constant 14 : i32
      %broadcast_in_dim3A_658 = vector.broadcast %broadcast_in_dim3A_657 : i32 to vector<16xi32>
      %gather3A_659 = tpu.vector_load_idx %arg43[%broadcast_in_dim3A_658, %add3A_573] : memref<16x512xf32, #tpu.memory_space<vmem>>[vector<16xi32>, vector<16xi32>], vector<16xf32>,
      %gather3A_660 = tpu.vector_load_idx %arg44[%broadcast_in_dim3A_658, %add3A_573] : memref<16x512xf32, #tpu.memory_space<vmem>>[vector<16xi32>, vector<16xi32>], vector<16xf32>,
      %mul3A_661 = arith.mulf %gather3A_659, %gather3A_660 : vector<16xf32>
      %add3A_662 = arith.addf %add3A_656, %mul3A_661 : vector<16xf32>
      %broadcast_in_dim3A_663 = arith.constant 15 : i32
      %broadcast_in_dim3A_664 = vector.broadcast %broadcast_in_dim3A_663 : i32 to vector<16xi32>
      %gather3A_665 = tpu.vector_load_idx %arg43[%broadcast_in_dim3A_664, %add3A_573] : memref<16x512xf32, #tpu.memory_space<vmem>>[vector<16xi32>, vector<16xi32>], vector<16xf32>,
      %gather3A_666 = tpu.vector_load_idx %arg44[%broadcast_in_dim3A_664, %add3A_573] : memref<16x512xf32, #tpu.memory_space<vmem>>[vector<16xi32>, vector<16xi32>], vector<16xf32>,
      %mul3A_667 = arith.mulf %gather3A_665, %gather3A_666 : vector<16xf32>
      %add3A_668 = arith.addf %add3A_662, %mul3A_667 : vector<16xf32>
      %swap3A = arith.index_cast %mul3A_571 : i32 to index
      %swap3A_669 = tpu.vector_load %arg45[%swap3A] {strides = array<i32>} : memref<512xf32, #tpu.memory_space<vmem>>, vector<16xf32>,
      tpu.vector_store %arg45[%swap3A], %add3A_668 {strides = array<i32>} : memref<512xf32, #tpu.memory_space<vmem>>, vector<16xf32>,
    }
    %scan3A_568 = arith.constant 32 : i32
    "tpu.region"() ({
      %run_scoped3A = tpu.sem_alloc : memref<!tpu.dma_semaphore, #tpu.memory_space<semaphore_mem>>
      %dma_start3A_569 = tpu.memref_slice %arg6[%mul3A_2] : memref<16384xf32, #tpu.memory_space<hbm>> -> memref<512xf32, #tpu.memory_space<hbm>>
      %dma_start3A_570 = tpu.memref_slice %arg6[%mul3A_2] : memref<16384xf32, #tpu.memory_space<hbm>> -> memref<512xf32, #tpu.memory_space<hbm>>
      tpu.enqueue_dma source(%arg45 : memref<512xf32, #tpu.memory_space<vmem>>) target(%dma_start3A_570 : memref<512xf32, #tpu.memory_space<hbm>>) target_semaphore(%run_scoped3A : memref<!tpu.dma_semaphore, #tpu.memory_space<semaphore_mem>>)
      %dma_wait3A_571 = tpu.memref_slice %arg6[%mul3A_2] : memref<16384xf32, #tpu.memory_space<hbm>> -> memref<512xf32, #tpu.memory_space<hbm>>
      %dma_wait3A_572 = tpu.memref_slice %arg6[%mul3A_2] : memref<16384xf32, #tpu.memory_space<hbm>> -> memref<512xf32, #tpu.memory_space<hbm>>
      tpu.wait_dma2 semaphore(%run_scoped3A : memref<!tpu.dma_semaphore, #tpu.memory_space<semaphore_mem>>) src(%arg45 : memref<512xf32, #tpu.memory_space<vmem>>) dst(%dma_wait3A_572 : memref<512xf32, #tpu.memory_space<hbm>>)
      tpu.yield
    }) : () -> ()
    return
  }
}

</mosaic_0001>

<sc_bundles>
// kernel: _run.3.cloned.1.call-start
scs
__scs_entry_jumppad:
0x0: {  	(pc) =	sbr.rel $0x88, $3  }
0x1: {  	(tag) =	ssettag $0x0;
	lr =	simm.s32 $0x1  }
0x2: {  	[smem:$0x3F9D] =	sst lr;
	_ =	strace $0xD0000000  }
0x3: {  	_ = 	snop  }
0x4: {  	_ = 	snop  }
0x5: {  	_ = 	snop  }
0x6: {  	_ = 	snop  }
0x7: {  	_ = 	snop  }
__scs_overlays_trampoline_lowered:
0x8: {  	[smem:$0x3FAC] =	sst s0  }
0x9: {  	[smem:$0x3FAD] =	sst s1  }
0xa: {  	[smem:$0x3FAE] =	sst s2  }
0xb: {  	[smem:$0x3FAF] =	sst s3  }
0xc: {  	[smem:$0x3FB0] =	sst s4  }
0xd: {  	[smem:$0x3FB1] =	sst s5  }
0xe: {  	[smem:$0x3FB2] =	sst s6  }
0xf: {  	[smem:$0x3FB3] =	sst s7  }
0x10: {  	[smem:$0x3FB4] =	sst s8  }
0x11: {  	[smem:$0x3FB5] =	sst s9;
	s0 =	simm.s32 @!p0 $0x0  }
0x12: {  	s1 =	sld [smem:$0x3F9B];
	s0 =	simm.s32 @p0 $0x1  }
0x13: {  	[smem:$0x3FB6] =	sst s0;
	s0 =	simm.s32 @!p1 $0x0  }
0x14: {  	s2 =	sld [smem:$0x3F9A];
	s0 =	simm.s32 @p1 $0x1  }
0x15: {  	[smem:$0x3FB7] =	sst s0;
	s0 =	simm.s32 @!p2 $0x0  }
0x16: {  	s3 =	sld [smem:$0x3FDB];
	s0 =	simm.s32 @p2 $0x1  }
0x17: {  	s4 =	simm.s32 $0x1BF5;
	[smem:$0x3FB9] =	sst s0  }
0x18: {  	s0 =	sld [smem:$0x3F9C];
	_ =	swait.ge [sflag:s4], $0x0  }
0x19: {  	s7 =	sld [smem:$0x3F9D]  }
0x1a: {  	s8 =	sadd.s32 $0xFFFFE003, lr  }
0x1b: {  	s9 =	sadd.s32 $0xFFFFFEF7, lr;
	s5 =	simm.s32 $0xFFFFFFFF;
	p2 =	slt.u32 s8, $0xFFFFF086  }
0x1c: {  	p1 =	slt.u32 s9, $0xF7A;
	s5 =	simm.s32 @!p2 $0x0  }
0x1d: {  	s5 =	simm.s32 @p1 $0x1;
	p0 =	seq.s32 s7, s2  }
0x1e: {  	s7 =	smul.u32 @!p0 $0xF7A, s2;
	p2 =	seq.s32 @!p0 s5, $0x0  }
0x1f: {  	s9 =	smul.u32 $0xF7A, s1;
	s8 =	simm.s32 @!p0 $0x1BF5;
	p2 =	por !p2, p0  }
0x20: {  	[sflag:s8] =	ssyncset.s32 @!p0 $0xFFFFF086;
	s6 =	sadd.s32 @!p0 s3, s7;
	s7 =	simm.s32 @!p0 $0x108  }
0x21: {  	s3 =	sadd.s32 s3, s9;
	s6 =	sadd.s32 @!p0 $0x88, s6;
	s7 =	simm.s32 @p2 $0x1082  }
0x22: {  	[simem:s7], [sflag:s8] =	dma.local @!p0 [hbm:s6], $0xF7A  }
0x23: {  	s9 =	sor.u32 $0xD0000000, s2;
	s6 =	simm.s32 $0x108;
	_ =	swait.ge @!p0 [sflag:s8], $0x0  }
0x24: {  	s3 =	sadd.s32 $0x88, s3;
	s6 =	simm.s32 @!p1 $0x1082;
	[sflag:s4] =	ssyncset.s32 $0xFFFFF086  }
0x25: {  	[simem:s6], [sflag:s4] =	dma.local [hbm:s3], $0xF7A  }
0x26: {  	[smem:$0x3F9D] =	sst s1;
	(tag) =	ssettag s2;
	_ =	strace s9  }
0x27: {  	s1 =	sld [smem:$0x3FAD]  }
0x28: {  	s2 =	sld [smem:$0x3FAE]  }
0x29: {  	s4 =	sld [smem:$0x3FB0]  }
0x2a: {  	p0 =	seq.s32 s5, $0x0;
	s5 =	sld [smem:$0x3FB1]  }
0x2b: {  	s6 =	sld [smem:$0x3FB2]  }
0x2c: {  	s7 =	sld [smem:$0x3FB3]  }
0x2d: {  	s3 =	simm.s32 $0x108;
	s8 =	sld [smem:$0x3FB4]  }
0x2e: {  	s3 =	simm.s32 @!p0 $0x1082;
	s9 =	sld [smem:$0x3FB5]  }
0x2f: {  	lr =	sadd.s32 s0, s3;
	s0 =	sld [smem:$0x3FAC]  }
0x30: {  	s3 =	sld [smem:$0x3FAF]  }
0x31: {  	[smem:$0x3FB8] =	sst s10  }
0x32: {  	s10 =	sld [smem:$0x3FB6];
	_ =	sdelay $0x3  }
0x33: {  	p0 =	seq.s32 s10, $0x1;
	s10 =	sld [smem:$0x3FB8];
	_ =	sdelay $0x3  }
0x34: {  	[smem:$0x3FB8] =	sst s10  }
0x35: {  	s10 =	sld [smem:$0x3FB7];
	_ =	sdelay $0x3  }
0x36: {  	p1 =	seq.s32 s10, $0x1;
	s10 =	sld [smem:$0x3FB8];
	_ =	sdelay $0x3  }
0x37: {  	[smem:$0x3FB8] =	sst s10  }
0x38: {  	s10 =	sld [smem:$0x3FB9]  }
0x39: {  	_ = 	snop;
	(pc) =	sbr.ind lr, $3  }
0x3a: {  	_ = 	snop  }
0x3b: {  	_ = 	snop  }
0x3c: {  	p2 =	seq.s32 s10, $0x1;
	s10 =	sld [smem:$0x3FB8]  }
0x3d: {  	_ =	shalt  }
0x3e: {  	_ =	shalt  }
0x3f: {  	_ =	shalt  }
0x40: {  	_ =	shalt  }
0x41: {  	_ =	shalt  }
0x42: {  	_ =	shalt  }
0x43: {  	_ =	shalt  }
0x44: {  	_ =	shalt  }
0x45: {  	_ =	shalt  }
0x46: {  	_ =	shalt  }
0x47: {  	_ =	shalt  }
0x48: {  	_ =	shalt  }
0x49: {  	_ =	shalt  }
0x4a: {  	_ =	shalt  }
0x4b: {  	_ =	shalt  }
0x4c: {  	_ =	shalt  }
0x4d: {  	_ =	shalt  }
0x4e: {  	_ =	shalt  }
0x4f: {  	_ =	shalt  }
0x50: {  	_ =	shalt  }
0x51: {  	_ =	shalt  }
0x52: {  	_ =	shalt  }
0x53: {  	_ =	shalt  }
0x54: {  	_ =	shalt  }
0x55: {  	_ =	shalt  }
0x56: {  	_ =	shalt  }
0x57: {  	_ =	shalt  }
0x58: {  	_ =	shalt  }
0x59: {  	_ =	shalt  }
0x5a: {  	_ =	shalt  }
0x5b: {  	_ =	shalt  }
0x5c: {  	_ =	shalt  }
0x5d: {  	_ =	shalt  }
0x5e: {  	_ =	shalt  }
0x5f: {  	_ =	shalt  }
0x60: {  	_ =	shalt  }
0x61: {  	_ =	shalt  }
0x62: {  	_ =	shalt  }
0x63: {  	_ =	shalt  }
0x64: {  	_ =	shalt  }
0x65: {  	_ =	shalt  }
0x66: {  	_ =	shalt  }
0x67: {  	_ =	shalt  }
0x68: {  	_ =	shalt  }
0x69: {  	_ =	shalt  }
0x6a: {  	_ =	shalt  }
0x6b: {  	_ =	shalt  }
0x6c: {  	_ =	shalt  }
0x6d: {  	_ =	shalt  }
0x6e: {  	_ =	shalt  }
0x6f: {  	_ =	shalt  }
0x70: {  	_ =	shalt  }
0x71: {  	_ =	shalt  }
0x72: {  	_ =	shalt  }
0x73: {  	_ =	shalt  }
0x74: {  	_ =	shalt  }
0x75: {  	_ =	shalt  }
0x76: {  	_ =	shalt  }
0x77: {  	_ =	shalt  }
0x78: {  	_ =	shalt  }
0x79: {  	_ =	shalt  }
0x7a: {  	_ =	shalt  }
0x7b: {  	_ =	shalt  }
0x7c: {  	_ =	shalt  }
0x7d: {  	_ =	shalt  }
0x7e: {  	_ =	shalt  }
0x7f: {  	_ =	shalt  }
0x80: {  	_ =	shalt  }
0x81: {  	_ =	shalt  }
0x82: {  	_ =	shalt  }
0x83: {  	_ =	shalt  }
0x84: {  	_ =	shalt  }
0x85: {  	_ =	shalt  }
0x86: {  	_ =	shalt  }
0x87: {  	_ =	shalt  }
.Lfunc_end0:
.L_simem_size_0:
called_computation_lowered:
.L_overlay_start_0:
0x88: {  	s2 =	sld [smem:$0x3FD9]  }
0x89: {  	s3 =	sld [smem:$0x3FFE];
	_ =	sdelay $0x1  }
0x8a: {  	s1 =	srdreg.scid  }
0x8b: {  	s0 =	sand.u32 $0x1, s1  }
0x8c: {  	s15 =	sshll.u32 s0, $0xA;
	s2 =	sadd.s32 s3, s2  }
0x8d: {  	s2 =	sadd.s32 s2, s15  }
0x8e: {  	[smem:$0x3FC4] =	sst s2  }
0x8f: {  	_ = 	snop  }
0x90: {  	s2 =	sld [smem:$0x3FC9]  }
0x91: {  	s16 =	sld [smem:$0x3FD0]  }
0x92: {  	s4 =	sld [smem:$0x3FC8]  }
0x93: {  	s5 =	sld [smem:$0x3FC7]  }
0x94: {  	s7 =	simm.s32 $0xA;
	s8 =	simm.s32 $0x10;
	s6 =	sld [smem:$0x3FC6]  }
0x95: {  	[smem:s8], [sflag:s7] =	dma.local [hbm:s16], $0x1  }
0x96: {  	_ =	swait.eq [sflag:s7], $0x1  }
0x97: {  	s17 =	sld [smem:$0x10];
	[sflag:s7] =	ssyncset.done $0x0  }
0x98: {  	s18 =	sld [smem:$0x11];
	[sflag:s7] =	ssyncadd.s32 $0xFFFFFFFF  }
0x99: {  	s19 =	sld [smem:$0x12];
	(tm) =	ssettm $0x1  }
0x9a: {  	s9 =	sld [smem:$0x3FFB];
	_ =	sdelay $0x3  }
0x9b: {  	_ =	strace s9  }
0x9c: {  	s9 =	sld [smem:$0x3FFC];
	_ =	sdelay $0x3  }
0x9d: {  	_ =	strace s9  }
0x9e: {  	s9 =	sld [smem:$0x3FFD];
	_ =	sdelay $0x3  }
0x9f: {  	_ =	strace s9  }
0xa0: {  	_ =	strace $0x8FFFFFFF  }
0xa1: {  	s20 =	sld [smem:$0x3FDB];
	_ =	sdelay $0x1  }
0xa2: {  	s10 =	simm.s32 $_scs_section_size  }
0xa3: {  	s11 =	simm.s32 $_size__tile_overlayer_lowered;
	s12 =	simm.s32 $_tile_overlayer_lowered  }
0xa4: {  	s23 =	simm.s32 $0x1BFF;
	s22 =	sshll.u32 s12, $0x1;
	s9 =	sadd.s32 s10, s20  }
0xa5: {  	s13 =	simm.s32 $0x0;
	s21 =	sshll.u32 s11, $0x1;
	s11 =	sadd.s32 s22, s9  }
0xa6: {  	[timem:s13], [sflag:s23] =	dma.local [hbm:s11], s21  }
0xa7: {  	_ =	swait.ge [sflag:s23], s21  }
0xa8: {  	s10 =	ssub.s32 $0x0, s21;
	[sflag:s23] =	ssyncset.done $0x0  }
0xa9: {  	[sflag:s23] =	ssyncadd.s32 s10;
	_ =	sdelay $0x1  }
0xaa: {  	s24 =	simm.s32 $0x1B8B  }
0xab: {  	_ =	swait.ge [sflag:s24], $0x1  }
0xac: {  	[sflag:s24] =	ssyncset.done $0x0  }
0xad: {  	s25 =	simm.s32 $0x1B8E;
	[sflag:s24] =	ssyncadd.s32 $0xFFFFFFFF  }
0xae: {  	s26 =	simm.s32 $execute0_lowered;
	[smem:$0x3FD2] =	sst s25  }
0xaf: {  	s10 =	sshll.u32 s26, $0x1;
	_ =	strace $0x80000046;
	[dreg:$0x1] =	wrdreg $0xFFFFFFFF  }
0xb0: {  	s28 =	simm.s32 $_size_execute0_lowered;
	s9 =	sadd.s32 s9, s10;
	[dreg:$0x0] =	wrdreg $0x0  }
0xb1: {  	s10 =	sshll.u32 s28, $0x1;
	[dreg:$0x2] =	wrdreg s9  }
0xb2: {  	[dreg:$0x3] =	wrdreg s10  }
0xb3: {  	[dreg:$0x4] =	wrdreg $0xC0  }
0xb4: {  	_ =	task [dreg:s13], $0x5FFFF  }
0xb5: {  	[dreg:$0x1] =	wrdreg $0xFFFFFFFF  }
0xb6: {  	[dreg:$0x0] =	wrdreg $0x60  }
0xb7: {  	[dreg:$0x2] =	wrdreg s2  }
0xb8: {  	[dreg:$0x3] =	wrdreg s4  }
0xb9: {  	[dreg:$0x4] =	wrdreg s5  }
0xba: {  	[dreg:$0x5] =	wrdreg s6  }
0xbb: {  	[dreg:$0x6] =	wrdreg s17  }
0xbc: {  	[dreg:$0x7] =	wrdreg s18  }
0xbd: {  	[dreg:$0x8] =	wrdreg s19  }
0xbe: {  	[dreg:$0x9] =	wrdreg $0x9  }
0xbf: {  	_ =	task.clear_ibuf [dreg:s13], $0xAFFFF;
	_ =	strace $0x90000046  }
0xc0: {  	s29 =	simm.s32 $0x9;
	_ =	strace $0x80000048  }
0xc1: {  	_ =	swait.ge [sflag:s29], $0x1  }
0xc2: {  	[sflag:s29] =	ssyncadd.s32 $0xFFFFFFFF  }
0xc3: {  	_ =	strace $0x90000048  }
0xc4: {  	_ =	sfence  }
0xc5: {  	s30 =	sld [smem:$0x0];
	_ =	sdelay $0x2  }
0xc6: {  	s31 =	sshll.u32 s1, $0xD;
	s1 =	sshrl.u32 s1, $0x2  }
0xc7: {  	s3 =	sand.u32 $0x4000, s31;
	s1 =	sadd.s32 s1, s30  }
0xc8: {  	s0 =	sor.u32 s3, s0;
	s1 =	sshll.u32 s1, $0x11  }
0xc9: {  	s0 =	sor.u32 s1, s0  }
0xca: {  	s0 =	sadd.s32 $0x8F2B, s0  }
0xcb: {  	[sflag:s0] =	ssyncadd.remote.s32 $0x1  }
0xcc: {  	_ =	sfence.sel $0xFFFF  }
0xcd: {  	[dreg:$0x0] =	wrdreg $0xFFFFFFFF;
	(pc) =	sbr.abs _section_cstart, $3  }
0xce: {  	[dreg:$0x1] =	wrdreg $0xFFFFFFFF  }
0xcf: {  	_ =	task.clear_ibuf [dreg:s13], $0x2FFFF;
	_ =	strace $0x9FFFFFFF  }
0xd0: {  	(tm) =	ssettm $0x7FFFFFFF  }
0xd1: {  	_ =	shalt  }
tec
execute0_lowered:
.L_overlay_start_1:
0x0: {  	(tag) =	ssettag $0x1  }
0x1: {  	s2 =	rddreg [dreg:$0x0]  }
0x2: {  	s3 =	rddreg [dreg:$0x1]  }
0x3: {  	s0 =	rddreg [dreg:$0x2]  }
0x4: {  	s1 =	rddreg [dreg:$0x3]  }
0x5: {  	s4 =	rddreg [dreg:$0x4];
	v0 =	vimm.s32 $0x1380;
	vm0 =	vcmask $0x300  }
0x6: {  	s5 =	rddreg [dreg:$0x5];
	vm14 =	vcmask $0x704;
	v0 =	vsel vm0, $0x0, v0  }
0x7: {  	s6 =	srdreg.scid;
	s7 =	rddreg [dreg:$0x6];
	vm15 =	vcmask $0xB08;
	v0 =	vsel vm14, $0x80, v0  }
0x8: {  	s8 =	stileid.u32;
	s17 =	simm.s32 $0x0;
	s18 =	simm.s32 $0x3;
	vm4 =	vcmask $0xF0C;
	v0 =	vsel vm15, $0x100, v0  }
0x9: {  	s13 =	simm.s32 $0x7A1400;
	s14 =	simm.s32 $0x400;
	vm5 =	vcmask $0x1310;
	s23 =	simm.s32 $0x4C00;
	v0 =	vsel vm4, $0x180, v0  }
0xa: {  	vm6 =	vcmask $0x1714;
	s12 =	simm.s32 $0x6400;
	s24 =	simm.s32 $0x6C00;
	s19 =	simm.s32 $0x7C00;
	v0 =	vsel vm5, $0x200, v0  }
0xb: {  	vm7 =	vcmask $0x1B18;
	s15 =	simm.s32 $0x10400;
	s16 =	simm.s32 $0x12400;
	s6 =	sand.u32 $0x1, s6;
	v0 =	vsel vm6, $0x280, v0  }
0xc: {  	vm8 =	vcmask $0x1F1C;
	s8 =	sshll.u32 s8, $0xA;
	[smem:$0x7FF] =	sst s17;
	s9 =	sshll.u32 s6, $0x9;
	v0 =	vsel vm7, $0x300, v0  }
0xd: {  	vm9 =	vcmask $0x2320;
	s6 =	ssub.s32 $0x2, s6;
	_ =	strace $0x80000047;
	s8 =	sor.u32 s9, s8;
	v0 =	vsel vm8, $0x380, v0  }
0xe: {  	vm10 =	vcmask $0x2724;
	s25 =	sshrl.u32 s6, $0x1;
	s10 =	sshrl.u32 s8, $0x3;
	s28 =	sadd.s32 s5, s8;
	v0 =	vsel vm9, $0x1000, v0  }
0xf: {  	vm11 =	vcmask $0x2B28;
	s6 =	ssub.s32 s6, s25;
	s29 =	sadd.s32 s7, s8;
	[dreg:$0xa] =	wrdreg s28;
	v0 =	vsel vm10, $0x1080, v0  }
0x10: {  	vm12 =	vcmask $0x2F2C;
	s25 =	simm.s32 $0x7400;
	s2 =	sadd.s32 s2, s10;
	[dreg:$0xb] =	wrdreg s29;
	v0 =	vsel vm11, $0x1100, v0  }
0x11: {  	vm13 =	vcmask $0x3330;
	s5 =	simm.s32 $0x1;
	s26 =	sadd.s32 s3, s10;
	[dreg:$0x8] =	wrdreg s2;
	v0 =	vsel vm12, $0x1180, v0  }
0x12: {  	vm14 =	vcmask $0x3734;
	s30 =	sadd.s32 s4, s10;
	s31 =	smax.u32 s6, $0x1;
	[dreg:$0x9] =	wrdreg s26;
	v1 =	vsel vm13, $0x1200, v0  }
0x13: {  	vm15 =	vcmask $0x3B38;
	s3 =	simm.s32 $0x5C00;
	s6 =	simm.s32 $0x2;
	[dreg:$0xc] =	wrdreg s30;
	v0 =	vlaneseq.u32;
	v2 =	vsel vm14, $0x1280, v1  }
0x14: {  	s4 =	simm.s32 $0x0;
	[dreg:$0xd] =	wrdreg s31;
	s2 =	simm.s32 $0x5400;
	v1 =	vmul.u32 $0x80, v0;
	v2 =	vsel vm15, $0x1300, v2  }
.LBB2_1:
0x15: {  	[dreg:$0xe] =	wrdreg s4  }
0x16: {  	s7 =	rddreg [dreg:$0x8]  }
0x17: {  	[tilespmem:s17], [sflag:$0x3] =	stream.linear.gather [hbm4b:s7+s17], $0x200, $0x38;
	[tilespmem:$0x14600] =	vst v63  }
0x18: {  	_ =	swait.ge [sflag:s18], $0x200  }
0x19: {  	[sflag:s18] =	ssyncset.done $0x0  }
0x1a: {  	s8 =	simm.s32 $0x200;
	s4 =	rddreg [dreg:$0x9];
	[sflag:s18] =	ssyncadd.s32 $0xFFFFFE00  }
0x1b: {  	[tilespmem:s8], [sflag:$0x3] =	stream.linear.gather [hbm4b:s4+s17], $0x200, $0x38;
	[tilespmem:$0x14600] =	vst v63  }
0x1c: {  	_ =	swait.ge [sflag:s18], $0x200  }
0x1d: {  	[sflag:s18] =	ssyncset.done $0x0  }
0x1e: {  	[sflag:s18] =	ssyncadd.s32 $0xFFFFFE00  }
0x1f: {  	v3 =	vld [tilespmem:$0x0];
	_ =	sdelay $0x4  }
0x20: {  	(v2sf) =	vpush v3, $0x0  }
0x21: {  	(v2sf) =	vpush v3, $0x1;
	_ =	sdelay $0x5  }
0x22: {  	(v2sf) =	vpush v3, $0x2;
	_ =	sdelay $0x1  }
0x23: {  	(v2sf) =	vpush v3, $0x3;
	_ =	sdelay $0x5  }
0x24: {  	s9 =	spop (v2sf);
	(v2sf) =	vpush v3, $0x4  }
0x25: {  	s10 =	spop (v2sf);
	(v2sf) =	vpush v3, $0x5;
	_ =	sdelay $0x4  }
0x26: {  	s7 =	sand.u32 $0xFFFFF80, s9  }
0x27: {  	s7 =	sadd.s32 s0, s7;
	s17 =	spop (v2sf);
	(v2sf) =	vpush v3, $0x6  }
0x28: {  	[tilespmem:s14], [sflag:$0x1] =	stream.strided.gather [hbm4b:s7+s14], $0x800, s13, s14, $0x38;
	[tilespmem:$0x14600] =	vst v63  }
0x29: {  	s7 =	sand.u32 $0xFFFFF80, s10;
	s20 =	spop (v2sf);
	(v2sf) =	vpush v3, $0x7  }
0x2a: {  	s11 =	simm.s32 $0xC00;
	s7 =	sadd.s32 s0, s7  }
0x2b: {  	[tilespmem:s11], [sflag:$0x1] =	stream.strided.gather [hbm4b:s7+s14], $0x800, s13, s14, $0x38;
	[tilespmem:$0x14600] =	vst v63  }
0x2c: {  	s7 =	sand.u32 $0xFFFFF80, s17  }
0x2d: {  	s18 =	simm.s32 $0x1400;
	s7 =	sadd.s32 s0, s7  }
0x2e: {  	[tilespmem:s18], [sflag:$0x1] =	stream.strided.gather [hbm4b:s7+s14], $0x800, s13, s14, $0x38;
	[tilespmem:$0x14600] =	vst v63  }
0x2f: {  	s7 =	sand.u32 $0xFFFFF80, s20;
	s22 =	spop (v2sf);
	(v2sf) =	vpush v3, $0x8  }
0x30: {  	s21 =	simm.s32 $0x1C00;
	s7 =	sadd.s32 s0, s7;
	s28 =	spop (v2sf);
	(v2sf) =	vpush v3, $0x9  }
0x31: {  	[tilespmem:s21], [sflag:$0x1] =	stream.strided.gather [hbm4b:s7+s14], $0x800, s13, s14, $0x38;
	[tilespmem:$0x14600] =	vst v63  }
0x32: {  	s7 =	sand.u32 $0xFFFFF80, s22;
	(v2sf) =	vpush v3, $0xA  }
0x33: {  	s26 =	simm.s32 $0x2400;
	s7 =	sadd.s32 s0, s7  }
0x34: {  	[tilespmem:s26], [sflag:$0x1] =	stream.strided.gather [hbm4b:s7+s14], $0x800, s13, s14, $0x38;
	[tilespmem:$0x14600] =	vst v63  }
0x35: {  	s7 =	sand.u32 $0xFFFFF80, s28  }
0x36: {  	s29 =	simm.s32 $0x2C00;
	s30 =	spop (v2sf);
	s7 =	sadd.s32 s0, s7  }
0x37: {  	(v2sf) =	vpush v3, $0xB;
	[tilespmem:s29], [sflag:$0x1] =	stream.strided.gather [hbm4b:s7+s14], $0x800, s13, s14, $0x38;
	[tilespmem:$0x14600] =	vst v63  }
0x38: {  	s8 =	spop (v2sf);
	(v2sf) =	vpush v3, $0xC;
	s7 =	sand.u32 $0xFFFFF80, s30  }
0x39: {  	s31 =	simm.s32 $0x3400;
	s7 =	sadd.s32 s0, s7  }
0x3a: {  	[tilespmem:s31], [sflag:$0x1] =	stream.strided.gather [hbm4b:s7+s14], $0x800, s13, s14, $0x38;
	[tilespmem:$0x14600] =	vst v63  }
0x3b: {  	s7 =	sand.u32 $0xFFFFF80, s8  }
0x3c: {  	s9 =	simm.s32 $0x3C00;
	s7 =	sadd.s32 s0, s7  }
0x3d: {  	[tilespmem:s9], [sflag:$0x1] =	stream.strided.gather [hbm4b:s7+s14], $0x800, s13, s14, $0x38;
	[tilespmem:$0x14600] =	vst v63  }
0x3e: {  	s10 =	spop (v2sf);
	(v2sf) =	vpush v3, $0xD  }
0x3f: {  	s17 =	spop (v2sf);
	(v2sf) =	vpush v3, $0xE  }
0x40: {  	s7 =	sand.u32 $0xFFFFF80, s10  }
0x41: {  	s11 =	simm.s32 $0x4400;
	s7 =	sadd.s32 s0, s7;
	s18 =	spop (v2sf)  }
0x42: {  	(v2sf) =	vpush v3, $0xF;
	[tilespmem:s11], [sflag:$0x1] =	stream.strided.gather [hbm4b:s7+s14], $0x800, s13, s14, $0x38;
	[tilespmem:$0x14600] =	vst v63  }
0x43: {  	s7 =	sand.u32 $0xFFFFF80, s17  }
0x44: {  	s7 =	sadd.s32 s0, s7  }
0x45: {  	[tilespmem:s23], [sflag:$0x1] =	stream.strided.gather [hbm4b:s7+s14], $0x800, s13, s14, $0x38;
	[tilespmem:$0x14600] =	vst v63  }
0x46: {  	s20 =	spop (v2sf);
	s7 =	sand.u32 $0xFFFFF80, s18  }
0x47: {  	s21 =	sand.u32 $0xFFFFF80, s20;
	s22 =	spop (v2sf);
	s7 =	sadd.s32 s0, s7  }
0x48: {  	[tilespmem:s2], [sflag:$0x1] =	stream.strided.gather [hbm4b:s7+s14], $0x800, s13, s14, $0x38;
	[tilespmem:$0x14600] =	vst v63  }
0x49: {  	s23 =	sand.u32 $0xFFFFF80, s22;
	s7 =	sadd.s32 s0, s21  }
0x4a: {  	[tilespmem:s3], [sflag:$0x1] =	stream.strided.gather [hbm4b:s7+s14], $0x800, s13, s14, $0x38;
	[tilespmem:$0x14600] =	vst v63  }
0x4b: {  	s7 =	sadd.s32 s0, s23  }
0x4c: {  	[tilespmem:s12], [sflag:$0x1] =	stream.strided.gather [hbm4b:s7+s14], $0x800, s13, s14, $0x38;
	[tilespmem:$0x14600] =	vst v63  }
0x4d: {  	s26 =	spop (v2sf)  }
0x4e: {  	s28 =	sand.u32 $0xFFFFF80, s26;
	s29 =	spop (v2sf)  }
0x4f: {  	s7 =	sadd.s32 s0, s28;
	s30 =	sand.u32 $0xFFFFF80, s29  }
0x50: {  	[tilespmem:s24], [sflag:$0x1] =	stream.strided.gather [hbm4b:s7+s14], $0x800, s13, s14, $0x38;
	[tilespmem:$0x14600] =	vst v63  }
0x51: {  	s31 =	spop (v2sf);
	s7 =	sadd.s32 s0, s30  }
0x52: {  	[tilespmem:s25], [sflag:$0x1] =	stream.strided.gather [hbm4b:s7+s14], $0x800, s13, s14, $0x38;
	[tilespmem:$0x14600] =	vst v63  }
0x53: {  	s7 =	sand.u32 $0xFFFFF80, s31  }
0x54: {  	s17 =	simm.s32 $0x10;
	s7 =	sadd.s32 s0, s7  }
0x55: {  	[tilespmem:s19], [sflag:$0x1] =	stream.strided.gather [hbm4b:s7+s14], $0x800, s13, s14, $0x38;
	[tilespmem:$0x14600] =	vst v63  }
0x56: {  	s18 =	simm.s32 $0x0;
	s24 =	simm.s32 $0xA400;
	s7 =	simm.s32 $0x0  }
.LBB2_2:
0x57: {  	v3 =	vld [tilespmem:s17+$0x0];
	_ =	sdelay $0x4  }
0x58: {  	(v2sf) =	vpush v3, $0x0;
	_ =	sdelay $0x1  }
0x59: {  	(v2sf) =	vpush v3, $0x1;
	_ =	sdelay $0x1  }
0x5a: {  	(v2sf) =	vpush v3, $0x2;
	_ =	sdelay $0x2  }
0x5b: {  	(v2sf) =	vpush v3, $0x3;
	_ =	sdelay $0x7  }
0x5c: {  	s8 =	spop (v2sf);
	(v2sf) =	vpush v3, $0x4;
	_ =	sdelay $0x1  }
0x5d: {  	s11 =	spop (v2sf);
	(v2sf) =	vpush v3, $0x5;
	_ =	sdelay $0x1  }
0x5e: {  	s12 =	spop (v2sf);
	(v2sf) =	vpush v3, $0x6;
	_ =	sdelay $0x1  }
0x5f: {  	s8 =	sand.u32 $0xFFFFF80, s8  }
0x60: {  	s31 =	simm.s32 $0x8400;
	s8 =	sadd.s32 s0, s8;
	s19 =	spop (v2sf);
	(v2sf) =	vpush v3, $0x7  }
0x61: {  	[tilespmem:s31], [sflag:$0x2] =	stream.strided.gather [hbm4b:s8+s14], $0x800, s13, s14, $0x38;
	[tilespmem:$0x14600] =	vst v63  }
0x62: {  	s8 =	sand.u32 $0xFFFFF80, s11  }
0x63: {  	s25 =	simm.s32 $0x8C00;
	s8 =	sadd.s32 s0, s8  }
0x64: {  	[tilespmem:s25], [sflag:$0x2] =	stream.strided.gather [hbm4b:s8+s14], $0x800, s13, s14, $0x38;
	[tilespmem:$0x14600] =	vst v63  }
0x65: {  	s8 =	sand.u32 $0xFFFFF80, s12  }
0x66: {  	s26 =	simm.s32 $0x9400;
	s8 =	sadd.s32 s0, s8  }
0x67: {  	[tilespmem:s26], [sflag:$0x2] =	stream.strided.gather [hbm4b:s8+s14], $0x800, s13, s14, $0x38;
	[tilespmem:$0x14600] =	vst v63  }
0x68: {  	s20 =	spop (v2sf);
	(v2sf) =	vpush v3, $0x8  }
0x69: {  	s8 =	sand.u32 $0xFFFFF80, s19  }
0x6a: {  	s2 =	simm.s32 $0x9C00;
	s8 =	sadd.s32 s0, s8;
	s21 =	spop (v2sf);
	(v2sf) =	vpush v3, $0x9  }
0x6b: {  	[tilespmem:s2], [sflag:$0x2] =	stream.strided.gather [hbm4b:s8+s14], $0x800, s13, s14, $0x38;
	[tilespmem:$0x14600] =	vst v63  }
0x6c: {  	s8 =	sand.u32 $0xFFFFF80, s20;
	s23 =	spop (v2sf);
	(v2sf) =	vpush v3, $0xA  }
0x6d: {  	s8 =	sadd.s32 s0, s8  }
0x6e: {  	[tilespmem:s24], [sflag:$0x2] =	stream.strided.gather [hbm4b:s8+s14], $0x800, s13, s14, $0x38;
	[tilespmem:$0x14600] =	vst v63  }
0x6f: {  	s3 =	spop (v2sf);
	(v2sf) =	vpush v3, $0xB  }
0x70: {  	s8 =	sand.u32 $0xFFFFF80, s21  }
0x71: {  	s22 =	simm.s32 $0xAC00;
	s8 =	sadd.s32 s0, s8  }
0x72: {  	[tilespmem:s22], [sflag:$0x2] =	stream.strided.gather [hbm4b:s8+s14], $0x800, s13, s14, $0x38;
	[tilespmem:$0x14600] =	vst v63  }
0x73: {  	s8 =	sand.u32 $0xFFFFF80, s23  }
0x74: {  	s24 =	simm.s32 $0xB400;
	s8 =	sadd.s32 s0, s8  }
0x75: {  	[tilespmem:s24], [sflag:$0x2] =	stream.strided.gather [hbm4b:s8+s14], $0x800, s13, s14, $0x38;
	[tilespmem:$0x14600] =	vst v63  }
0x76: {  	s8 =	sand.u32 $0xFFFFF80, s3  }
0x77: {  	s4 =	simm.s32 $0xBC00;
	s8 =	sadd.s32 s0, s8;
	s9 =	spop (v2sf);
	(v2sf) =	vpush v3, $0xC  }
0x78: {  	[tilespmem:s4], [sflag:$0x2] =	stream.strided.gather [hbm4b:s8+s14], $0x800, s13, s14, $0x38;
	[tilespmem:$0x14600] =	vst v63  }
0x79: {  	s11 =	spop (v2sf);
	(v2sf) =	vpush v3, $0xD  }
0x7a: {  	s8 =	sand.u32 $0xFFFFF80, s9  }
0x7b: {  	s10 =	simm.s32 $0xC400;
	s8 =	sadd.s32 s0, s8;
	s19 =	spop (v2sf)  }
0x7c: {  	(v2sf) =	vpush v3, $0xE;
	[tilespmem:s10], [sflag:$0x2] =	stream.strided.gather [hbm4b:s8+s14], $0x800, s13, s14, $0x38;
	[tilespmem:$0x14600] =	vst v63  }
0x7d: {  	s8 =	sand.u32 $0xFFFFF80, s11  }
0x7e: {  	s12 =	simm.s32 $0xCC00;
	s21 =	spop (v2sf);
	s8 =	sadd.s32 s0, s8  }
0x7f: {  	(v2sf) =	vpush v3, $0xF;
	[tilespmem:s12], [sflag:$0x2] =	stream.strided.gather [hbm4b:s8+s14], $0x800, s13, s14, $0x38;
	[tilespmem:$0x14600] =	vst v63  }
0x80: {  	s8 =	sand.u32 $0xFFFFF80, s19  }
0x81: {  	s20 =	simm.s32 $0xD400;
	s8 =	sadd.s32 s0, s8  }
0x82: {  	[tilespmem:s20], [sflag:$0x2] =	stream.strided.gather [hbm4b:s8+s14], $0x800, s13, s14, $0x38;
	[tilespmem:$0x14600] =	vst v63  }
0x83: {  	s8 =	sand.u32 $0xFFFFF80, s21  }
0x84: {  	s22 =	simm.s32 $0xDC00;
	s8 =	sadd.s32 s0, s8  }
0x85: {  	[tilespmem:s22], [sflag:$0x2] =	stream.strided.gather [hbm4b:s8+s14], $0x800, s13, s14, $0x38;
	[tilespmem:$0x14600] =	vst v63  }
0x86: {  	s23 =	spop (v2sf)  }
0x87: {  	s8 =	sand.u32 $0xFFFFF80, s23  }
0x88: {  	s24 =	simm.s32 $0xE400;
	s3 =	spop (v2sf);
	s8 =	sadd.s32 s0, s8  }
0x89: {  	[tilespmem:s24], [sflag:$0x2] =	stream.strided.gather [hbm4b:s8+s14], $0x800, s13, s14, $0x38;
	[tilespmem:$0x14600] =	vst v63  }
0x8a: {  	s8 =	sand.u32 $0xFFFFF80, s3  }
0x8b: {  	s4 =	simm.s32 $0xEC00;
	s9 =	spop (v2sf);
	s8 =	sadd.s32 s0, s8  }
0x8c: {  	[tilespmem:s4], [sflag:$0x2] =	stream.strided.gather [hbm4b:s8+s14], $0x800, s13, s14, $0x38;
	[tilespmem:$0x14600] =	vst v63  }
0x8d: {  	s8 =	sand.u32 $0xFFFFF80, s9  }
0x8e: {  	s10 =	simm.s32 $0xF400;
	s11 =	spop (v2sf);
	s8 =	sadd.s32 s0, s8  }
0x8f: {  	[tilespmem:s10], [sflag:$0x2] =	stream.strided.gather [hbm4b:s8+s14], $0x800, s13, s14, $0x38;
	[tilespmem:$0x14600] =	vst v63  }
0x90: {  	s8 =	sand.u32 $0xFFFFF80, s11  }
0x91: {  	s12 =	simm.s32 $0xFC00;
	s8 =	sadd.s32 s0, s8  }
0x92: {  	[tilespmem:s12], [sflag:$0x2] =	stream.strided.gather [hbm4b:s8+s14], $0x800, s13, s14, $0x38;
	[tilespmem:$0x14600] =	vst v63  }
0x93: {  	_ =	swait.ge [sflag:s5], $0x800  }
0x94: {  	[sflag:s5] =	ssyncset.done $0x0  }
0x95: {  	[sflag:s5] =	ssyncadd.s32 $0xFFFFF800  }
0x96: {  	_ =	swait.ge [sflag:s5], $0x800  }
0x97: {  	[sflag:s5] =	ssyncset.done $0x0  }
0x98: {  	[sflag:s5] =	ssyncadd.s32 $0xFFFFF800  }
0x99: {  	_ =	swait.ge [sflag:s5], $0x800  }
0x9a: {  	[sflag:s5] =	ssyncset.done $0x0  }
0x9b: {  	[sflag:s5] =	ssyncadd.s32 $0xFFFFF800  }
0x9c: {  	_ =	swait.ge [sflag:s5], $0x800  }
0x9d: {  	[sflag:s5] =	ssyncset.done $0x0  }
0x9e: {  	[sflag:s5] =	ssyncadd.s32 $0xFFFFF800  }
0x9f: {  	_ =	swait.ge [sflag:s5], $0x800  }
0xa0: {  	[sflag:s5] =	ssyncset.done $0x0  }
0xa1: {  	[sflag:s5] =	ssyncadd.s32 $0xFFFFF800  }
0xa2: {  	_ =	swait.ge [sflag:s5], $0x800  }
0xa3: {  	[sflag:s5] =	ssyncset.done $0x0  }
0xa4: {  	[sflag:s5] =	ssyncadd.s32 $0xFFFFF800  }
0xa5: {  	_ =	swait.ge [sflag:s5], $0x800  }
0xa6: {  	[sflag:s5] =	ssyncset.done $0x0  }
0xa7: {  	[sflag:s5] =	ssyncadd.s32 $0xFFFFF800  }
0xa8: {  	_ =	swait.ge [sflag:s5], $0x800  }
0xa9: {  	[sflag:s5] =	ssyncset.done $0x0  }
0xaa: {  	[sflag:s5] =	ssyncadd.s32 $0xFFFFF800  }
0xab: {  	_ =	swait.ge [sflag:s5], $0x800  }
0xac: {  	[sflag:s5] =	ssyncset.done $0x0  }
0xad: {  	[sflag:s5] =	ssyncadd.s32 $0xFFFFF800  }
0xae: {  	_ =	swait.ge [sflag:s5], $0x800  }
0xaf: {  	[sflag:s5] =	ssyncset.done $0x0  }
0xb0: {  	[sflag:s5] =	ssyncadd.s32 $0xFFFFF800  }
0xb1: {  	_ =	swait.ge [sflag:s5], $0x800  }
0xb2: {  	[sflag:s5] =	ssyncset.done $0x0  }
0xb3: {  	[sflag:s5] =	ssyncadd.s32 $0xFFFFF800  }
0xb4: {  	_ =	swait.ge [sflag:s5], $0x800  }
0xb5: {  	[sflag:s5] =	ssyncset.done $0x0  }
0xb6: {  	[sflag:s5] =	ssyncadd.s32 $0xFFFFF800  }
0xb7: {  	_ =	swait.ge [sflag:s5], $0x800  }
0xb8: {  	[sflag:s5] =	ssyncset.done $0x0  }
0xb9: {  	[sflag:s5] =	ssyncadd.s32 $0xFFFFF800  }
0xba: {  	_ =	swait.ge [sflag:s5], $0x800  }
0xbb: {  	[sflag:s5] =	ssyncset.done $0x0  }
0xbc: {  	[sflag:s5] =	ssyncadd.s32 $0xFFFFF800  }
0xbd: {  	_ =	swait.ge [sflag:s5], $0x800  }
0xbe: {  	[sflag:s5] =	ssyncset.done $0x0  }
0xbf: {  	[sflag:s5] =	ssyncadd.s32 $0xFFFFF800  }
0xc0: {  	_ =	swait.ge [sflag:s5], $0x800  }
0xc1: {  	[sflag:s5] =	ssyncset.done $0x0  }
0xc2: {  	[sflag:s5] =	ssyncadd.s32 $0xFFFFF800  }
0xc3: {  	v3 =	vld [tilespmem:s17+$0xFFFFFFF0];
	_ =	sdelay $0x4  }
0xc4: {  	(v2sf) =	vpush v3, $0x0;
	_ =	sdelay $0x5  }
0xc5: {  	(v2sf) =	vpush v3, $0x1;
	_ =	sdelay $0x5  }
0xc6: {  	(v2sf) =	vpush v3, $0x2;
	_ =	sdelay $0x2  }
0xc7: {  	s19 =	spop (v2sf)  }
0xc8: {  	s8 =	sand.u32 $0x7F, s19  }
0xc9: {  	v4 =	vor.u32 s8, v1  }
0xca: {  	v5 =	vmov s18;
	(v2sf) =	vpush v3, $0x3  }
0xcb: {  	v6 =	vshll.u32 v5, $0x3  }
0xcc: {  	v5 =	vand.u32 $0x60, v5;
	v6 =	vand.u32 $0xC00, v6  }
0xcd: {  	v5 =	vor.u32 v6, v5;
	s20 =	spop (v2sf)  }
0xce: {  	v5 =	vor.u32 v2, v5;
	s8 =	sand.u32 $0x7F, s20;
	v4 =	vld.idx.msk [tilespmem:v4+s14+$0x0], $0xffff  }
0xcf: {  	s21 =	sadd.s32 $0x1, s18;
	v57 =	vor.u32 s8, v1  }
0xd0: {  	v7 =	vmov s21;
	(v2sf) =	vpush v3, $0x4  }
0xd1: {  	v8 =	vshll.u32 v7, $0x3  }
0xd2: {  	v7 =	vand.u32 $0x61, v7;
	v8 =	vand.u32 $0xC00, v8  }
0xd3: {  	v58 =	vor.u32 v8, v7;
	s9 =	simm.s32 $0xC00;
	s22 =	spop (v2sf);
	[tilespmem:v5+s15+$0x0] =	vst.idx.msk $0xffff, v4  }
0xd4: {  	s8 =	sand.u32 $0x7F, s22;
	v4 =	vor.u32 v2, v58;
	v5 =	vld.idx.msk [tilespmem:v57+s9+$0x0], $0xffff  }
0xd5: {  	s23 =	sadd.s32 $0x2, s18;
	v59 =	vor.u32 s8, v1  }
0xd6: {  	v60 =	vmov s23;
	(v2sf) =	vpush v3, $0x5  }
0xd7: {  	v61 =	vshll.u32 v60, $0x3  }
0xd8: {  	v7 =	vand.u32 $0x62, v60;
	v8 =	vand.u32 $0xC00, v61  }
0xd9: {  	v62 =	vor.u32 v8, v7;
	s20 =	simm.s32 $0x1400;
	s24 =	spop (v2sf);
	[tilespmem:v4+s15+$0x0] =	vst.idx.msk $0xffff, v5  }
0xda: {  	s8 =	sand.u32 $0x7F, s24;
	v4 =	vor.u32 v2, v62;
	v5 =	vld.idx.msk [tilespmem:v59+s20+$0x0], $0xffff  }
0xdb: {  	s2 =	sadd.s32 $0x3, s18;
	v63 =	vor.u32 s8, v1  }
0xdc: {  	v12 =	vmov s2;
	(v2sf) =	vpush v3, $0x6  }
0xdd: {  	v13 =	vshll.u32 v12, $0x3  }
0xde: {  	v7 =	vand.u32 $0x63, v12;
	v8 =	vand.u32 $0xC00, v13  }
0xdf: {  	v14 =	vor.u32 v8, v7;
	s10 =	simm.s32 $0x1C00;
	s3 =	spop (v2sf);
	[tilespmem:v4+s15+$0x0] =	vst.idx.msk $0xffff, v5  }
0xe0: {  	s8 =	sand.u32 $0x7F, s3;
	v4 =	vor.u32 v2, v14;
	v5 =	vld.idx.msk [tilespmem:v63+s10+$0x0], $0xffff  }
0xe1: {  	s4 =	sadd.s32 $0x4, s18;
	v15 =	vor.u32 s8, v1  }
0xe2: {  	v16 =	vmov s4;
	(v2sf) =	vpush v3, $0x7  }
0xe3: {  	v17 =	vshll.u32 v16, $0x3  }
0xe4: {  	v7 =	vand.u32 $0x64, v16;
	v8 =	vand.u32 $0xC00, v17  }
0xe5: {  	s21 =	simm.s32 $0x2400;
	v18 =	vor.u32 v8, v7;
	s11 =	spop (v2sf);
	[tilespmem:v4+s15+$0x0] =	vst.idx.msk $0xffff, v5  }
0xe6: {  	s8 =	sand.u32 $0x7F, s11;
	v4 =	vor.u32 v2, v18;
	v5 =	vld.idx.msk [tilespmem:v15+s21+$0x0], $0xffff  }
0xe7: {  	s12 =	sadd.s32 $0x5, s18;
	v19 =	vor.u32 s8, v1  }
0xe8: {  	v20 =	vmov s12;
	(v2sf) =	vpush v3, $0x8  }
0xe9: {  	v21 =	vshll.u32 v20, $0x3  }
0xea: {  	v7 =	vand.u32 $0x65, v20;
	v8 =	vand.u32 $0xC00, v21  }
0xeb: {  	s4 =	simm.s32 $0x2C00;
	v22 =	vor.u32 v8, v7;
	s19 =	spop (v2sf);
	[tilespmem:v4+s15+$0x0] =	vst.idx.msk $0xffff, v5  }
0xec: {  	s8 =	sand.u32 $0x7F, s19;
	v4 =	vor.u32 v2, v22;
	v5 =	vld.idx.msk [tilespmem:v19+s4+$0x0], $0xffff  }
0xed: {  	s22 =	sadd.s32 $0x6, s18;
	v23 =	vor.u32 s8, v1  }
0xee: {  	v24 =	vmov s22;
	(v2sf) =	vpush v3, $0x9  }
0xef: {  	v25 =	vshll.u32 v24, $0x3  }
0xf0: {  	v7 =	vand.u32 $0x66, v24;
	v8 =	vand.u32 $0xC00, v25  }
0xf1: {  	s22 =	simm.s32 $0x3400;
	v26 =	vor.u32 v8, v7;
	s23 =	spop (v2sf);
	[tilespmem:v4+s15+$0x0] =	vst.idx.msk $0xffff, v5  }
0xf2: {  	s8 =	sand.u32 $0x7F, s23;
	v4 =	vor.u32 v2, v26;
	v5 =	vld.idx.msk [tilespmem:v23+s22+$0x0], $0xffff  }
0xf3: {  	s24 =	sadd.s32 $0x7, s18;
	v27 =	vor.u32 s8, v1  }
0xf4: {  	v28 =	vmov s24;
	(v2sf) =	vpush v3, $0xA  }
0xf5: {  	v29 =	vshll.u32 v28, $0x3  }
0xf6: {  	v7 =	vand.u32 $0x67, v28;
	v8 =	vand.u32 $0xC00, v29  }
0xf7: {  	s11 =	simm.s32 $0x3C00;
	v30 =	vor.u32 v8, v7;
	s2 =	spop (v2sf);
	[tilespmem:v4+s15+$0x0] =	vst.idx.msk $0xffff, v5  }
0xf8: {  	s8 =	sand.u32 $0x7F, s2;
	v4 =	vor.u32 v2, v30;
	v5 =	vld.idx.msk [tilespmem:v27+s11+$0x0], $0xffff  }
0xf9: {  	s3 =	sadd.s32 $0x8, s18;
	v31 =	vor.u32 s8, v1  }
0xfa: {  	v32 =	vmov s3;
	(v2sf) =	vpush v3, $0xB  }
0xfb: {  	v33 =	vshll.u32 v32, $0x3  }
0xfc: {  	v7 =	vand.u32 $0x68, v32;
	v8 =	vand.u32 $0xC00, v33  }
0xfd: {  	v34 =	vor.u32 v8, v7;
	s23 =	simm.s32 $0x4400;
	s12 =	spop (v2sf);
	[tilespmem:v4+s15+$0x0] =	vst.idx.msk $0xffff, v5  }
0xfe: {  	s8 =	sand.u32 $0x7F, s12;
	v4 =	vor.u32 v2, v34;
	v5 =	vld.idx.msk [tilespmem:v31+s23+$0x0], $0xffff  }
0xff: {  	s19 =	sadd.s32 $0x9, s18;
	v35 =	vor.u32 s8, v1  }
0x100: {  	v36 =	vmov s19;
	(v2sf) =	vpush v3, $0xC  }
0x101: {  	v37 =	vshll.u32 v36, $0x3  }
0x102: {  	v7 =	vand.u32 $0x69, v36;
	v8 =	vand.u32 $0xC00, v37  }
0x103: {  	s2 =	simm.s32 $0x4C00;
	v38 =	vor.u32 v8, v7;
	s24 =	spop (v2sf);
	[tilespmem:v4+s15+$0x0] =	vst.idx.msk $0xffff, v5  }
0x104: {  	s8 =	sand.u32 $0x7F, s24;
	v4 =	vor.u32 v2, v38;
	v5 =	vld.idx.msk [tilespmem:v35+s2+$0x0], $0xffff  }
0x105: {  	s3 =	sadd.s32 $0xA, s18;
	v39 =	vor.u32 s8, v1  }
0x106: {  	v40 =	vmov s3;
	(v2sf) =	vpush v3, $0xD  }
0x107: {  	v41 =	vshll.u32 v40, $0x3  }
0x108: {  	v7 =	vand.u32 $0x6A, v40;
	v8 =	vand.u32 $0xC00, v41  }
0x109: {  	s3 =	simm.s32 $0x5400;
	v42 =	vor.u32 v8, v7;
	s12 =	spop (v2sf);
	[tilespmem:v4+s15+$0x0] =	vst.idx.msk $0xffff, v5  }
0x10a: {  	s8 =	sand.u32 $0x7F, s12;
	v4 =	vor.u32 v2, v42;
	v5 =	vld.idx.msk [tilespmem:v39+s3+$0x0], $0xffff  }
0x10b: {  	s19 =	sadd.s32 $0xB, s18;
	v43 =	vor.u32 s8, v1  }
0x10c: {  	v44 =	vmov s19;
	(v2sf) =	vpush v3, $0xE  }
0x10d: {  	v45 =	vshll.u32 v44, $0x3  }
0x10e: {  	v7 =	vand.u32 $0x6B, v44;
	v8 =	vand.u32 $0xC00, v45  }
0x10f: {  	v46 =	vor.u32 v8, v7;
	s12 =	simm.s32 $0x5C00;
	s24 =	spop (v2sf);
	[tilespmem:v4+s15+$0x0] =	vst.idx.msk $0xffff, v5  }
0x110: {  	s8 =	sand.u32 $0x7F, s24;
	v4 =	vor.u32 v2, v46;
	v5 =	vld.idx.msk [tilespmem:v43+s12+$0x0], $0xffff  }
0x111: {  	s19 =	sadd.s32 $0xC, s18;
	v47 =	vor.u32 s8, v1  }
0x112: {  	v48 =	vmov s19;
	(v2sf) =	vpush v3, $0xF  }
0x113: {  	v3 =	vshll.u32 v48, $0x3  }
0x114: {  	v7 =	vand.u32 $0x6C, v48;
	v3 =	vand.u32 $0xC00, v3  }
0x115: {  	s29 =	simm.s32 $0x6400;
	s24 =	spop (v2sf);
	v3 =	vor.u32 v3, v7;
	[tilespmem:v4+s15+$0x0] =	vst.idx.msk $0xffff, v5  }
0x116: {  	s8 =	sand.u32 $0x7F, s24;
	v3 =	vor.u32 v2, v3;
	v4 =	vld.idx.msk [tilespmem:v47+s29+$0x0], $0xffff  }
0x117: {  	s19 =	sadd.s32 $0xD, s18;
	v49 =	vor.u32 s8, v1  }
0x118: {  	v50 =	vmov s19  }
0x119: {  	v51 =	vshll.u32 v50, $0x3  }
0x11a: {  	v6 =	vand.u32 $0x6D, v50;
	v7 =	vand.u32 $0xC00, v51  }
0x11b: {  	s30 =	simm.s32 $0x6C00;
	s24 =	spop (v2sf);
	[tilespmem:v3+s15+$0x0] =	vst.idx.msk $0xffff, v4;
	v3 =	vor.u32 v7, v6  }
0x11c: {  	s8 =	sand.u32 $0x7F, s24;
	v4 =	vld.idx.msk [tilespmem:v49+s30+$0x0], $0xffff;
	v3 =	vor.u32 v2, v3  }
0x11d: {  	s19 =	sadd.s32 $0xE, s18;
	v52 =	vor.u32 s8, v1  }
0x11e: {  	v53 =	vmov s19  }
0x11f: {  	v54 =	vshll.u32 v53, $0x3  }
0x120: {  	v6 =	vand.u32 $0x6E, v53;
	v7 =	vand.u32 $0xC00, v54  }
0x121: {  	s19 =	simm.s32 $0x7400;
	s24 =	spop (v2sf);
	[tilespmem:v3+s15+$0x0] =	vst.idx.msk $0xffff, v4;
	v3 =	vor.u32 v7, v6  }
0x122: {  	s8 =	sand.u32 $0x7F, s24;
	v4 =	vld.idx.msk [tilespmem:v52+s19+$0x0], $0xffff;
	v3 =	vor.u32 v2, v3  }
0x123: {  	s24 =	sadd.s32 $0xF, s18;
	v55 =	vor.u32 s8, v1  }
0x124: {  	v56 =	vmov s24  }
0x125: {  	v57 =	vshll.u32 v56, $0x3  }
0x126: {  	v6 =	vand.u32 $0x6F, v56;
	v7 =	vand.u32 $0xC00, v57  }
0x127: {  	s24 =	simm.s32 $0x7C00;
	[tilespmem:v3+s15+$0x0] =	vst.idx.msk $0xffff, v4;
	v3 =	vor.u32 v7, v6  }
0x128: {  	v4 =	vld.idx.msk [tilespmem:v55+s24+$0x0], $0xffff;
	v3 =	vor.u32 v2, v3;
	_ =	sdelay $0x3  }
0x129: {  	s8 =	smin.u32 s7, $0x1D  }
0x12a: {  	s8 =	sshll.u32 s8, $0x4;
	[tilespmem:v3+s15+$0x0] =	vst.idx.msk $0xffff, v4  }
0x12b: {  	v3 =	vld [tilespmem:s8+$0x20];
	_ =	sdelay $0x4  }
0x12c: {  	(v2sf) =	vpush v3, $0x0;
	_ =	sdelay $0x3  }
0x12d: {  	(v2sf) =	vpush v3, $0x1;
	_ =	sdelay $0x3  }
0x12e: {  	(v2sf) =	vpush v3, $0x2;
	_ =	sdelay $0x3  }
0x12f: {  	(v2sf) =	vpush v3, $0x3;
	_ =	sdelay $0x2  }
0x130: {  	s8 =	spop (v2sf)  }
0x131: {  	(v2sf) =	vpush v3, $0x4;
	s8 =	sand.u32 $0xFFFFF80, s8  }
0x132: {  	s8 =	sadd.s32 s0, s8  }
0x133: {  	[tilespmem:s14], [sflag:$0x1] =	stream.strided.gather [hbm4b:s8+s14], $0x800, s13, s14, $0x38;
	[tilespmem:$0x14600] =	vst v63  }
0x134: {  	s8 =	spop (v2sf)  }
0x135: {  	(v2sf) =	vpush v3, $0x5;
	s8 =	sand.u32 $0xFFFFF80, s8  }
0x136: {  	s8 =	sadd.s32 s0, s8  }
0x137: {  	[tilespmem:s9], [sflag:$0x1] =	stream.strided.gather [hbm4b:s8+s14], $0x800, s13, s14, $0x38;
	[tilespmem:$0x14600] =	vst v63  }
0x138: {  	s9 =	spop (v2sf)  }
0x139: {  	(v2sf) =	vpush v3, $0x6;
	s8 =	sand.u32 $0xFFFFF80, s9  }
0x13a: {  	s8 =	sadd.s32 s0, s8  }
0x13b: {  	[tilespmem:s20], [sflag:$0x1] =	stream.strided.gather [hbm4b:s8+s14], $0x800, s13, s14, $0x38;
	[tilespmem:$0x14600] =	vst v63  }
0x13c: {  	s20 =	spop (v2sf)  }
0x13d: {  	(v2sf) =	vpush v3, $0x7;
	s8 =	sand.u32 $0xFFFFF80, s20  }
0x13e: {  	s8 =	sadd.s32 s0, s8  }
0x13f: {  	[tilespmem:s10], [sflag:$0x1] =	stream.strided.gather [hbm4b:s8+s14], $0x800, s13, s14, $0x38;
	[tilespmem:$0x14600] =	vst v63  }
0x140: {  	s10 =	spop (v2sf)  }
0x141: {  	(v2sf) =	vpush v3, $0x8;
	s8 =	sand.u32 $0xFFFFF80, s10  }
0x142: {  	s8 =	sadd.s32 s0, s8  }
0x143: {  	[tilespmem:s21], [sflag:$0x1] =	stream.strided.gather [hbm4b:s8+s14], $0x800, s13, s14, $0x38;
	[tilespmem:$0x14600] =	vst v63  }
0x144: {  	s21 =	spop (v2sf)  }
0x145: {  	(v2sf) =	vpush v3, $0x9;
	s8 =	sand.u32 $0xFFFFF80, s21  }
0x146: {  	s8 =	sadd.s32 s0, s8  }
0x147: {  	[tilespmem:s4], [sflag:$0x1] =	stream.strided.gather [hbm4b:s8+s14], $0x800, s13, s14, $0x38;
	[tilespmem:$0x14600] =	vst v63  }
0x148: {  	s4 =	spop (v2sf)  }
0x149: {  	(v2sf) =	vpush v3, $0xA;
	s8 =	sand.u32 $0xFFFFF80, s4  }
0x14a: {  	s8 =	sadd.s32 s0, s8  }
0x14b: {  	[tilespmem:s22], [sflag:$0x1] =	stream.strided.gather [hbm4b:s8+s14], $0x800, s13, s14, $0x38;
	[tilespmem:$0x14600] =	vst v63  }
0x14c: {  	s22 =	spop (v2sf)  }
0x14d: {  	(v2sf) =	vpush v3, $0xB;
	s8 =	sand.u32 $0xFFFFF80, s22  }
0x14e: {  	s8 =	sadd.s32 s0, s8  }
0x14f: {  	[tilespmem:s11], [sflag:$0x1] =	stream.strided.gather [hbm4b:s8+s14], $0x800, s13, s14, $0x38;
	[tilespmem:$0x14600] =	vst v63  }
0x150: {  	s11 =	spop (v2sf)  }
0x151: {  	(v2sf) =	vpush v3, $0xC;
	s8 =	sand.u32 $0xFFFFF80, s11  }
0x152: {  	s8 =	sadd.s32 s0, s8  }
0x153: {  	[tilespmem:s23], [sflag:$0x1] =	stream.strided.gather [hbm4b:s8+s14], $0x800, s13, s14, $0x38;
	[tilespmem:$0x14600] =	vst v63  }
0x154: {  	s23 =	spop (v2sf)  }
0x155: {  	(v2sf) =	vpush v3, $0xD;
	s8 =	sand.u32 $0xFFFFF80, s23  }
0x156: {  	s8 =	sadd.s32 s0, s8  }
0x157: {  	[tilespmem:s2], [sflag:$0x1] =	stream.strided.gather [hbm4b:s8+s14], $0x800, s13, s14, $0x38;
	[tilespmem:$0x14600] =	vst v63  }
0x158: {  	s2 =	spop (v2sf)  }
0x159: {  	(v2sf) =	vpush v3, $0xE;
	s8 =	sand.u32 $0xFFFFF80, s2  }
0x15a: {  	s8 =	sadd.s32 s0, s8  }
0x15b: {  	[tilespmem:s3], [sflag:$0x1] =	stream.strided.gather [hbm4b:s8+s14], $0x800, s13, s14, $0x38;
	[tilespmem:$0x14600] =	vst v63  }
0x15c: {  	s3 =	spop (v2sf)  }
0x15d: {  	(v2sf) =	vpush v3, $0xF;
	s8 =	sand.u32 $0xFFFFF80, s3  }
0x15e: {  	s8 =	sadd.s32 s0, s8  }
0x15f: {  	[tilespmem:s12], [sflag:$0x1] =	stream.strided.gather [hbm4b:s8+s14], $0x800, s13, s14, $0x38;
	[tilespmem:$0x14600] =	vst v63  }
0x160: {  	s12 =	spop (v2sf)  }
0x161: {  	s8 =	sand.u32 $0xFFFFF80, s12  }
0x162: {  	s8 =	sadd.s32 s0, s8  }
0x163: {  	[tilespmem:s29], [sflag:$0x1] =	stream.strided.gather [hbm4b:s8+s14], $0x800, s13, s14, $0x38;
	[tilespmem:$0x14600] =	vst v63  }
0x164: {  	s8 =	spop (v2sf)  }
0x165: {  	s8 =	sand.u32 $0xFFFFF80, s8  }
0x166: {  	s8 =	sadd.s32 s0, s8  }
0x167: {  	[tilespmem:s30], [sflag:$0x1] =	stream.strided.gather [hbm4b:s8+s14], $0x800, s13, s14, $0x38;
	[tilespmem:$0x14600] =	vst v63  }
0x168: {  	s8 =	spop (v2sf)  }
0x169: {  	s8 =	sand.u32 $0xFFFFF80, s8  }
0x16a: {  	s8 =	sadd.s32 s0, s8  }
0x16b: {  	[tilespmem:s19], [sflag:$0x1] =	stream.strided.gather [hbm4b:s8+s14], $0x800, s13, s14, $0x38;
	[tilespmem:$0x14600] =	vst v63  }
0x16c: {  	s19 =	spop (v2sf)  }
0x16d: {  	s8 =	sand.u32 $0xFFFFF80, s19  }
0x16e: {  	s8 =	sadd.s32 s0, s8  }
0x16f: {  	[tilespmem:s24], [sflag:$0x1] =	stream.strided.gather [hbm4b:s8+s14], $0x800, s13, s14, $0x38;
	[tilespmem:$0x14600] =	vst v63  }
0x170: {  	_ =	swait.ge [sflag:s6], $0x800  }
0x171: {  	[sflag:s6] =	ssyncset.done $0x0  }
0x172: {  	[sflag:s6] =	ssyncadd.s32 $0xFFFFF800  }
0x173: {  	_ =	swait.ge [sflag:s6], $0x800  }
0x174: {  	[sflag:s6] =	ssyncset.done $0x0  }
0x175: {  	[sflag:s6] =	ssyncadd.s32 $0xFFFFF800  }
0x176: {  	_ =	swait.ge [sflag:s6], $0x800  }
0x177: {  	[sflag:s6] =	ssyncset.done $0x0  }
0x178: {  	[sflag:s6] =	ssyncadd.s32 $0xFFFFF800  }
0x179: {  	_ =	swait.ge [sflag:s6], $0x800  }
0x17a: {  	[sflag:s6] =	ssyncset.done $0x0  }
0x17b: {  	[sflag:s6] =	ssyncadd.s32 $0xFFFFF800  }
0x17c: {  	_ =	swait.ge [sflag:s6], $0x800  }
0x17d: {  	[sflag:s6] =	ssyncset.done $0x0  }
0x17e: {  	[sflag:s6] =	ssyncadd.s32 $0xFFFFF800  }
0x17f: {  	_ =	swait.ge [sflag:s6], $0x800  }
0x180: {  	[sflag:s6] =	ssyncset.done $0x0  }
0x181: {  	[sflag:s6] =	ssyncadd.s32 $0xFFFFF800  }
0x182: {  	_ =	swait.ge [sflag:s6], $0x800  }
0x183: {  	[sflag:s6] =	ssyncset.done $0x0  }
0x184: {  	[sflag:s6] =	ssyncadd.s32 $0xFFFFF800  }
0x185: {  	_ =	swait.ge [sflag:s6], $0x800  }
0x186: {  	[sflag:s6] =	ssyncset.done $0x0  }
0x187: {  	[sflag:s6] =	ssyncadd.s32 $0xFFFFF800  }
0x188: {  	_ =	swait.ge [sflag:s6], $0x800  }
0x189: {  	[sflag:s6] =	ssyncset.done $0x0  }
0x18a: {  	[sflag:s6] =	ssyncadd.s32 $0xFFFFF800  }
0x18b: {  	_ =	swait.ge [sflag:s6], $0x800  }
0x18c: {  	[sflag:s6] =	ssyncset.done $0x0  }
0x18d: {  	[sflag:s6] =	ssyncadd.s32 $0xFFFFF800  }
0x18e: {  	_ =	swait.ge [sflag:s6], $0x800  }
0x18f: {  	[sflag:s6] =	ssyncset.done $0x0  }
0x190: {  	[sflag:s6] =	ssyncadd.s32 $0xFFFFF800  }
0x191: {  	_ =	swait.ge [sflag:s6], $0x800  }
0x192: {  	[sflag:s6] =	ssyncset.done $0x0  }
0x193: {  	[sflag:s6] =	ssyncadd.s32 $0xFFFFF800  }
0x194: {  	_ =	swait.ge [sflag:s6], $0x800  }
0x195: {  	[sflag:s6] =	ssyncset.done $0x0  }
0x196: {  	[sflag:s6] =	ssyncadd.s32 $0xFFFFF800  }
0x197: {  	_ =	swait.ge [sflag:s6], $0x800  }
0x198: {  	[sflag:s6] =	ssyncset.done $0x0  }
0x199: {  	[sflag:s6] =	ssyncadd.s32 $0xFFFFF800  }
0x19a: {  	_ =	swait.ge [sflag:s6], $0x800  }
0x19b: {  	[sflag:s6] =	ssyncset.done $0x0  }
0x19c: {  	[sflag:s6] =	ssyncadd.s32 $0xFFFFF800  }
0x19d: {  	_ =	swait.ge [sflag:s6], $0x800  }
0x19e: {  	[sflag:s6] =	ssyncset.done $0x0  }
0x19f: {  	[sflag:s6] =	ssyncadd.s32 $0xFFFFF800  }
0x1a0: {  	v3 =	vld [tilespmem:s17+$0x0];
	_ =	sdelay $0x4  }
0x1a1: {  	(v2sf) =	vpush v3, $0x0;
	_ =	sdelay $0x5  }
0x1a2: {  	(v2sf) =	vpush v3, $0x1;
	_ =	sdelay $0x5  }
0x1a3: {  	(v2sf) =	vpush v3, $0x2;
	_ =	sdelay $0x2  }
0x1a4: {  	s8 =	spop (v2sf)  }
0x1a5: {  	s8 =	sand.u32 $0x7F, s8  }
0x1a6: {  	v58 =	vor.u32 s8, v1;
	s8 =	sadd.s32 $0x10, s18  }
0x1a7: {  	(v2sf) =	vpush v3, $0x3;
	v59 =	vmov s8  }
0x1a8: {  	v60 =	vshll.u32 v59, $0x3  }
0x1a9: {  	v5 =	vand.u32 $0x70, v59;
	v6 =	vand.u32 $0x7FFFFC00, v60  }
0x1aa: {  	s8 =	spop (v2sf);
	v5 =	vor.u32 v5, v6  }
0x1ab: {  	s8 =	sand.u32 $0x7F, s8;
	v4 =	vld.idx.msk [tilespmem:v58+s31+$0x0], $0xffff;
	v5 =	vadd.s32 v2, v5  }
0x1ac: {  	v61 =	vor.u32 s8, v1;
	s31 =	sadd.s32 $0x11, s18  }
0x1ad: {  	(v2sf) =	vpush v3, $0x4;
	v62 =	vmov s31  }
0x1ae: {  	v63 =	vshll.u32 v62, $0x3  }
0x1af: {  	v7 =	vand.u32 $0x71, v62;
	v8 =	vand.u32 $0x7FFFFC00, v63  }
0x1b0: {  	s31 =	spop (v2sf);
	v12 =	vor.u32 v7, v8;
	[tilespmem:v5+s15+$0x0] =	vst.idx.msk $0xffff, v4  }
0x1b1: {  	s8 =	sand.u32 $0x7F, s31;
	v4 =	vadd.s32 v2, v12;
	v5 =	vld.idx.msk [tilespmem:v61+s25+$0x0], $0xffff  }
0x1b2: {  	v13 =	vor.u32 s8, v1;
	s25 =	sadd.s32 $0x12, s18  }
0x1b3: {  	(v2sf) =	vpush v3, $0x5;
	v14 =	vmov s25  }
0x1b4: {  	v15 =	vshll.u32 v14, $0x3  }
0x1b5: {  	v7 =	vand.u32 $0x72, v14;
	v8 =	vand.u32 $0x7FFFFC00, v15  }
0x1b6: {  	s31 =	spop (v2sf);
	v16 =	vor.u32 v7, v8;
	[tilespmem:v4+s15+$0x0] =	vst.idx.msk $0xffff, v5  }
0x1b7: {  	s8 =	sand.u32 $0x7F, s31;
	v4 =	vadd.s32 v2, v16;
	v5 =	vld.idx.msk [tilespmem:v13+s26+$0x0], $0xffff  }
0x1b8: {  	s25 =	sadd.s32 $0x13, s18;
	v17 =	vor.u32 s8, v1  }
0x1b9: {  	v18 =	vmov s25;
	(v2sf) =	vpush v3, $0x6  }
0x1ba: {  	v19 =	vshll.u32 v18, $0x3  }
0x1bb: {  	v7 =	vand.u32 $0x73, v18;
	v8 =	vand.u32 $0x7FFFFC00, v19  }
0x1bc: {  	s31 =	simm.s32 $0x9C00;
	v20 =	vor.u32 v7, v8;
	s26 =	spop (v2sf);
	[tilespmem:v4+s15+$0x0] =	vst.idx.msk $0xffff, v5  }
0x1bd: {  	s8 =	sand.u32 $0x7F, s26;
	v4 =	vadd.s32 v2, v20;
	v5 =	vld.idx.msk [tilespmem:v17+s31+$0x0], $0xffff  }
0x1be: {  	s26 =	sadd.s32 $0x14, s18;
	v21 =	vor.u32 s8, v1  }
0x1bf: {  	(v2sf) =	vpush v3, $0x7;
	v22 =	vmov s26  }
0x1c0: {  	v23 =	vshll.u32 v22, $0x3  }
0x1c1: {  	v7 =	vand.u32 $0x74, v22;
	v8 =	vand.u32 $0x7FFFFC00, v23  }
0x1c2: {  	s24 =	simm.s32 $0xA400;
	v24 =	vor.u32 v7, v8;
	s31 =	spop (v2sf);
	[tilespmem:v4+s15+$0x0] =	vst.idx.msk $0xffff, v5  }
0x1c3: {  	s8 =	sand.u32 $0x7F, s31;
	v4 =	vadd.s32 v2, v24;
	v5 =	vld.idx.msk [tilespmem:v21+s24+$0x0], $0xffff  }
0x1c4: {  	s25 =	sadd.s32 $0x15, s18;
	v25 =	vor.u32 s8, v1  }
0x1c5: {  	v26 =	vmov s25;
	(v2sf) =	vpush v3, $0x8  }
0x1c6: {  	v27 =	vshll.u32 v26, $0x3  }
0x1c7: {  	v7 =	vand.u32 $0x75, v26;
	v8 =	vand.u32 $0x7FFFFC00, v27  }
0x1c8: {  	v28 =	vor.u32 v7, v8;
	s31 =	simm.s32 $0xAC00;
	s26 =	spop (v2sf);
	[tilespmem:v4+s15+$0x0] =	vst.idx.msk $0xffff, v5  }
0x1c9: {  	s8 =	sand.u32 $0x7F, s26;
	v4 =	vadd.s32 v2, v28;
	v5 =	vld.idx.msk [tilespmem:v25+s31+$0x0], $0xffff  }
0x1ca: {  	s25 =	sadd.s32 $0x16, s18;
	v29 =	vor.u32 s8, v1  }
0x1cb: {  	v30 =	vmov s25;
	(v2sf) =	vpush v3, $0x9  }
0x1cc: {  	v31 =	vshll.u32 v30, $0x3  }
0x1cd: {  	v7 =	vand.u32 $0x76, v30;
	v8 =	vand.u32 $0x7FFFFC00, v31  }
0x1ce: {  	v32 =	vor.u32 v7, v8;
	s26 =	spop (v2sf);
	s31 =	simm.s32 $0xB400;
	[tilespmem:v4+s15+$0x0] =	vst.idx.msk $0xffff, v5  }
0x1cf: {  	s8 =	sand.u32 $0x7F, s26;
	v4 =	vadd.s32 v2, v32;
	v5 =	vld.idx.msk [tilespmem:v29+s31+$0x0], $0xffff  }
0x1d0: {  	s25 =	sadd.s32 $0x17, s18;
	v33 =	vor.u32 s8, v1  }
0x1d1: {  	v34 =	vmov s25;
	(v2sf) =	vpush v3, $0xA  }
0x1d2: {  	v35 =	vshll.u32 v34, $0x3  }
0x1d3: {  	v7 =	vand.u32 $0x77, v34;
	v8 =	vand.u32 $0x7FFFFC00, v35  }
0x1d4: {  	v36 =	vor.u32 v7, v8;
	s26 =	spop (v2sf);
	s31 =	simm.s32 $0xBC00;
	[tilespmem:v4+s15+$0x0] =	vst.idx.msk $0xffff, v5  }
0x1d5: {  	s8 =	sand.u32 $0x7F, s26;
	v4 =	vadd.s32 v2, v36;
	v5 =	vld.idx.msk [tilespmem:v33+s31+$0x0], $0xffff  }
0x1d6: {  	s25 =	sadd.s32 $0x18, s18;
	v37 =	vor.u32 s8, v1  }
0x1d7: {  	v38 =	vmov s25;
	(v2sf) =	vpush v3, $0xB  }
0x1d8: {  	v39 =	vshll.u32 v38, $0x3  }
0x1d9: {  	v7 =	vand.u32 $0x78, v38;
	v8 =	vand.u32 $0x7FFFFC00, v39  }
0x1da: {  	v40 =	vor.u32 v7, v8;
	s26 =	spop (v2sf);
	s31 =	simm.s32 $0xC400;
	[tilespmem:v4+s15+$0x0] =	vst.idx.msk $0xffff, v5  }
0x1db: {  	s8 =	sand.u32 $0x7F, s26;
	v4 =	vadd.s32 v2, v40;
	v5 =	vld.idx.msk [tilespmem:v37+s31+$0x0], $0xffff  }
0x1dc: {  	s25 =	sadd.s32 $0x19, s18;
	v41 =	vor.u32 s8, v1  }
0x1dd: {  	v42 =	vmov s25;
	(v2sf) =	vpush v3, $0xC  }
0x1de: {  	v43 =	vshll.u32 v42, $0x3  }
0x1df: {  	v7 =	vand.u32 $0x79, v42;
	v8 =	vand.u32 $0x7FFFFC00, v43  }
0x1e0: {  	v44 =	vor.u32 v7, v8;
	s26 =	spop (v2sf);
	s31 =	simm.s32 $0xCC00;
	[tilespmem:v4+s15+$0x0] =	vst.idx.msk $0xffff, v5  }
0x1e1: {  	s8 =	sand.u32 $0x7F, s26;
	v4 =	vadd.s32 v2, v44;
	v5 =	vld.idx.msk [tilespmem:v41+s31+$0x0], $0xffff  }
0x1e2: {  	s25 =	sadd.s32 $0x1A, s18;
	v45 =	vor.u32 s8, v1  }
0x1e3: {  	v46 =	vmov s25;
	(v2sf) =	vpush v3, $0xD  }
0x1e4: {  	v47 =	vshll.u32 v46, $0x3  }
0x1e5: {  	v7 =	vand.u32 $0x7A, v46;
	v8 =	vand.u32 $0x7FFFFC00, v47  }
0x1e6: {  	v48 =	vor.u32 v7, v8;
	s26 =	spop (v2sf);
	s31 =	simm.s32 $0xD400;
	[tilespmem:v4+s15+$0x0] =	vst.idx.msk $0xffff, v5  }
0x1e7: {  	s8 =	sand.u32 $0x7F, s26;
	v4 =	vadd.s32 v2, v48;
	v5 =	vld.idx.msk [tilespmem:v45+s31+$0x0], $0xffff  }
0x1e8: {  	s25 =	sadd.s32 $0x1B, s18;
	v49 =	vor.u32 s8, v1  }
0x1e9: {  	v50 =	vmov s25;
	(v2sf) =	vpush v3, $0xE  }
0x1ea: {  	v51 =	vshll.u32 v50, $0x3  }
0x1eb: {  	v7 =	vand.u32 $0x7B, v50;
	v8 =	vand.u32 $0x7FFFFC00, v51  }
0x1ec: {  	v52 =	vor.u32 v7, v8;
	s26 =	spop (v2sf);
	s31 =	simm.s32 $0xDC00;
	[tilespmem:v4+s15+$0x0] =	vst.idx.msk $0xffff, v5  }
0x1ed: {  	s8 =	sand.u32 $0x7F, s26;
	v4 =	vadd.s32 v2, v52;
	v5 =	vld.idx.msk [tilespmem:v49+s31+$0x0], $0xffff  }
0x1ee: {  	s25 =	sadd.s32 $0x1C, s18;
	v53 =	vor.u32 s8, v1  }
0x1ef: {  	v54 =	vmov s25;
	(v2sf) =	vpush v3, $0xF  }
0x1f0: {  	v3 =	vshll.u32 v54, $0x3  }
0x1f1: {  	v7 =	vand.u32 $0x7C, v54;
	v3 =	vand.u32 $0x7FFFFC00, v3  }
0x1f2: {  	v3 =	vor.u32 v7, v3;
	s26 =	spop (v2sf);
	s31 =	simm.s32 $0xE400;
	[tilespmem:v4+s15+$0x0] =	vst.idx.msk $0xffff, v5  }
0x1f3: {  	v3 =	vadd.s32 v2, v3;
	s8 =	sand.u32 $0x7F, s26;
	v4 =	vld.idx.msk [tilespmem:v53+s31+$0x0], $0xffff  }
0x1f4: {  	s25 =	sadd.s32 $0x1D, s18;
	v55 =	vor.u32 s8, v1  }
0x1f5: {  	v56 =	vmov s25  }
0x1f6: {  	v57 =	vshll.u32 v56, $0x3  }
0x1f7: {  	v6 =	vand.u32 $0x7D, v56;
	v7 =	vand.u32 $0x7FFFFC00, v57  }
0x1f8: {  	s26 =	spop (v2sf);
	s31 =	simm.s32 $0xEC00;
	[tilespmem:v3+s15+$0x0] =	vst.idx.msk $0xffff, v4;
	v3 =	vor.u32 v6, v7  }
0x1f9: {  	s8 =	sand.u32 $0x7F, s26;
	v4 =	vld.idx.msk [tilespmem:v55+s31+$0x0], $0xffff;
	v3 =	vadd.s32 v2, v3  }
0x1fa: {  	s25 =	sadd.s32 $0x1E, s18;
	v58 =	vor.u32 s8, v1  }
0x1fb: {  	v59 =	vmov s25  }
0x1fc: {  	v60 =	vshll.u32 v59, $0x3  }
0x1fd: {  	v6 =	vand.u32 $0x7E, v59;
	v7 =	vand.u32 $0x7FFFFC00, v60  }
0x1fe: {  	s26 =	spop (v2sf);
	s31 =	simm.s32 $0xF400;
	[tilespmem:v3+s15+$0x0] =	vst.idx.msk $0xffff, v4;
	v3 =	vor.u32 v6, v7  }
0x1ff: {  	s8 =	sand.u32 $0x7F, s26;
	v4 =	vld.idx.msk [tilespmem:v58+s31+$0x0], $0xffff;
	v3 =	vadd.s32 v2, v3  }
0x200: {  	s26 =	sadd.s32 $0x1F, s18;
	v61 =	vor.u32 s8, v1  }
0x201: {  	v62 =	vmov s26  }
0x202: {  	v63 =	vshll.u32 v62, $0x3  }
0x203: {  	v6 =	vand.u32 $0x7F, v62;
	v7 =	vand.u32 $0x7FFFFC00, v63  }
0x204: {  	s28 =	simm.s32 $0xC00;
	p0 =	sne.s32 s18, $0x1E0;
	s31 =	simm.s32 $0xFC00;
	[tilespmem:v3+s15+$0x0] =	vst.idx.msk $0xffff, v4;
	v3 =	vor.u32 v6, v7  }
0x205: {  	s7 =	sadd.s32 $0x2, s7;
	s9 =	simm.s32 $0x1400;
	s20 =	simm.s32 $0x1C00;
	v4 =	vld.idx.msk [tilespmem:v61+s31+$0x0], $0xffff;
	v3 =	vadd.s32 v2, v3  }
.Ltmp0:
0x206: {  	s10 =	simm.s32 $0x2400;
	s21 =	simm.s32 $0x2C00;
	(pc) =	sbr.rel @p0 .LBB2_2-.Ltmp0, $4  }
0x207: {  	s4 =	simm.s32 $0x3400;
	s22 =	simm.s32 $0x3C00;
	s11 =	simm.s32 $0x4400  }
0x208: {  	s23 =	simm.s32 $0x4C00;
	s2 =	simm.s32 $0x5400;
	s3 =	simm.s32 $0x5C00  }
0x209: {  	s12 =	simm.s32 $0x6400;
	s29 =	simm.s32 $0x6C00;
	s30 =	simm.s32 $0x7400  }
0x20a: {  	s19 =	simm.s32 $0x7C00;
	s17 =	sadd.s32 $0x20, s17;
	s18 =	sadd.s32 $0x20, s18;
	[tilespmem:v3+s15+$0x0] =	vst.idx.msk $0xffff, v4  }
0x20b: {  	_ =	swait.ge [sflag:s5], $0x800  }
0x20c: {  	[sflag:s5] =	ssyncset.done $0x0  }
0x20d: {  	[sflag:s5] =	ssyncadd.s32 $0xFFFFF800  }
0x20e: {  	_ =	swait.ge [sflag:s5], $0x800  }
0x20f: {  	[sflag:s5] =	ssyncset.done $0x0  }
0x210: {  	[sflag:s5] =	ssyncadd.s32 $0xFFFFF800  }
0x211: {  	_ =	swait.ge [sflag:s5], $0x800  }
0x212: {  	[sflag:s5] =	ssyncset.done $0x0  }
0x213: {  	[sflag:s5] =	ssyncadd.s32 $0xFFFFF800  }
0x214: {  	_ =	swait.ge [sflag:s5], $0x800  }
0x215: {  	[sflag:s5] =	ssyncset.done $0x0  }
0x216: {  	[sflag:s5] =	ssyncadd.s32 $0xFFFFF800  }
0x217: {  	_ =	swait.ge [sflag:s5], $0x800  }
0x218: {  	[sflag:s5] =	ssyncset.done $0x0  }
0x219: {  	[sflag:s5] =	ssyncadd.s32 $0xFFFFF800  }
0x21a: {  	_ =	swait.ge [sflag:s5], $0x800  }
0x21b: {  	[sflag:s5] =	ssyncset.done $0x0  }
0x21c: {  	[sflag:s5] =	ssyncadd.s32 $0xFFFFF800  }
0x21d: {  	_ =	swait.ge [sflag:s5], $0x800  }
0x21e: {  	[sflag:s5] =	ssyncset.done $0x0  }
0x21f: {  	[sflag:s5] =	ssyncadd.s32 $0xFFFFF800  }
0x220: {  	_ =	swait.ge [sflag:s5], $0x800  }
0x221: {  	[sflag:s5] =	ssyncset.done $0x0  }
0x222: {  	[sflag:s5] =	ssyncadd.s32 $0xFFFFF800  }
0x223: {  	_ =	swait.ge [sflag:s5], $0x800  }
0x224: {  	[sflag:s5] =	ssyncset.done $0x0  }
0x225: {  	[sflag:s5] =	ssyncadd.s32 $0xFFFFF800  }
0x226: {  	_ =	swait.ge [sflag:s5], $0x800  }
0x227: {  	[sflag:s5] =	ssyncset.done $0x0  }
0x228: {  	[sflag:s5] =	ssyncadd.s32 $0xFFFFF800  }
0x229: {  	_ =	swait.ge [sflag:s5], $0x800  }
0x22a: {  	[sflag:s5] =	ssyncset.done $0x0  }
0x22b: {  	[sflag:s5] =	ssyncadd.s32 $0xFFFFF800  }
0x22c: {  	_ =	swait.ge [sflag:s5], $0x800  }
0x22d: {  	[sflag:s5] =	ssyncset.done $0x0  }
0x22e: {  	[sflag:s5] =	ssyncadd.s32 $0xFFFFF800  }
0x22f: {  	_ =	swait.ge [sflag:s5], $0x800  }
0x230: {  	[sflag:s5] =	ssyncset.done $0x0  }
0x231: {  	[sflag:s5] =	ssyncadd.s32 $0xFFFFF800  }
0x232: {  	_ =	swait.ge [sflag:s5], $0x800  }
0x233: {  	[sflag:s5] =	ssyncset.done $0x0  }
0x234: {  	[sflag:s5] =	ssyncadd.s32 $0xFFFFF800  }
0x235: {  	_ =	swait.ge [sflag:s5], $0x800  }
0x236: {  	[sflag:s5] =	ssyncset.done $0x0  }
0x237: {  	[sflag:s5] =	ssyncadd.s32 $0xFFFFF800  }
0x238: {  	_ =	swait.ge [sflag:s5], $0x800  }
0x239: {  	s8 =	simm.s32 $0x1000;
	s17 =	simm.s32 $0x20000;
	[sflag:s5] =	ssyncset.done $0x0  }
0x23a: {  	s18 =	simm.s32 $0x3;
	s7 =	rddreg [dreg:$0xa];
	[sflag:s5] =	ssyncadd.s32 $0xFFFFF800  }
0x23b: {  	[hbm4b:s7+s8] =	stream.strided.scatter [tilespmem:s15], [sflag:$0x3], $0x2000, s17, s8, $0x38;
	[tilespmem:$0x14600] =	vst v63  }
0x23c: {  	_ =	swait.ge [sflag:s18], $0x2000  }
0x23d: {  	[sflag:s18] =	ssyncset.done $0x0  }
0x23e: {  	[sflag:s18] =	ssyncadd.s32 $0xFFFFE000  }
0x23f: {  	v3 =	vld [tilespmem:$0x200];
	_ =	sdelay $0x4  }
0x240: {  	(v2sf) =	vpush v3, $0x0;
	_ =	sdelay $0x1  }
0x241: {  	(v2sf) =	vpush v3, $0x1;
	_ =	sdelay $0x4  }
0x242: {  	(v2sf) =	vpush v3, $0x2;
	_ =	sdelay $0x1  }
0x243: {  	(v2sf) =	vpush v3, $0x3;
	_ =	sdelay $0x5  }
0x244: {  	s24 =	spop (v2sf);
	(v2sf) =	vpush v3, $0x4;
	_ =	sdelay $0x1  }
0x245: {  	s25 =	spop (v2sf);
	(v2sf) =	vpush v3, $0x5  }
0x246: {  	s7 =	sand.u32 $0xFFFFF80, s24  }
0x247: {  	s7 =	sadd.s32 s1, s7  }
0x248: {  	[tilespmem:s14], [sflag:$0x1] =	stream.strided.gather [hbm4b:s7+s14], $0x800, s13, s14, $0x38;
	[tilespmem:$0x14600] =	vst v63  }
0x249: {  	s7 =	sand.u32 $0xFFFFF80, s25  }
0x24a: {  	s26 =	spop (v2sf);
	s7 =	sadd.s32 s1, s7  }
0x24b: {  	(v2sf) =	vpush v3, $0x6;
	[tilespmem:s28], [sflag:$0x1] =	stream.strided.gather [hbm4b:s7+s14], $0x800, s13, s14, $0x38;
	[tilespmem:$0x14600] =	vst v63  }
0x24c: {  	s28 =	spop (v2sf);
	(v2sf) =	vpush v3, $0x7;
	_ =	sdelay $0x4  }
0x24d: {  	s7 =	sand.u32 $0xFFFFF80, s26  }
0x24e: {  	s7 =	sadd.s32 s1, s7;
	s31 =	spop (v2sf);
	(v2sf) =	vpush v3, $0x8  }
0x24f: {  	[tilespmem:s9], [sflag:$0x1] =	stream.strided.gather [hbm4b:s7+s14], $0x800, s13, s14, $0x38;
	[tilespmem:$0x14600] =	vst v63  }
0x250: {  	s7 =	sand.u32 $0xFFFFF80, s28;
	s8 =	spop (v2sf);
	(v2sf) =	vpush v3, $0x9  }
0x251: {  	s7 =	sadd.s32 s1, s7  }
0x252: {  	[tilespmem:s20], [sflag:$0x1] =	stream.strided.gather [hbm4b:s7+s14], $0x800, s13, s14, $0x38;
	[tilespmem:$0x14600] =	vst v63  }
0x253: {  	s7 =	sand.u32 $0xFFFFF80, s31;
	(v2sf) =	vpush v3, $0xA  }
0x254: {  	s7 =	sadd.s32 s1, s7  }
0x255: {  	[tilespmem:s10], [sflag:$0x1] =	stream.strided.gather [hbm4b:s7+s14], $0x800, s13, s14, $0x38;
	[tilespmem:$0x14600] =	vst v63  }
0x256: {  	s9 =	spop (v2sf);
	s7 =	sand.u32 $0xFFFFF80, s8;
	(v2sf) =	vpush v3, $0xB  }
0x257: {  	s7 =	sadd.s32 s1, s7;
	s10 =	spop (v2sf);
	(v2sf) =	vpush v3, $0xC  }
0x258: {  	[tilespmem:s21], [sflag:$0x1] =	stream.strided.gather [hbm4b:s7+s14], $0x800, s13, s14, $0x38;
	[tilespmem:$0x14600] =	vst v63  }
0x259: {  	s7 =	sand.u32 $0xFFFFF80, s9  }
0x25a: {  	s7 =	sadd.s32 s1, s7  }
0x25b: {  	[tilespmem:s4], [sflag:$0x1] =	stream.strided.gather [hbm4b:s7+s14], $0x800, s13, s14, $0x38;
	[tilespmem:$0x14600] =	vst v63  }
0x25c: {  	s7 =	sand.u32 $0xFFFFF80, s10  }
0x25d: {  	s7 =	sadd.s32 s1, s7;
	s17 =	spop (v2sf);
	(v2sf) =	vpush v3, $0xD  }
0x25e: {  	[tilespmem:s22], [sflag:$0x1] =	stream.strided.gather [hbm4b:s7+s14], $0x800, s13, s14, $0x38;
	[tilespmem:$0x14600] =	vst v63  }
0x25f: {  	s7 =	sand.u32 $0xFFFFF80, s17;
	s18 =	spop (v2sf);
	(v2sf) =	vpush v3, $0xE  }
0x260: {  	s7 =	sadd.s32 s1, s7  }
0x261: {  	[tilespmem:s11], [sflag:$0x1] =	stream.strided.gather [hbm4b:s7+s14], $0x800, s13, s14, $0x38;
	[tilespmem:$0x14600] =	vst v63  }
0x262: {  	s20 =	spop (v2sf);
	(v2sf) =	vpush v3, $0xF;
	s7 =	sand.u32 $0xFFFFF80, s18  }
0x263: {  	s7 =	sadd.s32 s1, s7  }
0x264: {  	[tilespmem:s23], [sflag:$0x1] =	stream.strided.gather [hbm4b:s7+s14], $0x800, s13, s14, $0x38;
	[tilespmem:$0x14600] =	vst v63  }
0x265: {  	s21 =	spop (v2sf);
	s7 =	sand.u32 $0xFFFFF80, s20  }
0x266: {  	s22 =	sand.u32 $0xFFFFF80, s21;
	s23 =	spop (v2sf);
	s7 =	sadd.s32 s1, s7  }
0x267: {  	[tilespmem:s2], [sflag:$0x1] =	stream.strided.gather [hbm4b:s7+s14], $0x800, s13, s14, $0x38;
	[tilespmem:$0x14600] =	vst v63  }
0x268: {  	s24 =	sand.u32 $0xFFFFF80, s23;
	s7 =	sadd.s32 s1, s22  }
0x269: {  	[tilespmem:s3], [sflag:$0x1] =	stream.strided.gather [hbm4b:s7+s14], $0x800, s13, s14, $0x38;
	[tilespmem:$0x14600] =	vst v63  }
0x26a: {  	s7 =	sadd.s32 s1, s24  }
0x26b: {  	[tilespmem:s12], [sflag:$0x1] =	stream.strided.gather [hbm4b:s7+s14], $0x800, s13, s14, $0x38;
	[tilespmem:$0x14600] =	vst v63  }
0x26c: {  	s9 =	simm.s32 $0xC400;
	s25 =	spop (v2sf)  }
0x26d: {  	s4 =	simm.s32 $0xBC00;
	s10 =	simm.s32 $0xCC00;
	s26 =	sand.u32 $0xFFFFF80, s25  }
0x26e: {  	s17 =	simm.s32 $0x0;
	s28 =	spop (v2sf);
	s7 =	sadd.s32 s1, s26  }
0x26f: {  	[tilespmem:s29], [sflag:$0x1] =	stream.strided.gather [hbm4b:s7+s14], $0x800, s13, s14, $0x38;
	[tilespmem:$0x14600] =	vst v63  }
0x270: {  	s18 =	simm.s32 $0x0;
	s11 =	simm.s32 $0xD400;
	s29 =	sand.u32 $0xFFFFF80, s28  }
0x271: {  	s21 =	simm.s32 $0xF400;
	s31 =	spop (v2sf);
	s7 =	sadd.s32 s1, s29  }
0x272: {  	[tilespmem:s30], [sflag:$0x1] =	stream.strided.gather [hbm4b:s7+s14], $0x800, s13, s14, $0x38;
	[tilespmem:$0x14600] =	vst v63  }
0x273: {  	s20 =	simm.s32 $0xEC00;
	s2 =	simm.s32 $0xAC00;
	s7 =	sand.u32 $0xFFFFF80, s31  }
0x274: {  	s22 =	simm.s32 $0xFC00;
	s3 =	simm.s32 $0xB400;
	s7 =	sadd.s32 s1, s7  }
0x275: {  	[tilespmem:s19], [sflag:$0x1] =	stream.strided.gather [hbm4b:s7+s14], $0x800, s13, s14, $0x38;
	[tilespmem:$0x14600] =	vst v63  }
0x276: {  	s12 =	simm.s32 $0xDC00;
	s7 =	simm.s32 $0x210;
	s19 =	simm.s32 $0xE400  }
.LBB2_4:
0x277: {  	v3 =	vld [tilespmem:s7+$0x0];
	_ =	sdelay $0x4  }
0x278: {  	(v2sf) =	vpush v3, $0x0;
	_ =	sdelay $0x3  }
0x279: {  	(v2sf) =	vpush v3, $0x1;
	_ =	sdelay $0x1  }
0x27a: {  	(v2sf) =	vpush v3, $0x2;
	_ =	sdelay $0x2  }
0x27b: {  	(v2sf) =	vpush v3, $0x3;
	_ =	sdelay $0x5  }
0x27c: {  	s8 =	spop (v2sf);
	(v2sf) =	vpush v3, $0x4;
	_ =	sdelay $0x2  }
0x27d: {  	s8 =	sand.u32 $0xFFFFF80, s8  }
0x27e: {  	s24 =	simm.s32 $0x8400;
	s28 =	spop (v2sf);
	(v2sf) =	vpush v3, $0x5;
	s8 =	sadd.s32 s1, s8  }
0x27f: {  	[tilespmem:s24], [sflag:$0x2] =	stream.strided.gather [hbm4b:s8+s14], $0x800, s13, s14, $0x38;
	[tilespmem:$0x14600] =	vst v63  }
0x280: {  	s29 =	spop (v2sf);
	(v2sf) =	vpush v3, $0x6;
	s8 =	sand.u32 $0xFFFFF80, s28  }
0x281: {  	s28 =	simm.s32 $0x8C00;
	s8 =	sadd.s32 s1, s8  }
0x282: {  	[tilespmem:s28], [sflag:$0x2] =	stream.strided.gather [hbm4b:s8+s14], $0x800, s13, s14, $0x38;
	[tilespmem:$0x14600] =	vst v63  }
0x283: {  	s30 =	spop (v2sf);
	(v2sf) =	vpush v3, $0x7;
	s8 =	sand.u32 $0xFFFFF80, s29  }
0x284: {  	s26 =	simm.s32 $0x9400;
	s8 =	sadd.s32 s1, s8  }
0x285: {  	[tilespmem:s26], [sflag:$0x2] =	stream.strided.gather [hbm4b:s8+s14], $0x800, s13, s14, $0x38;
	[tilespmem:$0x14600] =	vst v63  }
0x286: {  	s8 =	sand.u32 $0xFFFFF80, s30  }
0x287: {  	s25 =	simm.s32 $0x9C00;
	s8 =	sadd.s32 s1, s8  }
0x288: {  	[tilespmem:s25], [sflag:$0x2] =	stream.strided.gather [hbm4b:s8+s14], $0x800, s13, s14, $0x38;
	[tilespmem:$0x14600] =	vst v63  }
0x289: {  	s31 =	spop (v2sf);
	(v2sf) =	vpush v3, $0x8  }
0x28a: {  	s8 =	sand.u32 $0xFFFFF80, s31  }
0x28b: {  	s23 =	simm.s32 $0xA400;
	s8 =	sadd.s32 s1, s8  }
0x28c: {  	[tilespmem:s23], [sflag:$0x2] =	stream.strided.gather [hbm4b:s8+s14], $0x800, s13, s14, $0x38;
	[tilespmem:$0x14600] =	vst v63  }
0x28d: {  	s23 =	spop (v2sf);
	(v2sf) =	vpush v3, $0x9;
	_ =	sdelay $0x1  }
0x28e: {  	s29 =	spop (v2sf);
	(v2sf) =	vpush v3, $0xA;
	_ =	sdelay $0x2  }
0x28f: {  	s8 =	sand.u32 $0xFFFFF80, s23;
	s30 =	spop (v2sf);
	(v2sf) =	vpush v3, $0xB  }
0x290: {  	s8 =	sadd.s32 s1, s8  }
0x291: {  	[tilespmem:s2], [sflag:$0x2] =	stream.strided.gather [hbm4b:s8+s14], $0x800, s13, s14, $0x38;
	[tilespmem:$0x14600] =	vst v63  }
0x292: {  	s8 =	sand.u32 $0xFFFFF80, s29  }
0x293: {  	s8 =	sadd.s32 s1, s8  }
0x294: {  	[tilespmem:s3], [sflag:$0x2] =	stream.strided.gather [hbm4b:s8+s14], $0x800, s13, s14, $0x38;
	[tilespmem:$0x14600] =	vst v63  }
0x295: {  	s8 =	sand.u32 $0xFFFFF80, s30;
	s31 =	spop (v2sf);
	(v2sf) =	vpush v3, $0xC  }
0x296: {  	s8 =	sadd.s32 s1, s8  }
0x297: {  	[tilespmem:s4], [sflag:$0x2] =	stream.strided.gather [hbm4b:s8+s14], $0x800, s13, s14, $0x38;
	[tilespmem:$0x14600] =	vst v63  }
0x298: {  	s8 =	sand.u32 $0xFFFFF80, s31  }
0x299: {  	s8 =	sadd.s32 s1, s8;
	s2 =	spop (v2sf);
	(v2sf) =	vpush v3, $0xD  }
0x29a: {  	[tilespmem:s9], [sflag:$0x2] =	stream.strided.gather [hbm4b:s8+s14], $0x800, s13, s14, $0x38;
	[tilespmem:$0x14600] =	vst v63  }
0x29b: {  	s8 =	sand.u32 $0xFFFFF80, s2;
	s3 =	spop (v2sf);
	(v2sf) =	vpush v3, $0xE  }
0x29c: {  	s8 =	sadd.s32 s1, s8  }
0x29d: {  	[tilespmem:s10], [sflag:$0x2] =	stream.strided.gather [hbm4b:s8+s14], $0x800, s13, s14, $0x38;
	[tilespmem:$0x14600] =	vst v63  }
0x29e: {  	s4 =	spop (v2sf);
	(v2sf) =	vpush v3, $0xF;
	s8 =	sand.u32 $0xFFFFF80, s3  }
0x29f: {  	s8 =	sadd.s32 s1, s8  }
0x2a0: {  	[tilespmem:s11], [sflag:$0x2] =	stream.strided.gather [hbm4b:s8+s14], $0x800, s13, s14, $0x38;
	[tilespmem:$0x14600] =	vst v63  }
0x2a1: {  	s8 =	sand.u32 $0xFFFFF80, s4  }
0x2a2: {  	s8 =	sadd.s32 s1, s8  }
0x2a3: {  	[tilespmem:s12], [sflag:$0x2] =	stream.strided.gather [hbm4b:s8+s14], $0x800, s13, s14, $0x38;
	[tilespmem:$0x14600] =	vst v63  }
0x2a4: {  	s9 =	spop (v2sf)  }
0x2a5: {  	s8 =	sand.u32 $0xFFFFF80, s9  }
0x2a6: {  	s8 =	sadd.s32 s1, s8  }
0x2a7: {  	[tilespmem:s19], [sflag:$0x2] =	stream.strided.gather [hbm4b:s8+s14], $0x800, s13, s14, $0x38;
	[tilespmem:$0x14600] =	vst v63  }
0x2a8: {  	s10 =	spop (v2sf)  }
0x2a9: {  	s8 =	sand.u32 $0xFFFFF80, s10  }
0x2aa: {  	s11 =	spop (v2sf);
	s8 =	sadd.s32 s1, s8  }
0x2ab: {  	[tilespmem:s20], [sflag:$0x2] =	stream.strided.gather [hbm4b:s8+s14], $0x800, s13, s14, $0x38;
	[tilespmem:$0x14600] =	vst v63  }
0x2ac: {  	s8 =	sand.u32 $0xFFFFF80, s11  }
0x2ad: {  	s12 =	spop (v2sf);
	s8 =	sadd.s32 s1, s8  }
0x2ae: {  	[tilespmem:s21], [sflag:$0x2] =	stream.strided.gather [hbm4b:s8+s14], $0x800, s13, s14, $0x38;
	[tilespmem:$0x14600] =	vst v63  }
0x2af: {  	s8 =	sand.u32 $0xFFFFF80, s12  }
0x2b0: {  	s8 =	sadd.s32 s1, s8  }
0x2b1: {  	[tilespmem:s22], [sflag:$0x2] =	stream.strided.gather [hbm4b:s8+s14], $0x800, s13, s14, $0x38;
	[tilespmem:$0x14600] =	vst v63  }
0x2b2: {  	_ =	swait.ge [sflag:s5], $0x800  }
0x2b3: {  	[sflag:s5] =	ssyncset.done $0x0  }
0x2b4: {  	[sflag:s5] =	ssyncadd.s32 $0xFFFFF800  }
0x2b5: {  	_ =	swait.ge [sflag:s5], $0x800  }
0x2b6: {  	[sflag:s5] =	ssyncset.done $0x0  }
0x2b7: {  	[sflag:s5] =	ssyncadd.s32 $0xFFFFF800  }
0x2b8: {  	_ =	swait.ge [sflag:s5], $0x800  }
0x2b9: {  	[sflag:s5] =	ssyncset.done $0x0  }
0x2ba: {  	[sflag:s5] =	ssyncadd.s32 $0xFFFFF800  }
0x2bb: {  	_ =	swait.ge [sflag:s5], $0x800  }
0x2bc: {  	[sflag:s5] =	ssyncset.done $0x0  }
0x2bd: {  	[sflag:s5] =	ssyncadd.s32 $0xFFFFF800  }
0x2be: {  	_ =	swait.ge [sflag:s5], $0x800  }
0x2bf: {  	[sflag:s5] =	ssyncset.done $0x0  }
0x2c0: {  	[sflag:s5] =	ssyncadd.s32 $0xFFFFF800  }
0x2c1: {  	_ =	swait.ge [sflag:s5], $0x800  }
0x2c2: {  	[sflag:s5] =	ssyncset.done $0x0  }
0x2c3: {  	[sflag:s5] =	ssyncadd.s32 $0xFFFFF800  }
0x2c4: {  	_ =	swait.ge [sflag:s5], $0x800  }
0x2c5: {  	[sflag:s5] =	ssyncset.done $0x0  }
0x2c6: {  	[sflag:s5] =	ssyncadd.s32 $0xFFFFF800  }
0x2c7: {  	_ =	swait.ge [sflag:s5], $0x800  }
0x2c8: {  	[sflag:s5] =	ssyncset.done $0x0  }
0x2c9: {  	[sflag:s5] =	ssyncadd.s32 $0xFFFFF800  }
0x2ca: {  	_ =	swait.ge [sflag:s5], $0x800  }
0x2cb: {  	[sflag:s5] =	ssyncset.done $0x0  }
0x2cc: {  	[sflag:s5] =	ssyncadd.s32 $0xFFFFF800  }
0x2cd: {  	_ =	swait.ge [sflag:s5], $0x800  }
0x2ce: {  	[sflag:s5] =	ssyncset.done $0x0  }
0x2cf: {  	[sflag:s5] =	ssyncadd.s32 $0xFFFFF800  }
0x2d0: {  	_ =	swait.ge [sflag:s5], $0x800  }
0x2d1: {  	[sflag:s5] =	ssyncset.done $0x0  }
0x2d2: {  	[sflag:s5] =	ssyncadd.s32 $0xFFFFF800  }
0x2d3: {  	_ =	swait.ge [sflag:s5], $0x800  }
0x2d4: {  	[sflag:s5] =	ssyncset.done $0x0  }
0x2d5: {  	[sflag:s5] =	ssyncadd.s32 $0xFFFFF800  }
0x2d6: {  	_ =	swait.ge [sflag:s5], $0x800  }
0x2d7: {  	[sflag:s5] =	ssyncset.done $0x0  }
0x2d8: {  	[sflag:s5] =	ssyncadd.s32 $0xFFFFF800  }
0x2d9: {  	_ =	swait.ge [sflag:s5], $0x800  }
0x2da: {  	[sflag:s5] =	ssyncset.done $0x0  }
0x2db: {  	[sflag:s5] =	ssyncadd.s32 $0xFFFFF800  }
0x2dc: {  	_ =	swait.ge [sflag:s5], $0x800  }
0x2dd: {  	[sflag:s5] =	ssyncset.done $0x0  }
0x2de: {  	[sflag:s5] =	ssyncadd.s32 $0xFFFFF800  }
0x2df: {  	_ =	swait.ge [sflag:s5], $0x800  }
0x2e0: {  	[sflag:s5] =	ssyncset.done $0x0  }
0x2e1: {  	[sflag:s5] =	ssyncadd.s32 $0xFFFFF800  }
0x2e2: {  	v3 =	vld [tilespmem:s7+$0xFFFFFFF0];
	_ =	sdelay $0x4  }
0x2e3: {  	(v2sf) =	vpush v3, $0x0;
	_ =	sdelay $0x5  }
0x2e4: {  	(v2sf) =	vpush v3, $0x1;
	_ =	sdelay $0x5  }
0x2e5: {  	(v2sf) =	vpush v3, $0x2;
	_ =	sdelay $0x2  }
0x2e6: {  	s19 =	spop (v2sf)  }
0x2e7: {  	s8 =	sand.u32 $0x7F, s19  }
0x2e8: {  	v4 =	vor.u32 s8, v1  }
0x2e9: {  	v5 =	vmov s18;
	(v2sf) =	vpush v3, $0x3  }
0x2ea: {  	v6 =	vshll.u32 v5, $0x3  }
0x2eb: {  	v5 =	vand.u32 $0x60, v5;
	v6 =	vand.u32 $0xC00, v6  }
0x2ec: {  	v5 =	vor.u32 v6, v5;
	s20 =	spop (v2sf)  }
0x2ed: {  	v5 =	vor.u32 v2, v5;
	s8 =	sand.u32 $0x7F, s20;
	v4 =	vld.idx.msk [tilespmem:v4+s14+$0x0], $0xffff  }
0x2ee: {  	s21 =	sadd.s32 $0x1, s18;
	v57 =	vor.u32 s8, v1  }
0x2ef: {  	v7 =	vmov s21;
	(v2sf) =	vpush v3, $0x4  }
0x2f0: {  	v8 =	vshll.u32 v7, $0x3  }
0x2f1: {  	v7 =	vand.u32 $0x61, v7;
	v8 =	vand.u32 $0xC00, v8  }
0x2f2: {  	s9 =	simm.s32 $0xC00;
	v58 =	vor.u32 v8, v7;
	s22 =	spop (v2sf);
	[tilespmem:v5+s16+$0x0] =	vst.idx.msk $0xffff, v4  }
0x2f3: {  	s8 =	sand.u32 $0x7F, s22;
	v4 =	vor.u32 v2, v58;
	v5 =	vld.idx.msk [tilespmem:v57+s9+$0x0], $0xffff  }
0x2f4: {  	s23 =	sadd.s32 $0x2, s18;
	v59 =	vor.u32 s8, v1  }
0x2f5: {  	v60 =	vmov s23;
	(v2sf) =	vpush v3, $0x5  }
0x2f6: {  	v61 =	vshll.u32 v60, $0x3  }
0x2f7: {  	v7 =	vand.u32 $0x62, v60;
	v8 =	vand.u32 $0xC00, v61  }
0x2f8: {  	v62 =	vor.u32 v8, v7;
	s20 =	simm.s32 $0x1400;
	s29 =	spop (v2sf);
	[tilespmem:v4+s16+$0x0] =	vst.idx.msk $0xffff, v5  }
0x2f9: {  	s8 =	sand.u32 $0x7F, s29;
	v4 =	vor.u32 v2, v62;
	v5 =	vld.idx.msk [tilespmem:v59+s20+$0x0], $0xffff  }
0x2fa: {  	s30 =	sadd.s32 $0x3, s18;
	v63 =	vor.u32 s8, v1  }
0x2fb: {  	v12 =	vmov s30;
	(v2sf) =	vpush v3, $0x6  }
0x2fc: {  	v13 =	vshll.u32 v12, $0x3  }
0x2fd: {  	v7 =	vand.u32 $0x63, v12;
	v8 =	vand.u32 $0xC00, v13  }
0x2fe: {  	s10 =	simm.s32 $0x1C00;
	v14 =	vor.u32 v8, v7;
	s31 =	spop (v2sf);
	[tilespmem:v4+s16+$0x0] =	vst.idx.msk $0xffff, v5  }
0x2ff: {  	s8 =	sand.u32 $0x7F, s31;
	v4 =	vor.u32 v2, v14;
	v5 =	vld.idx.msk [tilespmem:v63+s10+$0x0], $0xffff  }
0x300: {  	s2 =	sadd.s32 $0x4, s18;
	v15 =	vor.u32 s8, v1  }
0x301: {  	v16 =	vmov s2;
	(v2sf) =	vpush v3, $0x7  }
0x302: {  	v17 =	vshll.u32 v16, $0x3  }
0x303: {  	v7 =	vand.u32 $0x64, v16;
	v8 =	vand.u32 $0xC00, v17  }
0x304: {  	s21 =	simm.s32 $0x2400;
	v18 =	vor.u32 v8, v7;
	s3 =	spop (v2sf);
	[tilespmem:v4+s16+$0x0] =	vst.idx.msk $0xffff, v5  }
0x305: {  	s8 =	sand.u32 $0x7F, s3;
	v4 =	vor.u32 v2, v18;
	v5 =	vld.idx.msk [tilespmem:v15+s21+$0x0], $0xffff  }
0x306: {  	s4 =	sadd.s32 $0x5, s18;
	v19 =	vor.u32 s8, v1  }
0x307: {  	v20 =	vmov s4;
	(v2sf) =	vpush v3, $0x8  }
0x308: {  	v21 =	vshll.u32 v20, $0x3  }
0x309: {  	v7 =	vand.u32 $0x65, v20;
	v8 =	vand.u32 $0xC00, v21  }
0x30a: {  	s4 =	simm.s32 $0x2C00;
	v22 =	vor.u32 v8, v7;
	s11 =	spop (v2sf);
	[tilespmem:v4+s16+$0x0] =	vst.idx.msk $0xffff, v5  }
0x30b: {  	s8 =	sand.u32 $0x7F, s11;
	v4 =	vor.u32 v2, v22;
	v5 =	vld.idx.msk [tilespmem:v19+s4+$0x0], $0xffff  }
0x30c: {  	s12 =	sadd.s32 $0x6, s18;
	v23 =	vor.u32 s8, v1  }
0x30d: {  	v24 =	vmov s12;
	(v2sf) =	vpush v3, $0x9  }
0x30e: {  	v25 =	vshll.u32 v24, $0x3  }
0x30f: {  	v7 =	vand.u32 $0x66, v24;
	v8 =	vand.u32 $0xC00, v25  }
0x310: {  	v26 =	vor.u32 v8, v7;
	s22 =	simm.s32 $0x3400;
	s19 =	spop (v2sf);
	[tilespmem:v4+s16+$0x0] =	vst.idx.msk $0xffff, v5  }
0x311: {  	s8 =	sand.u32 $0x7F, s19;
	v4 =	vor.u32 v2, v26;
	v5 =	vld.idx.msk [tilespmem:v23+s22+$0x0], $0xffff  }
0x312: {  	s23 =	sadd.s32 $0x7, s18;
	v27 =	vor.u32 s8, v1  }
0x313: {  	v28 =	vmov s23;
	(v2sf) =	vpush v3, $0xA  }
0x314: {  	v29 =	vshll.u32 v28, $0x3  }
0x315: {  	v7 =	vand.u32 $0x67, v28;
	v8 =	vand.u32 $0xC00, v29  }
0x316: {  	v30 =	vor.u32 v8, v7;
	s11 =	simm.s32 $0x3C00;
	s29 =	spop (v2sf);
	[tilespmem:v4+s16+$0x0] =	vst.idx.msk $0xffff, v5  }
0x317: {  	s8 =	sand.u32 $0x7F, s29;
	v4 =	vor.u32 v2, v30;
	v5 =	vld.idx.msk [tilespmem:v27+s11+$0x0], $0xffff  }
0x318: {  	s30 =	sadd.s32 $0x8, s18;
	v31 =	vor.u32 s8, v1  }
0x319: {  	v32 =	vmov s30;
	(v2sf) =	vpush v3, $0xB  }
0x31a: {  	v33 =	vshll.u32 v32, $0x3  }
0x31b: {  	v7 =	vand.u32 $0x68, v32;
	v8 =	vand.u32 $0xC00, v33  }
0x31c: {  	s23 =	simm.s32 $0x4400;
	v34 =	vor.u32 v8, v7;
	s31 =	spop (v2sf);
	[tilespmem:v4+s16+$0x0] =	vst.idx.msk $0xffff, v5  }
0x31d: {  	s8 =	sand.u32 $0x7F, s31;
	v4 =	vor.u32 v2, v34;
	v5 =	vld.idx.msk [tilespmem:v31+s23+$0x0], $0xffff  }
0x31e: {  	s2 =	sadd.s32 $0x9, s18;
	v35 =	vor.u32 s8, v1  }
0x31f: {  	v36 =	vmov s2;
	(v2sf) =	vpush v3, $0xC  }
0x320: {  	v37 =	vshll.u32 v36, $0x3  }
0x321: {  	v7 =	vand.u32 $0x69, v36;
	v8 =	vand.u32 $0xC00, v37  }
0x322: {  	s2 =	simm.s32 $0x4C00;
	v38 =	vor.u32 v8, v7;
	s3 =	spop (v2sf);
	[tilespmem:v4+s16+$0x0] =	vst.idx.msk $0xffff, v5  }
0x323: {  	s8 =	sand.u32 $0x7F, s3;
	v4 =	vor.u32 v2, v38;
	v5 =	vld.idx.msk [tilespmem:v35+s2+$0x0], $0xffff  }
0x324: {  	s12 =	sadd.s32 $0xA, s18;
	v39 =	vor.u32 s8, v1  }
0x325: {  	v40 =	vmov s12;
	(v2sf) =	vpush v3, $0xD  }
0x326: {  	v41 =	vshll.u32 v40, $0x3  }
0x327: {  	v7 =	vand.u32 $0x6A, v40;
	v8 =	vand.u32 $0xC00, v41  }
0x328: {  	v42 =	vor.u32 v8, v7;
	s19 =	spop (v2sf);
	s3 =	simm.s32 $0x5400;
	[tilespmem:v4+s16+$0x0] =	vst.idx.msk $0xffff, v5  }
0x329: {  	s8 =	sand.u32 $0x7F, s19;
	v4 =	vor.u32 v2, v42;
	v5 =	vld.idx.msk [tilespmem:v39+s3+$0x0], $0xffff  }
0x32a: {  	s29 =	sadd.s32 $0xB, s18;
	v43 =	vor.u32 s8, v1  }
0x32b: {  	v44 =	vmov s29;
	(v2sf) =	vpush v3, $0xE  }
0x32c: {  	v45 =	vshll.u32 v44, $0x3  }
0x32d: {  	v7 =	vand.u32 $0x6B, v44;
	v8 =	vand.u32 $0xC00, v45  }
0x32e: {  	s12 =	simm.s32 $0x5C00;
	v46 =	vor.u32 v8, v7;
	s30 =	spop (v2sf);
	[tilespmem:v4+s16+$0x0] =	vst.idx.msk $0xffff, v5  }
0x32f: {  	s8 =	sand.u32 $0x7F, s30;
	v4 =	vor.u32 v2, v46;
	v5 =	vld.idx.msk [tilespmem:v43+s12+$0x0], $0xffff  }
0x330: {  	s31 =	sadd.s32 $0xC, s18;
	v47 =	vor.u32 s8, v1  }
0x331: {  	v48 =	vmov s31;
	(v2sf) =	vpush v3, $0xF  }
0x332: {  	v3 =	vshll.u32 v48, $0x3  }
0x333: {  	v7 =	vand.u32 $0x6C, v48;
	v3 =	vand.u32 $0xC00, v3  }
0x334: {  	s29 =	simm.s32 $0x6400;
	s19 =	spop (v2sf);
	v3 =	vor.u32 v3, v7;
	[tilespmem:v4+s16+$0x0] =	vst.idx.msk $0xffff, v5  }
0x335: {  	s8 =	sand.u32 $0x7F, s19;
	v3 =	vor.u32 v2, v3;
	v4 =	vld.idx.msk [tilespmem:v47+s29+$0x0], $0xffff  }
0x336: {  	s30 =	sadd.s32 $0xD, s18;
	v49 =	vor.u32 s8, v1  }
0x337: {  	v50 =	vmov s30  }
0x338: {  	v51 =	vshll.u32 v50, $0x3  }
0x339: {  	v6 =	vand.u32 $0x6D, v50;
	v7 =	vand.u32 $0xC00, v51  }
0x33a: {  	s31 =	spop (v2sf);
	s30 =	simm.s32 $0x6C00;
	[tilespmem:v3+s16+$0x0] =	vst.idx.msk $0xffff, v4;
	v3 =	vor.u32 v7, v6  }
0x33b: {  	s8 =	sand.u32 $0x7F, s31;
	v4 =	vld.idx.msk [tilespmem:v49+s30+$0x0], $0xffff;
	v3 =	vor.u32 v2, v3  }
0x33c: {  	s19 =	sadd.s32 $0xE, s18;
	v52 =	vor.u32 s8, v1  }
0x33d: {  	v53 =	vmov s19  }
0x33e: {  	v54 =	vshll.u32 v53, $0x3  }
0x33f: {  	v6 =	vand.u32 $0x6E, v53;
	v7 =	vand.u32 $0xC00, v54  }
0x340: {  	s19 =	simm.s32 $0x7400;
	s31 =	spop (v2sf);
	[tilespmem:v3+s16+$0x0] =	vst.idx.msk $0xffff, v4;
	v3 =	vor.u32 v7, v6  }
0x341: {  	s8 =	sand.u32 $0x7F, s31;
	v4 =	vld.idx.msk [tilespmem:v52+s19+$0x0], $0xffff;
	v3 =	vor.u32 v2, v3  }
0x342: {  	s31 =	sadd.s32 $0xF, s18;
	v55 =	vor.u32 s8, v1  }
0x343: {  	v56 =	vmov s31  }
0x344: {  	v57 =	vshll.u32 v56, $0x3  }
0x345: {  	v6 =	vand.u32 $0x6F, v56;
	v7 =	vand.u32 $0xC00, v57  }
0x346: {  	s31 =	simm.s32 $0x7C00;
	[tilespmem:v3+s16+$0x0] =	vst.idx.msk $0xffff, v4;
	v3 =	vor.u32 v7, v6  }
0x347: {  	v4 =	vld.idx.msk [tilespmem:v55+s31+$0x0], $0xffff;
	v3 =	vor.u32 v2, v3;
	_ =	sdelay $0x3  }
0x348: {  	s8 =	smin.u32 s17, $0x1D  }
0x349: {  	s8 =	sshll.u32 s8, $0x4;
	[tilespmem:v3+s16+$0x0] =	vst.idx.msk $0xffff, v4  }
0x34a: {  	v3 =	vld [tilespmem:s8+$0x220];
	_ =	sdelay $0x4  }
0x34b: {  	(v2sf) =	vpush v3, $0x0;
	_ =	sdelay $0x3  }
0x34c: {  	(v2sf) =	vpush v3, $0x1;
	_ =	sdelay $0x3  }
0x34d: {  	(v2sf) =	vpush v3, $0x2;
	_ =	sdelay $0x1  }
0x34e: {  	(v2sf) =	vpush v3, $0x3;
	_ =	sdelay $0x4  }
0x34f: {  	s8 =	spop (v2sf);
	(v2sf) =	vpush v3, $0x4  }
0x350: {  	s8 =	sand.u32 $0xFFFFF80, s8  }
0x351: {  	s8 =	sadd.s32 s1, s8  }
0x352: {  	[tilespmem:s14], [sflag:$0x1] =	stream.strided.gather [hbm4b:s8+s14], $0x800, s13, s14, $0x38;
	[tilespmem:$0x14600] =	vst v63  }
0x353: {  	s8 =	spop (v2sf);
	(v2sf) =	vpush v3, $0x5  }
0x354: {  	s8 =	sand.u32 $0xFFFFF80, s8  }
0x355: {  	s8 =	sadd.s32 s1, s8  }
0x356: {  	[tilespmem:s9], [sflag:$0x1] =	stream.strided.gather [hbm4b:s8+s14], $0x800, s13, s14, $0x38;
	[tilespmem:$0x14600] =	vst v63  }
0x357: {  	s9 =	spop (v2sf);
	(v2sf) =	vpush v3, $0x6  }
0x358: {  	s8 =	sand.u32 $0xFFFFF80, s9  }
0x359: {  	s9 =	spop (v2sf);
	s8 =	sadd.s32 s1, s8  }
0x35a: {  	[tilespmem:s20], [sflag:$0x1] =	stream.strided.gather [hbm4b:s8+s14], $0x800, s13, s14, $0x38;
	[tilespmem:$0x14600] =	vst v63  }
0x35b: {  	(v2sf) =	vpush v3, $0x7;
	s8 =	sand.u32 $0xFFFFF80, s9  }
0x35c: {  	s8 =	sadd.s32 s1, s8  }
0x35d: {  	[tilespmem:s10], [sflag:$0x1] =	stream.strided.gather [hbm4b:s8+s14], $0x800, s13, s14, $0x38;
	[tilespmem:$0x14600] =	vst v63  }
0x35e: {  	s10 =	spop (v2sf)  }
0x35f: {  	(v2sf) =	vpush v3, $0x8;
	s8 =	sand.u32 $0xFFFFF80, s10  }
0x360: {  	s8 =	sadd.s32 s1, s8  }
0x361: {  	[tilespmem:s21], [sflag:$0x1] =	stream.strided.gather [hbm4b:s8+s14], $0x800, s13, s14, $0x38;
	[tilespmem:$0x14600] =	vst v63  }
0x362: {  	s20 =	spop (v2sf)  }
0x363: {  	(v2sf) =	vpush v3, $0x9;
	s8 =	sand.u32 $0xFFFFF80, s20  }
0x364: {  	s8 =	sadd.s32 s1, s8  }
0x365: {  	[tilespmem:s4], [sflag:$0x1] =	stream.strided.gather [hbm4b:s8+s14], $0x800, s13, s14, $0x38;
	[tilespmem:$0x14600] =	vst v63  }
0x366: {  	s21 =	spop (v2sf)  }
0x367: {  	(v2sf) =	vpush v3, $0xA;
	s8 =	sand.u32 $0xFFFFF80, s21  }
0x368: {  	s8 =	sadd.s32 s1, s8  }
0x369: {  	[tilespmem:s22], [sflag:$0x1] =	stream.strided.gather [hbm4b:s8+s14], $0x800, s13, s14, $0x38;
	[tilespmem:$0x14600] =	vst v63  }
0x36a: {  	s22 =	spop (v2sf)  }
0x36b: {  	(v2sf) =	vpush v3, $0xB;
	s8 =	sand.u32 $0xFFFFF80, s22  }
0x36c: {  	s8 =	sadd.s32 s1, s8  }
0x36d: {  	[tilespmem:s11], [sflag:$0x1] =	stream.strided.gather [hbm4b:s8+s14], $0x800, s13, s14, $0x38;
	[tilespmem:$0x14600] =	vst v63  }
0x36e: {  	s4 =	spop (v2sf)  }
0x36f: {  	(v2sf) =	vpush v3, $0xC;
	s8 =	sand.u32 $0xFFFFF80, s4  }
0x370: {  	s8 =	sadd.s32 s1, s8  }
0x371: {  	[tilespmem:s23], [sflag:$0x1] =	stream.strided.gather [hbm4b:s8+s14], $0x800, s13, s14, $0x38;
	[tilespmem:$0x14600] =	vst v63  }
0x372: {  	s9 =	spop (v2sf)  }
0x373: {  	(v2sf) =	vpush v3, $0xD;
	s8 =	sand.u32 $0xFFFFF80, s9  }
0x374: {  	s8 =	sadd.s32 s1, s8  }
0x375: {  	[tilespmem:s2], [sflag:$0x1] =	stream.strided.gather [hbm4b:s8+s14], $0x800, s13, s14, $0x38;
	[tilespmem:$0x14600] =	vst v63  }
0x376: {  	s10 =	spop (v2sf)  }
0x377: {  	(v2sf) =	vpush v3, $0xE;
	s8 =	sand.u32 $0xFFFFF80, s10  }
0x378: {  	s8 =	sadd.s32 s1, s8  }
0x379: {  	[tilespmem:s3], [sflag:$0x1] =	stream.strided.gather [hbm4b:s8+s14], $0x800, s13, s14, $0x38;
	[tilespmem:$0x14600] =	vst v63  }
0x37a: {  	s11 =	spop (v2sf)  }
0x37b: {  	(v2sf) =	vpush v3, $0xF;
	s8 =	sand.u32 $0xFFFFF80, s11  }
0x37c: {  	s8 =	sadd.s32 s1, s8  }
0x37d: {  	[tilespmem:s12], [sflag:$0x1] =	stream.strided.gather [hbm4b:s8+s14], $0x800, s13, s14, $0x38;
	[tilespmem:$0x14600] =	vst v63  }
0x37e: {  	s20 =	spop (v2sf)  }
0x37f: {  	s8 =	sand.u32 $0xFFFFF80, s20  }
0x380: {  	s8 =	sadd.s32 s1, s8  }
0x381: {  	[tilespmem:s29], [sflag:$0x1] =	stream.strided.gather [hbm4b:s8+s14], $0x800, s13, s14, $0x38;
	[tilespmem:$0x14600] =	vst v63  }
0x382: {  	s21 =	spop (v2sf)  }
0x383: {  	s8 =	sand.u32 $0xFFFFF80, s21  }
0x384: {  	s8 =	sadd.s32 s1, s8  }
0x385: {  	[tilespmem:s30], [sflag:$0x1] =	stream.strided.gather [hbm4b:s8+s14], $0x800, s13, s14, $0x38;
	[tilespmem:$0x14600] =	vst v63  }
0x386: {  	s22 =	spop (v2sf)  }
0x387: {  	s8 =	sand.u32 $0xFFFFF80, s22  }
0x388: {  	s8 =	sadd.s32 s1, s8  }
0x389: {  	[tilespmem:s19], [sflag:$0x1] =	stream.strided.gather [hbm4b:s8+s14], $0x800, s13, s14, $0x38;
	[tilespmem:$0x14600] =	vst v63  }
0x38a: {  	s23 =	spop (v2sf)  }
0x38b: {  	s8 =	sand.u32 $0xFFFFF80, s23  }
0x38c: {  	s8 =	sadd.s32 s1, s8  }
0x38d: {  	[tilespmem:s31], [sflag:$0x1] =	stream.strided.gather [hbm4b:s8+s14], $0x800, s13, s14, $0x38;
	[tilespmem:$0x14600] =	vst v63  }
0x38e: {  	_ =	swait.ge [sflag:s6], $0x800  }
0x38f: {  	[sflag:s6] =	ssyncset.done $0x0  }
0x390: {  	[sflag:s6] =	ssyncadd.s32 $0xFFFFF800  }
0x391: {  	_ =	swait.ge [sflag:s6], $0x800  }
0x392: {  	[sflag:s6] =	ssyncset.done $0x0  }
0x393: {  	[sflag:s6] =	ssyncadd.s32 $0xFFFFF800  }
0x394: {  	_ =	swait.ge [sflag:s6], $0x800  }
0x395: {  	[sflag:s6] =	ssyncset.done $0x0  }
0x396: {  	[sflag:s6] =	ssyncadd.s32 $0xFFFFF800  }
0x397: {  	_ =	swait.ge [sflag:s6], $0x800  }
0x398: {  	[sflag:s6] =	ssyncset.done $0x0  }
0x399: {  	[sflag:s6] =	ssyncadd.s32 $0xFFFFF800  }
0x39a: {  	_ =	swait.ge [sflag:s6], $0x800  }
0x39b: {  	[sflag:s6] =	ssyncset.done $0x0  }
0x39c: {  	[sflag:s6] =	ssyncadd.s32 $0xFFFFF800  }
0x39d: {  	_ =	swait.ge [sflag:s6], $0x800  }
0x39e: {  	[sflag:s6] =	ssyncset.done $0x0  }
0x39f: {  	[sflag:s6] =	ssyncadd.s32 $0xFFFFF800  }
0x3a0: {  	_ =	swait.ge [sflag:s6], $0x800  }
0x3a1: {  	[sflag:s6] =	ssyncset.done $0x0  }
0x3a2: {  	[sflag:s6] =	ssyncadd.s32 $0xFFFFF800  }
0x3a3: {  	_ =	swait.ge [sflag:s6], $0x800  }
0x3a4: {  	[sflag:s6] =	ssyncset.done $0x0  }
0x3a5: {  	[sflag:s6] =	ssyncadd.s32 $0xFFFFF800  }
0x3a6: {  	_ =	swait.ge [sflag:s6], $0x800  }
0x3a7: {  	[sflag:s6] =	ssyncset.done $0x0  }
0x3a8: {  	[sflag:s6] =	ssyncadd.s32 $0xFFFFF800  }
0x3a9: {  	_ =	swait.ge [sflag:s6], $0x800  }
0x3aa: {  	[sflag:s6] =	ssyncset.done $0x0  }
0x3ab: {  	[sflag:s6] =	ssyncadd.s32 $0xFFFFF800  }
0x3ac: {  	_ =	swait.ge [sflag:s6], $0x800  }
0x3ad: {  	[sflag:s6] =	ssyncset.done $0x0  }
0x3ae: {  	[sflag:s6] =	ssyncadd.s32 $0xFFFFF800  }
0x3af: {  	_ =	swait.ge [sflag:s6], $0x800  }
0x3b0: {  	[sflag:s6] =	ssyncset.done $0x0  }
0x3b1: {  	[sflag:s6] =	ssyncadd.s32 $0xFFFFF800  }
0x3b2: {  	_ =	swait.ge [sflag:s6], $0x800  }
0x3b3: {  	[sflag:s6] =	ssyncset.done $0x0  }
0x3b4: {  	[sflag:s6] =	ssyncadd.s32 $0xFFFFF800  }
0x3b5: {  	_ =	swait.ge [sflag:s6], $0x800  }
0x3b6: {  	[sflag:s6] =	ssyncset.done $0x0  }
0x3b7: {  	[sflag:s6] =	ssyncadd.s32 $0xFFFFF800  }
0x3b8: {  	_ =	swait.ge [sflag:s6], $0x800  }
0x3b9: {  	[sflag:s6] =	ssyncset.done $0x0  }
0x3ba: {  	[sflag:s6] =	ssyncadd.s32 $0xFFFFF800  }
0x3bb: {  	_ =	swait.ge [sflag:s6], $0x800  }
0x3bc: {  	[sflag:s6] =	ssyncset.done $0x0  }
0x3bd: {  	[sflag:s6] =	ssyncadd.s32 $0xFFFFF800  }
0x3be: {  	v3 =	vld [tilespmem:s7+$0x0];
	_ =	sdelay $0x4  }
0x3bf: {  	(v2sf) =	vpush v3, $0x0;
	_ =	sdelay $0x5  }
0x3c0: {  	(v2sf) =	vpush v3, $0x1;
	_ =	sdelay $0x5  }
0x3c1: {  	(v2sf) =	vpush v3, $0x2;
	_ =	sdelay $0x2  }
0x3c2: {  	s29 =	spop (v2sf)  }
0x3c3: {  	s8 =	sand.u32 $0x7F, s29  }
0x3c4: {  	s30 =	sadd.s32 $0x10, s18;
	v58 =	vor.u32 s8, v1  }
0x3c5: {  	v59 =	vmov s30;
	(v2sf) =	vpush v3, $0x3  }
0x3c6: {  	v60 =	vshll.u32 v59, $0x3  }
0x3c7: {  	v5 =	vand.u32 $0x70, v59;
	v6 =	vand.u32 $0x7FFFFC00, v60  }
0x3c8: {  	v5 =	vor.u32 v5, v6;
	s31 =	spop (v2sf)  }
0x3c9: {  	v5 =	vadd.s32 v2, v5;
	s8 =	sand.u32 $0x7F, s31;
	v4 =	vld.idx.msk [tilespmem:v58+s24+$0x0], $0xffff  }
0x3ca: {  	s23 =	sadd.s32 $0x11, s18;
	v61 =	vor.u32 s8, v1  }
0x3cb: {  	v62 =	vmov s23;
	(v2sf) =	vpush v3, $0x4  }
0x3cc: {  	v63 =	vshll.u32 v62, $0x3  }
0x3cd: {  	v7 =	vand.u32 $0x71, v62;
	v8 =	vand.u32 $0x7FFFFC00, v63  }
0x3ce: {  	v12 =	vor.u32 v7, v8;
	s24 =	spop (v2sf);
	[tilespmem:v5+s16+$0x0] =	vst.idx.msk $0xffff, v4  }
0x3cf: {  	s8 =	sand.u32 $0x7F, s24;
	v4 =	vadd.s32 v2, v12;
	v5 =	vld.idx.msk [tilespmem:v61+s28+$0x0], $0xffff  }
0x3d0: {  	v13 =	vor.u32 s8, v1;
	s28 =	sadd.s32 $0x12, s18  }
0x3d1: {  	(v2sf) =	vpush v3, $0x5;
	v14 =	vmov s28  }
0x3d2: {  	v15 =	vshll.u32 v14, $0x3  }
0x3d3: {  	v7 =	vand.u32 $0x72, v14;
	v8 =	vand.u32 $0x7FFFFC00, v15  }
0x3d4: {  	s29 =	spop (v2sf);
	v16 =	vor.u32 v7, v8;
	[tilespmem:v4+s16+$0x0] =	vst.idx.msk $0xffff, v5  }
0x3d5: {  	s8 =	sand.u32 $0x7F, s29;
	v4 =	vadd.s32 v2, v16;
	v5 =	vld.idx.msk [tilespmem:v13+s26+$0x0], $0xffff  }
0x3d6: {  	s30 =	sadd.s32 $0x13, s18;
	v17 =	vor.u32 s8, v1  }
0x3d7: {  	v18 =	vmov s30;
	(v2sf) =	vpush v3, $0x6  }
0x3d8: {  	v19 =	vshll.u32 v18, $0x3  }
0x3d9: {  	v7 =	vand.u32 $0x73, v18;
	v8 =	vand.u32 $0x7FFFFC00, v19  }
0x3da: {  	s31 =	spop (v2sf);
	v20 =	vor.u32 v7, v8;
	[tilespmem:v4+s16+$0x0] =	vst.idx.msk $0xffff, v5  }
0x3db: {  	s8 =	sand.u32 $0x7F, s31;
	v4 =	vadd.s32 v2, v20;
	v5 =	vld.idx.msk [tilespmem:v17+s25+$0x0], $0xffff  }
0x3dc: {  	s23 =	sadd.s32 $0x14, s18;
	v21 =	vor.u32 s8, v1  }
0x3dd: {  	v22 =	vmov s23;
	(v2sf) =	vpush v3, $0x7  }
0x3de: {  	v23 =	vshll.u32 v22, $0x3  }
0x3df: {  	v7 =	vand.u32 $0x74, v22;
	v8 =	vand.u32 $0x7FFFFC00, v23  }
0x3e0: {  	v24 =	vor.u32 v7, v8;
	s24 =	spop (v2sf);
	s25 =	simm.s32 $0xA400;
	[tilespmem:v4+s16+$0x0] =	vst.idx.msk $0xffff, v5  }
0x3e1: {  	s8 =	sand.u32 $0x7F, s24;
	v4 =	vadd.s32 v2, v24;
	v5 =	vld.idx.msk [tilespmem:v21+s25+$0x0], $0xffff  }
0x3e2: {  	s26 =	sadd.s32 $0x15, s18;
	v25 =	vor.u32 s8, v1  }
0x3e3: {  	v26 =	vmov s26;
	(v2sf) =	vpush v3, $0x8  }
0x3e4: {  	v27 =	vshll.u32 v26, $0x3  }
0x3e5: {  	v7 =	vand.u32 $0x75, v26;
	v8 =	vand.u32 $0x7FFFFC00, v27  }
0x3e6: {  	s2 =	simm.s32 $0xAC00;
	v28 =	vor.u32 v7, v8;
	s28 =	spop (v2sf);
	[tilespmem:v4+s16+$0x0] =	vst.idx.msk $0xffff, v5  }
0x3e7: {  	s8 =	sand.u32 $0x7F, s28;
	v4 =	vadd.s32 v2, v28;
	v5 =	vld.idx.msk [tilespmem:v25+s2+$0x0], $0xffff  }
0x3e8: {  	s29 =	sadd.s32 $0x16, s18;
	v29 =	vor.u32 s8, v1  }
0x3e9: {  	v30 =	vmov s29;
	(v2sf) =	vpush v3, $0x9  }
0x3ea: {  	v31 =	vshll.u32 v30, $0x3  }
0x3eb: {  	v7 =	vand.u32 $0x76, v30;
	v8 =	vand.u32 $0x7FFFFC00, v31  }
0x3ec: {  	s3 =	simm.s32 $0xB400;
	v32 =	vor.u32 v7, v8;
	s30 =	spop (v2sf);
	[tilespmem:v4+s16+$0x0] =	vst.idx.msk $0xffff, v5  }
0x3ed: {  	s8 =	sand.u32 $0x7F, s30;
	v4 =	vadd.s32 v2, v32;
	v5 =	vld.idx.msk [tilespmem:v29+s3+$0x0], $0xffff  }
0x3ee: {  	s31 =	sadd.s32 $0x17, s18;
	v33 =	vor.u32 s8, v1  }
0x3ef: {  	v34 =	vmov s31;
	(v2sf) =	vpush v3, $0xA  }
0x3f0: {  	v35 =	vshll.u32 v34, $0x3  }
0x3f1: {  	v7 =	vand.u32 $0x77, v34;
	v8 =	vand.u32 $0x7FFFFC00, v35  }
0x3f2: {  	s4 =	simm.s32 $0xBC00;
	v36 =	vor.u32 v7, v8;
	s23 =	spop (v2sf);
	[tilespmem:v4+s16+$0x0] =	vst.idx.msk $0xffff, v5  }
0x3f3: {  	s8 =	sand.u32 $0x7F, s23;
	v4 =	vadd.s32 v2, v36;
	v5 =	vld.idx.msk [tilespmem:v33+s4+$0x0], $0xffff  }
0x3f4: {  	s24 =	sadd.s32 $0x18, s18;
	v37 =	vor.u32 s8, v1  }
0x3f5: {  	v38 =	vmov s24;
	(v2sf) =	vpush v3, $0xB  }
0x3f6: {  	v39 =	vshll.u32 v38, $0x3  }
0x3f7: {  	v7 =	vand.u32 $0x78, v38;
	v8 =	vand.u32 $0x7FFFFC00, v39  }
0x3f8: {  	s9 =	simm.s32 $0xC400;
	v40 =	vor.u32 v7, v8;
	s25 =	spop (v2sf);
	[tilespmem:v4+s16+$0x0] =	vst.idx.msk $0xffff, v5  }
0x3f9: {  	s8 =	sand.u32 $0x7F, s25;
	v4 =	vadd.s32 v2, v40;
	v5 =	vld.idx.msk [tilespmem:v37+s9+$0x0], $0xffff  }
0x3fa: {  	s26 =	sadd.s32 $0x19, s18;
	v41 =	vor.u32 s8, v1  }
0x3fb: {  	v42 =	vmov s26;
	(v2sf) =	vpush v3, $0xC  }
0x3fc: {  	v43 =	vshll.u32 v42, $0x3  }
0x3fd: {  	v7 =	vand.u32 $0x79, v42;
	v8 =	vand.u32 $0x7FFFFC00, v43  }
0x3fe: {  	s10 =	simm.s32 $0xCC00;
	v44 =	vor.u32 v7, v8;
	s28 =	spop (v2sf);
	[tilespmem:v4+s16+$0x0] =	vst.idx.msk $0xffff, v5  }
0x3ff: {  	s8 =	sand.u32 $0x7F, s28;
	v4 =	vadd.s32 v2, v44;
	v5 =	vld.idx.msk [tilespmem:v41+s10+$0x0], $0xffff  }
0x400: {  	s29 =	sadd.s32 $0x1A, s18;
	v45 =	vor.u32 s8, v1  }
0x401: {  	v46 =	vmov s29;
	(v2sf) =	vpush v3, $0xD  }
0x402: {  	v47 =	vshll.u32 v46, $0x3  }
0x403: {  	v7 =	vand.u32 $0x7A, v46;
	v8 =	vand.u32 $0x7FFFFC00, v47  }
0x404: {  	s11 =	simm.s32 $0xD400;
	v48 =	vor.u32 v7, v8;
	s30 =	spop (v2sf);
	[tilespmem:v4+s16+$0x0] =	vst.idx.msk $0xffff, v5  }
0x405: {  	s8 =	sand.u32 $0x7F, s30;
	v4 =	vadd.s32 v2, v48;
	v5 =	vld.idx.msk [tilespmem:v45+s11+$0x0], $0xffff  }
0x406: {  	s31 =	sadd.s32 $0x1B, s18;
	v49 =	vor.u32 s8, v1  }
0x407: {  	v50 =	vmov s31;
	(v2sf) =	vpush v3, $0xE  }
0x408: {  	v51 =	vshll.u32 v50, $0x3  }
0x409: {  	v7 =	vand.u32 $0x7B, v50;
	v8 =	vand.u32 $0x7FFFFC00, v51  }
0x40a: {  	s12 =	simm.s32 $0xDC00;
	v52 =	vor.u32 v7, v8;
	s23 =	spop (v2sf);
	[tilespmem:v4+s16+$0x0] =	vst.idx.msk $0xffff, v5  }
0x40b: {  	s8 =	sand.u32 $0x7F, s23;
	v4 =	vadd.s32 v2, v52;
	v5 =	vld.idx.msk [tilespmem:v49+s12+$0x0], $0xffff  }
0x40c: {  	s24 =	sadd.s32 $0x1C, s18;
	v53 =	vor.u32 s8, v1  }
0x40d: {  	v54 =	vmov s24;
	(v2sf) =	vpush v3, $0xF  }
0x40e: {  	v3 =	vshll.u32 v54, $0x3  }
0x40f: {  	v7 =	vand.u32 $0x7C, v54;
	v3 =	vand.u32 $0x7FFFFC00, v3  }
0x410: {  	s19 =	simm.s32 $0xE400;
	s25 =	spop (v2sf);
	v3 =	vor.u32 v7, v3;
	[tilespmem:v4+s16+$0x0] =	vst.idx.msk $0xffff, v5  }
0x411: {  	s8 =	sand.u32 $0x7F, s25;
	v3 =	vadd.s32 v2, v3;
	v4 =	vld.idx.msk [tilespmem:v53+s19+$0x0], $0xffff  }
0x412: {  	s26 =	sadd.s32 $0x1D, s18;
	v55 =	vor.u32 s8, v1  }
0x413: {  	v56 =	vmov s26  }
0x414: {  	v57 =	vshll.u32 v56, $0x3  }
0x415: {  	v6 =	vand.u32 $0x7D, v56;
	v7 =	vand.u32 $0x7FFFFC00, v57  }
0x416: {  	s20 =	simm.s32 $0xEC00;
	s28 =	spop (v2sf);
	[tilespmem:v3+s16+$0x0] =	vst.idx.msk $0xffff, v4;
	v3 =	vor.u32 v6, v7  }
0x417: {  	s8 =	sand.u32 $0x7F, s28;
	v4 =	vld.idx.msk [tilespmem:v55+s20+$0x0], $0xffff;
	v3 =	vadd.s32 v2, v3  }
0x418: {  	s29 =	sadd.s32 $0x1E, s18;
	v58 =	vor.u32 s8, v1  }
0x419: {  	v59 =	vmov s29  }
0x41a: {  	v60 =	vshll.u32 v59, $0x3  }
0x41b: {  	v6 =	vand.u32 $0x7E, v59;
	v7 =	vand.u32 $0x7FFFFC00, v60  }
0x41c: {  	s21 =	simm.s32 $0xF400;
	s30 =	spop (v2sf);
	[tilespmem:v3+s16+$0x0] =	vst.idx.msk $0xffff, v4;
	v3 =	vor.u32 v6, v7  }
0x41d: {  	s8 =	sand.u32 $0x7F, s30;
	v4 =	vld.idx.msk [tilespmem:v58+s21+$0x0], $0xffff;
	v3 =	vadd.s32 v2, v3  }
0x41e: {  	s31 =	sadd.s32 $0x1F, s18;
	v61 =	vor.u32 s8, v1  }
0x41f: {  	v62 =	vmov s31  }
0x420: {  	v63 =	vshll.u32 v62, $0x3  }
0x421: {  	v6 =	vand.u32 $0x7F, v62;
	v7 =	vand.u32 $0x7FFFFC00, v63  }
0x422: {  	s22 =	simm.s32 $0xFC00;
	[tilespmem:v3+s16+$0x0] =	vst.idx.msk $0xffff, v4;
	v3 =	vor.u32 v6, v7  }
0x423: {  	p0 =	sne.s32 s18, $0x1E0;
	v4 =	vld.idx.msk [tilespmem:v61+s22+$0x0], $0xffff;
	v3 =	vadd.s32 v2, v3  }
.Ltmp1:
0x424: {  	_ = 	snop;
	(pc) =	sbr.rel @p0 .LBB2_4-.Ltmp1, $2  }
0x425: {  	_ =	sdelay $0x2  }
0x426: {  	s17 =	sadd.s32 $0x2, s17;
	s7 =	sadd.s32 $0x20, s7;
	s18 =	sadd.s32 $0x20, s18;
	[tilespmem:v3+s16+$0x0] =	vst.idx.msk $0xffff, v4  }
0x427: {  	_ =	swait.ge [sflag:s5], $0x800  }
0x428: {  	[sflag:s5] =	ssyncset.done $0x0  }
0x429: {  	[sflag:s5] =	ssyncadd.s32 $0xFFFFF800  }
0x42a: {  	_ =	swait.ge [sflag:s5], $0x800  }
0x42b: {  	[sflag:s5] =	ssyncset.done $0x0  }
0x42c: {  	[sflag:s5] =	ssyncadd.s32 $0xFFFFF800  }
0x42d: {  	_ =	swait.ge [sflag:s5], $0x800  }
0x42e: {  	[sflag:s5] =	ssyncset.done $0x0  }
0x42f: {  	[sflag:s5] =	ssyncadd.s32 $0xFFFFF800  }
0x430: {  	_ =	swait.ge [sflag:s5], $0x800  }
0x431: {  	[sflag:s5] =	ssyncset.done $0x0  }
0x432: {  	[sflag:s5] =	ssyncadd.s32 $0xFFFFF800  }
0x433: {  	_ =	swait.ge [sflag:s5], $0x800  }
0x434: {  	[sflag:s5] =	ssyncset.done $0x0  }
0x435: {  	[sflag:s5] =	ssyncadd.s32 $0xFFFFF800  }
0x436: {  	_ =	swait.ge [sflag:s5], $0x800  }
0x437: {  	[sflag:s5] =	ssyncset.done $0x0  }
0x438: {  	[sflag:s5] =	ssyncadd.s32 $0xFFFFF800  }
0x439: {  	_ =	swait.ge [sflag:s5], $0x800  }
0x43a: {  	[sflag:s5] =	ssyncset.done $0x0  }
0x43b: {  	[sflag:s5] =	ssyncadd.s32 $0xFFFFF800  }
0x43c: {  	_ =	swait.ge [sflag:s5], $0x800  }
0x43d: {  	[sflag:s5] =	ssyncset.done $0x0  }
0x43e: {  	[sflag:s5] =	ssyncadd.s32 $0xFFFFF800  }
0x43f: {  	_ =	swait.ge [sflag:s5], $0x800  }
0x440: {  	[sflag:s5] =	ssyncset.done $0x0  }
0x441: {  	[sflag:s5] =	ssyncadd.s32 $0xFFFFF800  }
0x442: {  	_ =	swait.ge [sflag:s5], $0x800  }
0x443: {  	[sflag:s5] =	ssyncset.done $0x0  }
0x444: {  	[sflag:s5] =	ssyncadd.s32 $0xFFFFF800  }
0x445: {  	_ =	swait.ge [sflag:s5], $0x800  }
0x446: {  	[sflag:s5] =	ssyncset.done $0x0  }
0x447: {  	[sflag:s5] =	ssyncadd.s32 $0xFFFFF800  }
0x448: {  	_ =	swait.ge [sflag:s5], $0x800  }
0x449: {  	[sflag:s5] =	ssyncset.done $0x0  }
0x44a: {  	[sflag:s5] =	ssyncadd.s32 $0xFFFFF800  }
0x44b: {  	_ =	swait.ge [sflag:s5], $0x800  }
0x44c: {  	[sflag:s5] =	ssyncset.done $0x0  }
0x44d: {  	[sflag:s5] =	ssyncadd.s32 $0xFFFFF800  }
0x44e: {  	_ =	swait.ge [sflag:s5], $0x800  }
0x44f: {  	[sflag:s5] =	ssyncset.done $0x0  }
0x450: {  	[sflag:s5] =	ssyncadd.s32 $0xFFFFF800  }
0x451: {  	_ =	swait.ge [sflag:s5], $0x800  }
0x452: {  	s7 =	simm.s32 $0x0;
	[sflag:s5] =	ssyncset.done $0x0  }
0x453: {  	v3 =	vmov s7;
	[sflag:s5] =	ssyncadd.s32 $0xFFFFF800  }
0x454: {  	v4 =	vor.u32 s7, v0;
	v3 =	vshll.u32 v3, $0x3;
	_ =	swait.ge [sflag:s5], $0x800  }
0x455: {  	s2 =	simm.s32 $0x1000;
	s3 =	simm.s32 $0x20000;
	v4 =	vand.u32 $0x7F, v4;
	v5 =	vand.u32 $0xC00, v3;
	[sflag:s5] =	ssyncset.done $0x0  }
0x456: {  	s18 =	simm.s32 $0x3;
	v5 =	vor.u32 v4, v5;
	s30 =	rddreg [dreg:$0xb];
	[sflag:s5] =	ssyncadd.s32 $0xFFFFF800  }
0x457: {  	[hbm4b:s30+s2] =	stream.strided.scatter [tilespmem:s16], [sflag:$0x3], $0x2000, s3, s2, $0x38;
	[tilespmem:$0x14600] =	vst v63  }
0x458: {  	v6 =	vor.u32 $0x80, v5;
	_ =	swait.ge [sflag:s18], $0x2000  }
0x459: {  	[sflag:s18] =	ssyncset.done $0x0  }
0x45a: {  	v7 =	vor.u32 $0x100, v5;
	[sflag:s18] =	ssyncadd.s32 $0xFFFFE000  }
0x45b: {  	v8 =	vld.idx.msk [tilespmem:v5+s16+$0x0], $0xffff  }
0x45c: {  	v10 =	vor.u32 $0x180, v5;
	v9 =	vld.idx.msk [tilespmem:v5+s15+$0x0], $0xffff  }
0x45d: {  	v11 =	vld.idx.msk [tilespmem:v6+s15+$0x0], $0xffff  }
0x45e: {  	v12 =	vor.u32 $0x200, v5;
	v6 =	vld.idx.msk [tilespmem:v6+s16+$0x0], $0xffff  }
0x45f: {  	v13 =	vld.idx.msk [tilespmem:v7+s15+$0x0], $0xffff  }
0x460: {  	v14 =	vor.u32 $0x280, v5;
	v7 =	vld.idx.msk [tilespmem:v7+s16+$0x0], $0xffff  }
0x461: {  	v15 =	vld.idx.msk [tilespmem:v10+s15+$0x0], $0xffff  }
0x462: {  	v16 =	vor.u32 $0x300, v5;
	v10 =	vld.idx.msk [tilespmem:v10+s16+$0x0], $0xffff  }
0x463: {  	v3 =	vor.u32 v3, v4;
	v17 =	vld.idx.msk [tilespmem:v12+s15+$0x0], $0xffff;
	v4 =	vmul.f32 v8, v9;
	v6 =	vmul.f32 v6, v11  }
0x464: {  	v8 =	vld.idx.msk [tilespmem:v12+s16+$0x0], $0xffff;
	v9 =	vor.u32 $0x380, v3  }
0x465: {  	v11 =	vld.idx.msk [tilespmem:v14+s15+$0x0], $0xffff;
	v4 =	vadd.f32 v6, v4;
	v6 =	vmul.f32 v7, v13  }
0x466: {  	v38 =	vor.u32 $0x1000, v5;
	v7 =	vld.idx.msk [tilespmem:v14+s16+$0x0], $0xffff  }
0x467: {  	v39 =	vld.idx.msk [tilespmem:v16+s15+$0x0], $0xffff;
	v4 =	vadd.f32 v6, v4;
	v6 =	vmul.f32 v10, v15  }
0x468: {  	v40 =	vor.u32 $0x1080, v5;
	v10 =	vld.idx.msk [tilespmem:v16+s16+$0x0], $0xffff  }
0x469: {  	v41 =	vld.idx.msk [tilespmem:v9+s15+$0x0], $0xffff;
	v4 =	vadd.f32 v6, v4;
	v6 =	vmul.f32 v8, v17  }
0x46a: {  	v8 =	vld.idx.msk [tilespmem:v9+s16+$0x0], $0xffff;
	v9 =	vor.u32 $0x1100, v5  }
0x46b: {  	v42 =	vld.idx.msk [tilespmem:v38+s15+$0x0], $0xffff;
	v4 =	vadd.f32 v6, v4;
	v6 =	vmul.f32 v7, v11  }
0x46c: {  	v7 =	vld.idx.msk [tilespmem:v38+s16+$0x0], $0xffff;
	v11 =	vor.u32 $0x1180, v5  }
0x46d: {  	v43 =	vld.idx.msk [tilespmem:v40+s15+$0x0], $0xffff;
	v4 =	vadd.f32 v6, v4;
	v6 =	vmul.f32 v10, v39  }
0x46e: {  	v44 =	vor.u32 $0x1200, v5;
	v10 =	vld.idx.msk [tilespmem:v40+s16+$0x0], $0xffff  }
0x46f: {  	v45 =	vld.idx.msk [tilespmem:v9+s15+$0x0], $0xffff;
	v4 =	vadd.f32 v6, v4;
	v6 =	vmul.f32 v8, v41  }
0x470: {  	v8 =	vld.idx.msk [tilespmem:v9+s16+$0x0], $0xffff;
	v9 =	vor.u32 $0x1280, v5  }
0x471: {  	v46 =	vld.idx.msk [tilespmem:v11+s15+$0x0], $0xffff;
	v4 =	vadd.f32 v6, v4;
	v6 =	vmul.f32 v7, v42  }
0x472: {  	v5 =	vor.u32 $0x1300, v5;
	v7 =	vld.idx.msk [tilespmem:v11+s16+$0x0], $0xffff  }
0x473: {  	v11 =	vld.idx.msk [tilespmem:v44+s15+$0x0], $0xffff;
	v4 =	vadd.f32 v6, v4;
	v6 =	vmul.f32 v10, v43  }
0x474: {  	v3 =	vor.u32 $0x1380, v3;
	v10 =	vld.idx.msk [tilespmem:v44+s16+$0x0], $0xffff  }
0x475: {  	v47 =	vld.idx.msk [tilespmem:v9+s15+$0x0], $0xffff;
	v4 =	vadd.f32 v6, v4;
	v6 =	vmul.f32 v8, v45  }
0x476: {  	v8 =	vld.idx.msk [tilespmem:v9+s16+$0x0], $0xffff  }
0x477: {  	v9 =	vld.idx.msk [tilespmem:v5+s15+$0x0], $0xffff;
	v4 =	vadd.f32 v6, v4;
	v6 =	vmul.f32 v7, v46  }
0x478: {  	v5 =	vld.idx.msk [tilespmem:v5+s16+$0x0], $0xffff  }
0x479: {  	v7 =	vld.idx.msk [tilespmem:v3+s15+$0x0], $0xffff;
	v4 =	vadd.f32 v6, v4;
	v6 =	vmul.f32 v10, v11  }
0x47a: {  	v3 =	vld.idx.msk [tilespmem:v3+s16+$0x0], $0xffff  }
0x47b: {  	s31 =	simm.s32 $0x10;
	v4 =	vadd.f32 v6, v4;
	v6 =	vmul.f32 v8, v47  }
0x47c: {  	v10 =	vor.u32 s31, v0;
	v8 =	vmov s31  }
0x47d: {  	v5 =	vmul.f32 v5, v9;
	v8 =	vshll.u32 v8, $0x3;
	v4 =	vadd.f32 v6, v4  }
0x47e: {  	v6 =	vand.u32 $0x7F, v10;
	v9 =	vand.u32 $0xC00, v8  }
0x47f: {  	v3 =	vmul.f32 v3, v7;
	v9 =	vor.u32 v6, v9;
	v4 =	vadd.f32 v5, v4;
	_ =	sdelay $0x1  }
0x480: {  	v5 =	vor.u32 $0x80, v9;
	v3 =	vadd.f32 v3, v4  }
0x481: {  	s7 =	simm.s32 $0x14400  }
0x482: {  	v4 =	vor.u32 $0x100, v9;
	[tilespmem:s7+$0x0] =	vst v3  }
0x483: {  	v3 =	vld.idx.msk [tilespmem:v9+s16+$0x0], $0xffff  }
0x484: {  	v10 =	vor.u32 $0x180, v9;
	v7 =	vld.idx.msk [tilespmem:v9+s15+$0x0], $0xffff  }
0x485: {  	v11 =	vld.idx.msk [tilespmem:v5+s15+$0x0], $0xffff  }
0x486: {  	v48 =	vor.u32 $0x200, v9;
	v5 =	vld.idx.msk [tilespmem:v5+s16+$0x0], $0xffff  }
0x487: {  	v49 =	vld.idx.msk [tilespmem:v4+s15+$0x0], $0xffff  }
0x488: {  	v50 =	vor.u32 $0x280, v9;
	v4 =	vld.idx.msk [tilespmem:v4+s16+$0x0], $0xffff  }
0x489: {  	v51 =	vld.idx.msk [tilespmem:v10+s15+$0x0], $0xffff  }
0x48a: {  	v52 =	vor.u32 $0x300, v9;
	v10 =	vld.idx.msk [tilespmem:v10+s16+$0x0], $0xffff  }
0x48b: {  	v6 =	vor.u32 v8, v6;
	v53 =	vld.idx.msk [tilespmem:v48+s15+$0x0], $0xffff;
	v3 =	vmul.f32 v3, v7;
	v5 =	vmul.f32 v5, v11  }
0x48c: {  	v8 =	vor.u32 $0x380, v6;
	v7 =	vld.idx.msk [tilespmem:v48+s16+$0x0], $0xffff  }
0x48d: {  	v11 =	vld.idx.msk [tilespmem:v50+s15+$0x0], $0xffff;
	v3 =	vadd.f32 v5, v3;
	v4 =	vmul.f32 v4, v49  }
0x48e: {  	v54 =	vor.u32 $0x1000, v9;
	v5 =	vld.idx.msk [tilespmem:v50+s16+$0x0], $0xffff  }
0x48f: {  	v55 =	vld.idx.msk [tilespmem:v52+s15+$0x0], $0xffff;
	v3 =	vadd.f32 v4, v3;
	v4 =	vmul.f32 v10, v51  }
0x490: {  	v56 =	vor.u32 $0x1080, v9;
	v10 =	vld.idx.msk [tilespmem:v52+s16+$0x0], $0xffff  }
0x491: {  	v57 =	vld.idx.msk [tilespmem:v8+s15+$0x0], $0xffff;
	v3 =	vadd.f32 v4, v3;
	v4 =	vmul.f32 v7, v53  }
0x492: {  	v7 =	vld.idx.msk [tilespmem:v8+s16+$0x0], $0xffff;
	v8 =	vor.u32 $0x1100, v9  }
0x493: {  	v58 =	vld.idx.msk [tilespmem:v54+s15+$0x0], $0xffff;
	v3 =	vadd.f32 v4, v3;
	v4 =	vmul.f32 v5, v11  }
0x494: {  	v5 =	vld.idx.msk [tilespmem:v54+s16+$0x0], $0xffff;
	v11 =	vor.u32 $0x1180, v9  }
0x495: {  	v59 =	vld.idx.msk [tilespmem:v56+s15+$0x0], $0xffff;
	v3 =	vadd.f32 v4, v3;
	v4 =	vmul.f32 v10, v55  }
0x496: {  	v60 =	vor.u32 $0x1200, v9;
	v10 =	vld.idx.msk [tilespmem:v56+s16+$0x0], $0xffff  }
0x497: {  	v61 =	vld.idx.msk [tilespmem:v8+s15+$0x0], $0xffff;
	v3 =	vadd.f32 v4, v3;
	v4 =	vmul.f32 v7, v57  }
0x498: {  	v7 =	vld.idx.msk [tilespmem:v8+s16+$0x0], $0xffff;
	v8 =	vor.u32 $0x1280, v9  }
0x499: {  	v62 =	vld.idx.msk [tilespmem:v11+s15+$0x0], $0xffff;
	v3 =	vadd.f32 v4, v3;
	v4 =	vmul.f32 v5, v58  }
0x49a: {  	v9 =	vor.u32 $0x1300, v9;
	v5 =	vld.idx.msk [tilespmem:v11+s16+$0x0], $0xffff  }
0x49b: {  	v11 =	vld.idx.msk [tilespmem:v60+s15+$0x0], $0xffff;
	v3 =	vadd.f32 v4, v3;
	v4 =	vmul.f32 v10, v59  }
0x49c: {  	v6 =	vor.u32 $0x1380, v6;
	v10 =	vld.idx.msk [tilespmem:v60+s16+$0x0], $0xffff  }
0x49d: {  	v63 =	vld.idx.msk [tilespmem:v8+s15+$0x0], $0xffff;
	v3 =	vadd.f32 v4, v3;
	v4 =	vmul.f32 v7, v61  }
0x49e: {  	v7 =	vld.idx.msk [tilespmem:v8+s16+$0x0], $0xffff  }
0x49f: {  	v8 =	vld.idx.msk [tilespmem:v9+s15+$0x0], $0xffff;
	v3 =	vadd.f32 v4, v3;
	v4 =	vmul.f32 v5, v62  }
0x4a0: {  	v9 =	vld.idx.msk [tilespmem:v9+s16+$0x0], $0xffff  }
0x4a1: {  	v5 =	vld.idx.msk [tilespmem:v6+s15+$0x0], $0xffff;
	v3 =	vadd.f32 v4, v3;
	v4 =	vmul.f32 v10, v11  }
0x4a2: {  	v6 =	vld.idx.msk [tilespmem:v6+s16+$0x0], $0xffff  }
0x4a3: {  	s8 =	simm.s32 $0x20;
	v7 =	vmul.f32 v7, v63;
	v4 =	vadd.f32 v4, v3  }
0x4a4: {  	v10 =	vor.u32 s8, v0;
	v3 =	vmov s8  }
0x4a5: {  	v8 =	vmul.f32 v9, v8;
	v3 =	vshll.u32 v3, $0x3;
	v7 =	vadd.f32 v7, v4  }
0x4a6: {  	s17 =	simm.s32 $0x30;
	v4 =	vand.u32 $0x7F, v10;
	v9 =	vand.u32 $0xC00, v3  }
.LBB2_6:
0x4a7: {  	p0 =	sne.s32 s17, $0x1F0;
	v9 =	vor.u32 v4, v9;
	v7 =	vadd.f32 v8, v7;
	v5 =	vmul.f32 v6, v5;
	_ =	sdelay $0x1  }
0x4a8: {  	v6 =	vor.u32 $0x80, v9;
	v5 =	vadd.f32 v5, v7  }
0x4a9: {  	s7 =	sadd.s32 $0x10, s7  }
0x4aa: {  	v7 =	vor.u32 $0x100, v9;
	[tilespmem:s7+$0x0] =	vst v5  }
0x4ab: {  	v5 =	vld.idx.msk [tilespmem:v9+s16+$0x0], $0xffff  }
0x4ac: {  	v10 =	vor.u32 $0x180, v9;
	v8 =	vld.idx.msk [tilespmem:v9+s15+$0x0], $0xffff  }
0x4ad: {  	v11 =	vld.idx.msk [tilespmem:v6+s15+$0x0], $0xffff  }
0x4ae: {  	v12 =	vor.u32 $0x200, v9;
	v6 =	vld.idx.msk [tilespmem:v6+s16+$0x0], $0xffff  }
0x4af: {  	v13 =	vld.idx.msk [tilespmem:v7+s15+$0x0], $0xffff  }
0x4b0: {  	v14 =	vor.u32 $0x280, v9;
	v7 =	vld.idx.msk [tilespmem:v7+s16+$0x0], $0xffff  }
0x4b1: {  	v15 =	vld.idx.msk [tilespmem:v10+s15+$0x0], $0xffff  }
0x4b2: {  	v16 =	vor.u32 $0x300, v9;
	v10 =	vld.idx.msk [tilespmem:v10+s16+$0x0], $0xffff  }
0x4b3: {  	v3 =	vor.u32 v3, v4;
	v17 =	vld.idx.msk [tilespmem:v12+s15+$0x0], $0xffff  }
0x4b4: {  	v4 =	vmul.f32 v5, v8;
	v8 =	vor.u32 $0x380, v3;
	v5 =	vmul.f32 v6, v11;
	v6 =	vld.idx.msk [tilespmem:v12+s16+$0x0], $0xffff  }
0x4b5: {  	v11 =	vld.idx.msk [tilespmem:v14+s15+$0x0], $0xffff  }
0x4b6: {  	v12 =	vor.u32 $0x1000, v9;
	v4 =	vadd.f32 v5, v4;
	v5 =	vmul.f32 v7, v13;
	v7 =	vld.idx.msk [tilespmem:v14+s16+$0x0], $0xffff  }
0x4b7: {  	v13 =	vld.idx.msk [tilespmem:v16+s15+$0x0], $0xffff  }
0x4b8: {  	v14 =	vor.u32 $0x1080, v9;
	v4 =	vadd.f32 v5, v4;
	v5 =	vmul.f32 v10, v15;
	v10 =	vld.idx.msk [tilespmem:v16+s16+$0x0], $0xffff  }
0x4b9: {  	v15 =	vld.idx.msk [tilespmem:v8+s15+$0x0], $0xffff  }
0x4ba: {  	v4 =	vadd.f32 v5, v4;
	v5 =	vmul.f32 v6, v17;
	v6 =	vld.idx.msk [tilespmem:v8+s16+$0x0], $0xffff;
	v8 =	vor.u32 $0x1100, v9  }
0x4bb: {  	v16 =	vld.idx.msk [tilespmem:v12+s15+$0x0], $0xffff  }
0x4bc: {  	v4 =	vadd.f32 v5, v4;
	v5 =	vmul.f32 v7, v11;
	v11 =	vor.u32 $0x1180, v9;
	v7 =	vld.idx.msk [tilespmem:v12+s16+$0x0], $0xffff  }
0x4bd: {  	v12 =	vld.idx.msk [tilespmem:v14+s15+$0x0], $0xffff  }
0x4be: {  	v4 =	vadd.f32 v5, v4;
	v5 =	vmul.f32 v10, v13;
	v13 =	vor.u32 $0x1200, v9;
	v10 =	vld.idx.msk [tilespmem:v14+s16+$0x0], $0xffff  }
0x4bf: {  	v14 =	vld.idx.msk [tilespmem:v8+s15+$0x0], $0xffff  }
0x4c0: {  	v4 =	vadd.f32 v5, v4;
	v5 =	vmul.f32 v6, v15;
	v6 =	vld.idx.msk [tilespmem:v8+s16+$0x0], $0xffff;
	v8 =	vor.u32 $0x1280, v9  }
0x4c1: {  	v15 =	vld.idx.msk [tilespmem:v11+s15+$0x0], $0xffff  }
0x4c2: {  	v9 =	vor.u32 $0x1300, v9;
	v4 =	vadd.f32 v5, v4;
	v5 =	vmul.f32 v7, v16;
	v7 =	vld.idx.msk [tilespmem:v11+s16+$0x0], $0xffff  }
0x4c3: {  	v11 =	vld.idx.msk [tilespmem:v13+s15+$0x0], $0xffff  }
0x4c4: {  	v3 =	vor.u32 $0x1380, v3;
	v4 =	vadd.f32 v5, v4;
	v5 =	vmul.f32 v10, v12;
	v10 =	vld.idx.msk [tilespmem:v13+s16+$0x0], $0xffff  }
0x4c5: {  	v12 =	vld.idx.msk [tilespmem:v8+s15+$0x0], $0xffff  }
0x4c6: {  	v4 =	vadd.f32 v5, v4;
	v5 =	vmul.f32 v6, v14;
	v8 =	vld.idx.msk [tilespmem:v8+s16+$0x0], $0xffff  }
0x4c7: {  	v13 =	vld.idx.msk [tilespmem:v9+s15+$0x0], $0xffff  }
0x4c8: {  	v4 =	vadd.f32 v5, v4;
	v6 =	vmul.f32 v7, v15;
	v9 =	vld.idx.msk [tilespmem:v9+s16+$0x0], $0xffff  }
0x4c9: {  	v5 =	vld.idx.msk [tilespmem:v3+s15+$0x0], $0xffff  }
0x4ca: {  	v4 =	vadd.f32 v6, v4;
	v7 =	vmul.f32 v10, v11;
	v6 =	vld.idx.msk [tilespmem:v3+s16+$0x0], $0xffff  }
.Ltmp2:
0x4cb: {  	(pc) =	sbr.rel @p0 .LBB2_6-.Ltmp2, $4  }
0x4cc: {  	v4 =	vadd.f32 v7, v4;
	v7 =	vmul.f32 v8, v12  }
0x4cd: {  	v10 =	vor.u32 s17, v0;
	v3 =	vmov s17  }
0x4ce: {  	v3 =	vshll.u32 v3, $0x3;
	v7 =	vadd.f32 v7, v4;
	v8 =	vmul.f32 v9, v13  }
0x4cf: {  	s17 =	sadd.s32 $0x10, s17;
	v4 =	vand.u32 $0x7F, v10;
	v9 =	vand.u32 $0xC00, v3  }
0x4d0: {  	v9 =	vor.u32 v4, v9;
	v7 =	vadd.f32 v8, v7;
	v5 =	vmul.f32 v6, v5;
	_ =	sdelay $0x1  }
0x4d1: {  	v61 =	vor.u32 $0x80, v9;
	v5 =	vadd.f32 v5, v7  }
0x4d2: {  	s7 =	sadd.s32 $0x10, s7  }
0x4d3: {  	v62 =	vor.u32 $0x100, v9;
	[tilespmem:s7+$0x0] =	vst v5  }
0x4d4: {  	v5 =	vld.idx.msk [tilespmem:v9+s16+$0x0], $0xffff  }
0x4d5: {  	v10 =	vor.u32 $0x180, v9;
	v63 =	vld.idx.msk [tilespmem:v9+s15+$0x0], $0xffff  }
0x4d6: {  	v11 =	vld.idx.msk [tilespmem:v61+s15+$0x0], $0xffff  }
0x4d7: {  	v12 =	vor.u32 $0x200, v9;
	v6 =	vld.idx.msk [tilespmem:v61+s16+$0x0], $0xffff  }
0x4d8: {  	v13 =	vld.idx.msk [tilespmem:v62+s15+$0x0], $0xffff  }
0x4d9: {  	v14 =	vor.u32 $0x280, v9;
	v7 =	vld.idx.msk [tilespmem:v62+s16+$0x0], $0xffff  }
0x4da: {  	v15 =	vld.idx.msk [tilespmem:v10+s15+$0x0], $0xffff  }
0x4db: {  	v16 =	vor.u32 $0x300, v9;
	v10 =	vld.idx.msk [tilespmem:v10+s16+$0x0], $0xffff  }
0x4dc: {  	v3 =	vor.u32 v3, v4;
	v17 =	vld.idx.msk [tilespmem:v12+s15+$0x0], $0xffff;
	v20 =	vmul.f32 v5, v63;
	v21 =	vmul.f32 v6, v11  }
0x4dd: {  	v23 =	vor.u32 $0x380, v3;
	v22 =	vld.idx.msk [tilespmem:v12+s16+$0x0], $0xffff  }
0x4de: {  	v24 =	vld.idx.msk [tilespmem:v14+s15+$0x0], $0xffff;
	v25 =	vmul.f32 v7, v13;
	v4 =	vadd.f32 v21, v20  }
0x4df: {  	v27 =	vor.u32 $0x1000, v9;
	v26 =	vld.idx.msk [tilespmem:v14+s16+$0x0], $0xffff  }
0x4e0: {  	v28 =	vld.idx.msk [tilespmem:v16+s15+$0x0], $0xffff;
	v29 =	vmul.f32 v10, v15;
	v4 =	vadd.f32 v25, v4  }
0x4e1: {  	v31 =	vor.u32 $0x1080, v9;
	v30 =	vld.idx.msk [tilespmem:v16+s16+$0x0], $0xffff  }
0x4e2: {  	v32 =	vld.idx.msk [tilespmem:v23+s15+$0x0], $0xffff;
	v33 =	vmul.f32 v22, v17;
	v4 =	vadd.f32 v29, v4  }
0x4e3: {  	v35 =	vor.u32 $0x1100, v9;
	v34 =	vld.idx.msk [tilespmem:v23+s16+$0x0], $0xffff  }
0x4e4: {  	v36 =	vld.idx.msk [tilespmem:v27+s15+$0x0], $0xffff;
	v37 =	vmul.f32 v26, v24;
	v4 =	vadd.f32 v33, v4  }
0x4e5: {  	v39 =	vor.u32 $0x1180, v9;
	v38 =	vld.idx.msk [tilespmem:v27+s16+$0x0], $0xffff  }
0x4e6: {  	v40 =	vld.idx.msk [tilespmem:v31+s15+$0x0], $0xffff;
	v41 =	vmul.f32 v30, v28;
	v4 =	vadd.f32 v37, v4  }
0x4e7: {  	v43 =	vor.u32 $0x1200, v9;
	v42 =	vld.idx.msk [tilespmem:v31+s16+$0x0], $0xffff  }
0x4e8: {  	v44 =	vld.idx.msk [tilespmem:v35+s15+$0x0], $0xffff;
	v45 =	vmul.f32 v34, v32;
	v4 =	vadd.f32 v41, v4  }
0x4e9: {  	v47 =	vor.u32 $0x1280, v9;
	v46 =	vld.idx.msk [tilespmem:v35+s16+$0x0], $0xffff  }
0x4ea: {  	v48 =	vld.idx.msk [tilespmem:v39+s15+$0x0], $0xffff;
	v49 =	vmul.f32 v38, v36;
	v4 =	vadd.f32 v45, v4  }
0x4eb: {  	v9 =	vor.u32 $0x1300, v9;
	v50 =	vld.idx.msk [tilespmem:v39+s16+$0x0], $0xffff  }
0x4ec: {  	v51 =	vld.idx.msk [tilespmem:v43+s15+$0x0], $0xffff;
	v52 =	vmul.f32 v42, v40;
	v4 =	vadd.f32 v49, v4  }
0x4ed: {  	v3 =	vor.u32 $0x1380, v3;
	v53 =	vld.idx.msk [tilespmem:v43+s16+$0x0], $0xffff  }
0x4ee: {  	v54 =	vld.idx.msk [tilespmem:v47+s15+$0x0], $0xffff;
	v55 =	vmul.f32 v46, v44;
	v4 =	vadd.f32 v52, v4  }
0x4ef: {  	v56 =	vld.idx.msk [tilespmem:v47+s16+$0x0], $0xffff  }
0x4f0: {  	v57 =	vld.idx.msk [tilespmem:v9+s15+$0x0], $0xffff;
	v58 =	vmul.f32 v50, v48;
	v4 =	vadd.f32 v55, v4  }
0x4f1: {  	v59 =	vld.idx.msk [tilespmem:v9+s16+$0x0], $0xffff  }
0x4f2: {  	v60 =	vld.idx.msk [tilespmem:v3+s15+$0x0], $0xffff;
	v61 =	vmul.f32 v53, v51;
	v4 =	vadd.f32 v58, v4  }
0x4f3: {  	v3 =	vld.idx.msk [tilespmem:v3+s16+$0x0], $0xffff  }
0x4f4: {  	v62 =	vmul.f32 v56, v54;
	v4 =	vadd.f32 v61, v4;
	_ =	sdelay $0x1  }
0x4f5: {  	v63 =	vmul.f32 v59, v57;
	v4 =	vadd.f32 v62, v4;
	_ =	sdelay $0x1  }
0x4f6: {  	v3 =	vmul.f32 v3, v60;
	v4 =	vadd.f32 v63, v4;
	_ =	sdelay $0x1  }
0x4f7: {  	v3 =	vadd.f32 v3, v4  }
0x4f8: {  	s7 =	sadd.s32 $0x10, s7  }
0x4f9: {  	s17 =	simm.s32 $0x0;
	s30 =	rddreg [dreg:$0xc];
	s2 =	simm.s32 $0x14400;
	[tilespmem:s7+$0x0] =	vst v3  }
0x4fa: {  	[hbm4b:s30+s17] =	stream.linear.scatter [tilespmem:s2], [sflag:$0x3], $0x200, $0x38;
	[tilespmem:$0x14600] =	vst v63  }
0x4fb: {  	_ =	swait.ge [sflag:s18], $0x200  }
0x4fc: {  	s4 =	rddreg [dreg:$0xe]  }
0x4fd: {  	s31 =	rddreg [dreg:$0xd];
	s4 =	sadd.s32 $0x1, s4  }
0x4fe: {  	p0 =	sne.s32 s4, s31  }
.Ltmp3:
0x4ff: {  	_ = 	snop;
	(pc) =	sbr.rel @p0 .LBB2_1-.Ltmp3, $4  }
0x500: {  	_ = 	snop  }
0x501: {  	s23 =	simm.s32 $0x4C00;
	s3 =	simm.s32 $0x5C00;
	s12 =	simm.s32 $0x6400  }
0x502: {  	s24 =	simm.s32 $0x6C00;
	s25 =	simm.s32 $0x7400;
	[sflag:s18] =	ssyncset.done $0x0  }
0x503: {  	s19 =	simm.s32 $0x7C00;
	s2 =	simm.s32 $0x5400;
	[sflag:s18] =	ssyncadd.s32 $0xFFFFFE00  }
0x504: {  	_ =	sfence.sel $0x180000  }
0x505: {  	[bflag:$0x0] =	sbarrier.arrive $0xFFFF  }
0x506: {  	_ =	strace $0x90000047  }
0x507: {  	s0 =	stileid.u32;
	[bflag:$0x2] =	sbarrier.arrive $0xFFFF  }
0x508: {  	p0 =	sne.s32 s0, $0x0;
	s0 =	rddreg [dreg:$0x7]  }
0x509: {  	s0 =	sadd.s32 @!p0 $0x100000, s0  }
0x50a: {  	[sflag:s0] =	ssyncadd.tile.s32 @!p0 $0x1;
	_ =	shalt  }
.Lfunc_end2:
_tile_overlayer_lowered:
.L_overlay_start_2:
0x50b: {  	(tag) =	ssettag $0x2  }
0x50c: {  	s0 =	rddreg [dreg:$0x0];
	s2 =	stileid.u32  }
0x50d: {  	s1 =	rddreg [dreg:$0x1];
	p0 =	sne.s32 s2, $0x0  }
0x50e: {  	s3 =	rddreg [dreg:$0x2];
	[bflag:$0x3] =	sbarrier.arrive $0xFFFF;
	s2 =	simm.s32 @!p0 $0x1C03  }
0x50f: {  	[timem:s3], [sflag:s2] =	dma.local @!p0 [hbm:s0], s1  }
0x510: {  	s0 =	simm.s32 @!p0 $0x3  }
0x511: {  	_ =	swait.ge @!p0 [sflag:s0], s1  }
0x512: {  	s1 =	ssub.s32 @!p0 $0x0, s1;
	[sflag:s0] =	ssyncset.done @!p0 $0x0  }
0x513: {  	[sflag:s0] =	ssyncadd.s32 @!p0 s1  }
0x514: {  	[bflag:$0x3] =	sbarrier.arrive $0xFFFF  }
0x515: {  	_ =	shalt  }

</sc_bundles>
